<compile_context>
chip_gen: v7x
topology: tpu7x:2x2x1
jax: 0.10.2.dev20260603
libtpu: 0.0.44.dev20260713+nightly
codegen_flags: <defaults>
</compile_context>

<pallas_src>
import jax
import jax.numpy as jnp
from jax import lax
from jax.experimental import pallas as pl
from jax.experimental.pallas import tpu as pltpu
from jax.experimental.pallas import tpu_sc as plsc

H = 128
N_NODES = 10000
LAYERS = 2
NC = 2
NS = 16
CHUNK = 128
N_CHUNKS = 80
N_PAD = 10240
ROWS_PER_TILE = N_PAD // NS
W_CNT = 128
BLK = 1000
NB = N_NODES // BLK
F32 = jnp.float32
HIGH = lax.Precision.HIGHEST



def _zero_acc_stripe(buf, acc_sh, s):
    w = buf.shape[1]

    def zero_body(i, _):
        for k in range(w // 16):
            buf[i, pl.ds(k * 16, 16)] = jnp.zeros((16,), F32)
        return 0
    lax.fori_loop(0, CHUNK, zero_body, 0)
    for k in range(ROWS_PER_TILE // CHUNK):
        pltpu.sync_copy(buf, acc_sh.at[pl.ds(s * ROWS_PER_TILE + k * CHUNK,
                                             CHUNK)])


def _sc_segsum_body(x_hbm, pk_hbm, out_hbm, acc_sh, pk_v, srcb, dstb,
                    r0, r1, s0, s1):
    c = lax.axis_index("c")
    s = lax.axis_index("s")
    rows = (r0, r1)
    sems = (s0, s1)

    _zero_acc_stripe(r0, acc_sh, s)
    plsc.subcore_barrier()

    pltpu.sync_copy(pk_hbm.at[c, s], pk_v)

    def unpack(j, k):
        for g in range(CHUNK // 16):
            pk = pk_v[j, pl.ds(g * 16, 16)]
            srcb[k, pl.ds(g * 16, 16)] = lax.shift_right_logical(pk, 14)
            dstb[k, pl.ds(g * 16, 16)] = lax.bitwise_and(pk, 16383)

    for k in range(2):
        unpack(k, k)
        pltpu.async_copy(x_hbm.at[srcb.at[k]], rows[k], sems[k])

    def body(jj, _):
        for k in range(2):
            j = jj * 2 + k
            pltpu.make_async_copy(x_hbm.at[srcb.at[k]], rows[k],
                                  sems[k]).wait()
            pltpu.sync_copy(rows[k], acc_sh.at[dstb.at[k]], add=True)

            @pl.when(jj < N_CHUNKS // 2 - 1)
            def _():
                unpack(j + 2, k)
                pltpu.async_copy(x_hbm.at[srcb.at[k]], rows[k], sems[k])
        return 0

    lax.fori_loop(0, N_CHUNKS // 2, body, 0)
    plsc.subcore_barrier()

    base = s * ROWS_PER_TILE
    pltpu.sync_copy(acc_sh.at[pl.ds(base, ROWS_PER_TILE)],
                    out_hbm.at[c, pl.ds(base, ROWS_PER_TILE)])


def _sc_segsum(x, packed):
    mesh = plsc.VectorSubcoreMesh(core_axis_name="c", subcore_axis_name="s",
                                  num_cores=NC, num_subcores=NS)
    return pl.kernel(
        _sc_segsum_body,
        out_type=jax.ShapeDtypeStruct((NC, N_PAD, H), F32),
        mesh=mesh,
        scratch_types=[
            pltpu.VMEM_SHARED((N_PAD, H), F32),
            pltpu.VMEM((N_CHUNKS, CHUNK), jnp.int32),
            pltpu.VMEM((2, CHUNK), jnp.int32),
            pltpu.VMEM((2, CHUNK), jnp.int32),
            pltpu.VMEM((CHUNK, H), F32),
            pltpu.VMEM((CHUNK, H), F32),
            pltpu.SemaphoreType.DMA,
            pltpu.SemaphoreType.DMA,
        ],
    )(x, packed)


def _sc_counts_body(dst_hbm, out_hbm, acc_sh, dst_v, ones_v):
    c = lax.axis_index("c")
    s = lax.axis_index("s")

    _zero_acc_stripe(ones_v, acc_sh, s)

    def fill(i, _):
        for k in range(W_CNT // 16):
            ones_v[i, pl.ds(k * 16, 16)] = jnp.ones((16,), F32)
        return 0
    lax.fori_loop(0, CHUNK, fill, 0)
    plsc.subcore_barrier()

    pltpu.sync_copy(dst_hbm.at[c, s], dst_v)

    def body(j, _):
        pltpu.sync_copy(ones_v, acc_sh.at[dst_v.at[j]], add=True)
        return 0
    lax.fori_loop(0, N_CHUNKS, body, 0)
    plsc.subcore_barrier()

    base = s * ROWS_PER_TILE
    pltpu.sync_copy(acc_sh.at[pl.ds(base, ROWS_PER_TILE)],
                    out_hbm.at[c, pl.ds(base, ROWS_PER_TILE)])


def _sc_counts(dst):
    mesh = plsc.VectorSubcoreMesh(core_axis_name="c", subcore_axis_name="s",
                                  num_cores=NC, num_subcores=NS)
    return pl.kernel(
        _sc_counts_body,
        out_type=jax.ShapeDtypeStruct((NC, N_PAD, W_CNT), F32),
        mesh=mesh,
        scratch_types=[
            pltpu.VMEM_SHARED((N_PAD, W_CNT), F32),
            pltpu.VMEM((N_CHUNKS, CHUNK), jnp.int32),
            pltpu.VMEM((CHUNK, W_CNT), F32),
        ],
    )(dst)



def _prep_body(ws_ref, wd_ref, wu_ref, bs_ref, bd_ref, bu_ref,
               a_ref, b_ref, cv_ref):
    wu_top = wu_ref[0, 0, :H, :]
    wu_bot = wu_ref[0, 0, H:, :]
    a_ref[0, 0] = jnp.dot(wd_ref[0, 0], wu_top, precision=HIGH,
                          preferred_element_type=F32)
    b_ref[0, 0] = jnp.dot(ws_ref[0, 0], wu_bot, precision=HIGH,
                          preferred_element_type=F32)
    cv_ref[0, 0] = (jnp.dot(bd_ref[0, 0], wu_top, precision=HIGH,
                            preferred_element_type=F32)
                    + jnp.dot(bs_ref[0, 0], wu_bot, precision=HIGH,
                              preferred_element_type=F32)
                    + bu_ref[0, 0])


def _tc_prep(W_src, W_dst, W_upd, b_src, b_dst, b_upd):
    bs = b_src.reshape(LAYERS, 2, 1, H)
    bd = b_dst.reshape(LAYERS, 2, 1, H)
    bu = b_upd.reshape(LAYERS, 2, 1, H)
    m4 = lambda i, j: (i, j, 0, 0)
    return pl.pallas_call(
        _prep_body,
        grid=(LAYERS, 2),
        in_specs=[
            pl.BlockSpec((1, 1, H, H), m4),
            pl.BlockSpec((1, 1, H, H), m4),
            pl.BlockSpec((1, 1, 2 * H, H), m4),
            pl.BlockSpec((1, 1, 1, H), m4),
            pl.BlockSpec((1, 1, 1, H), m4),
            pl.BlockSpec((1, 1, 1, H), m4),
        ],
        out_specs=[
            pl.BlockSpec((1, 1, H, H), m4),
            pl.BlockSpec((1, 1, H, H), m4),
            pl.BlockSpec((1, 1, 1, H), m4),
        ],
        out_shape=[
            jax.ShapeDtypeStruct((LAYERS, 2, H, H), F32),
            jax.ShapeDtypeStruct((LAYERS, 2, H, H), F32),
            jax.ShapeDtypeStruct((LAYERS, 2, 1, H), F32),
        ],
    )(W_src, W_dst, W_upd, bs, bd, bu)



def _layer_compute(x_ref, p_ref, c_ref, a_ref, b_ref, cv_ref):
    cnt = c_ref[0, :, 0:1]
    recip = 1.0 / jnp.maximum(cnt, 1.0)
    agg = p_ref[0] * recip
    return (jnp.dot(x_ref[...], a_ref[0], preferred_element_type=F32)
            + jnp.dot(agg, b_ref[0], preferred_element_type=F32)
            + cv_ref[0])


def _layer_phase0(i, y, y_scr, st_scr):
    y_scr[pl.ds(i * BLK, BLK), :] = y

    @pl.when(i == 0)
    def _():
        st_scr[...] = jnp.zeros_like(st_scr)

    sums = jnp.sum(y, axis=0)[None, :]
    sumsq = jnp.sum(y * y, axis=0)[None, :]
    st_scr[...] += jnp.concatenate(
        [sums, sumsq, jnp.zeros((6, H), F32)], axis=0)


def _bn_lrelu(i, y_scr, st_scr, g_ref, b_ref):
    n = jnp.float32(N_NODES)
    m = st_scr[0:1, :] / n
    v = st_scr[1:2, :] / n - m * m
    scale = g_ref[0] / jnp.sqrt(v + 1.0)
    t = (y_scr[pl.ds(i * BLK, BLK), :] - m) * scale + b_ref[0]
    return jnp.where(t >= 0, t, 0.01 * t)


def _layer_body(x_ref, p_ref, c_ref, a_ref, b_ref, cv_ref, g_ref, be_ref,
                o_ref, y_scr, st_scr):
    ph = pl.program_id(1)
    i = pl.program_id(2)

    @pl.when(ph == 0)
    def _():
        _layer_phase0(i, _layer_compute(x_ref, p_ref, c_ref, a_ref, b_ref,
                                        cv_ref), y_scr, st_scr)

    @pl.when(ph == 1)
    def _():
        o_ref[...] = _bn_lrelu(i, y_scr, st_scr, g_ref, be_ref)


def _layer_fc_body(x_ref, p_ref, c_ref, a_ref, b_ref, cv_ref, g_ref, be_ref,
                   w_ref, fb_ref, o_ref, y_scr, st_scr):
    ph = pl.program_id(1)
    i = pl.program_id(2)

    @pl.when(ph == 0)
    def _():
        _layer_phase0(i, _layer_compute(x_ref, p_ref, c_ref, a_ref, b_ref,
                                        cv_ref), y_scr, st_scr)

    @pl.when(ph == 1)
    def _():
        xn = _bn_lrelu(i, y_scr, st_scr, g_ref, be_ref)
        o_ref[...] = jnp.dot(xn, w_ref[0],
                             preferred_element_type=F32) + fb_ref[0]


def _layer_specs():
    return [
        pl.BlockSpec((BLK, H), lambda t, ph, i: (t * NB + i * (1 - ph), 0)),
        pl.BlockSpec((1, BLK, H), lambda t, ph, i: (t, i * (1 - ph), 0)),
        pl.BlockSpec((1, BLK, 16), lambda t, ph, i: (t, i * (1 - ph), 0)),
        pl.BlockSpec((1, H, H), lambda t, ph, i: (t, 0, 0)),
        pl.BlockSpec((1, H, H), lambda t, ph, i: (t, 0, 0)),
        pl.BlockSpec((1, 1, H), lambda t, ph, i: (t, 0, 0)),
        pl.BlockSpec((1, 1, H), lambda t, ph, i: (t, 0, 0)),
        pl.BlockSpec((1, 1, H), lambda t, ph, i: (t, 0, 0)),
    ]


def _out_map(w):
    return lambda t, ph, i: (ph * (t * NB + i) + (1 - ph) * 2 * NB, 0)


def _tc_layer(X, p, cnt, A_l, B_l, cv_l, gamma, beta):
    return pl.pallas_call(
        _layer_body,
        grid=(2, 2, NB),
        in_specs=_layer_specs(),
        out_specs=pl.BlockSpec((BLK, H), _out_map(H)),
        out_shape=jax.ShapeDtypeStruct((2 * N_NODES + BLK, H), F32),
        scratch_shapes=[
            pltpu.VMEM((N_NODES, H), F32),
            pltpu.VMEM((8, H), F32),
        ],
    )(X, p, cnt, A_l, B_l, cv_l, gamma, beta)


def _tc_layer_fc(X, p, cnt, A_l, B_l, cv_l, gamma, beta, fw, fb):
    return pl.pallas_call(
        _layer_fc_body,
        grid=(2, 2, NB),
        in_specs=_layer_specs() + [
            pl.BlockSpec((1, H, 1), lambda t, ph, i: (t, 0, 0)),
            pl.BlockSpec((1, 1, 1), lambda t, ph, i: (t, 0, 0)),
        ],
        out_specs=pl.BlockSpec((BLK, 1), _out_map(1)),
        out_shape=jax.ShapeDtypeStruct((2 * N_NODES + BLK, 1), F32),
        scratch_shapes=[
            pltpu.VMEM((N_NODES, H), F32),
            pltpu.VMEM((8, H), F32),
        ],
    )(X, p, cnt, A_l, B_l, cv_l, gamma, beta, fw, fb.reshape(2, 1, 1))



def _prep_edges(ei, src_off):
    e = ei.shape[1]
    e_pad = NS * N_CHUNKS * CHUNK
    npad = e_pad - e
    ar = jnp.arange(npad, dtype=jnp.int32)
    src = jnp.concatenate([ei[0].astype(jnp.int32) + src_off,
                           ar % (2 * N_NODES)])
    dst = jnp.concatenate([ei[1].astype(jnp.int32),
                           N_NODES + ar % (N_PAD - N_NODES)])
    shape = (NS, N_CHUNKS, CHUNK)
    return (src * 16384 + dst).reshape(shape), dst.reshape(shape)


def kernel(x_user, x_item, edge_index_ui, edge_index_iu, W_src, b_src,
           W_dst, b_dst, W_upd, b_upd, bn_gamma, bn_beta, fc_W, fc_b):
    pk0, d0 = _prep_edges(edge_index_ui, N_NODES)
    pk1, d1 = _prep_edges(edge_index_iu, 0)
    dst = jnp.stack([d0, d1])

    cnt = _sc_counts(dst)[:, :, :16]
    packed = jnp.stack([pk0, pk1]) + (cnt[0, 0, 0:1] * 0.0).astype(jnp.int32)
    A, B, cv = _tc_prep(W_src, W_dst, W_upd, b_src, b_dst, b_upd)
    gam = bn_gamma[:, ::-1].reshape(LAYERS, 2, 1, H)
    bet = bn_beta[:, ::-1].reshape(LAYERS, 2, 1, H)

    X = jnp.concatenate([x_item, x_user], axis=0)
    out = None
    for i in range(LAYERS):
        p = _sc_segsum(X, packed)
        if i < LAYERS - 1:
            X = _tc_layer(X, p, cnt, A[i], B[i], cv[i], gam[i], bet[i])
        else:
            out = _tc_layer_fc(X, p, cnt, A[i], B[i], cv[i], gam[i],
                               bet[i], fc_W[::-1], fc_b[::-1])
    return (out[N_NODES:2 * N_NODES], out[:N_NODES])

# --- scband reference (transcript-rebuilt; emitter-appended) ---
"""Pipeline reference for scband-hetero-gnn-36670430773918 (READ-ONLY COPY).

The authoritative reference and input builder live on the scoring server;
editing this copy changes nothing except your own understanding.
"""

import jax, jax.numpy as jnp
import numpy as np

H = 128
NU = 10000
NI = 10000
E = 160000
L = 2


def segment_mean(vals, seg, num):
    s = jax.ops.segment_sum(vals, seg, num_segments=num)
    c = jax.ops.segment_sum(jnp.ones((seg.shape[0], 1), vals.dtype), seg, num_segments=num)
    return s / jnp.maximum(c, 1.0)


def batch_norm(x, gamma, beta, eps=1.0):
    m = jnp.mean(x, axis=0)
    v = jnp.var(x, axis=0)
    return (x - m) / jnp.sqrt(v + eps) * gamma + beta


def leaky_relu(x):
    return jnp.where(x >= 0, x, 0.01 * x)


def setup_inputs(seed: int = 0) -> dict:
    key = jax.random.key(seed)
    ks = jax.random.split(key, 16)
    x_user = jax.random.normal(ks[0], (NU, H), dtype=jnp.float32)
    x_item = jax.random.normal(ks[1], (NI, H), dtype=jnp.float32)
    edge_index_ui = jax.random.randint(ks[2], (2, E), 0, NI, dtype=jnp.int64)
    edge_index_iu = jax.random.randint(ks[3], (2, E), 0, NU, dtype=jnp.int64)
    sc = 1.0 / np.sqrt(H)
    # [layer, message_type, ...]; mt0 = user->item, mt1 = item->user
    W_src = jax.random.normal(ks[4], (L, 2, H, H), dtype=jnp.float32) * sc
    b_src = jnp.zeros((L, 2, H), dtype=jnp.float32)
    W_dst = jax.random.normal(ks[5], (L, 2, H, H), dtype=jnp.float32) * sc
    b_dst = jnp.zeros((L, 2, H), dtype=jnp.float32)
    W_upd = jax.random.normal(ks[6], (L, 2, 2 * H, H), dtype=jnp.float32) * (1.0 / np.sqrt(2 * H))
    b_upd = jnp.zeros((L, 2, H), dtype=jnp.float32)
    # [layer, node_type]; nt0 = user, nt1 = item
    bn_gamma = jnp.ones((L, 2, H), dtype=jnp.float32)
    bn_beta = jnp.zeros((L, 2, H), dtype=jnp.float32)
    fc_W = jax.random.normal(ks[7], (2, H, 1), dtype=jnp.float32) * sc
    fc_b = jnp.zeros((2, 1), dtype=jnp.float32)
    return {"x_user": x_user, "x_item": x_item, "edge_index_ui": edge_index_ui,
            "edge_index_iu": edge_index_iu, "W_src": W_src, "b_src": b_src,
            "W_dst": W_dst, "b_dst": b_dst, "W_upd": W_upd, "b_upd": b_upd,
            "bn_gamma": bn_gamma, "bn_beta": bn_beta, "fc_W": fc_W, "fc_b": fc_b}


def reference(x_user, x_item, edge_index_ui, edge_index_iu, W_src, b_src, W_dst, b_dst,
              W_upd, b_upd, bn_gamma, bn_beta, fc_W, fc_b):
    xu, xi = x_user, x_item
    for i in range(L):
        # message type 0: user -> item (gather src=user, scatter-mean to item)
        agg_i = segment_mean(xu[edge_index_ui[0]], edge_index_ui[1], NI)
        dst_i = xi @ W_dst[i, 0] + b_dst[i, 0]
        src_i = agg_i @ W_src[i, 0] + b_src[i, 0]
        out_i = jnp.concatenate([dst_i, src_i], axis=-1) @ W_upd[i, 0] + b_upd[i, 0]
        # message type 1: item -> user
        agg_u = segment_mean(xi[edge_index_iu[0]], edge_index_iu[1], NU)
        dst_u = xu @ W_dst[i, 1] + b_dst[i, 1]
        src_u = agg_u @ W_src[i, 1] + b_src[i, 1]
        out_u = jnp.concatenate([dst_u, src_u], axis=-1) @ W_upd[i, 1] + b_upd[i, 1]
        # bn (training-mode batch stats, eps=1.0) + leaky relu per node type
        xu = leaky_relu(batch_norm(out_u, bn_gamma[i, 0], bn_beta[i, 0]))
        xi = leaky_relu(batch_norm(out_i, bn_gamma[i, 1], bn_beta[i, 1]))
    out_user = xu @ fc_W[0] + fc_b[0]
    out_item = xi @ fc_W[1] + fc_b[1]
    return (out_user, out_item)

if __name__ == "__main__":
    import jax
    _d = setup_inputs()
    print(jax.jit(kernel)(*tuple(_d.values())))

</pallas_src>

<mosaic_0001>
#map = affine_map<(d0, d1) -> (0, 0, 0, 0)>
#map1 = affine_map<(d0, d1) -> (0, 0, 0)>
module attributes {stable_mosaic.version = 14 : i64} {
  func.func @_sc_counts_body(%arg0: i32, %arg1: i32, %arg2: memref<2x16x80x128xi32, #tpu.memory_space<hbm>>, %arg3: memref<2x10240x128xf32, #tpu.memory_space<hbm>>, %arg4: memref<10240x128xf32, #tpu.memory_space<vmem_shared>>, %arg5: memref<80x128xi32, #tpu.memory_space<vmem>>, %arg6: memref<128x128xf32, #tpu.memory_space<vmem>>) attributes {dimension_semantics = [#tpu.dimension_semantics<core_parallel>, #tpu.dimension_semantics<subcore_parallel>], iteration_bounds = array<i64: 2, 16>, scalar_prefetch = 0 : i64, scratch_operands = 3 : i64, tpu.core_type = #tpu.core_type<sc_vector_subcore>, window_params = [{transform_indices = #map}, {transform_indices = #map1}]} {
    %scan3A = arith.constant 0 : i32
    %scan3A_0 = arith.constant 0 : i32
    %scan3A_1 = arith.constant 128 : i32
    %scan3A_2 = arith.addi %scan3A_0, %scan3A_1 : i32
    %scan3A_3 = arith.constant 1 : i32
    %scan3A_4 = scf.for %scan3A_41 = %scan3A_0 to %scan3A_2 step %scan3A_3 iter_args(%scan3A_42 = %scan3A) -> (i32)  : i32 {
      %broadcast_in_dim3A = arith.constant 0.000000e+00 : f32
      %broadcast_in_dim3A_43 = vector.broadcast %broadcast_in_dim3A : f32 to vector<16xf32>
      %swap3A = arith.index_cast %scan3A_41 : i32 to index
      %swap3A_44 = arith.constant 0 : index
      %swap3A_45 = tpu.vector_load %arg6[%swap3A, %swap3A_44] {strides = array<i32>} : memref<128x128xf32, #tpu.memory_space<vmem>>, vector<1x16xf32>,
      %swap3A_46 = vector.shape_cast %swap3A_45 : vector<1x16xf32> to vector<16xf32>
      %swap3A_47 = vector.shape_cast %broadcast_in_dim3A_43 : vector<16xf32> to vector<1x16xf32>
      tpu.vector_store %arg6[%swap3A, %swap3A_44], %swap3A_47 {strides = array<i32>} : memref<128x128xf32, #tpu.memory_space<vmem>>, vector<1x16xf32>,
      %broadcast_in_dim3A_48 = arith.constant 0.000000e+00 : f32
      %broadcast_in_dim3A_49 = vector.broadcast %broadcast_in_dim3A_48 : f32 to vector<16xf32>
      %swap3A_50 = arith.index_cast %scan3A_41 : i32 to index
      %swap3A_51 = arith.constant 16 : index
      %swap3A_52 = tpu.vector_load %arg6[%swap3A_50, %swap3A_51] {strides = array<i32>} : memref<128x128xf32, #tpu.memory_space<vmem>>, vector<1x16xf32>,
      %swap3A_53 = vector.shape_cast %swap3A_52 : vector<1x16xf32> to vector<16xf32>
      %swap3A_54 = vector.shape_cast %broadcast_in_dim3A_49 : vector<16xf32> to vector<1x16xf32>
      tpu.vector_store %arg6[%swap3A_50, %swap3A_51], %swap3A_54 {strides = array<i32>} : memref<128x128xf32, #tpu.memory_space<vmem>>, vector<1x16xf32>,
      %broadcast_in_dim3A_55 = arith.constant 0.000000e+00 : f32
      %broadcast_in_dim3A_56 = vector.broadcast %broadcast_in_dim3A_55 : f32 to vector<16xf32>
      %swap3A_57 = arith.index_cast %scan3A_41 : i32 to index
      %swap3A_58 = arith.constant 32 : index
      %swap3A_59 = tpu.vector_load %arg6[%swap3A_57, %swap3A_58] {strides = array<i32>} : memref<128x128xf32, #tpu.memory_space<vmem>>, vector<1x16xf32>,
      %swap3A_60 = vector.shape_cast %swap3A_59 : vector<1x16xf32> to vector<16xf32>
      %swap3A_61 = vector.shape_cast %broadcast_in_dim3A_56 : vector<16xf32> to vector<1x16xf32>
      tpu.vector_store %arg6[%swap3A_57, %swap3A_58], %swap3A_61 {strides = array<i32>} : memref<128x128xf32, #tpu.memory_space<vmem>>, vector<1x16xf32>,
      %broadcast_in_dim3A_62 = arith.constant 0.000000e+00 : f32
      %broadcast_in_dim3A_63 = vector.broadcast %broadcast_in_dim3A_62 : f32 to vector<16xf32>
      %swap3A_64 = arith.index_cast %scan3A_41 : i32 to index
      %swap3A_65 = arith.constant 48 : index
      %swap3A_66 = tpu.vector_load %arg6[%swap3A_64, %swap3A_65] {strides = array<i32>} : memref<128x128xf32, #tpu.memory_space<vmem>>, vector<1x16xf32>,
      %swap3A_67 = vector.shape_cast %swap3A_66 : vector<1x16xf32> to vector<16xf32>
      %swap3A_68 = vector.shape_cast %broadcast_in_dim3A_63 : vector<16xf32> to vector<1x16xf32>
      tpu.vector_store %arg6[%swap3A_64, %swap3A_65], %swap3A_68 {strides = array<i32>} : memref<128x128xf32, #tpu.memory_space<vmem>>, vector<1x16xf32>,
      %broadcast_in_dim3A_69 = arith.constant 0.000000e+00 : f32
      %broadcast_in_dim3A_70 = vector.broadcast %broadcast_in_dim3A_69 : f32 to vector<16xf32>
      %swap3A_71 = arith.index_cast %scan3A_41 : i32 to index
      %swap3A_72 = arith.constant 64 : index
      %swap3A_73 = tpu.vector_load %arg6[%swap3A_71, %swap3A_72] {strides = array<i32>} : memref<128x128xf32, #tpu.memory_space<vmem>>, vector<1x16xf32>,
      %swap3A_74 = vector.shape_cast %swap3A_73 : vector<1x16xf32> to vector<16xf32>
      %swap3A_75 = vector.shape_cast %broadcast_in_dim3A_70 : vector<16xf32> to vector<1x16xf32>
      tpu.vector_store %arg6[%swap3A_71, %swap3A_72], %swap3A_75 {strides = array<i32>} : memref<128x128xf32, #tpu.memory_space<vmem>>, vector<1x16xf32>,
      %broadcast_in_dim3A_76 = arith.constant 0.000000e+00 : f32
      %broadcast_in_dim3A_77 = vector.broadcast %broadcast_in_dim3A_76 : f32 to vector<16xf32>
      %swap3A_78 = arith.index_cast %scan3A_41 : i32 to index
      %swap3A_79 = arith.constant 80 : index
      %swap3A_80 = tpu.vector_load %arg6[%swap3A_78, %swap3A_79] {strides = array<i32>} : memref<128x128xf32, #tpu.memory_space<vmem>>, vector<1x16xf32>,
      %swap3A_81 = vector.shape_cast %swap3A_80 : vector<1x16xf32> to vector<16xf32>
      %swap3A_82 = vector.shape_cast %broadcast_in_dim3A_77 : vector<16xf32> to vector<1x16xf32>
      tpu.vector_store %arg6[%swap3A_78, %swap3A_79], %swap3A_82 {strides = array<i32>} : memref<128x128xf32, #tpu.memory_space<vmem>>, vector<1x16xf32>,
      %broadcast_in_dim3A_83 = arith.constant 0.000000e+00 : f32
      %broadcast_in_dim3A_84 = vector.broadcast %broadcast_in_dim3A_83 : f32 to vector<16xf32>
      %swap3A_85 = arith.index_cast %scan3A_41 : i32 to index
      %swap3A_86 = arith.constant 96 : index
      %swap3A_87 = tpu.vector_load %arg6[%swap3A_85, %swap3A_86] {strides = array<i32>} : memref<128x128xf32, #tpu.memory_space<vmem>>, vector<1x16xf32>,
      %swap3A_88 = vector.shape_cast %swap3A_87 : vector<1x16xf32> to vector<16xf32>
      %swap3A_89 = vector.shape_cast %broadcast_in_dim3A_84 : vector<16xf32> to vector<1x16xf32>
      tpu.vector_store %arg6[%swap3A_85, %swap3A_86], %swap3A_89 {strides = array<i32>} : memref<128x128xf32, #tpu.memory_space<vmem>>, vector<1x16xf32>,
      %broadcast_in_dim3A_90 = arith.constant 0.000000e+00 : f32
      %broadcast_in_dim3A_91 = vector.broadcast %broadcast_in_dim3A_90 : f32 to vector<16xf32>
      %swap3A_92 = arith.index_cast %scan3A_41 : i32 to index
      %swap3A_93 = arith.constant 112 : index
      %swap3A_94 = tpu.vector_load %arg6[%swap3A_92, %swap3A_93] {strides = array<i32>} : memref<128x128xf32, #tpu.memory_space<vmem>>, vector<1x16xf32>,
      %swap3A_95 = vector.shape_cast %swap3A_94 : vector<1x16xf32> to vector<16xf32>
      %swap3A_96 = vector.shape_cast %broadcast_in_dim3A_91 : vector<16xf32> to vector<1x16xf32>
      tpu.vector_store %arg6[%swap3A_92, %swap3A_93], %swap3A_96 {strides = array<i32>} : memref<128x128xf32, #tpu.memory_space<vmem>>, vector<1x16xf32>,
      %scan3A_97 = arith.constant 0 : i32
      scf.yield %scan3A_97 : i32
    }
    %scan3A_5 = arith.constant 128 : i32
    %mul3A = arith.constant 640 : i32
    %mul3A_6 = arith.muli %arg1, %mul3A : i32
    %add3A = arith.constant 0 : i32
    %add3A_7 = arith.addi %mul3A_6, %add3A : i32
    "tpu.region"() ({
      %run_scoped3A = tpu.sem_alloc : memref<!tpu.dma_semaphore, #tpu.memory_space<semaphore_mem>>
      %dma_start3A = arith.constant 0 : i32
      %dma_start3A_41 = tpu.memref_slice %arg4[%add3A_7, %dma_start3A] : memref<10240x128xf32, #tpu.memory_space<vmem_shared>> -> memref<128x128xf32, #tpu.memory_space<vmem_shared>>
      %dma_start3A_42 = arith.constant 0 : i32
      %dma_start3A_43 = tpu.memref_slice %arg4[%add3A_7, %dma_start3A_42] : memref<10240x128xf32, #tpu.memory_space<vmem_shared>> -> memref<128x128xf32, #tpu.memory_space<vmem_shared>>
      tpu.enqueue_dma source(%arg6 : memref<128x128xf32, #tpu.memory_space<vmem>>) target(%dma_start3A_43 : memref<128x128xf32, #tpu.memory_space<vmem_shared>>) target_semaphore(%run_scoped3A : memref<!tpu.dma_semaphore, #tpu.memory_space<semaphore_mem>>)
      %dma_wait3A = arith.constant 0 : i32
      %dma_wait3A_44 = tpu.memref_slice %arg4[%add3A_7, %dma_wait3A] : memref<10240x128xf32, #tpu.memory_space<vmem_shared>> -> memref<128x128xf32, #tpu.memory_space<vmem_shared>>
      %dma_wait3A_45 = arith.constant 0 : i32
      %dma_wait3A_46 = tpu.memref_slice %arg4[%add3A_7, %dma_wait3A_45] : memref<10240x128xf32, #tpu.memory_space<vmem_shared>> -> memref<128x128xf32, #tpu.memory_space<vmem_shared>>
      tpu.wait_dma2 semaphore(%run_scoped3A : memref<!tpu.dma_semaphore, #tpu.memory_space<semaphore_mem>>) src(%arg6 : memref<128x128xf32, #tpu.memory_space<vmem>>) dst(%dma_wait3A_46 : memref<128x128xf32, #tpu.memory_space<vmem_shared>>)
      tpu.yield
    }) : () -> ()
    %mul3A_8 = arith.constant 640 : i32
    %mul3A_9 = arith.muli %arg1, %mul3A_8 : i32
    %add3A_10 = arith.constant 128 : i32
    %add3A_11 = arith.addi %mul3A_9, %add3A_10 : i32
    "tpu.region"() ({
      %run_scoped3A = tpu.sem_alloc : memref<!tpu.dma_semaphore, #tpu.memory_space<semaphore_mem>>
      %dma_start3A = arith.constant 0 : i32
      %dma_start3A_41 = tpu.memref_slice %arg4[%add3A_11, %dma_start3A] : memref<10240x128xf32, #tpu.memory_space<vmem_shared>> -> memref<128x128xf32, #tpu.memory_space<vmem_shared>>
      %dma_start3A_42 = arith.constant 0 : i32
      %dma_start3A_43 = tpu.memref_slice %arg4[%add3A_11, %dma_start3A_42] : memref<10240x128xf32, #tpu.memory_space<vmem_shared>> -> memref<128x128xf32, #tpu.memory_space<vmem_shared>>
      tpu.enqueue_dma source(%arg6 : memref<128x128xf32, #tpu.memory_space<vmem>>) target(%dma_start3A_43 : memref<128x128xf32, #tpu.memory_space<vmem_shared>>) target_semaphore(%run_scoped3A : memref<!tpu.dma_semaphore, #tpu.memory_space<semaphore_mem>>)
      %dma_wait3A = arith.constant 0 : i32
      %dma_wait3A_44 = tpu.memref_slice %arg4[%add3A_11, %dma_wait3A] : memref<10240x128xf32, #tpu.memory_space<vmem_shared>> -> memref<128x128xf32, #tpu.memory_space<vmem_shared>>
      %dma_wait3A_45 = arith.constant 0 : i32
      %dma_wait3A_46 = tpu.memref_slice %arg4[%add3A_11, %dma_wait3A_45] : memref<10240x128xf32, #tpu.memory_space<vmem_shared>> -> memref<128x128xf32, #tpu.memory_space<vmem_shared>>
      tpu.wait_dma2 semaphore(%run_scoped3A : memref<!tpu.dma_semaphore, #tpu.memory_space<semaphore_mem>>) src(%arg6 : memref<128x128xf32, #tpu.memory_space<vmem>>) dst(%dma_wait3A_46 : memref<128x128xf32, #tpu.memory_space<vmem_shared>>)
      tpu.yield
    }) : () -> ()
    %mul3A_12 = arith.constant 640 : i32
    %mul3A_13 = arith.muli %arg1, %mul3A_12 : i32
    %add3A_14 = arith.constant 256 : i32
    %add3A_15 = arith.addi %mul3A_13, %add3A_14 : i32
    "tpu.region"() ({
      %run_scoped3A = tpu.sem_alloc : memref<!tpu.dma_semaphore, #tpu.memory_space<semaphore_mem>>
      %dma_start3A = arith.constant 0 : i32
      %dma_start3A_41 = tpu.memref_slice %arg4[%add3A_15, %dma_start3A] : memref<10240x128xf32, #tpu.memory_space<vmem_shared>> -> memref<128x128xf32, #tpu.memory_space<vmem_shared>>
      %dma_start3A_42 = arith.constant 0 : i32
      %dma_start3A_43 = tpu.memref_slice %arg4[%add3A_15, %dma_start3A_42] : memref<10240x128xf32, #tpu.memory_space<vmem_shared>> -> memref<128x128xf32, #tpu.memory_space<vmem_shared>>
      tpu.enqueue_dma source(%arg6 : memref<128x128xf32, #tpu.memory_space<vmem>>) target(%dma_start3A_43 : memref<128x128xf32, #tpu.memory_space<vmem_shared>>) target_semaphore(%run_scoped3A : memref<!tpu.dma_semaphore, #tpu.memory_space<semaphore_mem>>)
      %dma_wait3A = arith.constant 0 : i32
      %dma_wait3A_44 = tpu.memref_slice %arg4[%add3A_15, %dma_wait3A] : memref<10240x128xf32, #tpu.memory_space<vmem_shared>> -> memref<128x128xf32, #tpu.memory_space<vmem_shared>>
      %dma_wait3A_45 = arith.constant 0 : i32
      %dma_wait3A_46 = tpu.memref_slice %arg4[%add3A_15, %dma_wait3A_45] : memref<10240x128xf32, #tpu.memory_space<vmem_shared>> -> memref<128x128xf32, #tpu.memory_space<vmem_shared>>
      tpu.wait_dma2 semaphore(%run_scoped3A : memref<!tpu.dma_semaphore, #tpu.memory_space<semaphore_mem>>) src(%arg6 : memref<128x128xf32, #tpu.memory_space<vmem>>) dst(%dma_wait3A_46 : memref<128x128xf32, #tpu.memory_space<vmem_shared>>)
      tpu.yield
    }) : () -> ()
    %mul3A_16 = arith.constant 640 : i32
    %mul3A_17 = arith.muli %arg1, %mul3A_16 : i32
    %add3A_18 = arith.constant 384 : i32
    %add3A_19 = arith.addi %mul3A_17, %add3A_18 : i32
    "tpu.region"() ({
      %run_scoped3A = tpu.sem_alloc : memref<!tpu.dma_semaphore, #tpu.memory_space<semaphore_mem>>
      %dma_start3A = arith.constant 0 : i32
      %dma_start3A_41 = tpu.memref_slice %arg4[%add3A_19, %dma_start3A] : memref<10240x128xf32, #tpu.memory_space<vmem_shared>> -> memref<128x128xf32, #tpu.memory_space<vmem_shared>>
      %dma_start3A_42 = arith.constant 0 : i32
      %dma_start3A_43 = tpu.memref_slice %arg4[%add3A_19, %dma_start3A_42] : memref<10240x128xf32, #tpu.memory_space<vmem_shared>> -> memref<128x128xf32, #tpu.memory_space<vmem_shared>>
      tpu.enqueue_dma source(%arg6 : memref<128x128xf32, #tpu.memory_space<vmem>>) target(%dma_start3A_43 : memref<128x128xf32, #tpu.memory_space<vmem_shared>>) target_semaphore(%run_scoped3A : memref<!tpu.dma_semaphore, #tpu.memory_space<semaphore_mem>>)
      %dma_wait3A = arith.constant 0 : i32
      %dma_wait3A_44 = tpu.memref_slice %arg4[%add3A_19, %dma_wait3A] : memref<10240x128xf32, #tpu.memory_space<vmem_shared>> -> memref<128x128xf32, #tpu.memory_space<vmem_shared>>
      %dma_wait3A_45 = arith.constant 0 : i32
      %dma_wait3A_46 = tpu.memref_slice %arg4[%add3A_19, %dma_wait3A_45] : memref<10240x128xf32, #tpu.memory_space<vmem_shared>> -> memref<128x128xf32, #tpu.memory_space<vmem_shared>>
      tpu.wait_dma2 semaphore(%run_scoped3A : memref<!tpu.dma_semaphore, #tpu.memory_space<semaphore_mem>>) src(%arg6 : memref<128x128xf32, #tpu.memory_space<vmem>>) dst(%dma_wait3A_46 : memref<128x128xf32, #tpu.memory_space<vmem_shared>>)
      tpu.yield
    }) : () -> ()
    %mul3A_20 = arith.constant 640 : i32
    %mul3A_21 = arith.muli %arg1, %mul3A_20 : i32
    %add3A_22 = arith.constant 512 : i32
    %add3A_23 = arith.addi %mul3A_21, %add3A_22 : i32
    "tpu.region"() ({
      %run_scoped3A = tpu.sem_alloc : memref<!tpu.dma_semaphore, #tpu.memory_space<semaphore_mem>>
      %dma_start3A = arith.constant 0 : i32
      %dma_start3A_41 = tpu.memref_slice %arg4[%add3A_23, %dma_start3A] : memref<10240x128xf32, #tpu.memory_space<vmem_shared>> -> memref<128x128xf32, #tpu.memory_space<vmem_shared>>
      %dma_start3A_42 = arith.constant 0 : i32
      %dma_start3A_43 = tpu.memref_slice %arg4[%add3A_23, %dma_start3A_42] : memref<10240x128xf32, #tpu.memory_space<vmem_shared>> -> memref<128x128xf32, #tpu.memory_space<vmem_shared>>
      tpu.enqueue_dma source(%arg6 : memref<128x128xf32, #tpu.memory_space<vmem>>) target(%dma_start3A_43 : memref<128x128xf32, #tpu.memory_space<vmem_shared>>) target_semaphore(%run_scoped3A : memref<!tpu.dma_semaphore, #tpu.memory_space<semaphore_mem>>)
      %dma_wait3A = arith.constant 0 : i32
      %dma_wait3A_44 = tpu.memref_slice %arg4[%add3A_23, %dma_wait3A] : memref<10240x128xf32, #tpu.memory_space<vmem_shared>> -> memref<128x128xf32, #tpu.memory_space<vmem_shared>>
      %dma_wait3A_45 = arith.constant 0 : i32
      %dma_wait3A_46 = tpu.memref_slice %arg4[%add3A_23, %dma_wait3A_45] : memref<10240x128xf32, #tpu.memory_space<vmem_shared>> -> memref<128x128xf32, #tpu.memory_space<vmem_shared>>
      tpu.wait_dma2 semaphore(%run_scoped3A : memref<!tpu.dma_semaphore, #tpu.memory_space<semaphore_mem>>) src(%arg6 : memref<128x128xf32, #tpu.memory_space<vmem>>) dst(%dma_wait3A_46 : memref<128x128xf32, #tpu.memory_space<vmem_shared>>)
      tpu.yield
    }) : () -> ()
    %scan3A_24 = arith.constant 0 : i32
    %scan3A_25 = arith.constant 0 : i32
    %scan3A_26 = arith.constant 128 : i32
    %scan3A_27 = arith.addi %scan3A_25, %scan3A_26 : i32
    %scan3A_28 = arith.constant 1 : i32
    %scan3A_29 = scf.for %scan3A_41 = %scan3A_25 to %scan3A_27 step %scan3A_28 iter_args(%scan3A_42 = %scan3A_24) -> (i32)  : i32 {
      %broadcast_in_dim3A = arith.constant 1.000000e+00 : f32
      %broadcast_in_dim3A_43 = vector.broadcast %broadcast_in_dim3A : f32 to vector<16xf32>
      %swap3A = arith.index_cast %scan3A_41 : i32 to index
      %swap3A_44 = arith.constant 0 : index
      %swap3A_45 = tpu.vector_load %arg6[%swap3A, %swap3A_44] {strides = array<i32>} : memref<128x128xf32, #tpu.memory_space<vmem>>, vector<1x16xf32>,
      %swap3A_46 = vector.shape_cast %swap3A_45 : vector<1x16xf32> to vector<16xf32>
      %swap3A_47 = vector.shape_cast %broadcast_in_dim3A_43 : vector<16xf32> to vector<1x16xf32>
      tpu.vector_store %arg6[%swap3A, %swap3A_44], %swap3A_47 {strides = array<i32>} : memref<128x128xf32, #tpu.memory_space<vmem>>, vector<1x16xf32>,
      %broadcast_in_dim3A_48 = arith.constant 1.000000e+00 : f32
      %broadcast_in_dim3A_49 = vector.broadcast %broadcast_in_dim3A_48 : f32 to vector<16xf32>
      %swap3A_50 = arith.index_cast %scan3A_41 : i32 to index
      %swap3A_51 = arith.constant 16 : index
      %swap3A_52 = tpu.vector_load %arg6[%swap3A_50, %swap3A_51] {strides = array<i32>} : memref<128x128xf32, #tpu.memory_space<vmem>>, vector<1x16xf32>,
      %swap3A_53 = vector.shape_cast %swap3A_52 : vector<1x16xf32> to vector<16xf32>
      %swap3A_54 = vector.shape_cast %broadcast_in_dim3A_49 : vector<16xf32> to vector<1x16xf32>
      tpu.vector_store %arg6[%swap3A_50, %swap3A_51], %swap3A_54 {strides = array<i32>} : memref<128x128xf32, #tpu.memory_space<vmem>>, vector<1x16xf32>,
      %broadcast_in_dim3A_55 = arith.constant 1.000000e+00 : f32
      %broadcast_in_dim3A_56 = vector.broadcast %broadcast_in_dim3A_55 : f32 to vector<16xf32>
      %swap3A_57 = arith.index_cast %scan3A_41 : i32 to index
      %swap3A_58 = arith.constant 32 : index
      %swap3A_59 = tpu.vector_load %arg6[%swap3A_57, %swap3A_58] {strides = array<i32>} : memref<128x128xf32, #tpu.memory_space<vmem>>, vector<1x16xf32>,
      %swap3A_60 = vector.shape_cast %swap3A_59 : vector<1x16xf32> to vector<16xf32>
      %swap3A_61 = vector.shape_cast %broadcast_in_dim3A_56 : vector<16xf32> to vector<1x16xf32>
      tpu.vector_store %arg6[%swap3A_57, %swap3A_58], %swap3A_61 {strides = array<i32>} : memref<128x128xf32, #tpu.memory_space<vmem>>, vector<1x16xf32>,
      %broadcast_in_dim3A_62 = arith.constant 1.000000e+00 : f32
      %broadcast_in_dim3A_63 = vector.broadcast %broadcast_in_dim3A_62 : f32 to vector<16xf32>
      %swap3A_64 = arith.index_cast %scan3A_41 : i32 to index
      %swap3A_65 = arith.constant 48 : index
      %swap3A_66 = tpu.vector_load %arg6[%swap3A_64, %swap3A_65] {strides = array<i32>} : memref<128x128xf32, #tpu.memory_space<vmem>>, vector<1x16xf32>,
      %swap3A_67 = vector.shape_cast %swap3A_66 : vector<1x16xf32> to vector<16xf32>
      %swap3A_68 = vector.shape_cast %broadcast_in_dim3A_63 : vector<16xf32> to vector<1x16xf32>
      tpu.vector_store %arg6[%swap3A_64, %swap3A_65], %swap3A_68 {strides = array<i32>} : memref<128x128xf32, #tpu.memory_space<vmem>>, vector<1x16xf32>,
      %broadcast_in_dim3A_69 = arith.constant 1.000000e+00 : f32
      %broadcast_in_dim3A_70 = vector.broadcast %broadcast_in_dim3A_69 : f32 to vector<16xf32>
      %swap3A_71 = arith.index_cast %scan3A_41 : i32 to index
      %swap3A_72 = arith.constant 64 : index
      %swap3A_73 = tpu.vector_load %arg6[%swap3A_71, %swap3A_72] {strides = array<i32>} : memref<128x128xf32, #tpu.memory_space<vmem>>, vector<1x16xf32>,
      %swap3A_74 = vector.shape_cast %swap3A_73 : vector<1x16xf32> to vector<16xf32>
      %swap3A_75 = vector.shape_cast %broadcast_in_dim3A_70 : vector<16xf32> to vector<1x16xf32>
      tpu.vector_store %arg6[%swap3A_71, %swap3A_72], %swap3A_75 {strides = array<i32>} : memref<128x128xf32, #tpu.memory_space<vmem>>, vector<1x16xf32>,
      %broadcast_in_dim3A_76 = arith.constant 1.000000e+00 : f32
      %broadcast_in_dim3A_77 = vector.broadcast %broadcast_in_dim3A_76 : f32 to vector<16xf32>
      %swap3A_78 = arith.index_cast %scan3A_41 : i32 to index
      %swap3A_79 = arith.constant 80 : index
      %swap3A_80 = tpu.vector_load %arg6[%swap3A_78, %swap3A_79] {strides = array<i32>} : memref<128x128xf32, #tpu.memory_space<vmem>>, vector<1x16xf32>,
      %swap3A_81 = vector.shape_cast %swap3A_80 : vector<1x16xf32> to vector<16xf32>
      %swap3A_82 = vector.shape_cast %broadcast_in_dim3A_77 : vector<16xf32> to vector<1x16xf32>
      tpu.vector_store %arg6[%swap3A_78, %swap3A_79], %swap3A_82 {strides = array<i32>} : memref<128x128xf32, #tpu.memory_space<vmem>>, vector<1x16xf32>,
      %broadcast_in_dim3A_83 = arith.constant 1.000000e+00 : f32
      %broadcast_in_dim3A_84 = vector.broadcast %broadcast_in_dim3A_83 : f32 to vector<16xf32>
      %swap3A_85 = arith.index_cast %scan3A_41 : i32 to index
      %swap3A_86 = arith.constant 96 : index
      %swap3A_87 = tpu.vector_load %arg6[%swap3A_85, %swap3A_86] {strides = array<i32>} : memref<128x128xf32, #tpu.memory_space<vmem>>, vector<1x16xf32>,
      %swap3A_88 = vector.shape_cast %swap3A_87 : vector<1x16xf32> to vector<16xf32>
      %swap3A_89 = vector.shape_cast %broadcast_in_dim3A_84 : vector<16xf32> to vector<1x16xf32>
      tpu.vector_store %arg6[%swap3A_85, %swap3A_86], %swap3A_89 {strides = array<i32>} : memref<128x128xf32, #tpu.memory_space<vmem>>, vector<1x16xf32>,
      %broadcast_in_dim3A_90 = arith.constant 1.000000e+00 : f32
      %broadcast_in_dim3A_91 = vector.broadcast %broadcast_in_dim3A_90 : f32 to vector<16xf32>
      %swap3A_92 = arith.index_cast %scan3A_41 : i32 to index
      %swap3A_93 = arith.constant 112 : index
      %swap3A_94 = tpu.vector_load %arg6[%swap3A_92, %swap3A_93] {strides = array<i32>} : memref<128x128xf32, #tpu.memory_space<vmem>>, vector<1x16xf32>,
      %swap3A_95 = vector.shape_cast %swap3A_94 : vector<1x16xf32> to vector<16xf32>
      %swap3A_96 = vector.shape_cast %broadcast_in_dim3A_91 : vector<16xf32> to vector<1x16xf32>
      tpu.vector_store %arg6[%swap3A_92, %swap3A_93], %swap3A_96 {strides = array<i32>} : memref<128x128xf32, #tpu.memory_space<vmem>>, vector<1x16xf32>,
      %scan3A_97 = arith.constant 0 : i32
      scf.yield %scan3A_97 : i32
    }
    %scan3A_30 = arith.constant 128 : i32
    %barrier3A = arith.constant 0 : index
    tpu.barrier barrier_id(%barrier3A)
    "tpu.region"() ({
      %run_scoped3A = tpu.sem_alloc : memref<!tpu.dma_semaphore, #tpu.memory_space<semaphore_mem>>
      %dma_start3A = arith.constant 0 : i32
      %dma_start3A_41 = arith.constant 0 : i32
      %dma_start3A_42 = tpu.memref_slice %arg2[%arg0, %arg1, %dma_start3A, %dma_start3A_41] : memref<2x16x80x128xi32, #tpu.memory_space<hbm>> -> memref<1x1x80x128xi32, #tpu.memory_space<hbm>>
      %dma_start3A_43 = tpu.memref_squeeze %dma_start3A_42 : memref<1x1x80x128xi32, #tpu.memory_space<hbm>> -> memref<80x128xi32, #tpu.memory_space<hbm>>
      %dma_start3A_44 = arith.constant 0 : i32
      %dma_start3A_45 = arith.constant 0 : i32
      %dma_start3A_46 = tpu.memref_slice %arg2[%arg0, %arg1, %dma_start3A_44, %dma_start3A_45] : memref<2x16x80x128xi32, #tpu.memory_space<hbm>> -> memref<1x1x80x128xi32, #tpu.memory_space<hbm>>
      %dma_start3A_47 = tpu.memref_squeeze %dma_start3A_46 : memref<1x1x80x128xi32, #tpu.memory_space<hbm>> -> memref<80x128xi32, #tpu.memory_space<hbm>>
      tpu.enqueue_dma source(%dma_start3A_47 : memref<80x128xi32, #tpu.memory_space<hbm>>) target(%arg5 : memref<80x128xi32, #tpu.memory_space<vmem>>) target_semaphore(%run_scoped3A : memref<!tpu.dma_semaphore, #tpu.memory_space<semaphore_mem>>)
      %dma_wait3A = arith.constant 0 : i32
      %dma_wait3A_48 = arith.constant 0 : i32
      %dma_wait3A_49 = tpu.memref_slice %arg2[%arg0, %arg1, %dma_wait3A, %dma_wait3A_48] : memref<2x16x80x128xi32, #tpu.memory_space<hbm>> -> memref<1x1x80x128xi32, #tpu.memory_space<hbm>>
      %dma_wait3A_50 = tpu.memref_squeeze %dma_wait3A_49 : memref<1x1x80x128xi32, #tpu.memory_space<hbm>> -> memref<80x128xi32, #tpu.memory_space<hbm>>
      %dma_wait3A_51 = arith.constant 0 : i32
      %dma_wait3A_52 = arith.constant 0 : i32
      %dma_wait3A_53 = tpu.memref_slice %arg2[%arg0, %arg1, %dma_wait3A_51, %dma_wait3A_52] : memref<2x16x80x128xi32, #tpu.memory_space<hbm>> -> memref<1x1x80x128xi32, #tpu.memory_space<hbm>>
      %dma_wait3A_54 = tpu.memref_squeeze %dma_wait3A_53 : memref<1x1x80x128xi32, #tpu.memory_space<hbm>> -> memref<80x128xi32, #tpu.memory_space<hbm>>
      tpu.wait_dma2 semaphore(%run_scoped3A : memref<!tpu.dma_semaphore, #tpu.memory_space<semaphore_mem>>) src(%dma_wait3A_54 : memref<80x128xi32, #tpu.memory_space<hbm>>) dst(%arg5 : memref<80x128xi32, #tpu.memory_space<vmem>>)
      tpu.yield
    }) : () -> ()
    %scan3A_31 = arith.constant 0 : i32
    %scan3A_32 = arith.constant 0 : i32
    %scan3A_33 = arith.constant 80 : i32
    %scan3A_34 = arith.addi %scan3A_32, %scan3A_33 : i32
    %scan3A_35 = arith.constant 1 : i32
    %scan3A_36 = scf.for %scan3A_41 = %scan3A_32 to %scan3A_34 step %scan3A_35 iter_args(%scan3A_42 = %scan3A_31) -> (i32)  : i32 {
      "tpu.region"() ({
        %run_scoped3A = tpu.sem_alloc : memref<!tpu.dma_semaphore, #tpu.memory_space<semaphore_mem>>
        %dma_start3A = arith.constant 0 : i32
        %dma_start3A_44 = tpu.memref_slice %arg5[%scan3A_41, %dma_start3A] : memref<80x128xi32, #tpu.memory_space<vmem>> -> memref<1x128xi32, #tpu.memory_space<vmem>>
        %dma_start3A_45 = tpu.memref_squeeze %dma_start3A_44 : memref<1x128xi32, #tpu.memory_space<vmem>> -> memref<128xi32, #tpu.memory_space<vmem>>
        %dma_start3A_46 = arith.constant 0 : i32
        %dma_start3A_47 = arith.constant 0 : i32
        %dma_start3A_48 = tpu.memref_slice %arg4[%dma_start3A_46, %dma_start3A_47] : memref<10240x128xf32, #tpu.memory_space<vmem_shared>> -> memref<10240x128xf32, #tpu.memory_space<vmem_shared>>
        tpu.enqueue_indirect_dma source(%arg6 : memref<128x128xf32, #tpu.memory_space<vmem>>) target(%dma_start3A_48 : memref<10240x128xf32, #tpu.memory_space<vmem_shared>>) offsets(%dma_start3A_45 : memref<128xi32, #tpu.memory_space<vmem>>) semaphore(%run_scoped3A : memref<!tpu.dma_semaphore, #tpu.memory_space<semaphore_mem>>) {add = true}
        %dma_wait3A = arith.constant 0 : i32
        %dma_wait3A_49 = tpu.memref_slice %arg5[%scan3A_41, %dma_wait3A] : memref<80x128xi32, #tpu.memory_space<vmem>> -> memref<1x128xi32, #tpu.memory_space<vmem>>
        %dma_wait3A_50 = tpu.memref_squeeze %dma_wait3A_49 : memref<1x128xi32, #tpu.memory_space<vmem>> -> memref<128xi32, #tpu.memory_space<vmem>>
        %dma_wait3A_51 = arith.constant 0 : i32
        %dma_wait3A_52 = arith.constant 0 : i32
        %dma_wait3A_53 = tpu.memref_slice %arg4[%dma_wait3A_51, %dma_wait3A_52] : memref<10240x128xf32, #tpu.memory_space<vmem_shared>> -> memref<10240x128xf32, #tpu.memory_space<vmem_shared>>
        tpu.wait_indirect_dma semaphore(%run_scoped3A : memref<!tpu.dma_semaphore, #tpu.memory_space<semaphore_mem>>) src(%arg6 : memref<128x128xf32, #tpu.memory_space<vmem>>) dst(%dma_wait3A_53 : memref<10240x128xf32, #tpu.memory_space<vmem_shared>>)
        tpu.yield
      }) : () -> ()
      %scan3A_43 = arith.constant 0 : i32
      scf.yield %scan3A_43 : i32
    }
    %scan3A_37 = arith.constant 80 : i32
    %barrier3A_38 = arith.constant 0 : index
    tpu.barrier barrier_id(%barrier3A_38)
    %mul3A_39 = arith.constant 640 : i32
    %mul3A_40 = arith.muli %arg1, %mul3A_39 : i32
    "tpu.region"() ({
      %run_scoped3A = tpu.sem_alloc : memref<!tpu.dma_semaphore, #tpu.memory_space<semaphore_mem>>
      %dma_start3A = arith.constant 0 : i32
      %dma_start3A_41 = tpu.memref_slice %arg3[%arg0, %mul3A_40, %dma_start3A] : memref<2x10240x128xf32, #tpu.memory_space<hbm>> -> memref<1x640x128xf32, #tpu.memory_space<hbm>>
      %dma_start3A_42 = tpu.memref_squeeze %dma_start3A_41 : memref<1x640x128xf32, #tpu.memory_space<hbm>> -> memref<640x128xf32, #tpu.memory_space<hbm>>
      %dma_start3A_43 = arith.constant 0 : i32
      %dma_start3A_44 = tpu.memref_slice %arg4[%mul3A_40, %dma_start3A_43] : memref<10240x128xf32, #tpu.memory_space<vmem_shared>> -> memref<640x128xf32, #tpu.memory_space<vmem_shared>>
      tpu.enqueue_dma source(%dma_start3A_44 : memref<640x128xf32, #tpu.memory_space<vmem_shared>>) target(%dma_start3A_42 : memref<640x128xf32, #tpu.memory_space<hbm>>) target_semaphore(%run_scoped3A : memref<!tpu.dma_semaphore, #tpu.memory_space<semaphore_mem>>)
      %dma_wait3A = arith.constant 0 : i32
      %dma_wait3A_45 = tpu.memref_slice %arg3[%arg0, %mul3A_40, %dma_wait3A] : memref<2x10240x128xf32, #tpu.memory_space<hbm>> -> memref<1x640x128xf32, #tpu.memory_space<hbm>>
      %dma_wait3A_46 = tpu.memref_squeeze %dma_wait3A_45 : memref<1x640x128xf32, #tpu.memory_space<hbm>> -> memref<640x128xf32, #tpu.memory_space<hbm>>
      %dma_wait3A_47 = arith.constant 0 : i32
      %dma_wait3A_48 = tpu.memref_slice %arg4[%mul3A_40, %dma_wait3A_47] : memref<10240x128xf32, #tpu.memory_space<vmem_shared>> -> memref<640x128xf32, #tpu.memory_space<vmem_shared>>
      tpu.wait_dma2 semaphore(%run_scoped3A : memref<!tpu.dma_semaphore, #tpu.memory_space<semaphore_mem>>) src(%dma_wait3A_48 : memref<640x128xf32, #tpu.memory_space<vmem_shared>>) dst(%dma_wait3A_46 : memref<640x128xf32, #tpu.memory_space<hbm>>)
      tpu.yield
    }) : () -> ()
    return
  }
}

#map = affine_map<(d0, d1) -> (0, 0)>
#map1 = affine_map<(d0, d1) -> (0, 0, 0, 0)>
#map2 = affine_map<(d0, d1) -> (0, 0, 0)>
module attributes {stable_mosaic.version = 14 : i64} {
  func.func @_sc_segsum_body(%arg0: i32, %arg1: i32, %arg2: memref<21000x128xf32, #tpu.memory_space<hbm>>, %arg3: memref<2x16x80x128xi32, #tpu.memory_space<hbm>>, %arg4: memref<2x10240x128xf32, #tpu.memory_space<hbm>>, %arg5: memref<10240x128xf32, #tpu.memory_space<vmem_shared>>, %arg6: memref<80x128xi32, #tpu.memory_space<vmem>>, %arg7: memref<2x128xi32, #tpu.memory_space<vmem>>, %arg8: memref<2x128xi32, #tpu.memory_space<vmem>>, %arg9: memref<128x128xf32, #tpu.memory_space<vmem>>, %arg10: memref<128x128xf32, #tpu.memory_space<vmem>>, %arg11: memref<!tpu.dma_semaphore, #tpu.memory_space<semaphore_mem>>, %arg12: memref<!tpu.dma_semaphore, #tpu.memory_space<semaphore_mem>>) attributes {dimension_semantics = [#tpu.dimension_semantics<core_parallel>, #tpu.dimension_semantics<subcore_parallel>], iteration_bounds = array<i64: 2, 16>, scalar_prefetch = 0 : i64, scratch_operands = 8 : i64, tpu.core_type = #tpu.core_type<sc_vector_subcore>, window_params = [{transform_indices = #map}, {transform_indices = #map1}, {transform_indices = #map2}]} {
    %scan3A = arith.constant 0 : i32
    %scan3A_0 = arith.constant 0 : i32
    %scan3A_1 = arith.constant 128 : i32
    %scan3A_2 = arith.addi %scan3A_0, %scan3A_1 : i32
    %scan3A_3 = arith.constant 1 : i32
    %scan3A_4 = scf.for %scan3A_411 = %scan3A_0 to %scan3A_2 step %scan3A_3 iter_args(%scan3A_412 = %scan3A) -> (i32)  : i32 {
      %broadcast_in_dim3A = arith.constant 0.000000e+00 : f32
      %broadcast_in_dim3A_413 = vector.broadcast %broadcast_in_dim3A : f32 to vector<16xf32>
      %swap3A_414 = arith.index_cast %scan3A_411 : i32 to index
      %swap3A_415 = arith.constant 0 : index
      %swap3A_416 = tpu.vector_load %arg9[%swap3A_414, %swap3A_415] {strides = array<i32>} : memref<128x128xf32, #tpu.memory_space<vmem>>, vector<1x16xf32>,
      %swap3A_417 = vector.shape_cast %swap3A_416 : vector<1x16xf32> to vector<16xf32>
      %swap3A_418 = vector.shape_cast %broadcast_in_dim3A_413 : vector<16xf32> to vector<1x16xf32>
      tpu.vector_store %arg9[%swap3A_414, %swap3A_415], %swap3A_418 {strides = array<i32>} : memref<128x128xf32, #tpu.memory_space<vmem>>, vector<1x16xf32>,
      %broadcast_in_dim3A_419 = arith.constant 0.000000e+00 : f32
      %broadcast_in_dim3A_420 = vector.broadcast %broadcast_in_dim3A_419 : f32 to vector<16xf32>
      %swap3A_421 = arith.index_cast %scan3A_411 : i32 to index
      %swap3A_422 = arith.constant 16 : index
      %swap3A_423 = tpu.vector_load %arg9[%swap3A_421, %swap3A_422] {strides = array<i32>} : memref<128x128xf32, #tpu.memory_space<vmem>>, vector<1x16xf32>,
      %swap3A_424 = vector.shape_cast %swap3A_423 : vector<1x16xf32> to vector<16xf32>
      %swap3A_425 = vector.shape_cast %broadcast_in_dim3A_420 : vector<16xf32> to vector<1x16xf32>
      tpu.vector_store %arg9[%swap3A_421, %swap3A_422], %swap3A_425 {strides = array<i32>} : memref<128x128xf32, #tpu.memory_space<vmem>>, vector<1x16xf32>,
      %broadcast_in_dim3A_426 = arith.constant 0.000000e+00 : f32
      %broadcast_in_dim3A_427 = vector.broadcast %broadcast_in_dim3A_426 : f32 to vector<16xf32>
      %swap3A_428 = arith.index_cast %scan3A_411 : i32 to index
      %swap3A_429 = arith.constant 32 : index
      %swap3A_430 = tpu.vector_load %arg9[%swap3A_428, %swap3A_429] {strides = array<i32>} : memref<128x128xf32, #tpu.memory_space<vmem>>, vector<1x16xf32>,
      %swap3A_431 = vector.shape_cast %swap3A_430 : vector<1x16xf32> to vector<16xf32>
      %swap3A_432 = vector.shape_cast %broadcast_in_dim3A_427 : vector<16xf32> to vector<1x16xf32>
      tpu.vector_store %arg9[%swap3A_428, %swap3A_429], %swap3A_432 {strides = array<i32>} : memref<128x128xf32, #tpu.memory_space<vmem>>, vector<1x16xf32>,
      %broadcast_in_dim3A_433 = arith.constant 0.000000e+00 : f32
      %broadcast_in_dim3A_434 = vector.broadcast %broadcast_in_dim3A_433 : f32 to vector<16xf32>
      %swap3A_435 = arith.index_cast %scan3A_411 : i32 to index
      %swap3A_436 = arith.constant 48 : index
      %swap3A_437 = tpu.vector_load %arg9[%swap3A_435, %swap3A_436] {strides = array<i32>} : memref<128x128xf32, #tpu.memory_space<vmem>>, vector<1x16xf32>,
      %swap3A_438 = vector.shape_cast %swap3A_437 : vector<1x16xf32> to vector<16xf32>
      %swap3A_439 = vector.shape_cast %broadcast_in_dim3A_434 : vector<16xf32> to vector<1x16xf32>
      tpu.vector_store %arg9[%swap3A_435, %swap3A_436], %swap3A_439 {strides = array<i32>} : memref<128x128xf32, #tpu.memory_space<vmem>>, vector<1x16xf32>,
      %broadcast_in_dim3A_440 = arith.constant 0.000000e+00 : f32
      %broadcast_in_dim3A_441 = vector.broadcast %broadcast_in_dim3A_440 : f32 to vector<16xf32>
      %swap3A_442 = arith.index_cast %scan3A_411 : i32 to index
      %swap3A_443 = arith.constant 64 : index
      %swap3A_444 = tpu.vector_load %arg9[%swap3A_442, %swap3A_443] {strides = array<i32>} : memref<128x128xf32, #tpu.memory_space<vmem>>, vector<1x16xf32>,
      %swap3A_445 = vector.shape_cast %swap3A_444 : vector<1x16xf32> to vector<16xf32>
      %swap3A_446 = vector.shape_cast %broadcast_in_dim3A_441 : vector<16xf32> to vector<1x16xf32>
      tpu.vector_store %arg9[%swap3A_442, %swap3A_443], %swap3A_446 {strides = array<i32>} : memref<128x128xf32, #tpu.memory_space<vmem>>, vector<1x16xf32>,
      %broadcast_in_dim3A_447 = arith.constant 0.000000e+00 : f32
      %broadcast_in_dim3A_448 = vector.broadcast %broadcast_in_dim3A_447 : f32 to vector<16xf32>
      %swap3A_449 = arith.index_cast %scan3A_411 : i32 to index
      %swap3A_450 = arith.constant 80 : index
      %swap3A_451 = tpu.vector_load %arg9[%swap3A_449, %swap3A_450] {strides = array<i32>} : memref<128x128xf32, #tpu.memory_space<vmem>>, vector<1x16xf32>,
      %swap3A_452 = vector.shape_cast %swap3A_451 : vector<1x16xf32> to vector<16xf32>
      %swap3A_453 = vector.shape_cast %broadcast_in_dim3A_448 : vector<16xf32> to vector<1x16xf32>
      tpu.vector_store %arg9[%swap3A_449, %swap3A_450], %swap3A_453 {strides = array<i32>} : memref<128x128xf32, #tpu.memory_space<vmem>>, vector<1x16xf32>,
      %broadcast_in_dim3A_454 = arith.constant 0.000000e+00 : f32
      %broadcast_in_dim3A_455 = vector.broadcast %broadcast_in_dim3A_454 : f32 to vector<16xf32>
      %swap3A_456 = arith.index_cast %scan3A_411 : i32 to index
      %swap3A_457 = arith.constant 96 : index
      %swap3A_458 = tpu.vector_load %arg9[%swap3A_456, %swap3A_457] {strides = array<i32>} : memref<128x128xf32, #tpu.memory_space<vmem>>, vector<1x16xf32>,
      %swap3A_459 = vector.shape_cast %swap3A_458 : vector<1x16xf32> to vector<16xf32>
      %swap3A_460 = vector.shape_cast %broadcast_in_dim3A_455 : vector<16xf32> to vector<1x16xf32>
      tpu.vector_store %arg9[%swap3A_456, %swap3A_457], %swap3A_460 {strides = array<i32>} : memref<128x128xf32, #tpu.memory_space<vmem>>, vector<1x16xf32>,
      %broadcast_in_dim3A_461 = arith.constant 0.000000e+00 : f32
      %broadcast_in_dim3A_462 = vector.broadcast %broadcast_in_dim3A_461 : f32 to vector<16xf32>
      %swap3A_463 = arith.index_cast %scan3A_411 : i32 to index
      %swap3A_464 = arith.constant 112 : index
      %swap3A_465 = tpu.vector_load %arg9[%swap3A_463, %swap3A_464] {strides = array<i32>} : memref<128x128xf32, #tpu.memory_space<vmem>>, vector<1x16xf32>,
      %swap3A_466 = vector.shape_cast %swap3A_465 : vector<1x16xf32> to vector<16xf32>
      %swap3A_467 = vector.shape_cast %broadcast_in_dim3A_462 : vector<16xf32> to vector<1x16xf32>
      tpu.vector_store %arg9[%swap3A_463, %swap3A_464], %swap3A_467 {strides = array<i32>} : memref<128x128xf32, #tpu.memory_space<vmem>>, vector<1x16xf32>,
      %scan3A_468 = arith.constant 0 : i32
      scf.yield %scan3A_468 : i32
    }
    %scan3A_5 = arith.constant 128 : i32
    %mul3A = arith.constant 640 : i32
    %mul3A_6 = arith.muli %arg1, %mul3A : i32
    %add3A = arith.constant 0 : i32
    %add3A_7 = arith.addi %mul3A_6, %add3A : i32
    "tpu.region"() ({
      %run_scoped3A = tpu.sem_alloc : memref<!tpu.dma_semaphore, #tpu.memory_space<semaphore_mem>>
      %dma_start3A_411 = arith.constant 0 : i32
      %dma_start3A_412 = tpu.memref_slice %arg5[%add3A_7, %dma_start3A_411] : memref<10240x128xf32, #tpu.memory_space<vmem_shared>> -> memref<128x128xf32, #tpu.memory_space<vmem_shared>>
      %dma_start3A_413 = arith.constant 0 : i32
      %dma_start3A_414 = tpu.memref_slice %arg5[%add3A_7, %dma_start3A_413] : memref<10240x128xf32, #tpu.memory_space<vmem_shared>> -> memref<128x128xf32, #tpu.memory_space<vmem_shared>>
      tpu.enqueue_dma source(%arg9 : memref<128x128xf32, #tpu.memory_space<vmem>>) target(%dma_start3A_414 : memref<128x128xf32, #tpu.memory_space<vmem_shared>>) target_semaphore(%run_scoped3A : memref<!tpu.dma_semaphore, #tpu.memory_space<semaphore_mem>>)
      %dma_wait3A = arith.constant 0 : i32
      %dma_wait3A_415 = tpu.memref_slice %arg5[%add3A_7, %dma_wait3A] : memref<10240x128xf32, #tpu.memory_space<vmem_shared>> -> memref<128x128xf32, #tpu.memory_space<vmem_shared>>
      %dma_wait3A_416 = arith.constant 0 : i32
      %dma_wait3A_417 = tpu.memref_slice %arg5[%add3A_7, %dma_wait3A_416] : memref<10240x128xf32, #tpu.memory_space<vmem_shared>> -> memref<128x128xf32, #tpu.memory_space<vmem_shared>>
      tpu.wait_dma2 semaphore(%run_scoped3A : memref<!tpu.dma_semaphore, #tpu.memory_space<semaphore_mem>>) src(%arg9 : memref<128x128xf32, #tpu.memory_space<vmem>>) dst(%dma_wait3A_417 : memref<128x128xf32, #tpu.memory_space<vmem_shared>>)
      tpu.yield
    }) : () -> ()
    %mul3A_8 = arith.constant 640 : i32
    %mul3A_9 = arith.muli %arg1, %mul3A_8 : i32
    %add3A_10 = arith.constant 128 : i32
    %add3A_11 = arith.addi %mul3A_9, %add3A_10 : i32
    "tpu.region"() ({
      %run_scoped3A = tpu.sem_alloc : memref<!tpu.dma_semaphore, #tpu.memory_space<semaphore_mem>>
      %dma_start3A_411 = arith.constant 0 : i32
      %dma_start3A_412 = tpu.memref_slice %arg5[%add3A_11, %dma_start3A_411] : memref<10240x128xf32, #tpu.memory_space<vmem_shared>> -> memref<128x128xf32, #tpu.memory_space<vmem_shared>>
      %dma_start3A_413 = arith.constant 0 : i32
      %dma_start3A_414 = tpu.memref_slice %arg5[%add3A_11, %dma_start3A_413] : memref<10240x128xf32, #tpu.memory_space<vmem_shared>> -> memref<128x128xf32, #tpu.memory_space<vmem_shared>>
      tpu.enqueue_dma source(%arg9 : memref<128x128xf32, #tpu.memory_space<vmem>>) target(%dma_start3A_414 : memref<128x128xf32, #tpu.memory_space<vmem_shared>>) target_semaphore(%run_scoped3A : memref<!tpu.dma_semaphore, #tpu.memory_space<semaphore_mem>>)
      %dma_wait3A = arith.constant 0 : i32
      %dma_wait3A_415 = tpu.memref_slice %arg5[%add3A_11, %dma_wait3A] : memref<10240x128xf32, #tpu.memory_space<vmem_shared>> -> memref<128x128xf32, #tpu.memory_space<vmem_shared>>
      %dma_wait3A_416 = arith.constant 0 : i32
      %dma_wait3A_417 = tpu.memref_slice %arg5[%add3A_11, %dma_wait3A_416] : memref<10240x128xf32, #tpu.memory_space<vmem_shared>> -> memref<128x128xf32, #tpu.memory_space<vmem_shared>>
      tpu.wait_dma2 semaphore(%run_scoped3A : memref<!tpu.dma_semaphore, #tpu.memory_space<semaphore_mem>>) src(%arg9 : memref<128x128xf32, #tpu.memory_space<vmem>>) dst(%dma_wait3A_417 : memref<128x128xf32, #tpu.memory_space<vmem_shared>>)
      tpu.yield
    }) : () -> ()
    %mul3A_12 = arith.constant 640 : i32
    %mul3A_13 = arith.muli %arg1, %mul3A_12 : i32
    %add3A_14 = arith.constant 256 : i32
    %add3A_15 = arith.addi %mul3A_13, %add3A_14 : i32
    "tpu.region"() ({
      %run_scoped3A = tpu.sem_alloc : memref<!tpu.dma_semaphore, #tpu.memory_space<semaphore_mem>>
      %dma_start3A_411 = arith.constant 0 : i32
      %dma_start3A_412 = tpu.memref_slice %arg5[%add3A_15, %dma_start3A_411] : memref<10240x128xf32, #tpu.memory_space<vmem_shared>> -> memref<128x128xf32, #tpu.memory_space<vmem_shared>>
      %dma_start3A_413 = arith.constant 0 : i32
      %dma_start3A_414 = tpu.memref_slice %arg5[%add3A_15, %dma_start3A_413] : memref<10240x128xf32, #tpu.memory_space<vmem_shared>> -> memref<128x128xf32, #tpu.memory_space<vmem_shared>>
      tpu.enqueue_dma source(%arg9 : memref<128x128xf32, #tpu.memory_space<vmem>>) target(%dma_start3A_414 : memref<128x128xf32, #tpu.memory_space<vmem_shared>>) target_semaphore(%run_scoped3A : memref<!tpu.dma_semaphore, #tpu.memory_space<semaphore_mem>>)
      %dma_wait3A = arith.constant 0 : i32
      %dma_wait3A_415 = tpu.memref_slice %arg5[%add3A_15, %dma_wait3A] : memref<10240x128xf32, #tpu.memory_space<vmem_shared>> -> memref<128x128xf32, #tpu.memory_space<vmem_shared>>
      %dma_wait3A_416 = arith.constant 0 : i32
      %dma_wait3A_417 = tpu.memref_slice %arg5[%add3A_15, %dma_wait3A_416] : memref<10240x128xf32, #tpu.memory_space<vmem_shared>> -> memref<128x128xf32, #tpu.memory_space<vmem_shared>>
      tpu.wait_dma2 semaphore(%run_scoped3A : memref<!tpu.dma_semaphore, #tpu.memory_space<semaphore_mem>>) src(%arg9 : memref<128x128xf32, #tpu.memory_space<vmem>>) dst(%dma_wait3A_417 : memref<128x128xf32, #tpu.memory_space<vmem_shared>>)
      tpu.yield
    }) : () -> ()
    %mul3A_16 = arith.constant 640 : i32
    %mul3A_17 = arith.muli %arg1, %mul3A_16 : i32
    %add3A_18 = arith.constant 384 : i32
    %add3A_19 = arith.addi %mul3A_17, %add3A_18 : i32
    "tpu.region"() ({
      %run_scoped3A = tpu.sem_alloc : memref<!tpu.dma_semaphore, #tpu.memory_space<semaphore_mem>>
      %dma_start3A_411 = arith.constant 0 : i32
      %dma_start3A_412 = tpu.memref_slice %arg5[%add3A_19, %dma_start3A_411] : memref<10240x128xf32, #tpu.memory_space<vmem_shared>> -> memref<128x128xf32, #tpu.memory_space<vmem_shared>>
      %dma_start3A_413 = arith.constant 0 : i32
      %dma_start3A_414 = tpu.memref_slice %arg5[%add3A_19, %dma_start3A_413] : memref<10240x128xf32, #tpu.memory_space<vmem_shared>> -> memref<128x128xf32, #tpu.memory_space<vmem_shared>>
      tpu.enqueue_dma source(%arg9 : memref<128x128xf32, #tpu.memory_space<vmem>>) target(%dma_start3A_414 : memref<128x128xf32, #tpu.memory_space<vmem_shared>>) target_semaphore(%run_scoped3A : memref<!tpu.dma_semaphore, #tpu.memory_space<semaphore_mem>>)
      %dma_wait3A = arith.constant 0 : i32
      %dma_wait3A_415 = tpu.memref_slice %arg5[%add3A_19, %dma_wait3A] : memref<10240x128xf32, #tpu.memory_space<vmem_shared>> -> memref<128x128xf32, #tpu.memory_space<vmem_shared>>
      %dma_wait3A_416 = arith.constant 0 : i32
      %dma_wait3A_417 = tpu.memref_slice %arg5[%add3A_19, %dma_wait3A_416] : memref<10240x128xf32, #tpu.memory_space<vmem_shared>> -> memref<128x128xf32, #tpu.memory_space<vmem_shared>>
      tpu.wait_dma2 semaphore(%run_scoped3A : memref<!tpu.dma_semaphore, #tpu.memory_space<semaphore_mem>>) src(%arg9 : memref<128x128xf32, #tpu.memory_space<vmem>>) dst(%dma_wait3A_417 : memref<128x128xf32, #tpu.memory_space<vmem_shared>>)
      tpu.yield
    }) : () -> ()
    %mul3A_20 = arith.constant 640 : i32
    %mul3A_21 = arith.muli %arg1, %mul3A_20 : i32
    %add3A_22 = arith.constant 512 : i32
    %add3A_23 = arith.addi %mul3A_21, %add3A_22 : i32
    "tpu.region"() ({
      %run_scoped3A = tpu.sem_alloc : memref<!tpu.dma_semaphore, #tpu.memory_space<semaphore_mem>>
      %dma_start3A_411 = arith.constant 0 : i32
      %dma_start3A_412 = tpu.memref_slice %arg5[%add3A_23, %dma_start3A_411] : memref<10240x128xf32, #tpu.memory_space<vmem_shared>> -> memref<128x128xf32, #tpu.memory_space<vmem_shared>>
      %dma_start3A_413 = arith.constant 0 : i32
      %dma_start3A_414 = tpu.memref_slice %arg5[%add3A_23, %dma_start3A_413] : memref<10240x128xf32, #tpu.memory_space<vmem_shared>> -> memref<128x128xf32, #tpu.memory_space<vmem_shared>>
      tpu.enqueue_dma source(%arg9 : memref<128x128xf32, #tpu.memory_space<vmem>>) target(%dma_start3A_414 : memref<128x128xf32, #tpu.memory_space<vmem_shared>>) target_semaphore(%run_scoped3A : memref<!tpu.dma_semaphore, #tpu.memory_space<semaphore_mem>>)
      %dma_wait3A = arith.constant 0 : i32
      %dma_wait3A_415 = tpu.memref_slice %arg5[%add3A_23, %dma_wait3A] : memref<10240x128xf32, #tpu.memory_space<vmem_shared>> -> memref<128x128xf32, #tpu.memory_space<vmem_shared>>
      %dma_wait3A_416 = arith.constant 0 : i32
      %dma_wait3A_417 = tpu.memref_slice %arg5[%add3A_23, %dma_wait3A_416] : memref<10240x128xf32, #tpu.memory_space<vmem_shared>> -> memref<128x128xf32, #tpu.memory_space<vmem_shared>>
      tpu.wait_dma2 semaphore(%run_scoped3A : memref<!tpu.dma_semaphore, #tpu.memory_space<semaphore_mem>>) src(%arg9 : memref<128x128xf32, #tpu.memory_space<vmem>>) dst(%dma_wait3A_417 : memref<128x128xf32, #tpu.memory_space<vmem_shared>>)
      tpu.yield
    }) : () -> ()
    %barrier3A = arith.constant 0 : index
    tpu.barrier barrier_id(%barrier3A)
    "tpu.region"() ({
      %run_scoped3A = tpu.sem_alloc : memref<!tpu.dma_semaphore, #tpu.memory_space<semaphore_mem>>
      %dma_start3A_411 = arith.constant 0 : i32
      %dma_start3A_412 = arith.constant 0 : i32
      %dma_start3A_413 = tpu.memref_slice %arg3[%arg0, %arg1, %dma_start3A_411, %dma_start3A_412] : memref<2x16x80x128xi32, #tpu.memory_space<hbm>> -> memref<1x1x80x128xi32, #tpu.memory_space<hbm>>
      %dma_start3A_414 = tpu.memref_squeeze %dma_start3A_413 : memref<1x1x80x128xi32, #tpu.memory_space<hbm>> -> memref<80x128xi32, #tpu.memory_space<hbm>>
      %dma_start3A_415 = arith.constant 0 : i32
      %dma_start3A_416 = arith.constant 0 : i32
      %dma_start3A_417 = tpu.memref_slice %arg3[%arg0, %arg1, %dma_start3A_415, %dma_start3A_416] : memref<2x16x80x128xi32, #tpu.memory_space<hbm>> -> memref<1x1x80x128xi32, #tpu.memory_space<hbm>>
      %dma_start3A_418 = tpu.memref_squeeze %dma_start3A_417 : memref<1x1x80x128xi32, #tpu.memory_space<hbm>> -> memref<80x128xi32, #tpu.memory_space<hbm>>
      tpu.enqueue_dma source(%dma_start3A_418 : memref<80x128xi32, #tpu.memory_space<hbm>>) target(%arg6 : memref<80x128xi32, #tpu.memory_space<vmem>>) target_semaphore(%run_scoped3A : memref<!tpu.dma_semaphore, #tpu.memory_space<semaphore_mem>>)
      %dma_wait3A = arith.constant 0 : i32
      %dma_wait3A_419 = arith.constant 0 : i32
      %dma_wait3A_420 = tpu.memref_slice %arg3[%arg0, %arg1, %dma_wait3A, %dma_wait3A_419] : memref<2x16x80x128xi32, #tpu.memory_space<hbm>> -> memref<1x1x80x128xi32, #tpu.memory_space<hbm>>
      %dma_wait3A_421 = tpu.memref_squeeze %dma_wait3A_420 : memref<1x1x80x128xi32, #tpu.memory_space<hbm>> -> memref<80x128xi32, #tpu.memory_space<hbm>>
      %dma_wait3A_422 = arith.constant 0 : i32
      %dma_wait3A_423 = arith.constant 0 : i32
      %dma_wait3A_424 = tpu.memref_slice %arg3[%arg0, %arg1, %dma_wait3A_422, %dma_wait3A_423] : memref<2x16x80x128xi32, #tpu.memory_space<hbm>> -> memref<1x1x80x128xi32, #tpu.memory_space<hbm>>
      %dma_wait3A_425 = tpu.memref_squeeze %dma_wait3A_424 : memref<1x1x80x128xi32, #tpu.memory_space<hbm>> -> memref<80x128xi32, #tpu.memory_space<hbm>>
      tpu.wait_dma2 semaphore(%run_scoped3A : memref<!tpu.dma_semaphore, #tpu.memory_space<semaphore_mem>>) src(%dma_wait3A_425 : memref<80x128xi32, #tpu.memory_space<hbm>>) dst(%arg6 : memref<80x128xi32, #tpu.memory_space<vmem>>)
      tpu.yield
    }) : () -> ()
    %get3A = arith.constant 0 : i32
    %get3A_24 = arith.index_cast %get3A : i32 to index
    %get3A_25 = arith.constant 0 : index
    %get3A_26 = tpu.vector_load %arg6[%get3A_24, %get3A_25] {strides = array<i32>} : memref<80x128xi32, #tpu.memory_space<vmem>>, vector<1x16xi32>,
    %get3A_27 = vector.shape_cast %get3A_26 : vector<1x16xi32> to vector<16xi32>
    %shift_right_logical3A = arith.constant 14 : i32
    %shift_right_logical3A_28 = vector.broadcast %shift_right_logical3A : i32 to vector<16xi32>
    %shift_right_logical3A_29 = arith.shrui %get3A_27, %shift_right_logical3A_28 : vector<16xi32>
    %swap3A = arith.constant 0 : i32
    %swap3A_30 = arith.index_cast %swap3A : i32 to index
    %swap3A_31 = arith.constant 0 : index
    %swap3A_32 = tpu.vector_load %arg7[%swap3A_30, %swap3A_31] {strides = array<i32>} : memref<2x128xi32, #tpu.memory_space<vmem>>, vector<1x16xi32>,
    %swap3A_33 = vector.shape_cast %swap3A_32 : vector<1x16xi32> to vector<16xi32>
    %swap3A_34 = vector.shape_cast %shift_right_logical3A_29 : vector<16xi32> to vector<1x16xi32>
    tpu.vector_store %arg7[%swap3A_30, %swap3A_31], %swap3A_34 {strides = array<i32>} : memref<2x128xi32, #tpu.memory_space<vmem>>, vector<1x16xi32>,
    %and3A = arith.constant 16383 : i32
    %and3A_35 = vector.broadcast %and3A : i32 to vector<16xi32>
    %and3A_36 = arith.andi %get3A_27, %and3A_35 : vector<16xi32>
    %swap3A_37 = arith.constant 0 : i32
    %swap3A_38 = arith.index_cast %swap3A_37 : i32 to index
    %swap3A_39 = arith.constant 0 : index
    %swap3A_40 = tpu.vector_load %arg8[%swap3A_38, %swap3A_39] {strides = array<i32>} : memref<2x128xi32, #tpu.memory_space<vmem>>, vector<1x16xi32>,
    %swap3A_41 = vector.shape_cast %swap3A_40 : vector<1x16xi32> to vector<16xi32>
    %swap3A_42 = vector.shape_cast %and3A_36 : vector<16xi32> to vector<1x16xi32>
    tpu.vector_store %arg8[%swap3A_38, %swap3A_39], %swap3A_42 {strides = array<i32>} : memref<2x128xi32, #tpu.memory_space<vmem>>, vector<1x16xi32>,
    %get3A_43 = arith.constant 0 : i32
    %get3A_44 = arith.index_cast %get3A_43 : i32 to index
    %get3A_45 = arith.constant 16 : index
    %get3A_46 = tpu.vector_load %arg6[%get3A_44, %get3A_45] {strides = array<i32>} : memref<80x128xi32, #tpu.memory_space<vmem>>, vector<1x16xi32>,
    %get3A_47 = vector.shape_cast %get3A_46 : vector<1x16xi32> to vector<16xi32>
    %shift_right_logical3A_48 = arith.constant 14 : i32
    %shift_right_logical3A_49 = vector.broadcast %shift_right_logical3A_48 : i32 to vector<16xi32>
    %shift_right_logical3A_50 = arith.shrui %get3A_47, %shift_right_logical3A_49 : vector<16xi32>
    %swap3A_51 = arith.constant 0 : i32
    %swap3A_52 = arith.index_cast %swap3A_51 : i32 to index
    %swap3A_53 = arith.constant 16 : index
    %swap3A_54 = tpu.vector_load %arg7[%swap3A_52, %swap3A_53] {strides = array<i32>} : memref<2x128xi32, #tpu.memory_space<vmem>>, vector<1x16xi32>,
    %swap3A_55 = vector.shape_cast %swap3A_54 : vector<1x16xi32> to vector<16xi32>
    %swap3A_56 = vector.shape_cast %shift_right_logical3A_50 : vector<16xi32> to vector<1x16xi32>
    tpu.vector_store %arg7[%swap3A_52, %swap3A_53], %swap3A_56 {strides = array<i32>} : memref<2x128xi32, #tpu.memory_space<vmem>>, vector<1x16xi32>,
    %and3A_57 = arith.constant 16383 : i32
    %and3A_58 = vector.broadcast %and3A_57 : i32 to vector<16xi32>
    %and3A_59 = arith.andi %get3A_47, %and3A_58 : vector<16xi32>
    %swap3A_60 = arith.constant 0 : i32
    %swap3A_61 = arith.index_cast %swap3A_60 : i32 to index
    %swap3A_62 = arith.constant 16 : index
    %swap3A_63 = tpu.vector_load %arg8[%swap3A_61, %swap3A_62] {strides = array<i32>} : memref<2x128xi32, #tpu.memory_space<vmem>>, vector<1x16xi32>,
    %swap3A_64 = vector.shape_cast %swap3A_63 : vector<1x16xi32> to vector<16xi32>
    %swap3A_65 = vector.shape_cast %and3A_59 : vector<16xi32> to vector<1x16xi32>
    tpu.vector_store %arg8[%swap3A_61, %swap3A_62], %swap3A_65 {strides = array<i32>} : memref<2x128xi32, #tpu.memory_space<vmem>>, vector<1x16xi32>,
    %get3A_66 = arith.constant 0 : i32
    %get3A_67 = arith.index_cast %get3A_66 : i32 to index
    %get3A_68 = arith.constant 32 : index
    %get3A_69 = tpu.vector_load %arg6[%get3A_67, %get3A_68] {strides = array<i32>} : memref<80x128xi32, #tpu.memory_space<vmem>>, vector<1x16xi32>,
    %get3A_70 = vector.shape_cast %get3A_69 : vector<1x16xi32> to vector<16xi32>
    %shift_right_logical3A_71 = arith.constant 14 : i32
    %shift_right_logical3A_72 = vector.broadcast %shift_right_logical3A_71 : i32 to vector<16xi32>
    %shift_right_logical3A_73 = arith.shrui %get3A_70, %shift_right_logical3A_72 : vector<16xi32>
    %swap3A_74 = arith.constant 0 : i32
    %swap3A_75 = arith.index_cast %swap3A_74 : i32 to index
    %swap3A_76 = arith.constant 32 : index
    %swap3A_77 = tpu.vector_load %arg7[%swap3A_75, %swap3A_76] {strides = array<i32>} : memref<2x128xi32, #tpu.memory_space<vmem>>, vector<1x16xi32>,
    %swap3A_78 = vector.shape_cast %swap3A_77 : vector<1x16xi32> to vector<16xi32>
    %swap3A_79 = vector.shape_cast %shift_right_logical3A_73 : vector<16xi32> to vector<1x16xi32>
    tpu.vector_store %arg7[%swap3A_75, %swap3A_76], %swap3A_79 {strides = array<i32>} : memref<2x128xi32, #tpu.memory_space<vmem>>, vector<1x16xi32>,
    %and3A_80 = arith.constant 16383 : i32
    %and3A_81 = vector.broadcast %and3A_80 : i32 to vector<16xi32>
    %and3A_82 = arith.andi %get3A_70, %and3A_81 : vector<16xi32>
    %swap3A_83 = arith.constant 0 : i32
    %swap3A_84 = arith.index_cast %swap3A_83 : i32 to index
    %swap3A_85 = arith.constant 32 : index
    %swap3A_86 = tpu.vector_load %arg8[%swap3A_84, %swap3A_85] {strides = array<i32>} : memref<2x128xi32, #tpu.memory_space<vmem>>, vector<1x16xi32>,
    %swap3A_87 = vector.shape_cast %swap3A_86 : vector<1x16xi32> to vector<16xi32>
    %swap3A_88 = vector.shape_cast %and3A_82 : vector<16xi32> to vector<1x16xi32>
    tpu.vector_store %arg8[%swap3A_84, %swap3A_85], %swap3A_88 {strides = array<i32>} : memref<2x128xi32, #tpu.memory_space<vmem>>, vector<1x16xi32>,
    %get3A_89 = arith.constant 0 : i32
    %get3A_90 = arith.index_cast %get3A_89 : i32 to index
    %get3A_91 = arith.constant 48 : index
    %get3A_92 = tpu.vector_load %arg6[%get3A_90, %get3A_91] {strides = array<i32>} : memref<80x128xi32, #tpu.memory_space<vmem>>, vector<1x16xi32>,
    %get3A_93 = vector.shape_cast %get3A_92 : vector<1x16xi32> to vector<16xi32>
    %shift_right_logical3A_94 = arith.constant 14 : i32
    %shift_right_logical3A_95 = vector.broadcast %shift_right_logical3A_94 : i32 to vector<16xi32>
    %shift_right_logical3A_96 = arith.shrui %get3A_93, %shift_right_logical3A_95 : vector<16xi32>
    %swap3A_97 = arith.constant 0 : i32
    %swap3A_98 = arith.index_cast %swap3A_97 : i32 to index
    %swap3A_99 = arith.constant 48 : index
    %swap3A_100 = tpu.vector_load %arg7[%swap3A_98, %swap3A_99] {strides = array<i32>} : memref<2x128xi32, #tpu.memory_space<vmem>>, vector<1x16xi32>,
    %swap3A_101 = vector.shape_cast %swap3A_100 : vector<1x16xi32> to vector<16xi32>
    %swap3A_102 = vector.shape_cast %shift_right_logical3A_96 : vector<16xi32> to vector<1x16xi32>
    tpu.vector_store %arg7[%swap3A_98, %swap3A_99], %swap3A_102 {strides = array<i32>} : memref<2x128xi32, #tpu.memory_space<vmem>>, vector<1x16xi32>,
    %and3A_103 = arith.constant 16383 : i32
    %and3A_104 = vector.broadcast %and3A_103 : i32 to vector<16xi32>
    %and3A_105 = arith.andi %get3A_93, %and3A_104 : vector<16xi32>
    %swap3A_106 = arith.constant 0 : i32
    %swap3A_107 = arith.index_cast %swap3A_106 : i32 to index
    %swap3A_108 = arith.constant 48 : index
    %swap3A_109 = tpu.vector_load %arg8[%swap3A_107, %swap3A_108] {strides = array<i32>} : memref<2x128xi32, #tpu.memory_space<vmem>>, vector<1x16xi32>,
    %swap3A_110 = vector.shape_cast %swap3A_109 : vector<1x16xi32> to vector<16xi32>
    %swap3A_111 = vector.shape_cast %and3A_105 : vector<16xi32> to vector<1x16xi32>
    tpu.vector_store %arg8[%swap3A_107, %swap3A_108], %swap3A_111 {strides = array<i32>} : memref<2x128xi32, #tpu.memory_space<vmem>>, vector<1x16xi32>,
    %get3A_112 = arith.constant 0 : i32
    %get3A_113 = arith.index_cast %get3A_112 : i32 to index
    %get3A_114 = arith.constant 64 : index
    %get3A_115 = tpu.vector_load %arg6[%get3A_113, %get3A_114] {strides = array<i32>} : memref<80x128xi32, #tpu.memory_space<vmem>>, vector<1x16xi32>,
    %get3A_116 = vector.shape_cast %get3A_115 : vector<1x16xi32> to vector<16xi32>
    %shift_right_logical3A_117 = arith.constant 14 : i32
    %shift_right_logical3A_118 = vector.broadcast %shift_right_logical3A_117 : i32 to vector<16xi32>
    %shift_right_logical3A_119 = arith.shrui %get3A_116, %shift_right_logical3A_118 : vector<16xi32>
    %swap3A_120 = arith.constant 0 : i32
    %swap3A_121 = arith.index_cast %swap3A_120 : i32 to index
    %swap3A_122 = arith.constant 64 : index
    %swap3A_123 = tpu.vector_load %arg7[%swap3A_121, %swap3A_122] {strides = array<i32>} : memref<2x128xi32, #tpu.memory_space<vmem>>, vector<1x16xi32>,
    %swap3A_124 = vector.shape_cast %swap3A_123 : vector<1x16xi32> to vector<16xi32>
    %swap3A_125 = vector.shape_cast %shift_right_logical3A_119 : vector<16xi32> to vector<1x16xi32>
    tpu.vector_store %arg7[%swap3A_121, %swap3A_122], %swap3A_125 {strides = array<i32>} : memref<2x128xi32, #tpu.memory_space<vmem>>, vector<1x16xi32>,
    %and3A_126 = arith.constant 16383 : i32
    %and3A_127 = vector.broadcast %and3A_126 : i32 to vector<16xi32>
    %and3A_128 = arith.andi %get3A_116, %and3A_127 : vector<16xi32>
    %swap3A_129 = arith.constant 0 : i32
    %swap3A_130 = arith.index_cast %swap3A_129 : i32 to index
    %swap3A_131 = arith.constant 64 : index
    %swap3A_132 = tpu.vector_load %arg8[%swap3A_130, %swap3A_131] {strides = array<i32>} : memref<2x128xi32, #tpu.memory_space<vmem>>, vector<1x16xi32>,
    %swap3A_133 = vector.shape_cast %swap3A_132 : vector<1x16xi32> to vector<16xi32>
    %swap3A_134 = vector.shape_cast %and3A_128 : vector<16xi32> to vector<1x16xi32>
    tpu.vector_store %arg8[%swap3A_130, %swap3A_131], %swap3A_134 {strides = array<i32>} : memref<2x128xi32, #tpu.memory_space<vmem>>, vector<1x16xi32>,
    %get3A_135 = arith.constant 0 : i32
    %get3A_136 = arith.index_cast %get3A_135 : i32 to index
    %get3A_137 = arith.constant 80 : index
    %get3A_138 = tpu.vector_load %arg6[%get3A_136, %get3A_137] {strides = array<i32>} : memref<80x128xi32, #tpu.memory_space<vmem>>, vector<1x16xi32>,
    %get3A_139 = vector.shape_cast %get3A_138 : vector<1x16xi32> to vector<16xi32>
    %shift_right_logical3A_140 = arith.constant 14 : i32
    %shift_right_logical3A_141 = vector.broadcast %shift_right_logical3A_140 : i32 to vector<16xi32>
    %shift_right_logical3A_142 = arith.shrui %get3A_139, %shift_right_logical3A_141 : vector<16xi32>
    %swap3A_143 = arith.constant 0 : i32
    %swap3A_144 = arith.index_cast %swap3A_143 : i32 to index
    %swap3A_145 = arith.constant 80 : index
    %swap3A_146 = tpu.vector_load %arg7[%swap3A_144, %swap3A_145] {strides = array<i32>} : memref<2x128xi32, #tpu.memory_space<vmem>>, vector<1x16xi32>,
    %swap3A_147 = vector.shape_cast %swap3A_146 : vector<1x16xi32> to vector<16xi32>
    %swap3A_148 = vector.shape_cast %shift_right_logical3A_142 : vector<16xi32> to vector<1x16xi32>
    tpu.vector_store %arg7[%swap3A_144, %swap3A_145], %swap3A_148 {strides = array<i32>} : memref<2x128xi32, #tpu.memory_space<vmem>>, vector<1x16xi32>,
    %and3A_149 = arith.constant 16383 : i32
    %and3A_150 = vector.broadcast %and3A_149 : i32 to vector<16xi32>
    %and3A_151 = arith.andi %get3A_139, %and3A_150 : vector<16xi32>
    %swap3A_152 = arith.constant 0 : i32
    %swap3A_153 = arith.index_cast %swap3A_152 : i32 to index
    %swap3A_154 = arith.constant 80 : index
    %swap3A_155 = tpu.vector_load %arg8[%swap3A_153, %swap3A_154] {strides = array<i32>} : memref<2x128xi32, #tpu.memory_space<vmem>>, vector<1x16xi32>,
    %swap3A_156 = vector.shape_cast %swap3A_155 : vector<1x16xi32> to vector<16xi32>
    %swap3A_157 = vector.shape_cast %and3A_151 : vector<16xi32> to vector<1x16xi32>
    tpu.vector_store %arg8[%swap3A_153, %swap3A_154], %swap3A_157 {strides = array<i32>} : memref<2x128xi32, #tpu.memory_space<vmem>>, vector<1x16xi32>,
    %get3A_158 = arith.constant 0 : i32
    %get3A_159 = arith.index_cast %get3A_158 : i32 to index
    %get3A_160 = arith.constant 96 : index
    %get3A_161 = tpu.vector_load %arg6[%get3A_159, %get3A_160] {strides = array<i32>} : memref<80x128xi32, #tpu.memory_space<vmem>>, vector<1x16xi32>,
    %get3A_162 = vector.shape_cast %get3A_161 : vector<1x16xi32> to vector<16xi32>
    %shift_right_logical3A_163 = arith.constant 14 : i32
    %shift_right_logical3A_164 = vector.broadcast %shift_right_logical3A_163 : i32 to vector<16xi32>
    %shift_right_logical3A_165 = arith.shrui %get3A_162, %shift_right_logical3A_164 : vector<16xi32>
    %swap3A_166 = arith.constant 0 : i32
    %swap3A_167 = arith.index_cast %swap3A_166 : i32 to index
    %swap3A_168 = arith.constant 96 : index
    %swap3A_169 = tpu.vector_load %arg7[%swap3A_167, %swap3A_168] {strides = array<i32>} : memref<2x128xi32, #tpu.memory_space<vmem>>, vector<1x16xi32>,
    %swap3A_170 = vector.shape_cast %swap3A_169 : vector<1x16xi32> to vector<16xi32>
    %swap3A_171 = vector.shape_cast %shift_right_logical3A_165 : vector<16xi32> to vector<1x16xi32>
    tpu.vector_store %arg7[%swap3A_167, %swap3A_168], %swap3A_171 {strides = array<i32>} : memref<2x128xi32, #tpu.memory_space<vmem>>, vector<1x16xi32>,
    %and3A_172 = arith.constant 16383 : i32
    %and3A_173 = vector.broadcast %and3A_172 : i32 to vector<16xi32>
    %and3A_174 = arith.andi %get3A_162, %and3A_173 : vector<16xi32>
    %swap3A_175 = arith.constant 0 : i32
    %swap3A_176 = arith.index_cast %swap3A_175 : i32 to index
    %swap3A_177 = arith.constant 96 : index
    %swap3A_178 = tpu.vector_load %arg8[%swap3A_176, %swap3A_177] {strides = array<i32>} : memref<2x128xi32, #tpu.memory_space<vmem>>, vector<1x16xi32>,
    %swap3A_179 = vector.shape_cast %swap3A_178 : vector<1x16xi32> to vector<16xi32>
    %swap3A_180 = vector.shape_cast %and3A_174 : vector<16xi32> to vector<1x16xi32>
    tpu.vector_store %arg8[%swap3A_176, %swap3A_177], %swap3A_180 {strides = array<i32>} : memref<2x128xi32, #tpu.memory_space<vmem>>, vector<1x16xi32>,
    %get3A_181 = arith.constant 0 : i32
    %get3A_182 = arith.index_cast %get3A_181 : i32 to index
    %get3A_183 = arith.constant 112 : index
    %get3A_184 = tpu.vector_load %arg6[%get3A_182, %get3A_183] {strides = array<i32>} : memref<80x128xi32, #tpu.memory_space<vmem>>, vector<1x16xi32>,
    %get3A_185 = vector.shape_cast %get3A_184 : vector<1x16xi32> to vector<16xi32>
    %shift_right_logical3A_186 = arith.constant 14 : i32
    %shift_right_logical3A_187 = vector.broadcast %shift_right_logical3A_186 : i32 to vector<16xi32>
    %shift_right_logical3A_188 = arith.shrui %get3A_185, %shift_right_logical3A_187 : vector<16xi32>
    %swap3A_189 = arith.constant 0 : i32
    %swap3A_190 = arith.index_cast %swap3A_189 : i32 to index
    %swap3A_191 = arith.constant 112 : index
    %swap3A_192 = tpu.vector_load %arg7[%swap3A_190, %swap3A_191] {strides = array<i32>} : memref<2x128xi32, #tpu.memory_space<vmem>>, vector<1x16xi32>,
    %swap3A_193 = vector.shape_cast %swap3A_192 : vector<1x16xi32> to vector<16xi32>
    %swap3A_194 = vector.shape_cast %shift_right_logical3A_188 : vector<16xi32> to vector<1x16xi32>
    tpu.vector_store %arg7[%swap3A_190, %swap3A_191], %swap3A_194 {strides = array<i32>} : memref<2x128xi32, #tpu.memory_space<vmem>>, vector<1x16xi32>,
    %and3A_195 = arith.constant 16383 : i32
    %and3A_196 = vector.broadcast %and3A_195 : i32 to vector<16xi32>
    %and3A_197 = arith.andi %get3A_185, %and3A_196 : vector<16xi32>
    %swap3A_198 = arith.constant 0 : i32
    %swap3A_199 = arith.index_cast %swap3A_198 : i32 to index
    %swap3A_200 = arith.constant 112 : index
    %swap3A_201 = tpu.vector_load %arg8[%swap3A_199, %swap3A_200] {strides = array<i32>} : memref<2x128xi32, #tpu.memory_space<vmem>>, vector<1x16xi32>,
    %swap3A_202 = vector.shape_cast %swap3A_201 : vector<1x16xi32> to vector<16xi32>
    %swap3A_203 = vector.shape_cast %and3A_197 : vector<16xi32> to vector<1x16xi32>
    tpu.vector_store %arg8[%swap3A_199, %swap3A_200], %swap3A_203 {strides = array<i32>} : memref<2x128xi32, #tpu.memory_space<vmem>>, vector<1x16xi32>,
    %dma_start3A = arith.constant 0 : i32
    %dma_start3A_204 = arith.constant 0 : i32
    %dma_start3A_205 = tpu.memref_slice %arg7[%dma_start3A, %dma_start3A_204] : memref<2x128xi32, #tpu.memory_space<vmem>> -> memref<1x128xi32, #tpu.memory_space<vmem>>
    %dma_start3A_206 = tpu.memref_squeeze %dma_start3A_205 : memref<1x128xi32, #tpu.memory_space<vmem>> -> memref<128xi32, #tpu.memory_space<vmem>>
    %dma_start3A_207 = arith.constant 0 : i32
    %dma_start3A_208 = arith.constant 0 : i32
    %dma_start3A_209 = tpu.memref_slice %arg2[%dma_start3A_207, %dma_start3A_208] : memref<21000x128xf32, #tpu.memory_space<hbm>> -> memref<21000x128xf32, #tpu.memory_space<hbm>>
    tpu.enqueue_indirect_dma source(%dma_start3A_209 : memref<21000x128xf32, #tpu.memory_space<hbm>>) target(%arg9 : memref<128x128xf32, #tpu.memory_space<vmem>>) offsets(%dma_start3A_206 : memref<128xi32, #tpu.memory_space<vmem>>) semaphore(%arg11 : memref<!tpu.dma_semaphore, #tpu.memory_space<semaphore_mem>>)
    %get3A_210 = arith.constant 1 : i32
    %get3A_211 = arith.index_cast %get3A_210 : i32 to index
    %get3A_212 = arith.constant 0 : index
    %get3A_213 = tpu.vector_load %arg6[%get3A_211, %get3A_212] {strides = array<i32>} : memref<80x128xi32, #tpu.memory_space<vmem>>, vector<1x16xi32>,
    %get3A_214 = vector.shape_cast %get3A_213 : vector<1x16xi32> to vector<16xi32>
    %shift_right_logical3A_215 = arith.constant 14 : i32
    %shift_right_logical3A_216 = vector.broadcast %shift_right_logical3A_215 : i32 to vector<16xi32>
    %shift_right_logical3A_217 = arith.shrui %get3A_214, %shift_right_logical3A_216 : vector<16xi32>
    %swap3A_218 = arith.constant 1 : i32
    %swap3A_219 = arith.index_cast %swap3A_218 : i32 to index
    %swap3A_220 = arith.constant 0 : index
    %swap3A_221 = tpu.vector_load %arg7[%swap3A_219, %swap3A_220] {strides = array<i32>} : memref<2x128xi32, #tpu.memory_space<vmem>>, vector<1x16xi32>,
    %swap3A_222 = vector.shape_cast %swap3A_221 : vector<1x16xi32> to vector<16xi32>
    %swap3A_223 = vector.shape_cast %shift_right_logical3A_217 : vector<16xi32> to vector<1x16xi32>
    tpu.vector_store %arg7[%swap3A_219, %swap3A_220], %swap3A_223 {strides = array<i32>} : memref<2x128xi32, #tpu.memory_space<vmem>>, vector<1x16xi32>,
    %and3A_224 = arith.constant 16383 : i32
    %and3A_225 = vector.broadcast %and3A_224 : i32 to vector<16xi32>
    %and3A_226 = arith.andi %get3A_214, %and3A_225 : vector<16xi32>
    %swap3A_227 = arith.constant 1 : i32
    %swap3A_228 = arith.index_cast %swap3A_227 : i32 to index
    %swap3A_229 = arith.constant 0 : index
    %swap3A_230 = tpu.vector_load %arg8[%swap3A_228, %swap3A_229] {strides = array<i32>} : memref<2x128xi32, #tpu.memory_space<vmem>>, vector<1x16xi32>,
    %swap3A_231 = vector.shape_cast %swap3A_230 : vector<1x16xi32> to vector<16xi32>
    %swap3A_232 = vector.shape_cast %and3A_226 : vector<16xi32> to vector<1x16xi32>
    tpu.vector_store %arg8[%swap3A_228, %swap3A_229], %swap3A_232 {strides = array<i32>} : memref<2x128xi32, #tpu.memory_space<vmem>>, vector<1x16xi32>,
    %get3A_233 = arith.constant 1 : i32
    %get3A_234 = arith.index_cast %get3A_233 : i32 to index
    %get3A_235 = arith.constant 16 : index
    %get3A_236 = tpu.vector_load %arg6[%get3A_234, %get3A_235] {strides = array<i32>} : memref<80x128xi32, #tpu.memory_space<vmem>>, vector<1x16xi32>,
    %get3A_237 = vector.shape_cast %get3A_236 : vector<1x16xi32> to vector<16xi32>
    %shift_right_logical3A_238 = arith.constant 14 : i32
    %shift_right_logical3A_239 = vector.broadcast %shift_right_logical3A_238 : i32 to vector<16xi32>
    %shift_right_logical3A_240 = arith.shrui %get3A_237, %shift_right_logical3A_239 : vector<16xi32>
    %swap3A_241 = arith.constant 1 : i32
    %swap3A_242 = arith.index_cast %swap3A_241 : i32 to index
    %swap3A_243 = arith.constant 16 : index
    %swap3A_244 = tpu.vector_load %arg7[%swap3A_242, %swap3A_243] {strides = array<i32>} : memref<2x128xi32, #tpu.memory_space<vmem>>, vector<1x16xi32>,
    %swap3A_245 = vector.shape_cast %swap3A_244 : vector<1x16xi32> to vector<16xi32>
    %swap3A_246 = vector.shape_cast %shift_right_logical3A_240 : vector<16xi32> to vector<1x16xi32>
    tpu.vector_store %arg7[%swap3A_242, %swap3A_243], %swap3A_246 {strides = array<i32>} : memref<2x128xi32, #tpu.memory_space<vmem>>, vector<1x16xi32>,
    %and3A_247 = arith.constant 16383 : i32
    %and3A_248 = vector.broadcast %and3A_247 : i32 to vector<16xi32>
    %and3A_249 = arith.andi %get3A_237, %and3A_248 : vector<16xi32>
    %swap3A_250 = arith.constant 1 : i32
    %swap3A_251 = arith.index_cast %swap3A_250 : i32 to index
    %swap3A_252 = arith.constant 16 : index
    %swap3A_253 = tpu.vector_load %arg8[%swap3A_251, %swap3A_252] {strides = array<i32>} : memref<2x128xi32, #tpu.memory_space<vmem>>, vector<1x16xi32>,
    %swap3A_254 = vector.shape_cast %swap3A_253 : vector<1x16xi32> to vector<16xi32>
    %swap3A_255 = vector.shape_cast %and3A_249 : vector<16xi32> to vector<1x16xi32>
    tpu.vector_store %arg8[%swap3A_251, %swap3A_252], %swap3A_255 {strides = array<i32>} : memref<2x128xi32, #tpu.memory_space<vmem>>, vector<1x16xi32>,
    %get3A_256 = arith.constant 1 : i32
    %get3A_257 = arith.index_cast %get3A_256 : i32 to index
    %get3A_258 = arith.constant 32 : index
    %get3A_259 = tpu.vector_load %arg6[%get3A_257, %get3A_258] {strides = array<i32>} : memref<80x128xi32, #tpu.memory_space<vmem>>, vector<1x16xi32>,
    %get3A_260 = vector.shape_cast %get3A_259 : vector<1x16xi32> to vector<16xi32>
    %shift_right_logical3A_261 = arith.constant 14 : i32
    %shift_right_logical3A_262 = vector.broadcast %shift_right_logical3A_261 : i32 to vector<16xi32>
    %shift_right_logical3A_263 = arith.shrui %get3A_260, %shift_right_logical3A_262 : vector<16xi32>
    %swap3A_264 = arith.constant 1 : i32
    %swap3A_265 = arith.index_cast %swap3A_264 : i32 to index
    %swap3A_266 = arith.constant 32 : index
    %swap3A_267 = tpu.vector_load %arg7[%swap3A_265, %swap3A_266] {strides = array<i32>} : memref<2x128xi32, #tpu.memory_space<vmem>>, vector<1x16xi32>,
    %swap3A_268 = vector.shape_cast %swap3A_267 : vector<1x16xi32> to vector<16xi32>
    %swap3A_269 = vector.shape_cast %shift_right_logical3A_263 : vector<16xi32> to vector<1x16xi32>
    tpu.vector_store %arg7[%swap3A_265, %swap3A_266], %swap3A_269 {strides = array<i32>} : memref<2x128xi32, #tpu.memory_space<vmem>>, vector<1x16xi32>,
    %and3A_270 = arith.constant 16383 : i32
    %and3A_271 = vector.broadcast %and3A_270 : i32 to vector<16xi32>
    %and3A_272 = arith.andi %get3A_260, %and3A_271 : vector<16xi32>
    %swap3A_273 = arith.constant 1 : i32
    %swap3A_274 = arith.index_cast %swap3A_273 : i32 to index
    %swap3A_275 = arith.constant 32 : index
    %swap3A_276 = tpu.vector_load %arg8[%swap3A_274, %swap3A_275] {strides = array<i32>} : memref<2x128xi32, #tpu.memory_space<vmem>>, vector<1x16xi32>,
    %swap3A_277 = vector.shape_cast %swap3A_276 : vector<1x16xi32> to vector<16xi32>
    %swap3A_278 = vector.shape_cast %and3A_272 : vector<16xi32> to vector<1x16xi32>
    tpu.vector_store %arg8[%swap3A_274, %swap3A_275], %swap3A_278 {strides = array<i32>} : memref<2x128xi32, #tpu.memory_space<vmem>>, vector<1x16xi32>,
    %get3A_279 = arith.constant 1 : i32
    %get3A_280 = arith.index_cast %get3A_279 : i32 to index
    %get3A_281 = arith.constant 48 : index
    %get3A_282 = tpu.vector_load %arg6[%get3A_280, %get3A_281] {strides = array<i32>} : memref<80x128xi32, #tpu.memory_space<vmem>>, vector<1x16xi32>,
    %get3A_283 = vector.shape_cast %get3A_282 : vector<1x16xi32> to vector<16xi32>
    %shift_right_logical3A_284 = arith.constant 14 : i32
    %shift_right_logical3A_285 = vector.broadcast %shift_right_logical3A_284 : i32 to vector<16xi32>
    %shift_right_logical3A_286 = arith.shrui %get3A_283, %shift_right_logical3A_285 : vector<16xi32>
    %swap3A_287 = arith.constant 1 : i32
    %swap3A_288 = arith.index_cast %swap3A_287 : i32 to index
    %swap3A_289 = arith.constant 48 : index
    %swap3A_290 = tpu.vector_load %arg7[%swap3A_288, %swap3A_289] {strides = array<i32>} : memref<2x128xi32, #tpu.memory_space<vmem>>, vector<1x16xi32>,
    %swap3A_291 = vector.shape_cast %swap3A_290 : vector<1x16xi32> to vector<16xi32>
    %swap3A_292 = vector.shape_cast %shift_right_logical3A_286 : vector<16xi32> to vector<1x16xi32>
    tpu.vector_store %arg7[%swap3A_288, %swap3A_289], %swap3A_292 {strides = array<i32>} : memref<2x128xi32, #tpu.memory_space<vmem>>, vector<1x16xi32>,
    %and3A_293 = arith.constant 16383 : i32
    %and3A_294 = vector.broadcast %and3A_293 : i32 to vector<16xi32>
    %and3A_295 = arith.andi %get3A_283, %and3A_294 : vector<16xi32>
    %swap3A_296 = arith.constant 1 : i32
    %swap3A_297 = arith.index_cast %swap3A_296 : i32 to index
    %swap3A_298 = arith.constant 48 : index
    %swap3A_299 = tpu.vector_load %arg8[%swap3A_297, %swap3A_298] {strides = array<i32>} : memref<2x128xi32, #tpu.memory_space<vmem>>, vector<1x16xi32>,
    %swap3A_300 = vector.shape_cast %swap3A_299 : vector<1x16xi32> to vector<16xi32>
    %swap3A_301 = vector.shape_cast %and3A_295 : vector<16xi32> to vector<1x16xi32>
    tpu.vector_store %arg8[%swap3A_297, %swap3A_298], %swap3A_301 {strides = array<i32>} : memref<2x128xi32, #tpu.memory_space<vmem>>, vector<1x16xi32>,
    %get3A_302 = arith.constant 1 : i32
    %get3A_303 = arith.index_cast %get3A_302 : i32 to index
    %get3A_304 = arith.constant 64 : index
    %get3A_305 = tpu.vector_load %arg6[%get3A_303, %get3A_304] {strides = array<i32>} : memref<80x128xi32, #tpu.memory_space<vmem>>, vector<1x16xi32>,
    %get3A_306 = vector.shape_cast %get3A_305 : vector<1x16xi32> to vector<16xi32>
    %shift_right_logical3A_307 = arith.constant 14 : i32
    %shift_right_logical3A_308 = vector.broadcast %shift_right_logical3A_307 : i32 to vector<16xi32>
    %shift_right_logical3A_309 = arith.shrui %get3A_306, %shift_right_logical3A_308 : vector<16xi32>
    %swap3A_310 = arith.constant 1 : i32
    %swap3A_311 = arith.index_cast %swap3A_310 : i32 to index
    %swap3A_312 = arith.constant 64 : index
    %swap3A_313 = tpu.vector_load %arg7[%swap3A_311, %swap3A_312] {strides = array<i32>} : memref<2x128xi32, #tpu.memory_space<vmem>>, vector<1x16xi32>,
    %swap3A_314 = vector.shape_cast %swap3A_313 : vector<1x16xi32> to vector<16xi32>
    %swap3A_315 = vector.shape_cast %shift_right_logical3A_309 : vector<16xi32> to vector<1x16xi32>
    tpu.vector_store %arg7[%swap3A_311, %swap3A_312], %swap3A_315 {strides = array<i32>} : memref<2x128xi32, #tpu.memory_space<vmem>>, vector<1x16xi32>,
    %and3A_316 = arith.constant 16383 : i32
    %and3A_317 = vector.broadcast %and3A_316 : i32 to vector<16xi32>
    %and3A_318 = arith.andi %get3A_306, %and3A_317 : vector<16xi32>
    %swap3A_319 = arith.constant 1 : i32
    %swap3A_320 = arith.index_cast %swap3A_319 : i32 to index
    %swap3A_321 = arith.constant 64 : index
    %swap3A_322 = tpu.vector_load %arg8[%swap3A_320, %swap3A_321] {strides = array<i32>} : memref<2x128xi32, #tpu.memory_space<vmem>>, vector<1x16xi32>,
    %swap3A_323 = vector.shape_cast %swap3A_322 : vector<1x16xi32> to vector<16xi32>
    %swap3A_324 = vector.shape_cast %and3A_318 : vector<16xi32> to vector<1x16xi32>
    tpu.vector_store %arg8[%swap3A_320, %swap3A_321], %swap3A_324 {strides = array<i32>} : memref<2x128xi32, #tpu.memory_space<vmem>>, vector<1x16xi32>,
    %get3A_325 = arith.constant 1 : i32
    %get3A_326 = arith.index_cast %get3A_325 : i32 to index
    %get3A_327 = arith.constant 80 : index
    %get3A_328 = tpu.vector_load %arg6[%get3A_326, %get3A_327] {strides = array<i32>} : memref<80x128xi32, #tpu.memory_space<vmem>>, vector<1x16xi32>,
    %get3A_329 = vector.shape_cast %get3A_328 : vector<1x16xi32> to vector<16xi32>
    %shift_right_logical3A_330 = arith.constant 14 : i32
    %shift_right_logical3A_331 = vector.broadcast %shift_right_logical3A_330 : i32 to vector<16xi32>
    %shift_right_logical3A_332 = arith.shrui %get3A_329, %shift_right_logical3A_331 : vector<16xi32>
    %swap3A_333 = arith.constant 1 : i32
    %swap3A_334 = arith.index_cast %swap3A_333 : i32 to index
    %swap3A_335 = arith.constant 80 : index
    %swap3A_336 = tpu.vector_load %arg7[%swap3A_334, %swap3A_335] {strides = array<i32>} : memref<2x128xi32, #tpu.memory_space<vmem>>, vector<1x16xi32>,
    %swap3A_337 = vector.shape_cast %swap3A_336 : vector<1x16xi32> to vector<16xi32>
    %swap3A_338 = vector.shape_cast %shift_right_logical3A_332 : vector<16xi32> to vector<1x16xi32>
    tpu.vector_store %arg7[%swap3A_334, %swap3A_335], %swap3A_338 {strides = array<i32>} : memref<2x128xi32, #tpu.memory_space<vmem>>, vector<1x16xi32>,
    %and3A_339 = arith.constant 16383 : i32
    %and3A_340 = vector.broadcast %and3A_339 : i32 to vector<16xi32>
    %and3A_341 = arith.andi %get3A_329, %and3A_340 : vector<16xi32>
    %swap3A_342 = arith.constant 1 : i32
    %swap3A_343 = arith.index_cast %swap3A_342 : i32 to index
    %swap3A_344 = arith.constant 80 : index
    %swap3A_345 = tpu.vector_load %arg8[%swap3A_343, %swap3A_344] {strides = array<i32>} : memref<2x128xi32, #tpu.memory_space<vmem>>, vector<1x16xi32>,
    %swap3A_346 = vector.shape_cast %swap3A_345 : vector<1x16xi32> to vector<16xi32>
    %swap3A_347 = vector.shape_cast %and3A_341 : vector<16xi32> to vector<1x16xi32>
    tpu.vector_store %arg8[%swap3A_343, %swap3A_344], %swap3A_347 {strides = array<i32>} : memref<2x128xi32, #tpu.memory_space<vmem>>, vector<1x16xi32>,
    %get3A_348 = arith.constant 1 : i32
    %get3A_349 = arith.index_cast %get3A_348 : i32 to index
    %get3A_350 = arith.constant 96 : index
    %get3A_351 = tpu.vector_load %arg6[%get3A_349, %get3A_350] {strides = array<i32>} : memref<80x128xi32, #tpu.memory_space<vmem>>, vector<1x16xi32>,
    %get3A_352 = vector.shape_cast %get3A_351 : vector<1x16xi32> to vector<16xi32>
    %shift_right_logical3A_353 = arith.constant 14 : i32
    %shift_right_logical3A_354 = vector.broadcast %shift_right_logical3A_353 : i32 to vector<16xi32>
    %shift_right_logical3A_355 = arith.shrui %get3A_352, %shift_right_logical3A_354 : vector<16xi32>
    %swap3A_356 = arith.constant 1 : i32
    %swap3A_357 = arith.index_cast %swap3A_356 : i32 to index
    %swap3A_358 = arith.constant 96 : index
    %swap3A_359 = tpu.vector_load %arg7[%swap3A_357, %swap3A_358] {strides = array<i32>} : memref<2x128xi32, #tpu.memory_space<vmem>>, vector<1x16xi32>,
    %swap3A_360 = vector.shape_cast %swap3A_359 : vector<1x16xi32> to vector<16xi32>
    %swap3A_361 = vector.shape_cast %shift_right_logical3A_355 : vector<16xi32> to vector<1x16xi32>
    tpu.vector_store %arg7[%swap3A_357, %swap3A_358], %swap3A_361 {strides = array<i32>} : memref<2x128xi32, #tpu.memory_space<vmem>>, vector<1x16xi32>,
    %and3A_362 = arith.constant 16383 : i32
    %and3A_363 = vector.broadcast %and3A_362 : i32 to vector<16xi32>
    %and3A_364 = arith.andi %get3A_352, %and3A_363 : vector<16xi32>
    %swap3A_365 = arith.constant 1 : i32
    %swap3A_366 = arith.index_cast %swap3A_365 : i32 to index
    %swap3A_367 = arith.constant 96 : index
    %swap3A_368 = tpu.vector_load %arg8[%swap3A_366, %swap3A_367] {strides = array<i32>} : memref<2x128xi32, #tpu.memory_space<vmem>>, vector<1x16xi32>,
    %swap3A_369 = vector.shape_cast %swap3A_368 : vector<1x16xi32> to vector<16xi32>
    %swap3A_370 = vector.shape_cast %and3A_364 : vector<16xi32> to vector<1x16xi32>
    tpu.vector_store %arg8[%swap3A_366, %swap3A_367], %swap3A_370 {strides = array<i32>} : memref<2x128xi32, #tpu.memory_space<vmem>>, vector<1x16xi32>,
    %get3A_371 = arith.constant 1 : i32
    %get3A_372 = arith.index_cast %get3A_371 : i32 to index
    %get3A_373 = arith.constant 112 : index
    %get3A_374 = tpu.vector_load %arg6[%get3A_372, %get3A_373] {strides = array<i32>} : memref<80x128xi32, #tpu.memory_space<vmem>>, vector<1x16xi32>,
    %get3A_375 = vector.shape_cast %get3A_374 : vector<1x16xi32> to vector<16xi32>
    %shift_right_logical3A_376 = arith.constant 14 : i32
    %shift_right_logical3A_377 = vector.broadcast %shift_right_logical3A_376 : i32 to vector<16xi32>
    %shift_right_logical3A_378 = arith.shrui %get3A_375, %shift_right_logical3A_377 : vector<16xi32>
    %swap3A_379 = arith.constant 1 : i32
    %swap3A_380 = arith.index_cast %swap3A_379 : i32 to index
    %swap3A_381 = arith.constant 112 : index
    %swap3A_382 = tpu.vector_load %arg7[%swap3A_380, %swap3A_381] {strides = array<i32>} : memref<2x128xi32, #tpu.memory_space<vmem>>, vector<1x16xi32>,
    %swap3A_383 = vector.shape_cast %swap3A_382 : vector<1x16xi32> to vector<16xi32>
    %swap3A_384 = vector.shape_cast %shift_right_logical3A_378 : vector<16xi32> to vector<1x16xi32>
    tpu.vector_store %arg7[%swap3A_380, %swap3A_381], %swap3A_384 {strides = array<i32>} : memref<2x128xi32, #tpu.memory_space<vmem>>, vector<1x16xi32>,
    %and3A_385 = arith.constant 16383 : i32
    %and3A_386 = vector.broadcast %and3A_385 : i32 to vector<16xi32>
    %and3A_387 = arith.andi %get3A_375, %and3A_386 : vector<16xi32>
    %swap3A_388 = arith.constant 1 : i32
    %swap3A_389 = arith.index_cast %swap3A_388 : i32 to index
    %swap3A_390 = arith.constant 112 : index
    %swap3A_391 = tpu.vector_load %arg8[%swap3A_389, %swap3A_390] {strides = array<i32>} : memref<2x128xi32, #tpu.memory_space<vmem>>, vector<1x16xi32>,
    %swap3A_392 = vector.shape_cast %swap3A_391 : vector<1x16xi32> to vector<16xi32>
    %swap3A_393 = vector.shape_cast %and3A_387 : vector<16xi32> to vector<1x16xi32>
    tpu.vector_store %arg8[%swap3A_389, %swap3A_390], %swap3A_393 {strides = array<i32>} : memref<2x128xi32, #tpu.memory_space<vmem>>, vector<1x16xi32>,
    %dma_start3A_394 = arith.constant 1 : i32
    %dma_start3A_395 = arith.constant 0 : i32
    %dma_start3A_396 = tpu.memref_slice %arg7[%dma_start3A_394, %dma_start3A_395] : memref<2x128xi32, #tpu.memory_space<vmem>> -> memref<1x128xi32, #tpu.memory_space<vmem>>
    %dma_start3A_397 = tpu.memref_squeeze %dma_start3A_396 : memref<1x128xi32, #tpu.memory_space<vmem>> -> memref<128xi32, #tpu.memory_space<vmem>>
    %dma_start3A_398 = arith.constant 0 : i32
    %dma_start3A_399 = arith.constant 0 : i32
    %dma_start3A_400 = tpu.memref_slice %arg2[%dma_start3A_398, %dma_start3A_399] : memref<21000x128xf32, #tpu.memory_space<hbm>> -> memref<21000x128xf32, #tpu.memory_space<hbm>>
    tpu.enqueue_indirect_dma source(%dma_start3A_400 : memref<21000x128xf32, #tpu.memory_space<hbm>>) target(%arg10 : memref<128x128xf32, #tpu.memory_space<vmem>>) offsets(%dma_start3A_397 : memref<128xi32, #tpu.memory_space<vmem>>) semaphore(%arg12 : memref<!tpu.dma_semaphore, #tpu.memory_space<semaphore_mem>>)
    %scan3A_401 = arith.constant 0 : i32
    %scan3A_402 = arith.constant 0 : i32
    %scan3A_403 = arith.constant 40 : i32
    %scan3A_404 = arith.addi %scan3A_402, %scan3A_403 : i32
    %scan3A_405 = arith.constant 1 : i32
    %scan3A_406 = scf.for %scan3A_411 = %scan3A_402 to %scan3A_404 step %scan3A_405 iter_args(%scan3A_412 = %scan3A_401) -> (i32)  : i32 {
      %mul3A_413 = arith.constant 2 : i32
      %mul3A_414 = arith.muli %scan3A_411, %mul3A_413 : i32
      %add3A_415 = arith.constant 0 : i32
      %add3A_416 = arith.addi %mul3A_414, %add3A_415 : i32
      %dma_wait3A = arith.constant 0 : i32
      %dma_wait3A_417 = arith.constant 0 : i32
      %dma_wait3A_418 = tpu.memref_slice %arg7[%dma_wait3A, %dma_wait3A_417] : memref<2x128xi32, #tpu.memory_space<vmem>> -> memref<1x128xi32, #tpu.memory_space<vmem>>
      %dma_wait3A_419 = tpu.memref_squeeze %dma_wait3A_418 : memref<1x128xi32, #tpu.memory_space<vmem>> -> memref<128xi32, #tpu.memory_space<vmem>>
      %dma_wait3A_420 = arith.constant 0 : i32
      %dma_wait3A_421 = arith.constant 0 : i32
      %dma_wait3A_422 = tpu.memref_slice %arg2[%dma_wait3A_420, %dma_wait3A_421] : memref<21000x128xf32, #tpu.memory_space<hbm>> -> memref<21000x128xf32, #tpu.memory_space<hbm>>
      tpu.wait_indirect_dma semaphore(%arg11 : memref<!tpu.dma_semaphore, #tpu.memory_space<semaphore_mem>>) src(%dma_wait3A_422 : memref<21000x128xf32, #tpu.memory_space<hbm>>) dst(%arg9 : memref<128x128xf32, #tpu.memory_space<vmem>>)
      %run_scoped3A = arith.constant 0 : i32
      "tpu.region"() ({
        %run_scoped3A_443 = tpu.sem_alloc : memref<!tpu.dma_semaphore, #tpu.memory_space<semaphore_mem>>
        %dma_start3A_444 = arith.constant 0 : i32
        %dma_start3A_445 = tpu.memref_slice %arg8[%run_scoped3A, %dma_start3A_444] : memref<2x128xi32, #tpu.memory_space<vmem>> -> memref<1x128xi32, #tpu.memory_space<vmem>>
        %dma_start3A_446 = tpu.memref_squeeze %dma_start3A_445 : memref<1x128xi32, #tpu.memory_space<vmem>> -> memref<128xi32, #tpu.memory_space<vmem>>
        %dma_start3A_447 = arith.constant 0 : i32
        %dma_start3A_448 = arith.constant 0 : i32
        %dma_start3A_449 = tpu.memref_slice %arg5[%dma_start3A_447, %dma_start3A_448] : memref<10240x128xf32, #tpu.memory_space<vmem_shared>> -> memref<10240x128xf32, #tpu.memory_space<vmem_shared>>
        tpu.enqueue_indirect_dma source(%arg9 : memref<128x128xf32, #tpu.memory_space<vmem>>) target(%dma_start3A_449 : memref<10240x128xf32, #tpu.memory_space<vmem_shared>>) offsets(%dma_start3A_446 : memref<128xi32, #tpu.memory_space<vmem>>) semaphore(%run_scoped3A_443 : memref<!tpu.dma_semaphore, #tpu.memory_space<semaphore_mem>>) {add = true}
        %dma_wait3A_450 = arith.constant 0 : i32
        %dma_wait3A_451 = tpu.memref_slice %arg8[%run_scoped3A, %dma_wait3A_450] : memref<2x128xi32, #tpu.memory_space<vmem>> -> memref<1x128xi32, #tpu.memory_space<vmem>>
        %dma_wait3A_452 = tpu.memref_squeeze %dma_wait3A_451 : memref<1x128xi32, #tpu.memory_space<vmem>> -> memref<128xi32, #tpu.memory_space<vmem>>
        %dma_wait3A_453 = arith.constant 0 : i32
        %dma_wait3A_454 = arith.constant 0 : i32
        %dma_wait3A_455 = tpu.memref_slice %arg5[%dma_wait3A_453, %dma_wait3A_454] : memref<10240x128xf32, #tpu.memory_space<vmem_shared>> -> memref<10240x128xf32, #tpu.memory_space<vmem_shared>>
        tpu.wait_indirect_dma semaphore(%run_scoped3A_443 : memref<!tpu.dma_semaphore, #tpu.memory_space<semaphore_mem>>) src(%arg9 : memref<128x128xf32, #tpu.memory_space<vmem>>) dst(%dma_wait3A_455 : memref<10240x128xf32, #tpu.memory_space<vmem_shared>>)
        tpu.yield
      }) : () -> ()
      %lt3A = arith.constant 39 : i32
      %lt3A_423 = arith.cmpi slt, %scan3A_411, %lt3A : i32
      %convert_element_type3A = arith.extui %lt3A_423 : i1 to i32
      %cond3A = arith.constant 0 : i32
      %cond3A_424 = arith.cmpi ne, %convert_element_type3A, %cond3A : i32
      scf.if %cond3A_424 {
        %add3A_443 = arith.constant 2 : i32
        %add3A_444 = arith.addi %add3A_416, %add3A_443 : i32
        %get3A_445 = arith.index_cast %add3A_444 : i32 to index
        %get3A_446 = arith.constant 0 : index
        %get3A_447 = tpu.vector_load %arg6[%get3A_445, %get3A_446] {strides = array<i32>} : memref<80x128xi32, #tpu.memory_space<vmem>>, vector<1x16xi32>,
        %get3A_448 = vector.shape_cast %get3A_447 : vector<1x16xi32> to vector<16xi32>
        %shift_right_logical3A_449 = arith.constant 14 : i32
        %shift_right_logical3A_450 = vector.broadcast %shift_right_logical3A_449 : i32 to vector<16xi32>
        %shift_right_logical3A_451 = arith.shrui %get3A_448, %shift_right_logical3A_450 : vector<16xi32>
        %swap3A_452 = arith.constant 0 : i32
        %swap3A_453 = arith.index_cast %swap3A_452 : i32 to index
        %swap3A_454 = arith.constant 0 : index
        %swap3A_455 = tpu.vector_load %arg7[%swap3A_453, %swap3A_454] {strides = array<i32>} : memref<2x128xi32, #tpu.memory_space<vmem>>, vector<1x16xi32>,
        %swap3A_456 = vector.shape_cast %swap3A_455 : vector<1x16xi32> to vector<16xi32>
        %swap3A_457 = vector.shape_cast %shift_right_logical3A_451 : vector<16xi32> to vector<1x16xi32>
        tpu.vector_store %arg7[%swap3A_453, %swap3A_454], %swap3A_457 {strides = array<i32>} : memref<2x128xi32, #tpu.memory_space<vmem>>, vector<1x16xi32>,
        %and3A_458 = arith.constant 16383 : i32
        %and3A_459 = vector.broadcast %and3A_458 : i32 to vector<16xi32>
        %and3A_460 = arith.andi %get3A_448, %and3A_459 : vector<16xi32>
        %swap3A_461 = arith.constant 0 : i32
        %swap3A_462 = arith.index_cast %swap3A_461 : i32 to index
        %swap3A_463 = arith.constant 0 : index
        %swap3A_464 = tpu.vector_load %arg8[%swap3A_462, %swap3A_463] {strides = array<i32>} : memref<2x128xi32, #tpu.memory_space<vmem>>, vector<1x16xi32>,
        %swap3A_465 = vector.shape_cast %swap3A_464 : vector<1x16xi32> to vector<16xi32>
        %swap3A_466 = vector.shape_cast %and3A_460 : vector<16xi32> to vector<1x16xi32>
        tpu.vector_store %arg8[%swap3A_462, %swap3A_463], %swap3A_466 {strides = array<i32>} : memref<2x128xi32, #tpu.memory_space<vmem>>, vector<1x16xi32>,
        %get3A_467 = arith.index_cast %add3A_444 : i32 to index
        %get3A_468 = arith.constant 16 : index
        %get3A_469 = tpu.vector_load %arg6[%get3A_467, %get3A_468] {strides = array<i32>} : memref<80x128xi32, #tpu.memory_space<vmem>>, vector<1x16xi32>,
        %get3A_470 = vector.shape_cast %get3A_469 : vector<1x16xi32> to vector<16xi32>
        %shift_right_logical3A_471 = arith.constant 14 : i32
        %shift_right_logical3A_472 = vector.broadcast %shift_right_logical3A_471 : i32 to vector<16xi32>
        %shift_right_logical3A_473 = arith.shrui %get3A_470, %shift_right_logical3A_472 : vector<16xi32>
        %swap3A_474 = arith.constant 0 : i32
        %swap3A_475 = arith.index_cast %swap3A_474 : i32 to index
        %swap3A_476 = arith.constant 16 : index
        %swap3A_477 = tpu.vector_load %arg7[%swap3A_475, %swap3A_476] {strides = array<i32>} : memref<2x128xi32, #tpu.memory_space<vmem>>, vector<1x16xi32>,
        %swap3A_478 = vector.shape_cast %swap3A_477 : vector<1x16xi32> to vector<16xi32>
        %swap3A_479 = vector.shape_cast %shift_right_logical3A_473 : vector<16xi32> to vector<1x16xi32>
        tpu.vector_store %arg7[%swap3A_475, %swap3A_476], %swap3A_479 {strides = array<i32>} : memref<2x128xi32, #tpu.memory_space<vmem>>, vector<1x16xi32>,
        %and3A_480 = arith.constant 16383 : i32
        %and3A_481 = vector.broadcast %and3A_480 : i32 to vector<16xi32>
        %and3A_482 = arith.andi %get3A_470, %and3A_481 : vector<16xi32>
        %swap3A_483 = arith.constant 0 : i32
        %swap3A_484 = arith.index_cast %swap3A_483 : i32 to index
        %swap3A_485 = arith.constant 16 : index
        %swap3A_486 = tpu.vector_load %arg8[%swap3A_484, %swap3A_485] {strides = array<i32>} : memref<2x128xi32, #tpu.memory_space<vmem>>, vector<1x16xi32>,
        %swap3A_487 = vector.shape_cast %swap3A_486 : vector<1x16xi32> to vector<16xi32>
        %swap3A_488 = vector.shape_cast %and3A_482 : vector<16xi32> to vector<1x16xi32>
        tpu.vector_store %arg8[%swap3A_484, %swap3A_485], %swap3A_488 {strides = array<i32>} : memref<2x128xi32, #tpu.memory_space<vmem>>, vector<1x16xi32>,
        %get3A_489 = arith.index_cast %add3A_444 : i32 to index
        %get3A_490 = arith.constant 32 : index
        %get3A_491 = tpu.vector_load %arg6[%get3A_489, %get3A_490] {strides = array<i32>} : memref<80x128xi32, #tpu.memory_space<vmem>>, vector<1x16xi32>,
        %get3A_492 = vector.shape_cast %get3A_491 : vector<1x16xi32> to vector<16xi32>
        %shift_right_logical3A_493 = arith.constant 14 : i32
        %shift_right_logical3A_494 = vector.broadcast %shift_right_logical3A_493 : i32 to vector<16xi32>
        %shift_right_logical3A_495 = arith.shrui %get3A_492, %shift_right_logical3A_494 : vector<16xi32>
        %swap3A_496 = arith.constant 0 : i32
        %swap3A_497 = arith.index_cast %swap3A_496 : i32 to index
        %swap3A_498 = arith.constant 32 : index
        %swap3A_499 = tpu.vector_load %arg7[%swap3A_497, %swap3A_498] {strides = array<i32>} : memref<2x128xi32, #tpu.memory_space<vmem>>, vector<1x16xi32>,
        %swap3A_500 = vector.shape_cast %swap3A_499 : vector<1x16xi32> to vector<16xi32>
        %swap3A_501 = vector.shape_cast %shift_right_logical3A_495 : vector<16xi32> to vector<1x16xi32>
        tpu.vector_store %arg7[%swap3A_497, %swap3A_498], %swap3A_501 {strides = array<i32>} : memref<2x128xi32, #tpu.memory_space<vmem>>, vector<1x16xi32>,
        %and3A_502 = arith.constant 16383 : i32
        %and3A_503 = vector.broadcast %and3A_502 : i32 to vector<16xi32>
        %and3A_504 = arith.andi %get3A_492, %and3A_503 : vector<16xi32>
        %swap3A_505 = arith.constant 0 : i32
        %swap3A_506 = arith.index_cast %swap3A_505 : i32 to index
        %swap3A_507 = arith.constant 32 : index
        %swap3A_508 = tpu.vector_load %arg8[%swap3A_506, %swap3A_507] {strides = array<i32>} : memref<2x128xi32, #tpu.memory_space<vmem>>, vector<1x16xi32>,
        %swap3A_509 = vector.shape_cast %swap3A_508 : vector<1x16xi32> to vector<16xi32>
        %swap3A_510 = vector.shape_cast %and3A_504 : vector<16xi32> to vector<1x16xi32>
        tpu.vector_store %arg8[%swap3A_506, %swap3A_507], %swap3A_510 {strides = array<i32>} : memref<2x128xi32, #tpu.memory_space<vmem>>, vector<1x16xi32>,
        %get3A_511 = arith.index_cast %add3A_444 : i32 to index
        %get3A_512 = arith.constant 48 : index
        %get3A_513 = tpu.vector_load %arg6[%get3A_511, %get3A_512] {strides = array<i32>} : memref<80x128xi32, #tpu.memory_space<vmem>>, vector<1x16xi32>,
        %get3A_514 = vector.shape_cast %get3A_513 : vector<1x16xi32> to vector<16xi32>
        %shift_right_logical3A_515 = arith.constant 14 : i32
        %shift_right_logical3A_516 = vector.broadcast %shift_right_logical3A_515 : i32 to vector<16xi32>
        %shift_right_logical3A_517 = arith.shrui %get3A_514, %shift_right_logical3A_516 : vector<16xi32>
        %swap3A_518 = arith.constant 0 : i32
        %swap3A_519 = arith.index_cast %swap3A_518 : i32 to index
        %swap3A_520 = arith.constant 48 : index
        %swap3A_521 = tpu.vector_load %arg7[%swap3A_519, %swap3A_520] {strides = array<i32>} : memref<2x128xi32, #tpu.memory_space<vmem>>, vector<1x16xi32>,
        %swap3A_522 = vector.shape_cast %swap3A_521 : vector<1x16xi32> to vector<16xi32>
        %swap3A_523 = vector.shape_cast %shift_right_logical3A_517 : vector<16xi32> to vector<1x16xi32>
        tpu.vector_store %arg7[%swap3A_519, %swap3A_520], %swap3A_523 {strides = array<i32>} : memref<2x128xi32, #tpu.memory_space<vmem>>, vector<1x16xi32>,
        %and3A_524 = arith.constant 16383 : i32
        %and3A_525 = vector.broadcast %and3A_524 : i32 to vector<16xi32>
        %and3A_526 = arith.andi %get3A_514, %and3A_525 : vector<16xi32>
        %swap3A_527 = arith.constant 0 : i32
        %swap3A_528 = arith.index_cast %swap3A_527 : i32 to index
        %swap3A_529 = arith.constant 48 : index
        %swap3A_530 = tpu.vector_load %arg8[%swap3A_528, %swap3A_529] {strides = array<i32>} : memref<2x128xi32, #tpu.memory_space<vmem>>, vector<1x16xi32>,
        %swap3A_531 = vector.shape_cast %swap3A_530 : vector<1x16xi32> to vector<16xi32>
        %swap3A_532 = vector.shape_cast %and3A_526 : vector<16xi32> to vector<1x16xi32>
        tpu.vector_store %arg8[%swap3A_528, %swap3A_529], %swap3A_532 {strides = array<i32>} : memref<2x128xi32, #tpu.memory_space<vmem>>, vector<1x16xi32>,
        %get3A_533 = arith.index_cast %add3A_444 : i32 to index
        %get3A_534 = arith.constant 64 : index
        %get3A_535 = tpu.vector_load %arg6[%get3A_533, %get3A_534] {strides = array<i32>} : memref<80x128xi32, #tpu.memory_space<vmem>>, vector<1x16xi32>,
        %get3A_536 = vector.shape_cast %get3A_535 : vector<1x16xi32> to vector<16xi32>
        %shift_right_logical3A_537 = arith.constant 14 : i32
        %shift_right_logical3A_538 = vector.broadcast %shift_right_logical3A_537 : i32 to vector<16xi32>
        %shift_right_logical3A_539 = arith.shrui %get3A_536, %shift_right_logical3A_538 : vector<16xi32>
        %swap3A_540 = arith.constant 0 : i32
        %swap3A_541 = arith.index_cast %swap3A_540 : i32 to index
        %swap3A_542 = arith.constant 64 : index
        %swap3A_543 = tpu.vector_load %arg7[%swap3A_541, %swap3A_542] {strides = array<i32>} : memref<2x128xi32, #tpu.memory_space<vmem>>, vector<1x16xi32>,
        %swap3A_544 = vector.shape_cast %swap3A_543 : vector<1x16xi32> to vector<16xi32>
        %swap3A_545 = vector.shape_cast %shift_right_logical3A_539 : vector<16xi32> to vector<1x16xi32>
        tpu.vector_store %arg7[%swap3A_541, %swap3A_542], %swap3A_545 {strides = array<i32>} : memref<2x128xi32, #tpu.memory_space<vmem>>, vector<1x16xi32>,
        %and3A_546 = arith.constant 16383 : i32
        %and3A_547 = vector.broadcast %and3A_546 : i32 to vector<16xi32>
        %and3A_548 = arith.andi %get3A_536, %and3A_547 : vector<16xi32>
        %swap3A_549 = arith.constant 0 : i32
        %swap3A_550 = arith.index_cast %swap3A_549 : i32 to index
        %swap3A_551 = arith.constant 64 : index
        %swap3A_552 = tpu.vector_load %arg8[%swap3A_550, %swap3A_551] {strides = array<i32>} : memref<2x128xi32, #tpu.memory_space<vmem>>, vector<1x16xi32>,
        %swap3A_553 = vector.shape_cast %swap3A_552 : vector<1x16xi32> to vector<16xi32>
        %swap3A_554 = vector.shape_cast %and3A_548 : vector<16xi32> to vector<1x16xi32>
        tpu.vector_store %arg8[%swap3A_550, %swap3A_551], %swap3A_554 {strides = array<i32>} : memref<2x128xi32, #tpu.memory_space<vmem>>, vector<1x16xi32>,
        %get3A_555 = arith.index_cast %add3A_444 : i32 to index
        %get3A_556 = arith.constant 80 : index
        %get3A_557 = tpu.vector_load %arg6[%get3A_555, %get3A_556] {strides = array<i32>} : memref<80x128xi32, #tpu.memory_space<vmem>>, vector<1x16xi32>,
        %get3A_558 = vector.shape_cast %get3A_557 : vector<1x16xi32> to vector<16xi32>
        %shift_right_logical3A_559 = arith.constant 14 : i32
        %shift_right_logical3A_560 = vector.broadcast %shift_right_logical3A_559 : i32 to vector<16xi32>
        %shift_right_logical3A_561 = arith.shrui %get3A_558, %shift_right_logical3A_560 : vector<16xi32>
        %swap3A_562 = arith.constant 0 : i32
        %swap3A_563 = arith.index_cast %swap3A_562 : i32 to index
        %swap3A_564 = arith.constant 80 : index
        %swap3A_565 = tpu.vector_load %arg7[%swap3A_563, %swap3A_564] {strides = array<i32>} : memref<2x128xi32, #tpu.memory_space<vmem>>, vector<1x16xi32>,
        %swap3A_566 = vector.shape_cast %swap3A_565 : vector<1x16xi32> to vector<16xi32>
        %swap3A_567 = vector.shape_cast %shift_right_logical3A_561 : vector<16xi32> to vector<1x16xi32>
        tpu.vector_store %arg7[%swap3A_563, %swap3A_564], %swap3A_567 {strides = array<i32>} : memref<2x128xi32, #tpu.memory_space<vmem>>, vector<1x16xi32>,
        %and3A_568 = arith.constant 16383 : i32
        %and3A_569 = vector.broadcast %and3A_568 : i32 to vector<16xi32>
        %and3A_570 = arith.andi %get3A_558, %and3A_569 : vector<16xi32>
        %swap3A_571 = arith.constant 0 : i32
        %swap3A_572 = arith.index_cast %swap3A_571 : i32 to index
        %swap3A_573 = arith.constant 80 : index
        %swap3A_574 = tpu.vector_load %arg8[%swap3A_572, %swap3A_573] {strides = array<i32>} : memref<2x128xi32, #tpu.memory_space<vmem>>, vector<1x16xi32>,
        %swap3A_575 = vector.shape_cast %swap3A_574 : vector<1x16xi32> to vector<16xi32>
        %swap3A_576 = vector.shape_cast %and3A_570 : vector<16xi32> to vector<1x16xi32>
        tpu.vector_store %arg8[%swap3A_572, %swap3A_573], %swap3A_576 {strides = array<i32>} : memref<2x128xi32, #tpu.memory_space<vmem>>, vector<1x16xi32>,
        %get3A_577 = arith.index_cast %add3A_444 : i32 to index
        %get3A_578 = arith.constant 96 : index
        %get3A_579 = tpu.vector_load %arg6[%get3A_577, %get3A_578] {strides = array<i32>} : memref<80x128xi32, #tpu.memory_space<vmem>>, vector<1x16xi32>,
        %get3A_580 = vector.shape_cast %get3A_579 : vector<1x16xi32> to vector<16xi32>
        %shift_right_logical3A_581 = arith.constant 14 : i32
        %shift_right_logical3A_582 = vector.broadcast %shift_right_logical3A_581 : i32 to vector<16xi32>
        %shift_right_logical3A_583 = arith.shrui %get3A_580, %shift_right_logical3A_582 : vector<16xi32>
        %swap3A_584 = arith.constant 0 : i32
        %swap3A_585 = arith.index_cast %swap3A_584 : i32 to index
        %swap3A_586 = arith.constant 96 : index
        %swap3A_587 = tpu.vector_load %arg7[%swap3A_585, %swap3A_586] {strides = array<i32>} : memref<2x128xi32, #tpu.memory_space<vmem>>, vector<1x16xi32>,
        %swap3A_588 = vector.shape_cast %swap3A_587 : vector<1x16xi32> to vector<16xi32>
        %swap3A_589 = vector.shape_cast %shift_right_logical3A_583 : vector<16xi32> to vector<1x16xi32>
        tpu.vector_store %arg7[%swap3A_585, %swap3A_586], %swap3A_589 {strides = array<i32>} : memref<2x128xi32, #tpu.memory_space<vmem>>, vector<1x16xi32>,
        %and3A_590 = arith.constant 16383 : i32
        %and3A_591 = vector.broadcast %and3A_590 : i32 to vector<16xi32>
        %and3A_592 = arith.andi %get3A_580, %and3A_591 : vector<16xi32>
        %swap3A_593 = arith.constant 0 : i32
        %swap3A_594 = arith.index_cast %swap3A_593 : i32 to index
        %swap3A_595 = arith.constant 96 : index
        %swap3A_596 = tpu.vector_load %arg8[%swap3A_594, %swap3A_595] {strides = array<i32>} : memref<2x128xi32, #tpu.memory_space<vmem>>, vector<1x16xi32>,
        %swap3A_597 = vector.shape_cast %swap3A_596 : vector<1x16xi32> to vector<16xi32>
        %swap3A_598 = vector.shape_cast %and3A_592 : vector<16xi32> to vector<1x16xi32>
        tpu.vector_store %arg8[%swap3A_594, %swap3A_595], %swap3A_598 {strides = array<i32>} : memref<2x128xi32, #tpu.memory_space<vmem>>, vector<1x16xi32>,
        %get3A_599 = arith.index_cast %add3A_444 : i32 to index
        %get3A_600 = arith.constant 112 : index
        %get3A_601 = tpu.vector_load %arg6[%get3A_599, %get3A_600] {strides = array<i32>} : memref<80x128xi32, #tpu.memory_space<vmem>>, vector<1x16xi32>,
        %get3A_602 = vector.shape_cast %get3A_601 : vector<1x16xi32> to vector<16xi32>
        %shift_right_logical3A_603 = arith.constant 14 : i32
        %shift_right_logical3A_604 = vector.broadcast %shift_right_logical3A_603 : i32 to vector<16xi32>
        %shift_right_logical3A_605 = arith.shrui %get3A_602, %shift_right_logical3A_604 : vector<16xi32>
        %swap3A_606 = arith.constant 0 : i32
        %swap3A_607 = arith.index_cast %swap3A_606 : i32 to index
        %swap3A_608 = arith.constant 112 : index
        %swap3A_609 = tpu.vector_load %arg7[%swap3A_607, %swap3A_608] {strides = array<i32>} : memref<2x128xi32, #tpu.memory_space<vmem>>, vector<1x16xi32>,
        %swap3A_610 = vector.shape_cast %swap3A_609 : vector<1x16xi32> to vector<16xi32>
        %swap3A_611 = vector.shape_cast %shift_right_logical3A_605 : vector<16xi32> to vector<1x16xi32>
        tpu.vector_store %arg7[%swap3A_607, %swap3A_608], %swap3A_611 {strides = array<i32>} : memref<2x128xi32, #tpu.memory_space<vmem>>, vector<1x16xi32>,
        %and3A_612 = arith.constant 16383 : i32
        %and3A_613 = vector.broadcast %and3A_612 : i32 to vector<16xi32>
        %and3A_614 = arith.andi %get3A_602, %and3A_613 : vector<16xi32>
        %swap3A_615 = arith.constant 0 : i32
        %swap3A_616 = arith.index_cast %swap3A_615 : i32 to index
        %swap3A_617 = arith.constant 112 : index
        %swap3A_618 = tpu.vector_load %arg8[%swap3A_616, %swap3A_617] {strides = array<i32>} : memref<2x128xi32, #tpu.memory_space<vmem>>, vector<1x16xi32>,
        %swap3A_619 = vector.shape_cast %swap3A_618 : vector<1x16xi32> to vector<16xi32>
        %swap3A_620 = vector.shape_cast %and3A_614 : vector<16xi32> to vector<1x16xi32>
        tpu.vector_store %arg8[%swap3A_616, %swap3A_617], %swap3A_620 {strides = array<i32>} : memref<2x128xi32, #tpu.memory_space<vmem>>, vector<1x16xi32>,
        %dma_start3A_621 = arith.constant 0 : i32
        %dma_start3A_622 = arith.constant 0 : i32
        %dma_start3A_623 = tpu.memref_slice %arg7[%dma_start3A_621, %dma_start3A_622] : memref<2x128xi32, #tpu.memory_space<vmem>> -> memref<1x128xi32, #tpu.memory_space<vmem>>
        %dma_start3A_624 = tpu.memref_squeeze %dma_start3A_623 : memref<1x128xi32, #tpu.memory_space<vmem>> -> memref<128xi32, #tpu.memory_space<vmem>>
        %dma_start3A_625 = arith.constant 0 : i32
        %dma_start3A_626 = arith.constant 0 : i32
        %dma_start3A_627 = tpu.memref_slice %arg2[%dma_start3A_625, %dma_start3A_626] : memref<21000x128xf32, #tpu.memory_space<hbm>> -> memref<21000x128xf32, #tpu.memory_space<hbm>>
        tpu.enqueue_indirect_dma source(%dma_start3A_627 : memref<21000x128xf32, #tpu.memory_space<hbm>>) target(%arg9 : memref<128x128xf32, #tpu.memory_space<vmem>>) offsets(%dma_start3A_624 : memref<128xi32, #tpu.memory_space<vmem>>) semaphore(%arg11 : memref<!tpu.dma_semaphore, #tpu.memory_space<semaphore_mem>>)
      } else {
      }
      %mul3A_425 = arith.constant 2 : i32
      %mul3A_426 = arith.muli %scan3A_411, %mul3A_425 : i32
      %add3A_427 = arith.constant 1 : i32
      %add3A_428 = arith.addi %mul3A_426, %add3A_427 : i32
      %dma_wait3A_429 = arith.constant 1 : i32
      %dma_wait3A_430 = arith.constant 0 : i32
      %dma_wait3A_431 = tpu.memref_slice %arg7[%dma_wait3A_429, %dma_wait3A_430] : memref<2x128xi32, #tpu.memory_space<vmem>> -> memref<1x128xi32, #tpu.memory_space<vmem>>
      %dma_wait3A_432 = tpu.memref_squeeze %dma_wait3A_431 : memref<1x128xi32, #tpu.memory_space<vmem>> -> memref<128xi32, #tpu.memory_space<vmem>>
      %dma_wait3A_433 = arith.constant 0 : i32
      %dma_wait3A_434 = arith.constant 0 : i32
      %dma_wait3A_435 = tpu.memref_slice %arg2[%dma_wait3A_433, %dma_wait3A_434] : memref<21000x128xf32, #tpu.memory_space<hbm>> -> memref<21000x128xf32, #tpu.memory_space<hbm>>
      tpu.wait_indirect_dma semaphore(%arg12 : memref<!tpu.dma_semaphore, #tpu.memory_space<semaphore_mem>>) src(%dma_wait3A_435 : memref<21000x128xf32, #tpu.memory_space<hbm>>) dst(%arg10 : memref<128x128xf32, #tpu.memory_space<vmem>>)
      %run_scoped3A_436 = arith.constant 1 : i32
      "tpu.region"() ({
        %run_scoped3A_443 = tpu.sem_alloc : memref<!tpu.dma_semaphore, #tpu.memory_space<semaphore_mem>>
        %dma_start3A_444 = arith.constant 0 : i32
        %dma_start3A_445 = tpu.memref_slice %arg8[%run_scoped3A_436, %dma_start3A_444] : memref<2x128xi32, #tpu.memory_space<vmem>> -> memref<1x128xi32, #tpu.memory_space<vmem>>
        %dma_start3A_446 = tpu.memref_squeeze %dma_start3A_445 : memref<1x128xi32, #tpu.memory_space<vmem>> -> memref<128xi32, #tpu.memory_space<vmem>>
        %dma_start3A_447 = arith.constant 0 : i32
        %dma_start3A_448 = arith.constant 0 : i32
        %dma_start3A_449 = tpu.memref_slice %arg5[%dma_start3A_447, %dma_start3A_448] : memref<10240x128xf32, #tpu.memory_space<vmem_shared>> -> memref<10240x128xf32, #tpu.memory_space<vmem_shared>>
        tpu.enqueue_indirect_dma source(%arg10 : memref<128x128xf32, #tpu.memory_space<vmem>>) target(%dma_start3A_449 : memref<10240x128xf32, #tpu.memory_space<vmem_shared>>) offsets(%dma_start3A_446 : memref<128xi32, #tpu.memory_space<vmem>>) semaphore(%run_scoped3A_443 : memref<!tpu.dma_semaphore, #tpu.memory_space<semaphore_mem>>) {add = true}
        %dma_wait3A_450 = arith.constant 0 : i32
        %dma_wait3A_451 = tpu.memref_slice %arg8[%run_scoped3A_436, %dma_wait3A_450] : memref<2x128xi32, #tpu.memory_space<vmem>> -> memref<1x128xi32, #tpu.memory_space<vmem>>
        %dma_wait3A_452 = tpu.memref_squeeze %dma_wait3A_451 : memref<1x128xi32, #tpu.memory_space<vmem>> -> memref<128xi32, #tpu.memory_space<vmem>>
        %dma_wait3A_453 = arith.constant 0 : i32
        %dma_wait3A_454 = arith.constant 0 : i32
        %dma_wait3A_455 = tpu.memref_slice %arg5[%dma_wait3A_453, %dma_wait3A_454] : memref<10240x128xf32, #tpu.memory_space<vmem_shared>> -> memref<10240x128xf32, #tpu.memory_space<vmem_shared>>
        tpu.wait_indirect_dma semaphore(%run_scoped3A_443 : memref<!tpu.dma_semaphore, #tpu.memory_space<semaphore_mem>>) src(%arg10 : memref<128x128xf32, #tpu.memory_space<vmem>>) dst(%dma_wait3A_455 : memref<10240x128xf32, #tpu.memory_space<vmem_shared>>)
        tpu.yield
      }) : () -> ()
      %lt3A_437 = arith.constant 39 : i32
      %lt3A_438 = arith.cmpi slt, %scan3A_411, %lt3A_437 : i32
      %convert_element_type3A_439 = arith.extui %lt3A_438 : i1 to i32
      %cond3A_440 = arith.constant 0 : i32
      %cond3A_441 = arith.cmpi ne, %convert_element_type3A_439, %cond3A_440 : i32
      scf.if %cond3A_441 {
        %add3A_443 = arith.constant 2 : i32
        %add3A_444 = arith.addi %add3A_428, %add3A_443 : i32
        %get3A_445 = arith.index_cast %add3A_444 : i32 to index
        %get3A_446 = arith.constant 0 : index
        %get3A_447 = tpu.vector_load %arg6[%get3A_445, %get3A_446] {strides = array<i32>} : memref<80x128xi32, #tpu.memory_space<vmem>>, vector<1x16xi32>,
        %get3A_448 = vector.shape_cast %get3A_447 : vector<1x16xi32> to vector<16xi32>
        %shift_right_logical3A_449 = arith.constant 14 : i32
        %shift_right_logical3A_450 = vector.broadcast %shift_right_logical3A_449 : i32 to vector<16xi32>
        %shift_right_logical3A_451 = arith.shrui %get3A_448, %shift_right_logical3A_450 : vector<16xi32>
        %swap3A_452 = arith.constant 1 : i32
        %swap3A_453 = arith.index_cast %swap3A_452 : i32 to index
        %swap3A_454 = arith.constant 0 : index
        %swap3A_455 = tpu.vector_load %arg7[%swap3A_453, %swap3A_454] {strides = array<i32>} : memref<2x128xi32, #tpu.memory_space<vmem>>, vector<1x16xi32>,
        %swap3A_456 = vector.shape_cast %swap3A_455 : vector<1x16xi32> to vector<16xi32>
        %swap3A_457 = vector.shape_cast %shift_right_logical3A_451 : vector<16xi32> to vector<1x16xi32>
        tpu.vector_store %arg7[%swap3A_453, %swap3A_454], %swap3A_457 {strides = array<i32>} : memref<2x128xi32, #tpu.memory_space<vmem>>, vector<1x16xi32>,
        %and3A_458 = arith.constant 16383 : i32
        %and3A_459 = vector.broadcast %and3A_458 : i32 to vector<16xi32>
        %and3A_460 = arith.andi %get3A_448, %and3A_459 : vector<16xi32>
        %swap3A_461 = arith.constant 1 : i32
        %swap3A_462 = arith.index_cast %swap3A_461 : i32 to index
        %swap3A_463 = arith.constant 0 : index
        %swap3A_464 = tpu.vector_load %arg8[%swap3A_462, %swap3A_463] {strides = array<i32>} : memref<2x128xi32, #tpu.memory_space<vmem>>, vector<1x16xi32>,
        %swap3A_465 = vector.shape_cast %swap3A_464 : vector<1x16xi32> to vector<16xi32>
        %swap3A_466 = vector.shape_cast %and3A_460 : vector<16xi32> to vector<1x16xi32>
        tpu.vector_store %arg8[%swap3A_462, %swap3A_463], %swap3A_466 {strides = array<i32>} : memref<2x128xi32, #tpu.memory_space<vmem>>, vector<1x16xi32>,
        %get3A_467 = arith.index_cast %add3A_444 : i32 to index
        %get3A_468 = arith.constant 16 : index
        %get3A_469 = tpu.vector_load %arg6[%get3A_467, %get3A_468] {strides = array<i32>} : memref<80x128xi32, #tpu.memory_space<vmem>>, vector<1x16xi32>,
        %get3A_470 = vector.shape_cast %get3A_469 : vector<1x16xi32> to vector<16xi32>
        %shift_right_logical3A_471 = arith.constant 14 : i32
        %shift_right_logical3A_472 = vector.broadcast %shift_right_logical3A_471 : i32 to vector<16xi32>
        %shift_right_logical3A_473 = arith.shrui %get3A_470, %shift_right_logical3A_472 : vector<16xi32>
        %swap3A_474 = arith.constant 1 : i32
        %swap3A_475 = arith.index_cast %swap3A_474 : i32 to index
        %swap3A_476 = arith.constant 16 : index
        %swap3A_477 = tpu.vector_load %arg7[%swap3A_475, %swap3A_476] {strides = array<i32>} : memref<2x128xi32, #tpu.memory_space<vmem>>, vector<1x16xi32>,
        %swap3A_478 = vector.shape_cast %swap3A_477 : vector<1x16xi32> to vector<16xi32>
        %swap3A_479 = vector.shape_cast %shift_right_logical3A_473 : vector<16xi32> to vector<1x16xi32>
        tpu.vector_store %arg7[%swap3A_475, %swap3A_476], %swap3A_479 {strides = array<i32>} : memref<2x128xi32, #tpu.memory_space<vmem>>, vector<1x16xi32>,
        %and3A_480 = arith.constant 16383 : i32
        %and3A_481 = vector.broadcast %and3A_480 : i32 to vector<16xi32>
        %and3A_482 = arith.andi %get3A_470, %and3A_481 : vector<16xi32>
        %swap3A_483 = arith.constant 1 : i32
        %swap3A_484 = arith.index_cast %swap3A_483 : i32 to index
        %swap3A_485 = arith.constant 16 : index
        %swap3A_486 = tpu.vector_load %arg8[%swap3A_484, %swap3A_485] {strides = array<i32>} : memref<2x128xi32, #tpu.memory_space<vmem>>, vector<1x16xi32>,
        %swap3A_487 = vector.shape_cast %swap3A_486 : vector<1x16xi32> to vector<16xi32>
        %swap3A_488 = vector.shape_cast %and3A_482 : vector<16xi32> to vector<1x16xi32>
        tpu.vector_store %arg8[%swap3A_484, %swap3A_485], %swap3A_488 {strides = array<i32>} : memref<2x128xi32, #tpu.memory_space<vmem>>, vector<1x16xi32>,
        %get3A_489 = arith.index_cast %add3A_444 : i32 to index
        %get3A_490 = arith.constant 32 : index
        %get3A_491 = tpu.vector_load %arg6[%get3A_489, %get3A_490] {strides = array<i32>} : memref<80x128xi32, #tpu.memory_space<vmem>>, vector<1x16xi32>,
        %get3A_492 = vector.shape_cast %get3A_491 : vector<1x16xi32> to vector<16xi32>
        %shift_right_logical3A_493 = arith.constant 14 : i32
        %shift_right_logical3A_494 = vector.broadcast %shift_right_logical3A_493 : i32 to vector<16xi32>
        %shift_right_logical3A_495 = arith.shrui %get3A_492, %shift_right_logical3A_494 : vector<16xi32>
        %swap3A_496 = arith.constant 1 : i32
        %swap3A_497 = arith.index_cast %swap3A_496 : i32 to index
        %swap3A_498 = arith.constant 32 : index
        %swap3A_499 = tpu.vector_load %arg7[%swap3A_497, %swap3A_498] {strides = array<i32>} : memref<2x128xi32, #tpu.memory_space<vmem>>, vector<1x16xi32>,
        %swap3A_500 = vector.shape_cast %swap3A_499 : vector<1x16xi32> to vector<16xi32>
        %swap3A_501 = vector.shape_cast %shift_right_logical3A_495 : vector<16xi32> to vector<1x16xi32>
        tpu.vector_store %arg7[%swap3A_497, %swap3A_498], %swap3A_501 {strides = array<i32>} : memref<2x128xi32, #tpu.memory_space<vmem>>, vector<1x16xi32>,
        %and3A_502 = arith.constant 16383 : i32
        %and3A_503 = vector.broadcast %and3A_502 : i32 to vector<16xi32>
        %and3A_504 = arith.andi %get3A_492, %and3A_503 : vector<16xi32>
        %swap3A_505 = arith.constant 1 : i32
        %swap3A_506 = arith.index_cast %swap3A_505 : i32 to index
        %swap3A_507 = arith.constant 32 : index
        %swap3A_508 = tpu.vector_load %arg8[%swap3A_506, %swap3A_507] {strides = array<i32>} : memref<2x128xi32, #tpu.memory_space<vmem>>, vector<1x16xi32>,
        %swap3A_509 = vector.shape_cast %swap3A_508 : vector<1x16xi32> to vector<16xi32>
        %swap3A_510 = vector.shape_cast %and3A_504 : vector<16xi32> to vector<1x16xi32>
        tpu.vector_store %arg8[%swap3A_506, %swap3A_507], %swap3A_510 {strides = array<i32>} : memref<2x128xi32, #tpu.memory_space<vmem>>, vector<1x16xi32>,
        %get3A_511 = arith.index_cast %add3A_444 : i32 to index
        %get3A_512 = arith.constant 48 : index
        %get3A_513 = tpu.vector_load %arg6[%get3A_511, %get3A_512] {strides = array<i32>} : memref<80x128xi32, #tpu.memory_space<vmem>>, vector<1x16xi32>,
        %get3A_514 = vector.shape_cast %get3A_513 : vector<1x16xi32> to vector<16xi32>
        %shift_right_logical3A_515 = arith.constant 14 : i32
        %shift_right_logical3A_516 = vector.broadcast %shift_right_logical3A_515 : i32 to vector<16xi32>
        %shift_right_logical3A_517 = arith.shrui %get3A_514, %shift_right_logical3A_516 : vector<16xi32>
        %swap3A_518 = arith.constant 1 : i32
        %swap3A_519 = arith.index_cast %swap3A_518 : i32 to index
        %swap3A_520 = arith.constant 48 : index
        %swap3A_521 = tpu.vector_load %arg7[%swap3A_519, %swap3A_520] {strides = array<i32>} : memref<2x128xi32, #tpu.memory_space<vmem>>, vector<1x16xi32>,
        %swap3A_522 = vector.shape_cast %swap3A_521 : vector<1x16xi32> to vector<16xi32>
        %swap3A_523 = vector.shape_cast %shift_right_logical3A_517 : vector<16xi32> to vector<1x16xi32>
        tpu.vector_store %arg7[%swap3A_519, %swap3A_520], %swap3A_523 {strides = array<i32>} : memref<2x128xi32, #tpu.memory_space<vmem>>, vector<1x16xi32>,
        %and3A_524 = arith.constant 16383 : i32
        %and3A_525 = vector.broadcast %and3A_524 : i32 to vector<16xi32>
        %and3A_526 = arith.andi %get3A_514, %and3A_525 : vector<16xi32>
        %swap3A_527 = arith.constant 1 : i32
        %swap3A_528 = arith.index_cast %swap3A_527 : i32 to index
        %swap3A_529 = arith.constant 48 : index
        %swap3A_530 = tpu.vector_load %arg8[%swap3A_528, %swap3A_529] {strides = array<i32>} : memref<2x128xi32, #tpu.memory_space<vmem>>, vector<1x16xi32>,
        %swap3A_531 = vector.shape_cast %swap3A_530 : vector<1x16xi32> to vector<16xi32>
        %swap3A_532 = vector.shape_cast %and3A_526 : vector<16xi32> to vector<1x16xi32>
        tpu.vector_store %arg8[%swap3A_528, %swap3A_529], %swap3A_532 {strides = array<i32>} : memref<2x128xi32, #tpu.memory_space<vmem>>, vector<1x16xi32>,
        %get3A_533 = arith.index_cast %add3A_444 : i32 to index
        %get3A_534 = arith.constant 64 : index
        %get3A_535 = tpu.vector_load %arg6[%get3A_533, %get3A_534] {strides = array<i32>} : memref<80x128xi32, #tpu.memory_space<vmem>>, vector<1x16xi32>,
        %get3A_536 = vector.shape_cast %get3A_535 : vector<1x16xi32> to vector<16xi32>
        %shift_right_logical3A_537 = arith.constant 14 : i32
        %shift_right_logical3A_538 = vector.broadcast %shift_right_logical3A_537 : i32 to vector<16xi32>
        %shift_right_logical3A_539 = arith.shrui %get3A_536, %shift_right_logical3A_538 : vector<16xi32>
        %swap3A_540 = arith.constant 1 : i32
        %swap3A_541 = arith.index_cast %swap3A_540 : i32 to index
        %swap3A_542 = arith.constant 64 : index
        %swap3A_543 = tpu.vector_load %arg7[%swap3A_541, %swap3A_542] {strides = array<i32>} : memref<2x128xi32, #tpu.memory_space<vmem>>, vector<1x16xi32>,
        %swap3A_544 = vector.shape_cast %swap3A_543 : vector<1x16xi32> to vector<16xi32>
        %swap3A_545 = vector.shape_cast %shift_right_logical3A_539 : vector<16xi32> to vector<1x16xi32>
        tpu.vector_store %arg7[%swap3A_541, %swap3A_542], %swap3A_545 {strides = array<i32>} : memref<2x128xi32, #tpu.memory_space<vmem>>, vector<1x16xi32>,
        %and3A_546 = arith.constant 16383 : i32
        %and3A_547 = vector.broadcast %and3A_546 : i32 to vector<16xi32>
        %and3A_548 = arith.andi %get3A_536, %and3A_547 : vector<16xi32>
        %swap3A_549 = arith.constant 1 : i32
        %swap3A_550 = arith.index_cast %swap3A_549 : i32 to index
        %swap3A_551 = arith.constant 64 : index
        %swap3A_552 = tpu.vector_load %arg8[%swap3A_550, %swap3A_551] {strides = array<i32>} : memref<2x128xi32, #tpu.memory_space<vmem>>, vector<1x16xi32>,
        %swap3A_553 = vector.shape_cast %swap3A_552 : vector<1x16xi32> to vector<16xi32>
        %swap3A_554 = vector.shape_cast %and3A_548 : vector<16xi32> to vector<1x16xi32>
        tpu.vector_store %arg8[%swap3A_550, %swap3A_551], %swap3A_554 {strides = array<i32>} : memref<2x128xi32, #tpu.memory_space<vmem>>, vector<1x16xi32>,
        %get3A_555 = arith.index_cast %add3A_444 : i32 to index
        %get3A_556 = arith.constant 80 : index
        %get3A_557 = tpu.vector_load %arg6[%get3A_555, %get3A_556] {strides = array<i32>} : memref<80x128xi32, #tpu.memory_space<vmem>>, vector<1x16xi32>,
        %get3A_558 = vector.shape_cast %get3A_557 : vector<1x16xi32> to vector<16xi32>
        %shift_right_logical3A_559 = arith.constant 14 : i32
        %shift_right_logical3A_560 = vector.broadcast %shift_right_logical3A_559 : i32 to vector<16xi32>
        %shift_right_logical3A_561 = arith.shrui %get3A_558, %shift_right_logical3A_560 : vector<16xi32>
        %swap3A_562 = arith.constant 1 : i32
        %swap3A_563 = arith.index_cast %swap3A_562 : i32 to index
        %swap3A_564 = arith.constant 80 : index
        %swap3A_565 = tpu.vector_load %arg7[%swap3A_563, %swap3A_564] {strides = array<i32>} : memref<2x128xi32, #tpu.memory_space<vmem>>, vector<1x16xi32>,
        %swap3A_566 = vector.shape_cast %swap3A_565 : vector<1x16xi32> to vector<16xi32>
        %swap3A_567 = vector.shape_cast %shift_right_logical3A_561 : vector<16xi32> to vector<1x16xi32>
        tpu.vector_store %arg7[%swap3A_563, %swap3A_564], %swap3A_567 {strides = array<i32>} : memref<2x128xi32, #tpu.memory_space<vmem>>, vector<1x16xi32>,
        %and3A_568 = arith.constant 16383 : i32
        %and3A_569 = vector.broadcast %and3A_568 : i32 to vector<16xi32>
        %and3A_570 = arith.andi %get3A_558, %and3A_569 : vector<16xi32>
        %swap3A_571 = arith.constant 1 : i32
        %swap3A_572 = arith.index_cast %swap3A_571 : i32 to index
        %swap3A_573 = arith.constant 80 : index
        %swap3A_574 = tpu.vector_load %arg8[%swap3A_572, %swap3A_573] {strides = array<i32>} : memref<2x128xi32, #tpu.memory_space<vmem>>, vector<1x16xi32>,
        %swap3A_575 = vector.shape_cast %swap3A_574 : vector<1x16xi32> to vector<16xi32>
        %swap3A_576 = vector.shape_cast %and3A_570 : vector<16xi32> to vector<1x16xi32>
        tpu.vector_store %arg8[%swap3A_572, %swap3A_573], %swap3A_576 {strides = array<i32>} : memref<2x128xi32, #tpu.memory_space<vmem>>, vector<1x16xi32>,
        %get3A_577 = arith.index_cast %add3A_444 : i32 to index
        %get3A_578 = arith.constant 96 : index
        %get3A_579 = tpu.vector_load %arg6[%get3A_577, %get3A_578] {strides = array<i32>} : memref<80x128xi32, #tpu.memory_space<vmem>>, vector<1x16xi32>,
        %get3A_580 = vector.shape_cast %get3A_579 : vector<1x16xi32> to vector<16xi32>
        %shift_right_logical3A_581 = arith.constant 14 : i32
        %shift_right_logical3A_582 = vector.broadcast %shift_right_logical3A_581 : i32 to vector<16xi32>
        %shift_right_logical3A_583 = arith.shrui %get3A_580, %shift_right_logical3A_582 : vector<16xi32>
        %swap3A_584 = arith.constant 1 : i32
        %swap3A_585 = arith.index_cast %swap3A_584 : i32 to index
        %swap3A_586 = arith.constant 96 : index
        %swap3A_587 = tpu.vector_load %arg7[%swap3A_585, %swap3A_586] {strides = array<i32>} : memref<2x128xi32, #tpu.memory_space<vmem>>, vector<1x16xi32>,
        %swap3A_588 = vector.shape_cast %swap3A_587 : vector<1x16xi32> to vector<16xi32>
        %swap3A_589 = vector.shape_cast %shift_right_logical3A_583 : vector<16xi32> to vector<1x16xi32>
        tpu.vector_store %arg7[%swap3A_585, %swap3A_586], %swap3A_589 {strides = array<i32>} : memref<2x128xi32, #tpu.memory_space<vmem>>, vector<1x16xi32>,
        %and3A_590 = arith.constant 16383 : i32
        %and3A_591 = vector.broadcast %and3A_590 : i32 to vector<16xi32>
        %and3A_592 = arith.andi %get3A_580, %and3A_591 : vector<16xi32>
        %swap3A_593 = arith.constant 1 : i32
        %swap3A_594 = arith.index_cast %swap3A_593 : i32 to index
        %swap3A_595 = arith.constant 96 : index
        %swap3A_596 = tpu.vector_load %arg8[%swap3A_594, %swap3A_595] {strides = array<i32>} : memref<2x128xi32, #tpu.memory_space<vmem>>, vector<1x16xi32>,
        %swap3A_597 = vector.shape_cast %swap3A_596 : vector<1x16xi32> to vector<16xi32>
        %swap3A_598 = vector.shape_cast %and3A_592 : vector<16xi32> to vector<1x16xi32>
        tpu.vector_store %arg8[%swap3A_594, %swap3A_595], %swap3A_598 {strides = array<i32>} : memref<2x128xi32, #tpu.memory_space<vmem>>, vector<1x16xi32>,
        %get3A_599 = arith.index_cast %add3A_444 : i32 to index
        %get3A_600 = arith.constant 112 : index
        %get3A_601 = tpu.vector_load %arg6[%get3A_599, %get3A_600] {strides = array<i32>} : memref<80x128xi32, #tpu.memory_space<vmem>>, vector<1x16xi32>,
        %get3A_602 = vector.shape_cast %get3A_601 : vector<1x16xi32> to vector<16xi32>
        %shift_right_logical3A_603 = arith.constant 14 : i32
        %shift_right_logical3A_604 = vector.broadcast %shift_right_logical3A_603 : i32 to vector<16xi32>
        %shift_right_logical3A_605 = arith.shrui %get3A_602, %shift_right_logical3A_604 : vector<16xi32>
        %swap3A_606 = arith.constant 1 : i32
        %swap3A_607 = arith.index_cast %swap3A_606 : i32 to index
        %swap3A_608 = arith.constant 112 : index
        %swap3A_609 = tpu.vector_load %arg7[%swap3A_607, %swap3A_608] {strides = array<i32>} : memref<2x128xi32, #tpu.memory_space<vmem>>, vector<1x16xi32>,
        %swap3A_610 = vector.shape_cast %swap3A_609 : vector<1x16xi32> to vector<16xi32>
        %swap3A_611 = vector.shape_cast %shift_right_logical3A_605 : vector<16xi32> to vector<1x16xi32>
        tpu.vector_store %arg7[%swap3A_607, %swap3A_608], %swap3A_611 {strides = array<i32>} : memref<2x128xi32, #tpu.memory_space<vmem>>, vector<1x16xi32>,
        %and3A_612 = arith.constant 16383 : i32
        %and3A_613 = vector.broadcast %and3A_612 : i32 to vector<16xi32>
        %and3A_614 = arith.andi %get3A_602, %and3A_613 : vector<16xi32>
        %swap3A_615 = arith.constant 1 : i32
        %swap3A_616 = arith.index_cast %swap3A_615 : i32 to index
        %swap3A_617 = arith.constant 112 : index
        %swap3A_618 = tpu.vector_load %arg8[%swap3A_616, %swap3A_617] {strides = array<i32>} : memref<2x128xi32, #tpu.memory_space<vmem>>, vector<1x16xi32>,
        %swap3A_619 = vector.shape_cast %swap3A_618 : vector<1x16xi32> to vector<16xi32>
        %swap3A_620 = vector.shape_cast %and3A_614 : vector<16xi32> to vector<1x16xi32>
        tpu.vector_store %arg8[%swap3A_616, %swap3A_617], %swap3A_620 {strides = array<i32>} : memref<2x128xi32, #tpu.memory_space<vmem>>, vector<1x16xi32>,
        %dma_start3A_621 = arith.constant 1 : i32
        %dma_start3A_622 = arith.constant 0 : i32
        %dma_start3A_623 = tpu.memref_slice %arg7[%dma_start3A_621, %dma_start3A_622] : memref<2x128xi32, #tpu.memory_space<vmem>> -> memref<1x128xi32, #tpu.memory_space<vmem>>
        %dma_start3A_624 = tpu.memref_squeeze %dma_start3A_623 : memref<1x128xi32, #tpu.memory_space<vmem>> -> memref<128xi32, #tpu.memory_space<vmem>>
        %dma_start3A_625 = arith.constant 0 : i32
        %dma_start3A_626 = arith.constant 0 : i32
        %dma_start3A_627 = tpu.memref_slice %arg2[%dma_start3A_625, %dma_start3A_626] : memref<21000x128xf32, #tpu.memory_space<hbm>> -> memref<21000x128xf32, #tpu.memory_space<hbm>>
        tpu.enqueue_indirect_dma source(%dma_start3A_627 : memref<21000x128xf32, #tpu.memory_space<hbm>>) target(%arg10 : memref<128x128xf32, #tpu.memory_space<vmem>>) offsets(%dma_start3A_624 : memref<128xi32, #tpu.memory_space<vmem>>) semaphore(%arg12 : memref<!tpu.dma_semaphore, #tpu.memory_space<semaphore_mem>>)
      } else {
      }
      %scan3A_442 = arith.constant 0 : i32
      scf.yield %scan3A_442 : i32
    }
    %scan3A_407 = arith.constant 40 : i32
    %barrier3A_408 = arith.constant 0 : index
    tpu.barrier barrier_id(%barrier3A_408)
    %mul3A_409 = arith.constant 640 : i32
    %mul3A_410 = arith.muli %arg1, %mul3A_409 : i32
    "tpu.region"() ({
      %run_scoped3A = tpu.sem_alloc : memref<!tpu.dma_semaphore, #tpu.memory_space<semaphore_mem>>
      %dma_start3A_411 = arith.constant 0 : i32
      %dma_start3A_412 = tpu.memref_slice %arg4[%arg0, %mul3A_410, %dma_start3A_411] : memref<2x10240x128xf32, #tpu.memory_space<hbm>> -> memref<1x640x128xf32, #tpu.memory_space<hbm>>
      %dma_start3A_413 = tpu.memref_squeeze %dma_start3A_412 : memref<1x640x128xf32, #tpu.memory_space<hbm>> -> memref<640x128xf32, #tpu.memory_space<hbm>>
      %dma_start3A_414 = arith.constant 0 : i32
      %dma_start3A_415 = tpu.memref_slice %arg5[%mul3A_410, %dma_start3A_414] : memref<10240x128xf32, #tpu.memory_space<vmem_shared>> -> memref<640x128xf32, #tpu.memory_space<vmem_shared>>
      tpu.enqueue_dma source(%dma_start3A_415 : memref<640x128xf32, #tpu.memory_space<vmem_shared>>) target(%dma_start3A_413 : memref<640x128xf32, #tpu.memory_space<hbm>>) target_semaphore(%run_scoped3A : memref<!tpu.dma_semaphore, #tpu.memory_space<semaphore_mem>>)
      %dma_wait3A = arith.constant 0 : i32
      %dma_wait3A_416 = tpu.memref_slice %arg4[%arg0, %mul3A_410, %dma_wait3A] : memref<2x10240x128xf32, #tpu.memory_space<hbm>> -> memref<1x640x128xf32, #tpu.memory_space<hbm>>
      %dma_wait3A_417 = tpu.memref_squeeze %dma_wait3A_416 : memref<1x640x128xf32, #tpu.memory_space<hbm>> -> memref<640x128xf32, #tpu.memory_space<hbm>>
      %dma_wait3A_418 = arith.constant 0 : i32
      %dma_wait3A_419 = tpu.memref_slice %arg5[%mul3A_410, %dma_wait3A_418] : memref<10240x128xf32, #tpu.memory_space<vmem_shared>> -> memref<640x128xf32, #tpu.memory_space<vmem_shared>>
      tpu.wait_dma2 semaphore(%run_scoped3A : memref<!tpu.dma_semaphore, #tpu.memory_space<semaphore_mem>>) src(%dma_wait3A_419 : memref<640x128xf32, #tpu.memory_space<vmem_shared>>) dst(%dma_wait3A_417 : memref<640x128xf32, #tpu.memory_space<hbm>>)
      tpu.yield
    }) : () -> ()
    return
  }
}

#map = affine_map<(d0, d1) -> (0, 0)>
#map1 = affine_map<(d0, d1) -> (0, 0, 0, 0)>
#map2 = affine_map<(d0, d1) -> (0, 0, 0)>
module attributes {stable_mosaic.version = 14 : i64} {
  func.func @_sc_segsum_body(%arg0: i32, %arg1: i32, %arg2: memref<20000x128xf32, #tpu.memory_space<hbm>>, %arg3: memref<2x16x80x128xi32, #tpu.memory_space<hbm>>, %arg4: memref<2x10240x128xf32, #tpu.memory_space<hbm>>, %arg5: memref<10240x128xf32, #tpu.memory_space<vmem_shared>>, %arg6: memref<80x128xi32, #tpu.memory_space<vmem>>, %arg7: memref<2x128xi32, #tpu.memory_space<vmem>>, %arg8: memref<2x128xi32, #tpu.memory_space<vmem>>, %arg9: memref<128x128xf32, #tpu.memory_space<vmem>>, %arg10: memref<128x128xf32, #tpu.memory_space<vmem>>, %arg11: memref<!tpu.dma_semaphore, #tpu.memory_space<semaphore_mem>>, %arg12: memref<!tpu.dma_semaphore, #tpu.memory_space<semaphore_mem>>) attributes {dimension_semantics = [#tpu.dimension_semantics<core_parallel>, #tpu.dimension_semantics<subcore_parallel>], iteration_bounds = array<i64: 2, 16>, scalar_prefetch = 0 : i64, scratch_operands = 8 : i64, tpu.core_type = #tpu.core_type<sc_vector_subcore>, window_params = [{transform_indices = #map}, {transform_indices = #map1}, {transform_indices = #map2}]} {
    %scan3A = arith.constant 0 : i32
    %scan3A_0 = arith.constant 0 : i32
    %scan3A_1 = arith.constant 128 : i32
    %scan3A_2 = arith.addi %scan3A_0, %scan3A_1 : i32
    %scan3A_3 = arith.constant 1 : i32
    %scan3A_4 = scf.for %scan3A_411 = %scan3A_0 to %scan3A_2 step %scan3A_3 iter_args(%scan3A_412 = %scan3A) -> (i32)  : i32 {
      %broadcast_in_dim3A = arith.constant 0.000000e+00 : f32
      %broadcast_in_dim3A_413 = vector.broadcast %broadcast_in_dim3A : f32 to vector<16xf32>
      %swap3A_414 = arith.index_cast %scan3A_411 : i32 to index
      %swap3A_415 = arith.constant 0 : index
      %swap3A_416 = tpu.vector_load %arg9[%swap3A_414, %swap3A_415] {strides = array<i32>} : memref<128x128xf32, #tpu.memory_space<vmem>>, vector<1x16xf32>,
      %swap3A_417 = vector.shape_cast %swap3A_416 : vector<1x16xf32> to vector<16xf32>
      %swap3A_418 = vector.shape_cast %broadcast_in_dim3A_413 : vector<16xf32> to vector<1x16xf32>
      tpu.vector_store %arg9[%swap3A_414, %swap3A_415], %swap3A_418 {strides = array<i32>} : memref<128x128xf32, #tpu.memory_space<vmem>>, vector<1x16xf32>,
      %broadcast_in_dim3A_419 = arith.constant 0.000000e+00 : f32
      %broadcast_in_dim3A_420 = vector.broadcast %broadcast_in_dim3A_419 : f32 to vector<16xf32>
      %swap3A_421 = arith.index_cast %scan3A_411 : i32 to index
      %swap3A_422 = arith.constant 16 : index
      %swap3A_423 = tpu.vector_load %arg9[%swap3A_421, %swap3A_422] {strides = array<i32>} : memref<128x128xf32, #tpu.memory_space<vmem>>, vector<1x16xf32>,
      %swap3A_424 = vector.shape_cast %swap3A_423 : vector<1x16xf32> to vector<16xf32>
      %swap3A_425 = vector.shape_cast %broadcast_in_dim3A_420 : vector<16xf32> to vector<1x16xf32>
      tpu.vector_store %arg9[%swap3A_421, %swap3A_422], %swap3A_425 {strides = array<i32>} : memref<128x128xf32, #tpu.memory_space<vmem>>, vector<1x16xf32>,
      %broadcast_in_dim3A_426 = arith.constant 0.000000e+00 : f32
      %broadcast_in_dim3A_427 = vector.broadcast %broadcast_in_dim3A_426 : f32 to vector<16xf32>
      %swap3A_428 = arith.index_cast %scan3A_411 : i32 to index
      %swap3A_429 = arith.constant 32 : index
      %swap3A_430 = tpu.vector_load %arg9[%swap3A_428, %swap3A_429] {strides = array<i32>} : memref<128x128xf32, #tpu.memory_space<vmem>>, vector<1x16xf32>,
      %swap3A_431 = vector.shape_cast %swap3A_430 : vector<1x16xf32> to vector<16xf32>
      %swap3A_432 = vector.shape_cast %broadcast_in_dim3A_427 : vector<16xf32> to vector<1x16xf32>
      tpu.vector_store %arg9[%swap3A_428, %swap3A_429], %swap3A_432 {strides = array<i32>} : memref<128x128xf32, #tpu.memory_space<vmem>>, vector<1x16xf32>,
      %broadcast_in_dim3A_433 = arith.constant 0.000000e+00 : f32
      %broadcast_in_dim3A_434 = vector.broadcast %broadcast_in_dim3A_433 : f32 to vector<16xf32>
      %swap3A_435 = arith.index_cast %scan3A_411 : i32 to index
      %swap3A_436 = arith.constant 48 : index
      %swap3A_437 = tpu.vector_load %arg9[%swap3A_435, %swap3A_436] {strides = array<i32>} : memref<128x128xf32, #tpu.memory_space<vmem>>, vector<1x16xf32>,
      %swap3A_438 = vector.shape_cast %swap3A_437 : vector<1x16xf32> to vector<16xf32>
      %swap3A_439 = vector.shape_cast %broadcast_in_dim3A_434 : vector<16xf32> to vector<1x16xf32>
      tpu.vector_store %arg9[%swap3A_435, %swap3A_436], %swap3A_439 {strides = array<i32>} : memref<128x128xf32, #tpu.memory_space<vmem>>, vector<1x16xf32>,
      %broadcast_in_dim3A_440 = arith.constant 0.000000e+00 : f32
      %broadcast_in_dim3A_441 = vector.broadcast %broadcast_in_dim3A_440 : f32 to vector<16xf32>
      %swap3A_442 = arith.index_cast %scan3A_411 : i32 to index
      %swap3A_443 = arith.constant 64 : index
      %swap3A_444 = tpu.vector_load %arg9[%swap3A_442, %swap3A_443] {strides = array<i32>} : memref<128x128xf32, #tpu.memory_space<vmem>>, vector<1x16xf32>,
      %swap3A_445 = vector.shape_cast %swap3A_444 : vector<1x16xf32> to vector<16xf32>
      %swap3A_446 = vector.shape_cast %broadcast_in_dim3A_441 : vector<16xf32> to vector<1x16xf32>
      tpu.vector_store %arg9[%swap3A_442, %swap3A_443], %swap3A_446 {strides = array<i32>} : memref<128x128xf32, #tpu.memory_space<vmem>>, vector<1x16xf32>,
      %broadcast_in_dim3A_447 = arith.constant 0.000000e+00 : f32
      %broadcast_in_dim3A_448 = vector.broadcast %broadcast_in_dim3A_447 : f32 to vector<16xf32>
      %swap3A_449 = arith.index_cast %scan3A_411 : i32 to index
      %swap3A_450 = arith.constant 80 : index
      %swap3A_451 = tpu.vector_load %arg9[%swap3A_449, %swap3A_450] {strides = array<i32>} : memref<128x128xf32, #tpu.memory_space<vmem>>, vector<1x16xf32>,
      %swap3A_452 = vector.shape_cast %swap3A_451 : vector<1x16xf32> to vector<16xf32>
      %swap3A_453 = vector.shape_cast %broadcast_in_dim3A_448 : vector<16xf32> to vector<1x16xf32>
      tpu.vector_store %arg9[%swap3A_449, %swap3A_450], %swap3A_453 {strides = array<i32>} : memref<128x128xf32, #tpu.memory_space<vmem>>, vector<1x16xf32>,
      %broadcast_in_dim3A_454 = arith.constant 0.000000e+00 : f32
      %broadcast_in_dim3A_455 = vector.broadcast %broadcast_in_dim3A_454 : f32 to vector<16xf32>
      %swap3A_456 = arith.index_cast %scan3A_411 : i32 to index
      %swap3A_457 = arith.constant 96 : index
      %swap3A_458 = tpu.vector_load %arg9[%swap3A_456, %swap3A_457] {strides = array<i32>} : memref<128x128xf32, #tpu.memory_space<vmem>>, vector<1x16xf32>,
      %swap3A_459 = vector.shape_cast %swap3A_458 : vector<1x16xf32> to vector<16xf32>
      %swap3A_460 = vector.shape_cast %broadcast_in_dim3A_455 : vector<16xf32> to vector<1x16xf32>
      tpu.vector_store %arg9[%swap3A_456, %swap3A_457], %swap3A_460 {strides = array<i32>} : memref<128x128xf32, #tpu.memory_space<vmem>>, vector<1x16xf32>,
      %broadcast_in_dim3A_461 = arith.constant 0.000000e+00 : f32
      %broadcast_in_dim3A_462 = vector.broadcast %broadcast_in_dim3A_461 : f32 to vector<16xf32>
      %swap3A_463 = arith.index_cast %scan3A_411 : i32 to index
      %swap3A_464 = arith.constant 112 : index
      %swap3A_465 = tpu.vector_load %arg9[%swap3A_463, %swap3A_464] {strides = array<i32>} : memref<128x128xf32, #tpu.memory_space<vmem>>, vector<1x16xf32>,
      %swap3A_466 = vector.shape_cast %swap3A_465 : vector<1x16xf32> to vector<16xf32>
      %swap3A_467 = vector.shape_cast %broadcast_in_dim3A_462 : vector<16xf32> to vector<1x16xf32>
      tpu.vector_store %arg9[%swap3A_463, %swap3A_464], %swap3A_467 {strides = array<i32>} : memref<128x128xf32, #tpu.memory_space<vmem>>, vector<1x16xf32>,
      %scan3A_468 = arith.constant 0 : i32
      scf.yield %scan3A_468 : i32
    }
    %scan3A_5 = arith.constant 128 : i32
    %mul3A = arith.constant 640 : i32
    %mul3A_6 = arith.muli %arg1, %mul3A : i32
    %add3A = arith.constant 0 : i32
    %add3A_7 = arith.addi %mul3A_6, %add3A : i32
    "tpu.region"() ({
      %run_scoped3A = tpu.sem_alloc : memref<!tpu.dma_semaphore, #tpu.memory_space<semaphore_mem>>
      %dma_start3A_411 = arith.constant 0 : i32
      %dma_start3A_412 = tpu.memref_slice %arg5[%add3A_7, %dma_start3A_411] : memref<10240x128xf32, #tpu.memory_space<vmem_shared>> -> memref<128x128xf32, #tpu.memory_space<vmem_shared>>
      %dma_start3A_413 = arith.constant 0 : i32
      %dma_start3A_414 = tpu.memref_slice %arg5[%add3A_7, %dma_start3A_413] : memref<10240x128xf32, #tpu.memory_space<vmem_shared>> -> memref<128x128xf32, #tpu.memory_space<vmem_shared>>
      tpu.enqueue_dma source(%arg9 : memref<128x128xf32, #tpu.memory_space<vmem>>) target(%dma_start3A_414 : memref<128x128xf32, #tpu.memory_space<vmem_shared>>) target_semaphore(%run_scoped3A : memref<!tpu.dma_semaphore, #tpu.memory_space<semaphore_mem>>)
      %dma_wait3A = arith.constant 0 : i32
      %dma_wait3A_415 = tpu.memref_slice %arg5[%add3A_7, %dma_wait3A] : memref<10240x128xf32, #tpu.memory_space<vmem_shared>> -> memref<128x128xf32, #tpu.memory_space<vmem_shared>>
      %dma_wait3A_416 = arith.constant 0 : i32
      %dma_wait3A_417 = tpu.memref_slice %arg5[%add3A_7, %dma_wait3A_416] : memref<10240x128xf32, #tpu.memory_space<vmem_shared>> -> memref<128x128xf32, #tpu.memory_space<vmem_shared>>
      tpu.wait_dma2 semaphore(%run_scoped3A : memref<!tpu.dma_semaphore, #tpu.memory_space<semaphore_mem>>) src(%arg9 : memref<128x128xf32, #tpu.memory_space<vmem>>) dst(%dma_wait3A_417 : memref<128x128xf32, #tpu.memory_space<vmem_shared>>)
      tpu.yield
    }) : () -> ()
    %mul3A_8 = arith.constant 640 : i32
    %mul3A_9 = arith.muli %arg1, %mul3A_8 : i32
    %add3A_10 = arith.constant 128 : i32
    %add3A_11 = arith.addi %mul3A_9, %add3A_10 : i32
    "tpu.region"() ({
      %run_scoped3A = tpu.sem_alloc : memref<!tpu.dma_semaphore, #tpu.memory_space<semaphore_mem>>
      %dma_start3A_411 = arith.constant 0 : i32
      %dma_start3A_412 = tpu.memref_slice %arg5[%add3A_11, %dma_start3A_411] : memref<10240x128xf32, #tpu.memory_space<vmem_shared>> -> memref<128x128xf32, #tpu.memory_space<vmem_shared>>
      %dma_start3A_413 = arith.constant 0 : i32
      %dma_start3A_414 = tpu.memref_slice %arg5[%add3A_11, %dma_start3A_413] : memref<10240x128xf32, #tpu.memory_space<vmem_shared>> -> memref<128x128xf32, #tpu.memory_space<vmem_shared>>
      tpu.enqueue_dma source(%arg9 : memref<128x128xf32, #tpu.memory_space<vmem>>) target(%dma_start3A_414 : memref<128x128xf32, #tpu.memory_space<vmem_shared>>) target_semaphore(%run_scoped3A : memref<!tpu.dma_semaphore, #tpu.memory_space<semaphore_mem>>)
      %dma_wait3A = arith.constant 0 : i32
      %dma_wait3A_415 = tpu.memref_slice %arg5[%add3A_11, %dma_wait3A] : memref<10240x128xf32, #tpu.memory_space<vmem_shared>> -> memref<128x128xf32, #tpu.memory_space<vmem_shared>>
      %dma_wait3A_416 = arith.constant 0 : i32
      %dma_wait3A_417 = tpu.memref_slice %arg5[%add3A_11, %dma_wait3A_416] : memref<10240x128xf32, #tpu.memory_space<vmem_shared>> -> memref<128x128xf32, #tpu.memory_space<vmem_shared>>
      tpu.wait_dma2 semaphore(%run_scoped3A : memref<!tpu.dma_semaphore, #tpu.memory_space<semaphore_mem>>) src(%arg9 : memref<128x128xf32, #tpu.memory_space<vmem>>) dst(%dma_wait3A_417 : memref<128x128xf32, #tpu.memory_space<vmem_shared>>)
      tpu.yield
    }) : () -> ()
    %mul3A_12 = arith.constant 640 : i32
    %mul3A_13 = arith.muli %arg1, %mul3A_12 : i32
    %add3A_14 = arith.constant 256 : i32
    %add3A_15 = arith.addi %mul3A_13, %add3A_14 : i32
    "tpu.region"() ({
      %run_scoped3A = tpu.sem_alloc : memref<!tpu.dma_semaphore, #tpu.memory_space<semaphore_mem>>
      %dma_start3A_411 = arith.constant 0 : i32
      %dma_start3A_412 = tpu.memref_slice %arg5[%add3A_15, %dma_start3A_411] : memref<10240x128xf32, #tpu.memory_space<vmem_shared>> -> memref<128x128xf32, #tpu.memory_space<vmem_shared>>
      %dma_start3A_413 = arith.constant 0 : i32
      %dma_start3A_414 = tpu.memref_slice %arg5[%add3A_15, %dma_start3A_413] : memref<10240x128xf32, #tpu.memory_space<vmem_shared>> -> memref<128x128xf32, #tpu.memory_space<vmem_shared>>
      tpu.enqueue_dma source(%arg9 : memref<128x128xf32, #tpu.memory_space<vmem>>) target(%dma_start3A_414 : memref<128x128xf32, #tpu.memory_space<vmem_shared>>) target_semaphore(%run_scoped3A : memref<!tpu.dma_semaphore, #tpu.memory_space<semaphore_mem>>)
      %dma_wait3A = arith.constant 0 : i32
      %dma_wait3A_415 = tpu.memref_slice %arg5[%add3A_15, %dma_wait3A] : memref<10240x128xf32, #tpu.memory_space<vmem_shared>> -> memref<128x128xf32, #tpu.memory_space<vmem_shared>>
      %dma_wait3A_416 = arith.constant 0 : i32
      %dma_wait3A_417 = tpu.memref_slice %arg5[%add3A_15, %dma_wait3A_416] : memref<10240x128xf32, #tpu.memory_space<vmem_shared>> -> memref<128x128xf32, #tpu.memory_space<vmem_shared>>
      tpu.wait_dma2 semaphore(%run_scoped3A : memref<!tpu.dma_semaphore, #tpu.memory_space<semaphore_mem>>) src(%arg9 : memref<128x128xf32, #tpu.memory_space<vmem>>) dst(%dma_wait3A_417 : memref<128x128xf32, #tpu.memory_space<vmem_shared>>)
      tpu.yield
    }) : () -> ()
    %mul3A_16 = arith.constant 640 : i32
    %mul3A_17 = arith.muli %arg1, %mul3A_16 : i32
    %add3A_18 = arith.constant 384 : i32
    %add3A_19 = arith.addi %mul3A_17, %add3A_18 : i32
    "tpu.region"() ({
      %run_scoped3A = tpu.sem_alloc : memref<!tpu.dma_semaphore, #tpu.memory_space<semaphore_mem>>
      %dma_start3A_411 = arith.constant 0 : i32
      %dma_start3A_412 = tpu.memref_slice %arg5[%add3A_19, %dma_start3A_411] : memref<10240x128xf32, #tpu.memory_space<vmem_shared>> -> memref<128x128xf32, #tpu.memory_space<vmem_shared>>
      %dma_start3A_413 = arith.constant 0 : i32
      %dma_start3A_414 = tpu.memref_slice %arg5[%add3A_19, %dma_start3A_413] : memref<10240x128xf32, #tpu.memory_space<vmem_shared>> -> memref<128x128xf32, #tpu.memory_space<vmem_shared>>
      tpu.enqueue_dma source(%arg9 : memref<128x128xf32, #tpu.memory_space<vmem>>) target(%dma_start3A_414 : memref<128x128xf32, #tpu.memory_space<vmem_shared>>) target_semaphore(%run_scoped3A : memref<!tpu.dma_semaphore, #tpu.memory_space<semaphore_mem>>)
      %dma_wait3A = arith.constant 0 : i32
      %dma_wait3A_415 = tpu.memref_slice %arg5[%add3A_19, %dma_wait3A] : memref<10240x128xf32, #tpu.memory_space<vmem_shared>> -> memref<128x128xf32, #tpu.memory_space<vmem_shared>>
      %dma_wait3A_416 = arith.constant 0 : i32
      %dma_wait3A_417 = tpu.memref_slice %arg5[%add3A_19, %dma_wait3A_416] : memref<10240x128xf32, #tpu.memory_space<vmem_shared>> -> memref<128x128xf32, #tpu.memory_space<vmem_shared>>
      tpu.wait_dma2 semaphore(%run_scoped3A : memref<!tpu.dma_semaphore, #tpu.memory_space<semaphore_mem>>) src(%arg9 : memref<128x128xf32, #tpu.memory_space<vmem>>) dst(%dma_wait3A_417 : memref<128x128xf32, #tpu.memory_space<vmem_shared>>)
      tpu.yield
    }) : () -> ()
    %mul3A_20 = arith.constant 640 : i32
    %mul3A_21 = arith.muli %arg1, %mul3A_20 : i32
    %add3A_22 = arith.constant 512 : i32
    %add3A_23 = arith.addi %mul3A_21, %add3A_22 : i32
    "tpu.region"() ({
      %run_scoped3A = tpu.sem_alloc : memref<!tpu.dma_semaphore, #tpu.memory_space<semaphore_mem>>
      %dma_start3A_411 = arith.constant 0 : i32
      %dma_start3A_412 = tpu.memref_slice %arg5[%add3A_23, %dma_start3A_411] : memref<10240x128xf32, #tpu.memory_space<vmem_shared>> -> memref<128x128xf32, #tpu.memory_space<vmem_shared>>
      %dma_start3A_413 = arith.constant 0 : i32
      %dma_start3A_414 = tpu.memref_slice %arg5[%add3A_23, %dma_start3A_413] : memref<10240x128xf32, #tpu.memory_space<vmem_shared>> -> memref<128x128xf32, #tpu.memory_space<vmem_shared>>
      tpu.enqueue_dma source(%arg9 : memref<128x128xf32, #tpu.memory_space<vmem>>) target(%dma_start3A_414 : memref<128x128xf32, #tpu.memory_space<vmem_shared>>) target_semaphore(%run_scoped3A : memref<!tpu.dma_semaphore, #tpu.memory_space<semaphore_mem>>)
      %dma_wait3A = arith.constant 0 : i32
      %dma_wait3A_415 = tpu.memref_slice %arg5[%add3A_23, %dma_wait3A] : memref<10240x128xf32, #tpu.memory_space<vmem_shared>> -> memref<128x128xf32, #tpu.memory_space<vmem_shared>>
      %dma_wait3A_416 = arith.constant 0 : i32
      %dma_wait3A_417 = tpu.memref_slice %arg5[%add3A_23, %dma_wait3A_416] : memref<10240x128xf32, #tpu.memory_space<vmem_shared>> -> memref<128x128xf32, #tpu.memory_space<vmem_shared>>
      tpu.wait_dma2 semaphore(%run_scoped3A : memref<!tpu.dma_semaphore, #tpu.memory_space<semaphore_mem>>) src(%arg9 : memref<128x128xf32, #tpu.memory_space<vmem>>) dst(%dma_wait3A_417 : memref<128x128xf32, #tpu.memory_space<vmem_shared>>)
      tpu.yield
    }) : () -> ()
    %barrier3A = arith.constant 0 : index
    tpu.barrier barrier_id(%barrier3A)
    "tpu.region"() ({
      %run_scoped3A = tpu.sem_alloc : memref<!tpu.dma_semaphore, #tpu.memory_space<semaphore_mem>>
      %dma_start3A_411 = arith.constant 0 : i32
      %dma_start3A_412 = arith.constant 0 : i32
      %dma_start3A_413 = tpu.memref_slice %arg3[%arg0, %arg1, %dma_start3A_411, %dma_start3A_412] : memref<2x16x80x128xi32, #tpu.memory_space<hbm>> -> memref<1x1x80x128xi32, #tpu.memory_space<hbm>>
      %dma_start3A_414 = tpu.memref_squeeze %dma_start3A_413 : memref<1x1x80x128xi32, #tpu.memory_space<hbm>> -> memref<80x128xi32, #tpu.memory_space<hbm>>
      %dma_start3A_415 = arith.constant 0 : i32
      %dma_start3A_416 = arith.constant 0 : i32
      %dma_start3A_417 = tpu.memref_slice %arg3[%arg0, %arg1, %dma_start3A_415, %dma_start3A_416] : memref<2x16x80x128xi32, #tpu.memory_space<hbm>> -> memref<1x1x80x128xi32, #tpu.memory_space<hbm>>
      %dma_start3A_418 = tpu.memref_squeeze %dma_start3A_417 : memref<1x1x80x128xi32, #tpu.memory_space<hbm>> -> memref<80x128xi32, #tpu.memory_space<hbm>>
      tpu.enqueue_dma source(%dma_start3A_418 : memref<80x128xi32, #tpu.memory_space<hbm>>) target(%arg6 : memref<80x128xi32, #tpu.memory_space<vmem>>) target_semaphore(%run_scoped3A : memref<!tpu.dma_semaphore, #tpu.memory_space<semaphore_mem>>)
      %dma_wait3A = arith.constant 0 : i32
      %dma_wait3A_419 = arith.constant 0 : i32
      %dma_wait3A_420 = tpu.memref_slice %arg3[%arg0, %arg1, %dma_wait3A, %dma_wait3A_419] : memref<2x16x80x128xi32, #tpu.memory_space<hbm>> -> memref<1x1x80x128xi32, #tpu.memory_space<hbm>>
      %dma_wait3A_421 = tpu.memref_squeeze %dma_wait3A_420 : memref<1x1x80x128xi32, #tpu.memory_space<hbm>> -> memref<80x128xi32, #tpu.memory_space<hbm>>
      %dma_wait3A_422 = arith.constant 0 : i32
      %dma_wait3A_423 = arith.constant 0 : i32
      %dma_wait3A_424 = tpu.memref_slice %arg3[%arg0, %arg1, %dma_wait3A_422, %dma_wait3A_423] : memref<2x16x80x128xi32, #tpu.memory_space<hbm>> -> memref<1x1x80x128xi32, #tpu.memory_space<hbm>>
      %dma_wait3A_425 = tpu.memref_squeeze %dma_wait3A_424 : memref<1x1x80x128xi32, #tpu.memory_space<hbm>> -> memref<80x128xi32, #tpu.memory_space<hbm>>
      tpu.wait_dma2 semaphore(%run_scoped3A : memref<!tpu.dma_semaphore, #tpu.memory_space<semaphore_mem>>) src(%dma_wait3A_425 : memref<80x128xi32, #tpu.memory_space<hbm>>) dst(%arg6 : memref<80x128xi32, #tpu.memory_space<vmem>>)
      tpu.yield
    }) : () -> ()
    %get3A = arith.constant 0 : i32
    %get3A_24 = arith.index_cast %get3A : i32 to index
    %get3A_25 = arith.constant 0 : index
    %get3A_26 = tpu.vector_load %arg6[%get3A_24, %get3A_25] {strides = array<i32>} : memref<80x128xi32, #tpu.memory_space<vmem>>, vector<1x16xi32>,
    %get3A_27 = vector.shape_cast %get3A_26 : vector<1x16xi32> to vector<16xi32>
    %shift_right_logical3A = arith.constant 14 : i32
    %shift_right_logical3A_28 = vector.broadcast %shift_right_logical3A : i32 to vector<16xi32>
    %shift_right_logical3A_29 = arith.shrui %get3A_27, %shift_right_logical3A_28 : vector<16xi32>
    %swap3A = arith.constant 0 : i32
    %swap3A_30 = arith.index_cast %swap3A : i32 to index
    %swap3A_31 = arith.constant 0 : index
    %swap3A_32 = tpu.vector_load %arg7[%swap3A_30, %swap3A_31] {strides = array<i32>} : memref<2x128xi32, #tpu.memory_space<vmem>>, vector<1x16xi32>,
    %swap3A_33 = vector.shape_cast %swap3A_32 : vector<1x16xi32> to vector<16xi32>
    %swap3A_34 = vector.shape_cast %shift_right_logical3A_29 : vector<16xi32> to vector<1x16xi32>
    tpu.vector_store %arg7[%swap3A_30, %swap3A_31], %swap3A_34 {strides = array<i32>} : memref<2x128xi32, #tpu.memory_space<vmem>>, vector<1x16xi32>,
    %and3A = arith.constant 16383 : i32
    %and3A_35 = vector.broadcast %and3A : i32 to vector<16xi32>
    %and3A_36 = arith.andi %get3A_27, %and3A_35 : vector<16xi32>
    %swap3A_37 = arith.constant 0 : i32
    %swap3A_38 = arith.index_cast %swap3A_37 : i32 to index
    %swap3A_39 = arith.constant 0 : index
    %swap3A_40 = tpu.vector_load %arg8[%swap3A_38, %swap3A_39] {strides = array<i32>} : memref<2x128xi32, #tpu.memory_space<vmem>>, vector<1x16xi32>,
    %swap3A_41 = vector.shape_cast %swap3A_40 : vector<1x16xi32> to vector<16xi32>
    %swap3A_42 = vector.shape_cast %and3A_36 : vector<16xi32> to vector<1x16xi32>
    tpu.vector_store %arg8[%swap3A_38, %swap3A_39], %swap3A_42 {strides = array<i32>} : memref<2x128xi32, #tpu.memory_space<vmem>>, vector<1x16xi32>,
    %get3A_43 = arith.constant 0 : i32
    %get3A_44 = arith.index_cast %get3A_43 : i32 to index
    %get3A_45 = arith.constant 16 : index
    %get3A_46 = tpu.vector_load %arg6[%get3A_44, %get3A_45] {strides = array<i32>} : memref<80x128xi32, #tpu.memory_space<vmem>>, vector<1x16xi32>,
    %get3A_47 = vector.shape_cast %get3A_46 : vector<1x16xi32> to vector<16xi32>
    %shift_right_logical3A_48 = arith.constant 14 : i32
    %shift_right_logical3A_49 = vector.broadcast %shift_right_logical3A_48 : i32 to vector<16xi32>
    %shift_right_logical3A_50 = arith.shrui %get3A_47, %shift_right_logical3A_49 : vector<16xi32>
    %swap3A_51 = arith.constant 0 : i32
    %swap3A_52 = arith.index_cast %swap3A_51 : i32 to index
    %swap3A_53 = arith.constant 16 : index
    %swap3A_54 = tpu.vector_load %arg7[%swap3A_52, %swap3A_53] {strides = array<i32>} : memref<2x128xi32, #tpu.memory_space<vmem>>, vector<1x16xi32>,
    %swap3A_55 = vector.shape_cast %swap3A_54 : vector<1x16xi32> to vector<16xi32>
    %swap3A_56 = vector.shape_cast %shift_right_logical3A_50 : vector<16xi32> to vector<1x16xi32>
    tpu.vector_store %arg7[%swap3A_52, %swap3A_53], %swap3A_56 {strides = array<i32>} : memref<2x128xi32, #tpu.memory_space<vmem>>, vector<1x16xi32>,
    %and3A_57 = arith.constant 16383 : i32
    %and3A_58 = vector.broadcast %and3A_57 : i32 to vector<16xi32>
    %and3A_59 = arith.andi %get3A_47, %and3A_58 : vector<16xi32>
    %swap3A_60 = arith.constant 0 : i32
    %swap3A_61 = arith.index_cast %swap3A_60 : i32 to index
    %swap3A_62 = arith.constant 16 : index
    %swap3A_63 = tpu.vector_load %arg8[%swap3A_61, %swap3A_62] {strides = array<i32>} : memref<2x128xi32, #tpu.memory_space<vmem>>, vector<1x16xi32>,
    %swap3A_64 = vector.shape_cast %swap3A_63 : vector<1x16xi32> to vector<16xi32>
    %swap3A_65 = vector.shape_cast %and3A_59 : vector<16xi32> to vector<1x16xi32>
    tpu.vector_store %arg8[%swap3A_61, %swap3A_62], %swap3A_65 {strides = array<i32>} : memref<2x128xi32, #tpu.memory_space<vmem>>, vector<1x16xi32>,
    %get3A_66 = arith.constant 0 : i32
    %get3A_67 = arith.index_cast %get3A_66 : i32 to index
    %get3A_68 = arith.constant 32 : index
    %get3A_69 = tpu.vector_load %arg6[%get3A_67, %get3A_68] {strides = array<i32>} : memref<80x128xi32, #tpu.memory_space<vmem>>, vector<1x16xi32>,
    %get3A_70 = vector.shape_cast %get3A_69 : vector<1x16xi32> to vector<16xi32>
    %shift_right_logical3A_71 = arith.constant 14 : i32
    %shift_right_logical3A_72 = vector.broadcast %shift_right_logical3A_71 : i32 to vector<16xi32>
    %shift_right_logical3A_73 = arith.shrui %get3A_70, %shift_right_logical3A_72 : vector<16xi32>
    %swap3A_74 = arith.constant 0 : i32
    %swap3A_75 = arith.index_cast %swap3A_74 : i32 to index
    %swap3A_76 = arith.constant 32 : index
    %swap3A_77 = tpu.vector_load %arg7[%swap3A_75, %swap3A_76] {strides = array<i32>} : memref<2x128xi32, #tpu.memory_space<vmem>>, vector<1x16xi32>,
    %swap3A_78 = vector.shape_cast %swap3A_77 : vector<1x16xi32> to vector<16xi32>
    %swap3A_79 = vector.shape_cast %shift_right_logical3A_73 : vector<16xi32> to vector<1x16xi32>
    tpu.vector_store %arg7[%swap3A_75, %swap3A_76], %swap3A_79 {strides = array<i32>} : memref<2x128xi32, #tpu.memory_space<vmem>>, vector<1x16xi32>,
    %and3A_80 = arith.constant 16383 : i32
    %and3A_81 = vector.broadcast %and3A_80 : i32 to vector<16xi32>
    %and3A_82 = arith.andi %get3A_70, %and3A_81 : vector<16xi32>
    %swap3A_83 = arith.constant 0 : i32
    %swap3A_84 = arith.index_cast %swap3A_83 : i32 to index
    %swap3A_85 = arith.constant 32 : index
    %swap3A_86 = tpu.vector_load %arg8[%swap3A_84, %swap3A_85] {strides = array<i32>} : memref<2x128xi32, #tpu.memory_space<vmem>>, vector<1x16xi32>,
    %swap3A_87 = vector.shape_cast %swap3A_86 : vector<1x16xi32> to vector<16xi32>
    %swap3A_88 = vector.shape_cast %and3A_82 : vector<16xi32> to vector<1x16xi32>
    tpu.vector_store %arg8[%swap3A_84, %swap3A_85], %swap3A_88 {strides = array<i32>} : memref<2x128xi32, #tpu.memory_space<vmem>>, vector<1x16xi32>,
    %get3A_89 = arith.constant 0 : i32
    %get3A_90 = arith.index_cast %get3A_89 : i32 to index
    %get3A_91 = arith.constant 48 : index
    %get3A_92 = tpu.vector_load %arg6[%get3A_90, %get3A_91] {strides = array<i32>} : memref<80x128xi32, #tpu.memory_space<vmem>>, vector<1x16xi32>,
    %get3A_93 = vector.shape_cast %get3A_92 : vector<1x16xi32> to vector<16xi32>
    %shift_right_logical3A_94 = arith.constant 14 : i32
    %shift_right_logical3A_95 = vector.broadcast %shift_right_logical3A_94 : i32 to vector<16xi32>
    %shift_right_logical3A_96 = arith.shrui %get3A_93, %shift_right_logical3A_95 : vector<16xi32>
    %swap3A_97 = arith.constant 0 : i32
    %swap3A_98 = arith.index_cast %swap3A_97 : i32 to index
    %swap3A_99 = arith.constant 48 : index
    %swap3A_100 = tpu.vector_load %arg7[%swap3A_98, %swap3A_99] {strides = array<i32>} : memref<2x128xi32, #tpu.memory_space<vmem>>, vector<1x16xi32>,
    %swap3A_101 = vector.shape_cast %swap3A_100 : vector<1x16xi32> to vector<16xi32>
    %swap3A_102 = vector.shape_cast %shift_right_logical3A_96 : vector<16xi32> to vector<1x16xi32>
    tpu.vector_store %arg7[%swap3A_98, %swap3A_99], %swap3A_102 {strides = array<i32>} : memref<2x128xi32, #tpu.memory_space<vmem>>, vector<1x16xi32>,
    %and3A_103 = arith.constant 16383 : i32
    %and3A_104 = vector.broadcast %and3A_103 : i32 to vector<16xi32>
    %and3A_105 = arith.andi %get3A_93, %and3A_104 : vector<16xi32>
    %swap3A_106 = arith.constant 0 : i32
    %swap3A_107 = arith.index_cast %swap3A_106 : i32 to index
    %swap3A_108 = arith.constant 48 : index
    %swap3A_109 = tpu.vector_load %arg8[%swap3A_107, %swap3A_108] {strides = array<i32>} : memref<2x128xi32, #tpu.memory_space<vmem>>, vector<1x16xi32>,
    %swap3A_110 = vector.shape_cast %swap3A_109 : vector<1x16xi32> to vector<16xi32>
    %swap3A_111 = vector.shape_cast %and3A_105 : vector<16xi32> to vector<1x16xi32>
    tpu.vector_store %arg8[%swap3A_107, %swap3A_108], %swap3A_111 {strides = array<i32>} : memref<2x128xi32, #tpu.memory_space<vmem>>, vector<1x16xi32>,
    %get3A_112 = arith.constant 0 : i32
    %get3A_113 = arith.index_cast %get3A_112 : i32 to index
    %get3A_114 = arith.constant 64 : index
    %get3A_115 = tpu.vector_load %arg6[%get3A_113, %get3A_114] {strides = array<i32>} : memref<80x128xi32, #tpu.memory_space<vmem>>, vector<1x16xi32>,
    %get3A_116 = vector.shape_cast %get3A_115 : vector<1x16xi32> to vector<16xi32>
    %shift_right_logical3A_117 = arith.constant 14 : i32
    %shift_right_logical3A_118 = vector.broadcast %shift_right_logical3A_117 : i32 to vector<16xi32>
    %shift_right_logical3A_119 = arith.shrui %get3A_116, %shift_right_logical3A_118 : vector<16xi32>
    %swap3A_120 = arith.constant 0 : i32
    %swap3A_121 = arith.index_cast %swap3A_120 : i32 to index
    %swap3A_122 = arith.constant 64 : index
    %swap3A_123 = tpu.vector_load %arg7[%swap3A_121, %swap3A_122] {strides = array<i32>} : memref<2x128xi32, #tpu.memory_space<vmem>>, vector<1x16xi32>,
    %swap3A_124 = vector.shape_cast %swap3A_123 : vector<1x16xi32> to vector<16xi32>
    %swap3A_125 = vector.shape_cast %shift_right_logical3A_119 : vector<16xi32> to vector<1x16xi32>
    tpu.vector_store %arg7[%swap3A_121, %swap3A_122], %swap3A_125 {strides = array<i32>} : memref<2x128xi32, #tpu.memory_space<vmem>>, vector<1x16xi32>,
    %and3A_126 = arith.constant 16383 : i32
    %and3A_127 = vector.broadcast %and3A_126 : i32 to vector<16xi32>
    %and3A_128 = arith.andi %get3A_116, %and3A_127 : vector<16xi32>
    %swap3A_129 = arith.constant 0 : i32
    %swap3A_130 = arith.index_cast %swap3A_129 : i32 to index
    %swap3A_131 = arith.constant 64 : index
    %swap3A_132 = tpu.vector_load %arg8[%swap3A_130, %swap3A_131] {strides = array<i32>} : memref<2x128xi32, #tpu.memory_space<vmem>>, vector<1x16xi32>,
    %swap3A_133 = vector.shape_cast %swap3A_132 : vector<1x16xi32> to vector<16xi32>
    %swap3A_134 = vector.shape_cast %and3A_128 : vector<16xi32> to vector<1x16xi32>
    tpu.vector_store %arg8[%swap3A_130, %swap3A_131], %swap3A_134 {strides = array<i32>} : memref<2x128xi32, #tpu.memory_space<vmem>>, vector<1x16xi32>,
    %get3A_135 = arith.constant 0 : i32
    %get3A_136 = arith.index_cast %get3A_135 : i32 to index
    %get3A_137 = arith.constant 80 : index
    %get3A_138 = tpu.vector_load %arg6[%get3A_136, %get3A_137] {strides = array<i32>} : memref<80x128xi32, #tpu.memory_space<vmem>>, vector<1x16xi32>,
    %get3A_139 = vector.shape_cast %get3A_138 : vector<1x16xi32> to vector<16xi32>
    %shift_right_logical3A_140 = arith.constant 14 : i32
    %shift_right_logical3A_141 = vector.broadcast %shift_right_logical3A_140 : i32 to vector<16xi32>
    %shift_right_logical3A_142 = arith.shrui %get3A_139, %shift_right_logical3A_141 : vector<16xi32>
    %swap3A_143 = arith.constant 0 : i32
    %swap3A_144 = arith.index_cast %swap3A_143 : i32 to index
    %swap3A_145 = arith.constant 80 : index
    %swap3A_146 = tpu.vector_load %arg7[%swap3A_144, %swap3A_145] {strides = array<i32>} : memref<2x128xi32, #tpu.memory_space<vmem>>, vector<1x16xi32>,
    %swap3A_147 = vector.shape_cast %swap3A_146 : vector<1x16xi32> to vector<16xi32>
    %swap3A_148 = vector.shape_cast %shift_right_logical3A_142 : vector<16xi32> to vector<1x16xi32>
    tpu.vector_store %arg7[%swap3A_144, %swap3A_145], %swap3A_148 {strides = array<i32>} : memref<2x128xi32, #tpu.memory_space<vmem>>, vector<1x16xi32>,
    %and3A_149 = arith.constant 16383 : i32
    %and3A_150 = vector.broadcast %and3A_149 : i32 to vector<16xi32>
    %and3A_151 = arith.andi %get3A_139, %and3A_150 : vector<16xi32>
    %swap3A_152 = arith.constant 0 : i32
    %swap3A_153 = arith.index_cast %swap3A_152 : i32 to index
    %swap3A_154 = arith.constant 80 : index
    %swap3A_155 = tpu.vector_load %arg8[%swap3A_153, %swap3A_154] {strides = array<i32>} : memref<2x128xi32, #tpu.memory_space<vmem>>, vector<1x16xi32>,
    %swap3A_156 = vector.shape_cast %swap3A_155 : vector<1x16xi32> to vector<16xi32>
    %swap3A_157 = vector.shape_cast %and3A_151 : vector<16xi32> to vector<1x16xi32>
    tpu.vector_store %arg8[%swap3A_153, %swap3A_154], %swap3A_157 {strides = array<i32>} : memref<2x128xi32, #tpu.memory_space<vmem>>, vector<1x16xi32>,
    %get3A_158 = arith.constant 0 : i32
    %get3A_159 = arith.index_cast %get3A_158 : i32 to index
    %get3A_160 = arith.constant 96 : index
    %get3A_161 = tpu.vector_load %arg6[%get3A_159, %get3A_160] {strides = array<i32>} : memref<80x128xi32, #tpu.memory_space<vmem>>, vector<1x16xi32>,
    %get3A_162 = vector.shape_cast %get3A_161 : vector<1x16xi32> to vector<16xi32>
    %shift_right_logical3A_163 = arith.constant 14 : i32
    %shift_right_logical3A_164 = vector.broadcast %shift_right_logical3A_163 : i32 to vector<16xi32>
    %shift_right_logical3A_165 = arith.shrui %get3A_162, %shift_right_logical3A_164 : vector<16xi32>
    %swap3A_166 = arith.constant 0 : i32
    %swap3A_167 = arith.index_cast %swap3A_166 : i32 to index
    %swap3A_168 = arith.constant 96 : index
    %swap3A_169 = tpu.vector_load %arg7[%swap3A_167, %swap3A_168] {strides = array<i32>} : memref<2x128xi32, #tpu.memory_space<vmem>>, vector<1x16xi32>,
    %swap3A_170 = vector.shape_cast %swap3A_169 : vector<1x16xi32> to vector<16xi32>
    %swap3A_171 = vector.shape_cast %shift_right_logical3A_165 : vector<16xi32> to vector<1x16xi32>
    tpu.vector_store %arg7[%swap3A_167, %swap3A_168], %swap3A_171 {strides = array<i32>} : memref<2x128xi32, #tpu.memory_space<vmem>>, vector<1x16xi32>,
    %and3A_172 = arith.constant 16383 : i32
    %and3A_173 = vector.broadcast %and3A_172 : i32 to vector<16xi32>
    %and3A_174 = arith.andi %get3A_162, %and3A_173 : vector<16xi32>
    %swap3A_175 = arith.constant 0 : i32
    %swap3A_176 = arith.index_cast %swap3A_175 : i32 to index
    %swap3A_177 = arith.constant 96 : index
    %swap3A_178 = tpu.vector_load %arg8[%swap3A_176, %swap3A_177] {strides = array<i32>} : memref<2x128xi32, #tpu.memory_space<vmem>>, vector<1x16xi32>,
    %swap3A_179 = vector.shape_cast %swap3A_178 : vector<1x16xi32> to vector<16xi32>
    %swap3A_180 = vector.shape_cast %and3A_174 : vector<16xi32> to vector<1x16xi32>
    tpu.vector_store %arg8[%swap3A_176, %swap3A_177], %swap3A_180 {strides = array<i32>} : memref<2x128xi32, #tpu.memory_space<vmem>>, vector<1x16xi32>,
    %get3A_181 = arith.constant 0 : i32
    %get3A_182 = arith.index_cast %get3A_181 : i32 to index
    %get3A_183 = arith.constant 112 : index
    %get3A_184 = tpu.vector_load %arg6[%get3A_182, %get3A_183] {strides = array<i32>} : memref<80x128xi32, #tpu.memory_space<vmem>>, vector<1x16xi32>,
    %get3A_185 = vector.shape_cast %get3A_184 : vector<1x16xi32> to vector<16xi32>
    %shift_right_logical3A_186 = arith.constant 14 : i32
    %shift_right_logical3A_187 = vector.broadcast %shift_right_logical3A_186 : i32 to vector<16xi32>
    %shift_right_logical3A_188 = arith.shrui %get3A_185, %shift_right_logical3A_187 : vector<16xi32>
    %swap3A_189 = arith.constant 0 : i32
    %swap3A_190 = arith.index_cast %swap3A_189 : i32 to index
    %swap3A_191 = arith.constant 112 : index
    %swap3A_192 = tpu.vector_load %arg7[%swap3A_190, %swap3A_191] {strides = array<i32>} : memref<2x128xi32, #tpu.memory_space<vmem>>, vector<1x16xi32>,
    %swap3A_193 = vector.shape_cast %swap3A_192 : vector<1x16xi32> to vector<16xi32>
    %swap3A_194 = vector.shape_cast %shift_right_logical3A_188 : vector<16xi32> to vector<1x16xi32>
    tpu.vector_store %arg7[%swap3A_190, %swap3A_191], %swap3A_194 {strides = array<i32>} : memref<2x128xi32, #tpu.memory_space<vmem>>, vector<1x16xi32>,
    %and3A_195 = arith.constant 16383 : i32
    %and3A_196 = vector.broadcast %and3A_195 : i32 to vector<16xi32>
    %and3A_197 = arith.andi %get3A_185, %and3A_196 : vector<16xi32>
    %swap3A_198 = arith.constant 0 : i32
    %swap3A_199 = arith.index_cast %swap3A_198 : i32 to index
    %swap3A_200 = arith.constant 112 : index
    %swap3A_201 = tpu.vector_load %arg8[%swap3A_199, %swap3A_200] {strides = array<i32>} : memref<2x128xi32, #tpu.memory_space<vmem>>, vector<1x16xi32>,
    %swap3A_202 = vector.shape_cast %swap3A_201 : vector<1x16xi32> to vector<16xi32>
    %swap3A_203 = vector.shape_cast %and3A_197 : vector<16xi32> to vector<1x16xi32>
    tpu.vector_store %arg8[%swap3A_199, %swap3A_200], %swap3A_203 {strides = array<i32>} : memref<2x128xi32, #tpu.memory_space<vmem>>, vector<1x16xi32>,
    %dma_start3A = arith.constant 0 : i32
    %dma_start3A_204 = arith.constant 0 : i32
    %dma_start3A_205 = tpu.memref_slice %arg7[%dma_start3A, %dma_start3A_204] : memref<2x128xi32, #tpu.memory_space<vmem>> -> memref<1x128xi32, #tpu.memory_space<vmem>>
    %dma_start3A_206 = tpu.memref_squeeze %dma_start3A_205 : memref<1x128xi32, #tpu.memory_space<vmem>> -> memref<128xi32, #tpu.memory_space<vmem>>
    %dma_start3A_207 = arith.constant 0 : i32
    %dma_start3A_208 = arith.constant 0 : i32
    %dma_start3A_209 = tpu.memref_slice %arg2[%dma_start3A_207, %dma_start3A_208] : memref<20000x128xf32, #tpu.memory_space<hbm>> -> memref<20000x128xf32, #tpu.memory_space<hbm>>
    tpu.enqueue_indirect_dma source(%dma_start3A_209 : memref<20000x128xf32, #tpu.memory_space<hbm>>) target(%arg9 : memref<128x128xf32, #tpu.memory_space<vmem>>) offsets(%dma_start3A_206 : memref<128xi32, #tpu.memory_space<vmem>>) semaphore(%arg11 : memref<!tpu.dma_semaphore, #tpu.memory_space<semaphore_mem>>)
    %get3A_210 = arith.constant 1 : i32
    %get3A_211 = arith.index_cast %get3A_210 : i32 to index
    %get3A_212 = arith.constant 0 : index
    %get3A_213 = tpu.vector_load %arg6[%get3A_211, %get3A_212] {strides = array<i32>} : memref<80x128xi32, #tpu.memory_space<vmem>>, vector<1x16xi32>,
    %get3A_214 = vector.shape_cast %get3A_213 : vector<1x16xi32> to vector<16xi32>
    %shift_right_logical3A_215 = arith.constant 14 : i32
    %shift_right_logical3A_216 = vector.broadcast %shift_right_logical3A_215 : i32 to vector<16xi32>
    %shift_right_logical3A_217 = arith.shrui %get3A_214, %shift_right_logical3A_216 : vector<16xi32>
    %swap3A_218 = arith.constant 1 : i32
    %swap3A_219 = arith.index_cast %swap3A_218 : i32 to index
    %swap3A_220 = arith.constant 0 : index
    %swap3A_221 = tpu.vector_load %arg7[%swap3A_219, %swap3A_220] {strides = array<i32>} : memref<2x128xi32, #tpu.memory_space<vmem>>, vector<1x16xi32>,
    %swap3A_222 = vector.shape_cast %swap3A_221 : vector<1x16xi32> to vector<16xi32>
    %swap3A_223 = vector.shape_cast %shift_right_logical3A_217 : vector<16xi32> to vector<1x16xi32>
    tpu.vector_store %arg7[%swap3A_219, %swap3A_220], %swap3A_223 {strides = array<i32>} : memref<2x128xi32, #tpu.memory_space<vmem>>, vector<1x16xi32>,
    %and3A_224 = arith.constant 16383 : i32
    %and3A_225 = vector.broadcast %and3A_224 : i32 to vector<16xi32>
    %and3A_226 = arith.andi %get3A_214, %and3A_225 : vector<16xi32>
    %swap3A_227 = arith.constant 1 : i32
    %swap3A_228 = arith.index_cast %swap3A_227 : i32 to index
    %swap3A_229 = arith.constant 0 : index
    %swap3A_230 = tpu.vector_load %arg8[%swap3A_228, %swap3A_229] {strides = array<i32>} : memref<2x128xi32, #tpu.memory_space<vmem>>, vector<1x16xi32>,
    %swap3A_231 = vector.shape_cast %swap3A_230 : vector<1x16xi32> to vector<16xi32>
    %swap3A_232 = vector.shape_cast %and3A_226 : vector<16xi32> to vector<1x16xi32>
    tpu.vector_store %arg8[%swap3A_228, %swap3A_229], %swap3A_232 {strides = array<i32>} : memref<2x128xi32, #tpu.memory_space<vmem>>, vector<1x16xi32>,
    %get3A_233 = arith.constant 1 : i32
    %get3A_234 = arith.index_cast %get3A_233 : i32 to index
    %get3A_235 = arith.constant 16 : index
    %get3A_236 = tpu.vector_load %arg6[%get3A_234, %get3A_235] {strides = array<i32>} : memref<80x128xi32, #tpu.memory_space<vmem>>, vector<1x16xi32>,
    %get3A_237 = vector.shape_cast %get3A_236 : vector<1x16xi32> to vector<16xi32>
    %shift_right_logical3A_238 = arith.constant 14 : i32
    %shift_right_logical3A_239 = vector.broadcast %shift_right_logical3A_238 : i32 to vector<16xi32>
    %shift_right_logical3A_240 = arith.shrui %get3A_237, %shift_right_logical3A_239 : vector<16xi32>
    %swap3A_241 = arith.constant 1 : i32
    %swap3A_242 = arith.index_cast %swap3A_241 : i32 to index
    %swap3A_243 = arith.constant 16 : index
    %swap3A_244 = tpu.vector_load %arg7[%swap3A_242, %swap3A_243] {strides = array<i32>} : memref<2x128xi32, #tpu.memory_space<vmem>>, vector<1x16xi32>,
    %swap3A_245 = vector.shape_cast %swap3A_244 : vector<1x16xi32> to vector<16xi32>
    %swap3A_246 = vector.shape_cast %shift_right_logical3A_240 : vector<16xi32> to vector<1x16xi32>
    tpu.vector_store %arg7[%swap3A_242, %swap3A_243], %swap3A_246 {strides = array<i32>} : memref<2x128xi32, #tpu.memory_space<vmem>>, vector<1x16xi32>,
    %and3A_247 = arith.constant 16383 : i32
    %and3A_248 = vector.broadcast %and3A_247 : i32 to vector<16xi32>
    %and3A_249 = arith.andi %get3A_237, %and3A_248 : vector<16xi32>
    %swap3A_250 = arith.constant 1 : i32
    %swap3A_251 = arith.index_cast %swap3A_250 : i32 to index
    %swap3A_252 = arith.constant 16 : index
    %swap3A_253 = tpu.vector_load %arg8[%swap3A_251, %swap3A_252] {strides = array<i32>} : memref<2x128xi32, #tpu.memory_space<vmem>>, vector<1x16xi32>,
    %swap3A_254 = vector.shape_cast %swap3A_253 : vector<1x16xi32> to vector<16xi32>
    %swap3A_255 = vector.shape_cast %and3A_249 : vector<16xi32> to vector<1x16xi32>
    tpu.vector_store %arg8[%swap3A_251, %swap3A_252], %swap3A_255 {strides = array<i32>} : memref<2x128xi32, #tpu.memory_space<vmem>>, vector<1x16xi32>,
    %get3A_256 = arith.constant 1 : i32
    %get3A_257 = arith.index_cast %get3A_256 : i32 to index
    %get3A_258 = arith.constant 32 : index
    %get3A_259 = tpu.vector_load %arg6[%get3A_257, %get3A_258] {strides = array<i32>} : memref<80x128xi32, #tpu.memory_space<vmem>>, vector<1x16xi32>,
    %get3A_260 = vector.shape_cast %get3A_259 : vector<1x16xi32> to vector<16xi32>
    %shift_right_logical3A_261 = arith.constant 14 : i32
    %shift_right_logical3A_262 = vector.broadcast %shift_right_logical3A_261 : i32 to vector<16xi32>
    %shift_right_logical3A_263 = arith.shrui %get3A_260, %shift_right_logical3A_262 : vector<16xi32>
    %swap3A_264 = arith.constant 1 : i32
    %swap3A_265 = arith.index_cast %swap3A_264 : i32 to index
    %swap3A_266 = arith.constant 32 : index
    %swap3A_267 = tpu.vector_load %arg7[%swap3A_265, %swap3A_266] {strides = array<i32>} : memref<2x128xi32, #tpu.memory_space<vmem>>, vector<1x16xi32>,
    %swap3A_268 = vector.shape_cast %swap3A_267 : vector<1x16xi32> to vector<16xi32>
    %swap3A_269 = vector.shape_cast %shift_right_logical3A_263 : vector<16xi32> to vector<1x16xi32>
    tpu.vector_store %arg7[%swap3A_265, %swap3A_266], %swap3A_269 {strides = array<i32>} : memref<2x128xi32, #tpu.memory_space<vmem>>, vector<1x16xi32>,
    %and3A_270 = arith.constant 16383 : i32
    %and3A_271 = vector.broadcast %and3A_270 : i32 to vector<16xi32>
    %and3A_272 = arith.andi %get3A_260, %and3A_271 : vector<16xi32>
    %swap3A_273 = arith.constant 1 : i32
    %swap3A_274 = arith.index_cast %swap3A_273 : i32 to index
    %swap3A_275 = arith.constant 32 : index
    %swap3A_276 = tpu.vector_load %arg8[%swap3A_274, %swap3A_275] {strides = array<i32>} : memref<2x128xi32, #tpu.memory_space<vmem>>, vector<1x16xi32>,
    %swap3A_277 = vector.shape_cast %swap3A_276 : vector<1x16xi32> to vector<16xi32>
    %swap3A_278 = vector.shape_cast %and3A_272 : vector<16xi32> to vector<1x16xi32>
    tpu.vector_store %arg8[%swap3A_274, %swap3A_275], %swap3A_278 {strides = array<i32>} : memref<2x128xi32, #tpu.memory_space<vmem>>, vector<1x16xi32>,
    %get3A_279 = arith.constant 1 : i32
    %get3A_280 = arith.index_cast %get3A_279 : i32 to index
    %get3A_281 = arith.constant 48 : index
    %get3A_282 = tpu.vector_load %arg6[%get3A_280, %get3A_281] {strides = array<i32>} : memref<80x128xi32, #tpu.memory_space<vmem>>, vector<1x16xi32>,
    %get3A_283 = vector.shape_cast %get3A_282 : vector<1x16xi32> to vector<16xi32>
    %shift_right_logical3A_284 = arith.constant 14 : i32
    %shift_right_logical3A_285 = vector.broadcast %shift_right_logical3A_284 : i32 to vector<16xi32>
    %shift_right_logical3A_286 = arith.shrui %get3A_283, %shift_right_logical3A_285 : vector<16xi32>
    %swap3A_287 = arith.constant 1 : i32
    %swap3A_288 = arith.index_cast %swap3A_287 : i32 to index
    %swap3A_289 = arith.constant 48 : index
    %swap3A_290 = tpu.vector_load %arg7[%swap3A_288, %swap3A_289] {strides = array<i32>} : memref<2x128xi32, #tpu.memory_space<vmem>>, vector<1x16xi32>,
    %swap3A_291 = vector.shape_cast %swap3A_290 : vector<1x16xi32> to vector<16xi32>
    %swap3A_292 = vector.shape_cast %shift_right_logical3A_286 : vector<16xi32> to vector<1x16xi32>
    tpu.vector_store %arg7[%swap3A_288, %swap3A_289], %swap3A_292 {strides = array<i32>} : memref<2x128xi32, #tpu.memory_space<vmem>>, vector<1x16xi32>,
    %and3A_293 = arith.constant 16383 : i32
    %and3A_294 = vector.broadcast %and3A_293 : i32 to vector<16xi32>
    %and3A_295 = arith.andi %get3A_283, %and3A_294 : vector<16xi32>
    %swap3A_296 = arith.constant 1 : i32
    %swap3A_297 = arith.index_cast %swap3A_296 : i32 to index
    %swap3A_298 = arith.constant 48 : index
    %swap3A_299 = tpu.vector_load %arg8[%swap3A_297, %swap3A_298] {strides = array<i32>} : memref<2x128xi32, #tpu.memory_space<vmem>>, vector<1x16xi32>,
    %swap3A_300 = vector.shape_cast %swap3A_299 : vector<1x16xi32> to vector<16xi32>
    %swap3A_301 = vector.shape_cast %and3A_295 : vector<16xi32> to vector<1x16xi32>
    tpu.vector_store %arg8[%swap3A_297, %swap3A_298], %swap3A_301 {strides = array<i32>} : memref<2x128xi32, #tpu.memory_space<vmem>>, vector<1x16xi32>,
    %get3A_302 = arith.constant 1 : i32
    %get3A_303 = arith.index_cast %get3A_302 : i32 to index
    %get3A_304 = arith.constant 64 : index
    %get3A_305 = tpu.vector_load %arg6[%get3A_303, %get3A_304] {strides = array<i32>} : memref<80x128xi32, #tpu.memory_space<vmem>>, vector<1x16xi32>,
    %get3A_306 = vector.shape_cast %get3A_305 : vector<1x16xi32> to vector<16xi32>
    %shift_right_logical3A_307 = arith.constant 14 : i32
    %shift_right_logical3A_308 = vector.broadcast %shift_right_logical3A_307 : i32 to vector<16xi32>
    %shift_right_logical3A_309 = arith.shrui %get3A_306, %shift_right_logical3A_308 : vector<16xi32>
    %swap3A_310 = arith.constant 1 : i32
    %swap3A_311 = arith.index_cast %swap3A_310 : i32 to index
    %swap3A_312 = arith.constant 64 : index
    %swap3A_313 = tpu.vector_load %arg7[%swap3A_311, %swap3A_312] {strides = array<i32>} : memref<2x128xi32, #tpu.memory_space<vmem>>, vector<1x16xi32>,
    %swap3A_314 = vector.shape_cast %swap3A_313 : vector<1x16xi32> to vector<16xi32>
    %swap3A_315 = vector.shape_cast %shift_right_logical3A_309 : vector<16xi32> to vector<1x16xi32>
    tpu.vector_store %arg7[%swap3A_311, %swap3A_312], %swap3A_315 {strides = array<i32>} : memref<2x128xi32, #tpu.memory_space<vmem>>, vector<1x16xi32>,
    %and3A_316 = arith.constant 16383 : i32
    %and3A_317 = vector.broadcast %and3A_316 : i32 to vector<16xi32>
    %and3A_318 = arith.andi %get3A_306, %and3A_317 : vector<16xi32>
    %swap3A_319 = arith.constant 1 : i32
    %swap3A_320 = arith.index_cast %swap3A_319 : i32 to index
    %swap3A_321 = arith.constant 64 : index
    %swap3A_322 = tpu.vector_load %arg8[%swap3A_320, %swap3A_321] {strides = array<i32>} : memref<2x128xi32, #tpu.memory_space<vmem>>, vector<1x16xi32>,
    %swap3A_323 = vector.shape_cast %swap3A_322 : vector<1x16xi32> to vector<16xi32>
    %swap3A_324 = vector.shape_cast %and3A_318 : vector<16xi32> to vector<1x16xi32>
    tpu.vector_store %arg8[%swap3A_320, %swap3A_321], %swap3A_324 {strides = array<i32>} : memref<2x128xi32, #tpu.memory_space<vmem>>, vector<1x16xi32>,
    %get3A_325 = arith.constant 1 : i32
    %get3A_326 = arith.index_cast %get3A_325 : i32 to index
    %get3A_327 = arith.constant 80 : index
    %get3A_328 = tpu.vector_load %arg6[%get3A_326, %get3A_327] {strides = array<i32>} : memref<80x128xi32, #tpu.memory_space<vmem>>, vector<1x16xi32>,
    %get3A_329 = vector.shape_cast %get3A_328 : vector<1x16xi32> to vector<16xi32>
    %shift_right_logical3A_330 = arith.constant 14 : i32
    %shift_right_logical3A_331 = vector.broadcast %shift_right_logical3A_330 : i32 to vector<16xi32>
    %shift_right_logical3A_332 = arith.shrui %get3A_329, %shift_right_logical3A_331 : vector<16xi32>
    %swap3A_333 = arith.constant 1 : i32
    %swap3A_334 = arith.index_cast %swap3A_333 : i32 to index
    %swap3A_335 = arith.constant 80 : index
    %swap3A_336 = tpu.vector_load %arg7[%swap3A_334, %swap3A_335] {strides = array<i32>} : memref<2x128xi32, #tpu.memory_space<vmem>>, vector<1x16xi32>,
    %swap3A_337 = vector.shape_cast %swap3A_336 : vector<1x16xi32> to vector<16xi32>
    %swap3A_338 = vector.shape_cast %shift_right_logical3A_332 : vector<16xi32> to vector<1x16xi32>
    tpu.vector_store %arg7[%swap3A_334, %swap3A_335], %swap3A_338 {strides = array<i32>} : memref<2x128xi32, #tpu.memory_space<vmem>>, vector<1x16xi32>,
    %and3A_339 = arith.constant 16383 : i32
    %and3A_340 = vector.broadcast %and3A_339 : i32 to vector<16xi32>
    %and3A_341 = arith.andi %get3A_329, %and3A_340 : vector<16xi32>
    %swap3A_342 = arith.constant 1 : i32
    %swap3A_343 = arith.index_cast %swap3A_342 : i32 to index
    %swap3A_344 = arith.constant 80 : index
    %swap3A_345 = tpu.vector_load %arg8[%swap3A_343, %swap3A_344] {strides = array<i32>} : memref<2x128xi32, #tpu.memory_space<vmem>>, vector<1x16xi32>,
    %swap3A_346 = vector.shape_cast %swap3A_345 : vector<1x16xi32> to vector<16xi32>
    %swap3A_347 = vector.shape_cast %and3A_341 : vector<16xi32> to vector<1x16xi32>
    tpu.vector_store %arg8[%swap3A_343, %swap3A_344], %swap3A_347 {strides = array<i32>} : memref<2x128xi32, #tpu.memory_space<vmem>>, vector<1x16xi32>,
    %get3A_348 = arith.constant 1 : i32
    %get3A_349 = arith.index_cast %get3A_348 : i32 to index
    %get3A_350 = arith.constant 96 : index
    %get3A_351 = tpu.vector_load %arg6[%get3A_349, %get3A_350] {strides = array<i32>} : memref<80x128xi32, #tpu.memory_space<vmem>>, vector<1x16xi32>,
    %get3A_352 = vector.shape_cast %get3A_351 : vector<1x16xi32> to vector<16xi32>
    %shift_right_logical3A_353 = arith.constant 14 : i32
    %shift_right_logical3A_354 = vector.broadcast %shift_right_logical3A_353 : i32 to vector<16xi32>
    %shift_right_logical3A_355 = arith.shrui %get3A_352, %shift_right_logical3A_354 : vector<16xi32>
    %swap3A_356 = arith.constant 1 : i32
    %swap3A_357 = arith.index_cast %swap3A_356 : i32 to index
    %swap3A_358 = arith.constant 96 : index
    %swap3A_359 = tpu.vector_load %arg7[%swap3A_357, %swap3A_358] {strides = array<i32>} : memref<2x128xi32, #tpu.memory_space<vmem>>, vector<1x16xi32>,
    %swap3A_360 = vector.shape_cast %swap3A_359 : vector<1x16xi32> to vector<16xi32>
    %swap3A_361 = vector.shape_cast %shift_right_logical3A_355 : vector<16xi32> to vector<1x16xi32>
    tpu.vector_store %arg7[%swap3A_357, %swap3A_358], %swap3A_361 {strides = array<i32>} : memref<2x128xi32, #tpu.memory_space<vmem>>, vector<1x16xi32>,
    %and3A_362 = arith.constant 16383 : i32
    %and3A_363 = vector.broadcast %and3A_362 : i32 to vector<16xi32>
    %and3A_364 = arith.andi %get3A_352, %and3A_363 : vector<16xi32>
    %swap3A_365 = arith.constant 1 : i32
    %swap3A_366 = arith.index_cast %swap3A_365 : i32 to index
    %swap3A_367 = arith.constant 96 : index
    %swap3A_368 = tpu.vector_load %arg8[%swap3A_366, %swap3A_367] {strides = array<i32>} : memref<2x128xi32, #tpu.memory_space<vmem>>, vector<1x16xi32>,
    %swap3A_369 = vector.shape_cast %swap3A_368 : vector<1x16xi32> to vector<16xi32>
    %swap3A_370 = vector.shape_cast %and3A_364 : vector<16xi32> to vector<1x16xi32>
    tpu.vector_store %arg8[%swap3A_366, %swap3A_367], %swap3A_370 {strides = array<i32>} : memref<2x128xi32, #tpu.memory_space<vmem>>, vector<1x16xi32>,
    %get3A_371 = arith.constant 1 : i32
    %get3A_372 = arith.index_cast %get3A_371 : i32 to index
    %get3A_373 = arith.constant 112 : index
    %get3A_374 = tpu.vector_load %arg6[%get3A_372, %get3A_373] {strides = array<i32>} : memref<80x128xi32, #tpu.memory_space<vmem>>, vector<1x16xi32>,
    %get3A_375 = vector.shape_cast %get3A_374 : vector<1x16xi32> to vector<16xi32>
    %shift_right_logical3A_376 = arith.constant 14 : i32
    %shift_right_logical3A_377 = vector.broadcast %shift_right_logical3A_376 : i32 to vector<16xi32>
    %shift_right_logical3A_378 = arith.shrui %get3A_375, %shift_right_logical3A_377 : vector<16xi32>
    %swap3A_379 = arith.constant 1 : i32
    %swap3A_380 = arith.index_cast %swap3A_379 : i32 to index
    %swap3A_381 = arith.constant 112 : index
    %swap3A_382 = tpu.vector_load %arg7[%swap3A_380, %swap3A_381] {strides = array<i32>} : memref<2x128xi32, #tpu.memory_space<vmem>>, vector<1x16xi32>,
    %swap3A_383 = vector.shape_cast %swap3A_382 : vector<1x16xi32> to vector<16xi32>
    %swap3A_384 = vector.shape_cast %shift_right_logical3A_378 : vector<16xi32> to vector<1x16xi32>
    tpu.vector_store %arg7[%swap3A_380, %swap3A_381], %swap3A_384 {strides = array<i32>} : memref<2x128xi32, #tpu.memory_space<vmem>>, vector<1x16xi32>,
    %and3A_385 = arith.constant 16383 : i32
    %and3A_386 = vector.broadcast %and3A_385 : i32 to vector<16xi32>
    %and3A_387 = arith.andi %get3A_375, %and3A_386 : vector<16xi32>
    %swap3A_388 = arith.constant 1 : i32
    %swap3A_389 = arith.index_cast %swap3A_388 : i32 to index
    %swap3A_390 = arith.constant 112 : index
    %swap3A_391 = tpu.vector_load %arg8[%swap3A_389, %swap3A_390] {strides = array<i32>} : memref<2x128xi32, #tpu.memory_space<vmem>>, vector<1x16xi32>,
    %swap3A_392 = vector.shape_cast %swap3A_391 : vector<1x16xi32> to vector<16xi32>
    %swap3A_393 = vector.shape_cast %and3A_387 : vector<16xi32> to vector<1x16xi32>
    tpu.vector_store %arg8[%swap3A_389, %swap3A_390], %swap3A_393 {strides = array<i32>} : memref<2x128xi32, #tpu.memory_space<vmem>>, vector<1x16xi32>,
    %dma_start3A_394 = arith.constant 1 : i32
    %dma_start3A_395 = arith.constant 0 : i32
    %dma_start3A_396 = tpu.memref_slice %arg7[%dma_start3A_394, %dma_start3A_395] : memref<2x128xi32, #tpu.memory_space<vmem>> -> memref<1x128xi32, #tpu.memory_space<vmem>>
    %dma_start3A_397 = tpu.memref_squeeze %dma_start3A_396 : memref<1x128xi32, #tpu.memory_space<vmem>> -> memref<128xi32, #tpu.memory_space<vmem>>
    %dma_start3A_398 = arith.constant 0 : i32
    %dma_start3A_399 = arith.constant 0 : i32
    %dma_start3A_400 = tpu.memref_slice %arg2[%dma_start3A_398, %dma_start3A_399] : memref<20000x128xf32, #tpu.memory_space<hbm>> -> memref<20000x128xf32, #tpu.memory_space<hbm>>
    tpu.enqueue_indirect_dma source(%dma_start3A_400 : memref<20000x128xf32, #tpu.memory_space<hbm>>) target(%arg10 : memref<128x128xf32, #tpu.memory_space<vmem>>) offsets(%dma_start3A_397 : memref<128xi32, #tpu.memory_space<vmem>>) semaphore(%arg12 : memref<!tpu.dma_semaphore, #tpu.memory_space<semaphore_mem>>)
    %scan3A_401 = arith.constant 0 : i32
    %scan3A_402 = arith.constant 0 : i32
    %scan3A_403 = arith.constant 40 : i32
    %scan3A_404 = arith.addi %scan3A_402, %scan3A_403 : i32
    %scan3A_405 = arith.constant 1 : i32
    %scan3A_406 = scf.for %scan3A_411 = %scan3A_402 to %scan3A_404 step %scan3A_405 iter_args(%scan3A_412 = %scan3A_401) -> (i32)  : i32 {
      %mul3A_413 = arith.constant 2 : i32
      %mul3A_414 = arith.muli %scan3A_411, %mul3A_413 : i32
      %add3A_415 = arith.constant 0 : i32
      %add3A_416 = arith.addi %mul3A_414, %add3A_415 : i32
      %dma_wait3A = arith.constant 0 : i32
      %dma_wait3A_417 = arith.constant 0 : i32
      %dma_wait3A_418 = tpu.memref_slice %arg7[%dma_wait3A, %dma_wait3A_417] : memref<2x128xi32, #tpu.memory_space<vmem>> -> memref<1x128xi32, #tpu.memory_space<vmem>>
      %dma_wait3A_419 = tpu.memref_squeeze %dma_wait3A_418 : memref<1x128xi32, #tpu.memory_space<vmem>> -> memref<128xi32, #tpu.memory_space<vmem>>
      %dma_wait3A_420 = arith.constant 0 : i32
      %dma_wait3A_421 = arith.constant 0 : i32
      %dma_wait3A_422 = tpu.memref_slice %arg2[%dma_wait3A_420, %dma_wait3A_421] : memref<20000x128xf32, #tpu.memory_space<hbm>> -> memref<20000x128xf32, #tpu.memory_space<hbm>>
      tpu.wait_indirect_dma semaphore(%arg11 : memref<!tpu.dma_semaphore, #tpu.memory_space<semaphore_mem>>) src(%dma_wait3A_422 : memref<20000x128xf32, #tpu.memory_space<hbm>>) dst(%arg9 : memref<128x128xf32, #tpu.memory_space<vmem>>)
      %run_scoped3A = arith.constant 0 : i32
      "tpu.region"() ({
        %run_scoped3A_443 = tpu.sem_alloc : memref<!tpu.dma_semaphore, #tpu.memory_space<semaphore_mem>>
        %dma_start3A_444 = arith.constant 0 : i32
        %dma_start3A_445 = tpu.memref_slice %arg8[%run_scoped3A, %dma_start3A_444] : memref<2x128xi32, #tpu.memory_space<vmem>> -> memref<1x128xi32, #tpu.memory_space<vmem>>
        %dma_start3A_446 = tpu.memref_squeeze %dma_start3A_445 : memref<1x128xi32, #tpu.memory_space<vmem>> -> memref<128xi32, #tpu.memory_space<vmem>>
        %dma_start3A_447 = arith.constant 0 : i32
        %dma_start3A_448 = arith.constant 0 : i32
        %dma_start3A_449 = tpu.memref_slice %arg5[%dma_start3A_447, %dma_start3A_448] : memref<10240x128xf32, #tpu.memory_space<vmem_shared>> -> memref<10240x128xf32, #tpu.memory_space<vmem_shared>>
        tpu.enqueue_indirect_dma source(%arg9 : memref<128x128xf32, #tpu.memory_space<vmem>>) target(%dma_start3A_449 : memref<10240x128xf32, #tpu.memory_space<vmem_shared>>) offsets(%dma_start3A_446 : memref<128xi32, #tpu.memory_space<vmem>>) semaphore(%run_scoped3A_443 : memref<!tpu.dma_semaphore, #tpu.memory_space<semaphore_mem>>) {add = true}
        %dma_wait3A_450 = arith.constant 0 : i32
        %dma_wait3A_451 = tpu.memref_slice %arg8[%run_scoped3A, %dma_wait3A_450] : memref<2x128xi32, #tpu.memory_space<vmem>> -> memref<1x128xi32, #tpu.memory_space<vmem>>
        %dma_wait3A_452 = tpu.memref_squeeze %dma_wait3A_451 : memref<1x128xi32, #tpu.memory_space<vmem>> -> memref<128xi32, #tpu.memory_space<vmem>>
        %dma_wait3A_453 = arith.constant 0 : i32
        %dma_wait3A_454 = arith.constant 0 : i32
        %dma_wait3A_455 = tpu.memref_slice %arg5[%dma_wait3A_453, %dma_wait3A_454] : memref<10240x128xf32, #tpu.memory_space<vmem_shared>> -> memref<10240x128xf32, #tpu.memory_space<vmem_shared>>
        tpu.wait_indirect_dma semaphore(%run_scoped3A_443 : memref<!tpu.dma_semaphore, #tpu.memory_space<semaphore_mem>>) src(%arg9 : memref<128x128xf32, #tpu.memory_space<vmem>>) dst(%dma_wait3A_455 : memref<10240x128xf32, #tpu.memory_space<vmem_shared>>)
        tpu.yield
      }) : () -> ()
      %lt3A = arith.constant 39 : i32
      %lt3A_423 = arith.cmpi slt, %scan3A_411, %lt3A : i32
      %convert_element_type3A = arith.extui %lt3A_423 : i1 to i32
      %cond3A = arith.constant 0 : i32
      %cond3A_424 = arith.cmpi ne, %convert_element_type3A, %cond3A : i32
      scf.if %cond3A_424 {
        %add3A_443 = arith.constant 2 : i32
        %add3A_444 = arith.addi %add3A_416, %add3A_443 : i32
        %get3A_445 = arith.index_cast %add3A_444 : i32 to index
        %get3A_446 = arith.constant 0 : index
        %get3A_447 = tpu.vector_load %arg6[%get3A_445, %get3A_446] {strides = array<i32>} : memref<80x128xi32, #tpu.memory_space<vmem>>, vector<1x16xi32>,
        %get3A_448 = vector.shape_cast %get3A_447 : vector<1x16xi32> to vector<16xi32>
        %shift_right_logical3A_449 = arith.constant 14 : i32
        %shift_right_logical3A_450 = vector.broadcast %shift_right_logical3A_449 : i32 to vector<16xi32>
        %shift_right_logical3A_451 = arith.shrui %get3A_448, %shift_right_logical3A_450 : vector<16xi32>
        %swap3A_452 = arith.constant 0 : i32
        %swap3A_453 = arith.index_cast %swap3A_452 : i32 to index
        %swap3A_454 = arith.constant 0 : index
        %swap3A_455 = tpu.vector_load %arg7[%swap3A_453, %swap3A_454] {strides = array<i32>} : memref<2x128xi32, #tpu.memory_space<vmem>>, vector<1x16xi32>,
        %swap3A_456 = vector.shape_cast %swap3A_455 : vector<1x16xi32> to vector<16xi32>
        %swap3A_457 = vector.shape_cast %shift_right_logical3A_451 : vector<16xi32> to vector<1x16xi32>
        tpu.vector_store %arg7[%swap3A_453, %swap3A_454], %swap3A_457 {strides = array<i32>} : memref<2x128xi32, #tpu.memory_space<vmem>>, vector<1x16xi32>,
        %and3A_458 = arith.constant 16383 : i32
        %and3A_459 = vector.broadcast %and3A_458 : i32 to vector<16xi32>
        %and3A_460 = arith.andi %get3A_448, %and3A_459 : vector<16xi32>
        %swap3A_461 = arith.constant 0 : i32
        %swap3A_462 = arith.index_cast %swap3A_461 : i32 to index
        %swap3A_463 = arith.constant 0 : index
        %swap3A_464 = tpu.vector_load %arg8[%swap3A_462, %swap3A_463] {strides = array<i32>} : memref<2x128xi32, #tpu.memory_space<vmem>>, vector<1x16xi32>,
        %swap3A_465 = vector.shape_cast %swap3A_464 : vector<1x16xi32> to vector<16xi32>
        %swap3A_466 = vector.shape_cast %and3A_460 : vector<16xi32> to vector<1x16xi32>
        tpu.vector_store %arg8[%swap3A_462, %swap3A_463], %swap3A_466 {strides = array<i32>} : memref<2x128xi32, #tpu.memory_space<vmem>>, vector<1x16xi32>,
        %get3A_467 = arith.index_cast %add3A_444 : i32 to index
        %get3A_468 = arith.constant 16 : index
        %get3A_469 = tpu.vector_load %arg6[%get3A_467, %get3A_468] {strides = array<i32>} : memref<80x128xi32, #tpu.memory_space<vmem>>, vector<1x16xi32>,
        %get3A_470 = vector.shape_cast %get3A_469 : vector<1x16xi32> to vector<16xi32>
        %shift_right_logical3A_471 = arith.constant 14 : i32
        %shift_right_logical3A_472 = vector.broadcast %shift_right_logical3A_471 : i32 to vector<16xi32>
        %shift_right_logical3A_473 = arith.shrui %get3A_470, %shift_right_logical3A_472 : vector<16xi32>
        %swap3A_474 = arith.constant 0 : i32
        %swap3A_475 = arith.index_cast %swap3A_474 : i32 to index
        %swap3A_476 = arith.constant 16 : index
        %swap3A_477 = tpu.vector_load %arg7[%swap3A_475, %swap3A_476] {strides = array<i32>} : memref<2x128xi32, #tpu.memory_space<vmem>>, vector<1x16xi32>,
        %swap3A_478 = vector.shape_cast %swap3A_477 : vector<1x16xi32> to vector<16xi32>
        %swap3A_479 = vector.shape_cast %shift_right_logical3A_473 : vector<16xi32> to vector<1x16xi32>
        tpu.vector_store %arg7[%swap3A_475, %swap3A_476], %swap3A_479 {strides = array<i32>} : memref<2x128xi32, #tpu.memory_space<vmem>>, vector<1x16xi32>,
        %and3A_480 = arith.constant 16383 : i32
        %and3A_481 = vector.broadcast %and3A_480 : i32 to vector<16xi32>
        %and3A_482 = arith.andi %get3A_470, %and3A_481 : vector<16xi32>
        %swap3A_483 = arith.constant 0 : i32
        %swap3A_484 = arith.index_cast %swap3A_483 : i32 to index
        %swap3A_485 = arith.constant 16 : index
        %swap3A_486 = tpu.vector_load %arg8[%swap3A_484, %swap3A_485] {strides = array<i32>} : memref<2x128xi32, #tpu.memory_space<vmem>>, vector<1x16xi32>,
        %swap3A_487 = vector.shape_cast %swap3A_486 : vector<1x16xi32> to vector<16xi32>
        %swap3A_488 = vector.shape_cast %and3A_482 : vector<16xi32> to vector<1x16xi32>
        tpu.vector_store %arg8[%swap3A_484, %swap3A_485], %swap3A_488 {strides = array<i32>} : memref<2x128xi32, #tpu.memory_space<vmem>>, vector<1x16xi32>,
        %get3A_489 = arith.index_cast %add3A_444 : i32 to index
        %get3A_490 = arith.constant 32 : index
        %get3A_491 = tpu.vector_load %arg6[%get3A_489, %get3A_490] {strides = array<i32>} : memref<80x128xi32, #tpu.memory_space<vmem>>, vector<1x16xi32>,
        %get3A_492 = vector.shape_cast %get3A_491 : vector<1x16xi32> to vector<16xi32>
        %shift_right_logical3A_493 = arith.constant 14 : i32
        %shift_right_logical3A_494 = vector.broadcast %shift_right_logical3A_493 : i32 to vector<16xi32>
        %shift_right_logical3A_495 = arith.shrui %get3A_492, %shift_right_logical3A_494 : vector<16xi32>
        %swap3A_496 = arith.constant 0 : i32
        %swap3A_497 = arith.index_cast %swap3A_496 : i32 to index
        %swap3A_498 = arith.constant 32 : index
        %swap3A_499 = tpu.vector_load %arg7[%swap3A_497, %swap3A_498] {strides = array<i32>} : memref<2x128xi32, #tpu.memory_space<vmem>>, vector<1x16xi32>,
        %swap3A_500 = vector.shape_cast %swap3A_499 : vector<1x16xi32> to vector<16xi32>
        %swap3A_501 = vector.shape_cast %shift_right_logical3A_495 : vector<16xi32> to vector<1x16xi32>
        tpu.vector_store %arg7[%swap3A_497, %swap3A_498], %swap3A_501 {strides = array<i32>} : memref<2x128xi32, #tpu.memory_space<vmem>>, vector<1x16xi32>,
        %and3A_502 = arith.constant 16383 : i32
        %and3A_503 = vector.broadcast %and3A_502 : i32 to vector<16xi32>
        %and3A_504 = arith.andi %get3A_492, %and3A_503 : vector<16xi32>
        %swap3A_505 = arith.constant 0 : i32
        %swap3A_506 = arith.index_cast %swap3A_505 : i32 to index
        %swap3A_507 = arith.constant 32 : index
        %swap3A_508 = tpu.vector_load %arg8[%swap3A_506, %swap3A_507] {strides = array<i32>} : memref<2x128xi32, #tpu.memory_space<vmem>>, vector<1x16xi32>,
        %swap3A_509 = vector.shape_cast %swap3A_508 : vector<1x16xi32> to vector<16xi32>
        %swap3A_510 = vector.shape_cast %and3A_504 : vector<16xi32> to vector<1x16xi32>
        tpu.vector_store %arg8[%swap3A_506, %swap3A_507], %swap3A_510 {strides = array<i32>} : memref<2x128xi32, #tpu.memory_space<vmem>>, vector<1x16xi32>,
        %get3A_511 = arith.index_cast %add3A_444 : i32 to index
        %get3A_512 = arith.constant 48 : index
        %get3A_513 = tpu.vector_load %arg6[%get3A_511, %get3A_512] {strides = array<i32>} : memref<80x128xi32, #tpu.memory_space<vmem>>, vector<1x16xi32>,
        %get3A_514 = vector.shape_cast %get3A_513 : vector<1x16xi32> to vector<16xi32>
        %shift_right_logical3A_515 = arith.constant 14 : i32
        %shift_right_logical3A_516 = vector.broadcast %shift_right_logical3A_515 : i32 to vector<16xi32>
        %shift_right_logical3A_517 = arith.shrui %get3A_514, %shift_right_logical3A_516 : vector<16xi32>
        %swap3A_518 = arith.constant 0 : i32
        %swap3A_519 = arith.index_cast %swap3A_518 : i32 to index
        %swap3A_520 = arith.constant 48 : index
        %swap3A_521 = tpu.vector_load %arg7[%swap3A_519, %swap3A_520] {strides = array<i32>} : memref<2x128xi32, #tpu.memory_space<vmem>>, vector<1x16xi32>,
        %swap3A_522 = vector.shape_cast %swap3A_521 : vector<1x16xi32> to vector<16xi32>
        %swap3A_523 = vector.shape_cast %shift_right_logical3A_517 : vector<16xi32> to vector<1x16xi32>
        tpu.vector_store %arg7[%swap3A_519, %swap3A_520], %swap3A_523 {strides = array<i32>} : memref<2x128xi32, #tpu.memory_space<vmem>>, vector<1x16xi32>,
        %and3A_524 = arith.constant 16383 : i32
        %and3A_525 = vector.broadcast %and3A_524 : i32 to vector<16xi32>
        %and3A_526 = arith.andi %get3A_514, %and3A_525 : vector<16xi32>
        %swap3A_527 = arith.constant 0 : i32
        %swap3A_528 = arith.index_cast %swap3A_527 : i32 to index
        %swap3A_529 = arith.constant 48 : index
        %swap3A_530 = tpu.vector_load %arg8[%swap3A_528, %swap3A_529] {strides = array<i32>} : memref<2x128xi32, #tpu.memory_space<vmem>>, vector<1x16xi32>,
        %swap3A_531 = vector.shape_cast %swap3A_530 : vector<1x16xi32> to vector<16xi32>
        %swap3A_532 = vector.shape_cast %and3A_526 : vector<16xi32> to vector<1x16xi32>
        tpu.vector_store %arg8[%swap3A_528, %swap3A_529], %swap3A_532 {strides = array<i32>} : memref<2x128xi32, #tpu.memory_space<vmem>>, vector<1x16xi32>,
        %get3A_533 = arith.index_cast %add3A_444 : i32 to index
        %get3A_534 = arith.constant 64 : index
        %get3A_535 = tpu.vector_load %arg6[%get3A_533, %get3A_534] {strides = array<i32>} : memref<80x128xi32, #tpu.memory_space<vmem>>, vector<1x16xi32>,
        %get3A_536 = vector.shape_cast %get3A_535 : vector<1x16xi32> to vector<16xi32>
        %shift_right_logical3A_537 = arith.constant 14 : i32
        %shift_right_logical3A_538 = vector.broadcast %shift_right_logical3A_537 : i32 to vector<16xi32>
        %shift_right_logical3A_539 = arith.shrui %get3A_536, %shift_right_logical3A_538 : vector<16xi32>
        %swap3A_540 = arith.constant 0 : i32
        %swap3A_541 = arith.index_cast %swap3A_540 : i32 to index
        %swap3A_542 = arith.constant 64 : index
        %swap3A_543 = tpu.vector_load %arg7[%swap3A_541, %swap3A_542] {strides = array<i32>} : memref<2x128xi32, #tpu.memory_space<vmem>>, vector<1x16xi32>,
        %swap3A_544 = vector.shape_cast %swap3A_543 : vector<1x16xi32> to vector<16xi32>
        %swap3A_545 = vector.shape_cast %shift_right_logical3A_539 : vector<16xi32> to vector<1x16xi32>
        tpu.vector_store %arg7[%swap3A_541, %swap3A_542], %swap3A_545 {strides = array<i32>} : memref<2x128xi32, #tpu.memory_space<vmem>>, vector<1x16xi32>,
        %and3A_546 = arith.constant 16383 : i32
        %and3A_547 = vector.broadcast %and3A_546 : i32 to vector<16xi32>
        %and3A_548 = arith.andi %get3A_536, %and3A_547 : vector<16xi32>
        %swap3A_549 = arith.constant 0 : i32
        %swap3A_550 = arith.index_cast %swap3A_549 : i32 to index
        %swap3A_551 = arith.constant 64 : index
        %swap3A_552 = tpu.vector_load %arg8[%swap3A_550, %swap3A_551] {strides = array<i32>} : memref<2x128xi32, #tpu.memory_space<vmem>>, vector<1x16xi32>,
        %swap3A_553 = vector.shape_cast %swap3A_552 : vector<1x16xi32> to vector<16xi32>
        %swap3A_554 = vector.shape_cast %and3A_548 : vector<16xi32> to vector<1x16xi32>
        tpu.vector_store %arg8[%swap3A_550, %swap3A_551], %swap3A_554 {strides = array<i32>} : memref<2x128xi32, #tpu.memory_space<vmem>>, vector<1x16xi32>,
        %get3A_555 = arith.index_cast %add3A_444 : i32 to index
        %get3A_556 = arith.constant 80 : index
        %get3A_557 = tpu.vector_load %arg6[%get3A_555, %get3A_556] {strides = array<i32>} : memref<80x128xi32, #tpu.memory_space<vmem>>, vector<1x16xi32>,
        %get3A_558 = vector.shape_cast %get3A_557 : vector<1x16xi32> to vector<16xi32>
        %shift_right_logical3A_559 = arith.constant 14 : i32
        %shift_right_logical3A_560 = vector.broadcast %shift_right_logical3A_559 : i32 to vector<16xi32>
        %shift_right_logical3A_561 = arith.shrui %get3A_558, %shift_right_logical3A_560 : vector<16xi32>
        %swap3A_562 = arith.constant 0 : i32
        %swap3A_563 = arith.index_cast %swap3A_562 : i32 to index
        %swap3A_564 = arith.constant 80 : index
        %swap3A_565 = tpu.vector_load %arg7[%swap3A_563, %swap3A_564] {strides = array<i32>} : memref<2x128xi32, #tpu.memory_space<vmem>>, vector<1x16xi32>,
        %swap3A_566 = vector.shape_cast %swap3A_565 : vector<1x16xi32> to vector<16xi32>
        %swap3A_567 = vector.shape_cast %shift_right_logical3A_561 : vector<16xi32> to vector<1x16xi32>
        tpu.vector_store %arg7[%swap3A_563, %swap3A_564], %swap3A_567 {strides = array<i32>} : memref<2x128xi32, #tpu.memory_space<vmem>>, vector<1x16xi32>,
        %and3A_568 = arith.constant 16383 : i32
        %and3A_569 = vector.broadcast %and3A_568 : i32 to vector<16xi32>
        %and3A_570 = arith.andi %get3A_558, %and3A_569 : vector<16xi32>
        %swap3A_571 = arith.constant 0 : i32
        %swap3A_572 = arith.index_cast %swap3A_571 : i32 to index
        %swap3A_573 = arith.constant 80 : index
        %swap3A_574 = tpu.vector_load %arg8[%swap3A_572, %swap3A_573] {strides = array<i32>} : memref<2x128xi32, #tpu.memory_space<vmem>>, vector<1x16xi32>,
        %swap3A_575 = vector.shape_cast %swap3A_574 : vector<1x16xi32> to vector<16xi32>
        %swap3A_576 = vector.shape_cast %and3A_570 : vector<16xi32> to vector<1x16xi32>
        tpu.vector_store %arg8[%swap3A_572, %swap3A_573], %swap3A_576 {strides = array<i32>} : memref<2x128xi32, #tpu.memory_space<vmem>>, vector<1x16xi32>,
        %get3A_577 = arith.index_cast %add3A_444 : i32 to index
        %get3A_578 = arith.constant 96 : index
        %get3A_579 = tpu.vector_load %arg6[%get3A_577, %get3A_578] {strides = array<i32>} : memref<80x128xi32, #tpu.memory_space<vmem>>, vector<1x16xi32>,
        %get3A_580 = vector.shape_cast %get3A_579 : vector<1x16xi32> to vector<16xi32>
        %shift_right_logical3A_581 = arith.constant 14 : i32
        %shift_right_logical3A_582 = vector.broadcast %shift_right_logical3A_581 : i32 to vector<16xi32>
        %shift_right_logical3A_583 = arith.shrui %get3A_580, %shift_right_logical3A_582 : vector<16xi32>
        %swap3A_584 = arith.constant 0 : i32
        %swap3A_585 = arith.index_cast %swap3A_584 : i32 to index
        %swap3A_586 = arith.constant 96 : index
        %swap3A_587 = tpu.vector_load %arg7[%swap3A_585, %swap3A_586] {strides = array<i32>} : memref<2x128xi32, #tpu.memory_space<vmem>>, vector<1x16xi32>,
        %swap3A_588 = vector.shape_cast %swap3A_587 : vector<1x16xi32> to vector<16xi32>
        %swap3A_589 = vector.shape_cast %shift_right_logical3A_583 : vector<16xi32> to vector<1x16xi32>
        tpu.vector_store %arg7[%swap3A_585, %swap3A_586], %swap3A_589 {strides = array<i32>} : memref<2x128xi32, #tpu.memory_space<vmem>>, vector<1x16xi32>,
        %and3A_590 = arith.constant 16383 : i32
        %and3A_591 = vector.broadcast %and3A_590 : i32 to vector<16xi32>
        %and3A_592 = arith.andi %get3A_580, %and3A_591 : vector<16xi32>
        %swap3A_593 = arith.constant 0 : i32
        %swap3A_594 = arith.index_cast %swap3A_593 : i32 to index
        %swap3A_595 = arith.constant 96 : index
        %swap3A_596 = tpu.vector_load %arg8[%swap3A_594, %swap3A_595] {strides = array<i32>} : memref<2x128xi32, #tpu.memory_space<vmem>>, vector<1x16xi32>,
        %swap3A_597 = vector.shape_cast %swap3A_596 : vector<1x16xi32> to vector<16xi32>
        %swap3A_598 = vector.shape_cast %and3A_592 : vector<16xi32> to vector<1x16xi32>
        tpu.vector_store %arg8[%swap3A_594, %swap3A_595], %swap3A_598 {strides = array<i32>} : memref<2x128xi32, #tpu.memory_space<vmem>>, vector<1x16xi32>,
        %get3A_599 = arith.index_cast %add3A_444 : i32 to index
        %get3A_600 = arith.constant 112 : index
        %get3A_601 = tpu.vector_load %arg6[%get3A_599, %get3A_600] {strides = array<i32>} : memref<80x128xi32, #tpu.memory_space<vmem>>, vector<1x16xi32>,
        %get3A_602 = vector.shape_cast %get3A_601 : vector<1x16xi32> to vector<16xi32>
        %shift_right_logical3A_603 = arith.constant 14 : i32
        %shift_right_logical3A_604 = vector.broadcast %shift_right_logical3A_603 : i32 to vector<16xi32>
        %shift_right_logical3A_605 = arith.shrui %get3A_602, %shift_right_logical3A_604 : vector<16xi32>
        %swap3A_606 = arith.constant 0 : i32
        %swap3A_607 = arith.index_cast %swap3A_606 : i32 to index
        %swap3A_608 = arith.constant 112 : index
        %swap3A_609 = tpu.vector_load %arg7[%swap3A_607, %swap3A_608] {strides = array<i32>} : memref<2x128xi32, #tpu.memory_space<vmem>>, vector<1x16xi32>,
        %swap3A_610 = vector.shape_cast %swap3A_609 : vector<1x16xi32> to vector<16xi32>
        %swap3A_611 = vector.shape_cast %shift_right_logical3A_605 : vector<16xi32> to vector<1x16xi32>
        tpu.vector_store %arg7[%swap3A_607, %swap3A_608], %swap3A_611 {strides = array<i32>} : memref<2x128xi32, #tpu.memory_space<vmem>>, vector<1x16xi32>,
        %and3A_612 = arith.constant 16383 : i32
        %and3A_613 = vector.broadcast %and3A_612 : i32 to vector<16xi32>
        %and3A_614 = arith.andi %get3A_602, %and3A_613 : vector<16xi32>
        %swap3A_615 = arith.constant 0 : i32
        %swap3A_616 = arith.index_cast %swap3A_615 : i32 to index
        %swap3A_617 = arith.constant 112 : index
        %swap3A_618 = tpu.vector_load %arg8[%swap3A_616, %swap3A_617] {strides = array<i32>} : memref<2x128xi32, #tpu.memory_space<vmem>>, vector<1x16xi32>,
        %swap3A_619 = vector.shape_cast %swap3A_618 : vector<1x16xi32> to vector<16xi32>
        %swap3A_620 = vector.shape_cast %and3A_614 : vector<16xi32> to vector<1x16xi32>
        tpu.vector_store %arg8[%swap3A_616, %swap3A_617], %swap3A_620 {strides = array<i32>} : memref<2x128xi32, #tpu.memory_space<vmem>>, vector<1x16xi32>,
        %dma_start3A_621 = arith.constant 0 : i32
        %dma_start3A_622 = arith.constant 0 : i32
        %dma_start3A_623 = tpu.memref_slice %arg7[%dma_start3A_621, %dma_start3A_622] : memref<2x128xi32, #tpu.memory_space<vmem>> -> memref<1x128xi32, #tpu.memory_space<vmem>>
        %dma_start3A_624 = tpu.memref_squeeze %dma_start3A_623 : memref<1x128xi32, #tpu.memory_space<vmem>> -> memref<128xi32, #tpu.memory_space<vmem>>
        %dma_start3A_625 = arith.constant 0 : i32
        %dma_start3A_626 = arith.constant 0 : i32
        %dma_start3A_627 = tpu.memref_slice %arg2[%dma_start3A_625, %dma_start3A_626] : memref<20000x128xf32, #tpu.memory_space<hbm>> -> memref<20000x128xf32, #tpu.memory_space<hbm>>
        tpu.enqueue_indirect_dma source(%dma_start3A_627 : memref<20000x128xf32, #tpu.memory_space<hbm>>) target(%arg9 : memref<128x128xf32, #tpu.memory_space<vmem>>) offsets(%dma_start3A_624 : memref<128xi32, #tpu.memory_space<vmem>>) semaphore(%arg11 : memref<!tpu.dma_semaphore, #tpu.memory_space<semaphore_mem>>)
      } else {
      }
      %mul3A_425 = arith.constant 2 : i32
      %mul3A_426 = arith.muli %scan3A_411, %mul3A_425 : i32
      %add3A_427 = arith.constant 1 : i32
      %add3A_428 = arith.addi %mul3A_426, %add3A_427 : i32
      %dma_wait3A_429 = arith.constant 1 : i32
      %dma_wait3A_430 = arith.constant 0 : i32
      %dma_wait3A_431 = tpu.memref_slice %arg7[%dma_wait3A_429, %dma_wait3A_430] : memref<2x128xi32, #tpu.memory_space<vmem>> -> memref<1x128xi32, #tpu.memory_space<vmem>>
      %dma_wait3A_432 = tpu.memref_squeeze %dma_wait3A_431 : memref<1x128xi32, #tpu.memory_space<vmem>> -> memref<128xi32, #tpu.memory_space<vmem>>
      %dma_wait3A_433 = arith.constant 0 : i32
      %dma_wait3A_434 = arith.constant 0 : i32
      %dma_wait3A_435 = tpu.memref_slice %arg2[%dma_wait3A_433, %dma_wait3A_434] : memref<20000x128xf32, #tpu.memory_space<hbm>> -> memref<20000x128xf32, #tpu.memory_space<hbm>>
      tpu.wait_indirect_dma semaphore(%arg12 : memref<!tpu.dma_semaphore, #tpu.memory_space<semaphore_mem>>) src(%dma_wait3A_435 : memref<20000x128xf32, #tpu.memory_space<hbm>>) dst(%arg10 : memref<128x128xf32, #tpu.memory_space<vmem>>)
      %run_scoped3A_436 = arith.constant 1 : i32
      "tpu.region"() ({
        %run_scoped3A_443 = tpu.sem_alloc : memref<!tpu.dma_semaphore, #tpu.memory_space<semaphore_mem>>
        %dma_start3A_444 = arith.constant 0 : i32
        %dma_start3A_445 = tpu.memref_slice %arg8[%run_scoped3A_436, %dma_start3A_444] : memref<2x128xi32, #tpu.memory_space<vmem>> -> memref<1x128xi32, #tpu.memory_space<vmem>>
        %dma_start3A_446 = tpu.memref_squeeze %dma_start3A_445 : memref<1x128xi32, #tpu.memory_space<vmem>> -> memref<128xi32, #tpu.memory_space<vmem>>
        %dma_start3A_447 = arith.constant 0 : i32
        %dma_start3A_448 = arith.constant 0 : i32
        %dma_start3A_449 = tpu.memref_slice %arg5[%dma_start3A_447, %dma_start3A_448] : memref<10240x128xf32, #tpu.memory_space<vmem_shared>> -> memref<10240x128xf32, #tpu.memory_space<vmem_shared>>
        tpu.enqueue_indirect_dma source(%arg10 : memref<128x128xf32, #tpu.memory_space<vmem>>) target(%dma_start3A_449 : memref<10240x128xf32, #tpu.memory_space<vmem_shared>>) offsets(%dma_start3A_446 : memref<128xi32, #tpu.memory_space<vmem>>) semaphore(%run_scoped3A_443 : memref<!tpu.dma_semaphore, #tpu.memory_space<semaphore_mem>>) {add = true}
        %dma_wait3A_450 = arith.constant 0 : i32
        %dma_wait3A_451 = tpu.memref_slice %arg8[%run_scoped3A_436, %dma_wait3A_450] : memref<2x128xi32, #tpu.memory_space<vmem>> -> memref<1x128xi32, #tpu.memory_space<vmem>>
        %dma_wait3A_452 = tpu.memref_squeeze %dma_wait3A_451 : memref<1x128xi32, #tpu.memory_space<vmem>> -> memref<128xi32, #tpu.memory_space<vmem>>
        %dma_wait3A_453 = arith.constant 0 : i32
        %dma_wait3A_454 = arith.constant 0 : i32
        %dma_wait3A_455 = tpu.memref_slice %arg5[%dma_wait3A_453, %dma_wait3A_454] : memref<10240x128xf32, #tpu.memory_space<vmem_shared>> -> memref<10240x128xf32, #tpu.memory_space<vmem_shared>>
        tpu.wait_indirect_dma semaphore(%run_scoped3A_443 : memref<!tpu.dma_semaphore, #tpu.memory_space<semaphore_mem>>) src(%arg10 : memref<128x128xf32, #tpu.memory_space<vmem>>) dst(%dma_wait3A_455 : memref<10240x128xf32, #tpu.memory_space<vmem_shared>>)
        tpu.yield
      }) : () -> ()
      %lt3A_437 = arith.constant 39 : i32
      %lt3A_438 = arith.cmpi slt, %scan3A_411, %lt3A_437 : i32
      %convert_element_type3A_439 = arith.extui %lt3A_438 : i1 to i32
      %cond3A_440 = arith.constant 0 : i32
      %cond3A_441 = arith.cmpi ne, %convert_element_type3A_439, %cond3A_440 : i32
      scf.if %cond3A_441 {
        %add3A_443 = arith.constant 2 : i32
        %add3A_444 = arith.addi %add3A_428, %add3A_443 : i32
        %get3A_445 = arith.index_cast %add3A_444 : i32 to index
        %get3A_446 = arith.constant 0 : index
        %get3A_447 = tpu.vector_load %arg6[%get3A_445, %get3A_446] {strides = array<i32>} : memref<80x128xi32, #tpu.memory_space<vmem>>, vector<1x16xi32>,
        %get3A_448 = vector.shape_cast %get3A_447 : vector<1x16xi32> to vector<16xi32>
        %shift_right_logical3A_449 = arith.constant 14 : i32
        %shift_right_logical3A_450 = vector.broadcast %shift_right_logical3A_449 : i32 to vector<16xi32>
        %shift_right_logical3A_451 = arith.shrui %get3A_448, %shift_right_logical3A_450 : vector<16xi32>
        %swap3A_452 = arith.constant 1 : i32
        %swap3A_453 = arith.index_cast %swap3A_452 : i32 to index
        %swap3A_454 = arith.constant 0 : index
        %swap3A_455 = tpu.vector_load %arg7[%swap3A_453, %swap3A_454] {strides = array<i32>} : memref<2x128xi32, #tpu.memory_space<vmem>>, vector<1x16xi32>,
        %swap3A_456 = vector.shape_cast %swap3A_455 : vector<1x16xi32> to vector<16xi32>
        %swap3A_457 = vector.shape_cast %shift_right_logical3A_451 : vector<16xi32> to vector<1x16xi32>
        tpu.vector_store %arg7[%swap3A_453, %swap3A_454], %swap3A_457 {strides = array<i32>} : memref<2x128xi32, #tpu.memory_space<vmem>>, vector<1x16xi32>,
        %and3A_458 = arith.constant 16383 : i32
        %and3A_459 = vector.broadcast %and3A_458 : i32 to vector<16xi32>
        %and3A_460 = arith.andi %get3A_448, %and3A_459 : vector<16xi32>
        %swap3A_461 = arith.constant 1 : i32
        %swap3A_462 = arith.index_cast %swap3A_461 : i32 to index
        %swap3A_463 = arith.constant 0 : index
        %swap3A_464 = tpu.vector_load %arg8[%swap3A_462, %swap3A_463] {strides = array<i32>} : memref<2x128xi32, #tpu.memory_space<vmem>>, vector<1x16xi32>,
        %swap3A_465 = vector.shape_cast %swap3A_464 : vector<1x16xi32> to vector<16xi32>
        %swap3A_466 = vector.shape_cast %and3A_460 : vector<16xi32> to vector<1x16xi32>
        tpu.vector_store %arg8[%swap3A_462, %swap3A_463], %swap3A_466 {strides = array<i32>} : memref<2x128xi32, #tpu.memory_space<vmem>>, vector<1x16xi32>,
        %get3A_467 = arith.index_cast %add3A_444 : i32 to index
        %get3A_468 = arith.constant 16 : index
        %get3A_469 = tpu.vector_load %arg6[%get3A_467, %get3A_468] {strides = array<i32>} : memref<80x128xi32, #tpu.memory_space<vmem>>, vector<1x16xi32>,
        %get3A_470 = vector.shape_cast %get3A_469 : vector<1x16xi32> to vector<16xi32>
        %shift_right_logical3A_471 = arith.constant 14 : i32
        %shift_right_logical3A_472 = vector.broadcast %shift_right_logical3A_471 : i32 to vector<16xi32>
        %shift_right_logical3A_473 = arith.shrui %get3A_470, %shift_right_logical3A_472 : vector<16xi32>
        %swap3A_474 = arith.constant 1 : i32
        %swap3A_475 = arith.index_cast %swap3A_474 : i32 to index
        %swap3A_476 = arith.constant 16 : index
        %swap3A_477 = tpu.vector_load %arg7[%swap3A_475, %swap3A_476] {strides = array<i32>} : memref<2x128xi32, #tpu.memory_space<vmem>>, vector<1x16xi32>,
        %swap3A_478 = vector.shape_cast %swap3A_477 : vector<1x16xi32> to vector<16xi32>
        %swap3A_479 = vector.shape_cast %shift_right_logical3A_473 : vector<16xi32> to vector<1x16xi32>
        tpu.vector_store %arg7[%swap3A_475, %swap3A_476], %swap3A_479 {strides = array<i32>} : memref<2x128xi32, #tpu.memory_space<vmem>>, vector<1x16xi32>,
        %and3A_480 = arith.constant 16383 : i32
        %and3A_481 = vector.broadcast %and3A_480 : i32 to vector<16xi32>
        %and3A_482 = arith.andi %get3A_470, %and3A_481 : vector<16xi32>
        %swap3A_483 = arith.constant 1 : i32
        %swap3A_484 = arith.index_cast %swap3A_483 : i32 to index
        %swap3A_485 = arith.constant 16 : index
        %swap3A_486 = tpu.vector_load %arg8[%swap3A_484, %swap3A_485] {strides = array<i32>} : memref<2x128xi32, #tpu.memory_space<vmem>>, vector<1x16xi32>,
        %swap3A_487 = vector.shape_cast %swap3A_486 : vector<1x16xi32> to vector<16xi32>
        %swap3A_488 = vector.shape_cast %and3A_482 : vector<16xi32> to vector<1x16xi32>
        tpu.vector_store %arg8[%swap3A_484, %swap3A_485], %swap3A_488 {strides = array<i32>} : memref<2x128xi32, #tpu.memory_space<vmem>>, vector<1x16xi32>,
        %get3A_489 = arith.index_cast %add3A_444 : i32 to index
        %get3A_490 = arith.constant 32 : index
        %get3A_491 = tpu.vector_load %arg6[%get3A_489, %get3A_490] {strides = array<i32>} : memref<80x128xi32, #tpu.memory_space<vmem>>, vector<1x16xi32>,
        %get3A_492 = vector.shape_cast %get3A_491 : vector<1x16xi32> to vector<16xi32>
        %shift_right_logical3A_493 = arith.constant 14 : i32
        %shift_right_logical3A_494 = vector.broadcast %shift_right_logical3A_493 : i32 to vector<16xi32>
        %shift_right_logical3A_495 = arith.shrui %get3A_492, %shift_right_logical3A_494 : vector<16xi32>
        %swap3A_496 = arith.constant 1 : i32
        %swap3A_497 = arith.index_cast %swap3A_496 : i32 to index
        %swap3A_498 = arith.constant 32 : index
        %swap3A_499 = tpu.vector_load %arg7[%swap3A_497, %swap3A_498] {strides = array<i32>} : memref<2x128xi32, #tpu.memory_space<vmem>>, vector<1x16xi32>,
        %swap3A_500 = vector.shape_cast %swap3A_499 : vector<1x16xi32> to vector<16xi32>
        %swap3A_501 = vector.shape_cast %shift_right_logical3A_495 : vector<16xi32> to vector<1x16xi32>
        tpu.vector_store %arg7[%swap3A_497, %swap3A_498], %swap3A_501 {strides = array<i32>} : memref<2x128xi32, #tpu.memory_space<vmem>>, vector<1x16xi32>,
        %and3A_502 = arith.constant 16383 : i32
        %and3A_503 = vector.broadcast %and3A_502 : i32 to vector<16xi32>
        %and3A_504 = arith.andi %get3A_492, %and3A_503 : vector<16xi32>
        %swap3A_505 = arith.constant 1 : i32
        %swap3A_506 = arith.index_cast %swap3A_505 : i32 to index
        %swap3A_507 = arith.constant 32 : index
        %swap3A_508 = tpu.vector_load %arg8[%swap3A_506, %swap3A_507] {strides = array<i32>} : memref<2x128xi32, #tpu.memory_space<vmem>>, vector<1x16xi32>,
        %swap3A_509 = vector.shape_cast %swap3A_508 : vector<1x16xi32> to vector<16xi32>
        %swap3A_510 = vector.shape_cast %and3A_504 : vector<16xi32> to vector<1x16xi32>
        tpu.vector_store %arg8[%swap3A_506, %swap3A_507], %swap3A_510 {strides = array<i32>} : memref<2x128xi32, #tpu.memory_space<vmem>>, vector<1x16xi32>,
        %get3A_511 = arith.index_cast %add3A_444 : i32 to index
        %get3A_512 = arith.constant 48 : index
        %get3A_513 = tpu.vector_load %arg6[%get3A_511, %get3A_512] {strides = array<i32>} : memref<80x128xi32, #tpu.memory_space<vmem>>, vector<1x16xi32>,
        %get3A_514 = vector.shape_cast %get3A_513 : vector<1x16xi32> to vector<16xi32>
        %shift_right_logical3A_515 = arith.constant 14 : i32
        %shift_right_logical3A_516 = vector.broadcast %shift_right_logical3A_515 : i32 to vector<16xi32>
        %shift_right_logical3A_517 = arith.shrui %get3A_514, %shift_right_logical3A_516 : vector<16xi32>
        %swap3A_518 = arith.constant 1 : i32
        %swap3A_519 = arith.index_cast %swap3A_518 : i32 to index
        %swap3A_520 = arith.constant 48 : index
        %swap3A_521 = tpu.vector_load %arg7[%swap3A_519, %swap3A_520] {strides = array<i32>} : memref<2x128xi32, #tpu.memory_space<vmem>>, vector<1x16xi32>,
        %swap3A_522 = vector.shape_cast %swap3A_521 : vector<1x16xi32> to vector<16xi32>
        %swap3A_523 = vector.shape_cast %shift_right_logical3A_517 : vector<16xi32> to vector<1x16xi32>
        tpu.vector_store %arg7[%swap3A_519, %swap3A_520], %swap3A_523 {strides = array<i32>} : memref<2x128xi32, #tpu.memory_space<vmem>>, vector<1x16xi32>,
        %and3A_524 = arith.constant 16383 : i32
        %and3A_525 = vector.broadcast %and3A_524 : i32 to vector<16xi32>
        %and3A_526 = arith.andi %get3A_514, %and3A_525 : vector<16xi32>
        %swap3A_527 = arith.constant 1 : i32
        %swap3A_528 = arith.index_cast %swap3A_527 : i32 to index
        %swap3A_529 = arith.constant 48 : index
        %swap3A_530 = tpu.vector_load %arg8[%swap3A_528, %swap3A_529] {strides = array<i32>} : memref<2x128xi32, #tpu.memory_space<vmem>>, vector<1x16xi32>,
        %swap3A_531 = vector.shape_cast %swap3A_530 : vector<1x16xi32> to vector<16xi32>
        %swap3A_532 = vector.shape_cast %and3A_526 : vector<16xi32> to vector<1x16xi32>
        tpu.vector_store %arg8[%swap3A_528, %swap3A_529], %swap3A_532 {strides = array<i32>} : memref<2x128xi32, #tpu.memory_space<vmem>>, vector<1x16xi32>,
        %get3A_533 = arith.index_cast %add3A_444 : i32 to index
        %get3A_534 = arith.constant 64 : index
        %get3A_535 = tpu.vector_load %arg6[%get3A_533, %get3A_534] {strides = array<i32>} : memref<80x128xi32, #tpu.memory_space<vmem>>, vector<1x16xi32>,
        %get3A_536 = vector.shape_cast %get3A_535 : vector<1x16xi32> to vector<16xi32>
        %shift_right_logical3A_537 = arith.constant 14 : i32
        %shift_right_logical3A_538 = vector.broadcast %shift_right_logical3A_537 : i32 to vector<16xi32>
        %shift_right_logical3A_539 = arith.shrui %get3A_536, %shift_right_logical3A_538 : vector<16xi32>
        %swap3A_540 = arith.constant 1 : i32
        %swap3A_541 = arith.index_cast %swap3A_540 : i32 to index
        %swap3A_542 = arith.constant 64 : index
        %swap3A_543 = tpu.vector_load %arg7[%swap3A_541, %swap3A_542] {strides = array<i32>} : memref<2x128xi32, #tpu.memory_space<vmem>>, vector<1x16xi32>,
        %swap3A_544 = vector.shape_cast %swap3A_543 : vector<1x16xi32> to vector<16xi32>
        %swap3A_545 = vector.shape_cast %shift_right_logical3A_539 : vector<16xi32> to vector<1x16xi32>
        tpu.vector_store %arg7[%swap3A_541, %swap3A_542], %swap3A_545 {strides = array<i32>} : memref<2x128xi32, #tpu.memory_space<vmem>>, vector<1x16xi32>,
        %and3A_546 = arith.constant 16383 : i32
        %and3A_547 = vector.broadcast %and3A_546 : i32 to vector<16xi32>
        %and3A_548 = arith.andi %get3A_536, %and3A_547 : vector<16xi32>
        %swap3A_549 = arith.constant 1 : i32
        %swap3A_550 = arith.index_cast %swap3A_549 : i32 to index
        %swap3A_551 = arith.constant 64 : index
        %swap3A_552 = tpu.vector_load %arg8[%swap3A_550, %swap3A_551] {strides = array<i32>} : memref<2x128xi32, #tpu.memory_space<vmem>>, vector<1x16xi32>,
        %swap3A_553 = vector.shape_cast %swap3A_552 : vector<1x16xi32> to vector<16xi32>
        %swap3A_554 = vector.shape_cast %and3A_548 : vector<16xi32> to vector<1x16xi32>
        tpu.vector_store %arg8[%swap3A_550, %swap3A_551], %swap3A_554 {strides = array<i32>} : memref<2x128xi32, #tpu.memory_space<vmem>>, vector<1x16xi32>,
        %get3A_555 = arith.index_cast %add3A_444 : i32 to index
        %get3A_556 = arith.constant 80 : index
        %get3A_557 = tpu.vector_load %arg6[%get3A_555, %get3A_556] {strides = array<i32>} : memref<80x128xi32, #tpu.memory_space<vmem>>, vector<1x16xi32>,
        %get3A_558 = vector.shape_cast %get3A_557 : vector<1x16xi32> to vector<16xi32>
        %shift_right_logical3A_559 = arith.constant 14 : i32
        %shift_right_logical3A_560 = vector.broadcast %shift_right_logical3A_559 : i32 to vector<16xi32>
        %shift_right_logical3A_561 = arith.shrui %get3A_558, %shift_right_logical3A_560 : vector<16xi32>
        %swap3A_562 = arith.constant 1 : i32
        %swap3A_563 = arith.index_cast %swap3A_562 : i32 to index
        %swap3A_564 = arith.constant 80 : index
        %swap3A_565 = tpu.vector_load %arg7[%swap3A_563, %swap3A_564] {strides = array<i32>} : memref<2x128xi32, #tpu.memory_space<vmem>>, vector<1x16xi32>,
        %swap3A_566 = vector.shape_cast %swap3A_565 : vector<1x16xi32> to vector<16xi32>
        %swap3A_567 = vector.shape_cast %shift_right_logical3A_561 : vector<16xi32> to vector<1x16xi32>
        tpu.vector_store %arg7[%swap3A_563, %swap3A_564], %swap3A_567 {strides = array<i32>} : memref<2x128xi32, #tpu.memory_space<vmem>>, vector<1x16xi32>,
        %and3A_568 = arith.constant 16383 : i32
        %and3A_569 = vector.broadcast %and3A_568 : i32 to vector<16xi32>
        %and3A_570 = arith.andi %get3A_558, %and3A_569 : vector<16xi32>
        %swap3A_571 = arith.constant 1 : i32
        %swap3A_572 = arith.index_cast %swap3A_571 : i32 to index
        %swap3A_573 = arith.constant 80 : index
        %swap3A_574 = tpu.vector_load %arg8[%swap3A_572, %swap3A_573] {strides = array<i32>} : memref<2x128xi32, #tpu.memory_space<vmem>>, vector<1x16xi32>,
        %swap3A_575 = vector.shape_cast %swap3A_574 : vector<1x16xi32> to vector<16xi32>
        %swap3A_576 = vector.shape_cast %and3A_570 : vector<16xi32> to vector<1x16xi32>
        tpu.vector_store %arg8[%swap3A_572, %swap3A_573], %swap3A_576 {strides = array<i32>} : memref<2x128xi32, #tpu.memory_space<vmem>>, vector<1x16xi32>,
        %get3A_577 = arith.index_cast %add3A_444 : i32 to index
        %get3A_578 = arith.constant 96 : index
        %get3A_579 = tpu.vector_load %arg6[%get3A_577, %get3A_578] {strides = array<i32>} : memref<80x128xi32, #tpu.memory_space<vmem>>, vector<1x16xi32>,
        %get3A_580 = vector.shape_cast %get3A_579 : vector<1x16xi32> to vector<16xi32>
        %shift_right_logical3A_581 = arith.constant 14 : i32
        %shift_right_logical3A_582 = vector.broadcast %shift_right_logical3A_581 : i32 to vector<16xi32>
        %shift_right_logical3A_583 = arith.shrui %get3A_580, %shift_right_logical3A_582 : vector<16xi32>
        %swap3A_584 = arith.constant 1 : i32
        %swap3A_585 = arith.index_cast %swap3A_584 : i32 to index
        %swap3A_586 = arith.constant 96 : index
        %swap3A_587 = tpu.vector_load %arg7[%swap3A_585, %swap3A_586] {strides = array<i32>} : memref<2x128xi32, #tpu.memory_space<vmem>>, vector<1x16xi32>,
        %swap3A_588 = vector.shape_cast %swap3A_587 : vector<1x16xi32> to vector<16xi32>
        %swap3A_589 = vector.shape_cast %shift_right_logical3A_583 : vector<16xi32> to vector<1x16xi32>
        tpu.vector_store %arg7[%swap3A_585, %swap3A_586], %swap3A_589 {strides = array<i32>} : memref<2x128xi32, #tpu.memory_space<vmem>>, vector<1x16xi32>,
        %and3A_590 = arith.constant 16383 : i32
        %and3A_591 = vector.broadcast %and3A_590 : i32 to vector<16xi32>
        %and3A_592 = arith.andi %get3A_580, %and3A_591 : vector<16xi32>
        %swap3A_593 = arith.constant 1 : i32
        %swap3A_594 = arith.index_cast %swap3A_593 : i32 to index
        %swap3A_595 = arith.constant 96 : index
        %swap3A_596 = tpu.vector_load %arg8[%swap3A_594, %swap3A_595] {strides = array<i32>} : memref<2x128xi32, #tpu.memory_space<vmem>>, vector<1x16xi32>,
        %swap3A_597 = vector.shape_cast %swap3A_596 : vector<1x16xi32> to vector<16xi32>
        %swap3A_598 = vector.shape_cast %and3A_592 : vector<16xi32> to vector<1x16xi32>
        tpu.vector_store %arg8[%swap3A_594, %swap3A_595], %swap3A_598 {strides = array<i32>} : memref<2x128xi32, #tpu.memory_space<vmem>>, vector<1x16xi32>,
        %get3A_599 = arith.index_cast %add3A_444 : i32 to index
        %get3A_600 = arith.constant 112 : index
        %get3A_601 = tpu.vector_load %arg6[%get3A_599, %get3A_600] {strides = array<i32>} : memref<80x128xi32, #tpu.memory_space<vmem>>, vector<1x16xi32>,
        %get3A_602 = vector.shape_cast %get3A_601 : vector<1x16xi32> to vector<16xi32>
        %shift_right_logical3A_603 = arith.constant 14 : i32
        %shift_right_logical3A_604 = vector.broadcast %shift_right_logical3A_603 : i32 to vector<16xi32>
        %shift_right_logical3A_605 = arith.shrui %get3A_602, %shift_right_logical3A_604 : vector<16xi32>
        %swap3A_606 = arith.constant 1 : i32
        %swap3A_607 = arith.index_cast %swap3A_606 : i32 to index
        %swap3A_608 = arith.constant 112 : index
        %swap3A_609 = tpu.vector_load %arg7[%swap3A_607, %swap3A_608] {strides = array<i32>} : memref<2x128xi32, #tpu.memory_space<vmem>>, vector<1x16xi32>,
        %swap3A_610 = vector.shape_cast %swap3A_609 : vector<1x16xi32> to vector<16xi32>
        %swap3A_611 = vector.shape_cast %shift_right_logical3A_605 : vector<16xi32> to vector<1x16xi32>
        tpu.vector_store %arg7[%swap3A_607, %swap3A_608], %swap3A_611 {strides = array<i32>} : memref<2x128xi32, #tpu.memory_space<vmem>>, vector<1x16xi32>,
        %and3A_612 = arith.constant 16383 : i32
        %and3A_613 = vector.broadcast %and3A_612 : i32 to vector<16xi32>
        %and3A_614 = arith.andi %get3A_602, %and3A_613 : vector<16xi32>
        %swap3A_615 = arith.constant 1 : i32
        %swap3A_616 = arith.index_cast %swap3A_615 : i32 to index
        %swap3A_617 = arith.constant 112 : index
        %swap3A_618 = tpu.vector_load %arg8[%swap3A_616, %swap3A_617] {strides = array<i32>} : memref<2x128xi32, #tpu.memory_space<vmem>>, vector<1x16xi32>,
        %swap3A_619 = vector.shape_cast %swap3A_618 : vector<1x16xi32> to vector<16xi32>
        %swap3A_620 = vector.shape_cast %and3A_614 : vector<16xi32> to vector<1x16xi32>
        tpu.vector_store %arg8[%swap3A_616, %swap3A_617], %swap3A_620 {strides = array<i32>} : memref<2x128xi32, #tpu.memory_space<vmem>>, vector<1x16xi32>,
        %dma_start3A_621 = arith.constant 1 : i32
        %dma_start3A_622 = arith.constant 0 : i32
        %dma_start3A_623 = tpu.memref_slice %arg7[%dma_start3A_621, %dma_start3A_622] : memref<2x128xi32, #tpu.memory_space<vmem>> -> memref<1x128xi32, #tpu.memory_space<vmem>>
        %dma_start3A_624 = tpu.memref_squeeze %dma_start3A_623 : memref<1x128xi32, #tpu.memory_space<vmem>> -> memref<128xi32, #tpu.memory_space<vmem>>
        %dma_start3A_625 = arith.constant 0 : i32
        %dma_start3A_626 = arith.constant 0 : i32
        %dma_start3A_627 = tpu.memref_slice %arg2[%dma_start3A_625, %dma_start3A_626] : memref<20000x128xf32, #tpu.memory_space<hbm>> -> memref<20000x128xf32, #tpu.memory_space<hbm>>
        tpu.enqueue_indirect_dma source(%dma_start3A_627 : memref<20000x128xf32, #tpu.memory_space<hbm>>) target(%arg10 : memref<128x128xf32, #tpu.memory_space<vmem>>) offsets(%dma_start3A_624 : memref<128xi32, #tpu.memory_space<vmem>>) semaphore(%arg12 : memref<!tpu.dma_semaphore, #tpu.memory_space<semaphore_mem>>)
      } else {
      }
      %scan3A_442 = arith.constant 0 : i32
      scf.yield %scan3A_442 : i32
    }
    %scan3A_407 = arith.constant 40 : i32
    %barrier3A_408 = arith.constant 0 : index
    tpu.barrier barrier_id(%barrier3A_408)
    %mul3A_409 = arith.constant 640 : i32
    %mul3A_410 = arith.muli %arg1, %mul3A_409 : i32
    "tpu.region"() ({
      %run_scoped3A = tpu.sem_alloc : memref<!tpu.dma_semaphore, #tpu.memory_space<semaphore_mem>>
      %dma_start3A_411 = arith.constant 0 : i32
      %dma_start3A_412 = tpu.memref_slice %arg4[%arg0, %mul3A_410, %dma_start3A_411] : memref<2x10240x128xf32, #tpu.memory_space<hbm>> -> memref<1x640x128xf32, #tpu.memory_space<hbm>>
      %dma_start3A_413 = tpu.memref_squeeze %dma_start3A_412 : memref<1x640x128xf32, #tpu.memory_space<hbm>> -> memref<640x128xf32, #tpu.memory_space<hbm>>
      %dma_start3A_414 = arith.constant 0 : i32
      %dma_start3A_415 = tpu.memref_slice %arg5[%mul3A_410, %dma_start3A_414] : memref<10240x128xf32, #tpu.memory_space<vmem_shared>> -> memref<640x128xf32, #tpu.memory_space<vmem_shared>>
      tpu.enqueue_dma source(%dma_start3A_415 : memref<640x128xf32, #tpu.memory_space<vmem_shared>>) target(%dma_start3A_413 : memref<640x128xf32, #tpu.memory_space<hbm>>) target_semaphore(%run_scoped3A : memref<!tpu.dma_semaphore, #tpu.memory_space<semaphore_mem>>)
      %dma_wait3A = arith.constant 0 : i32
      %dma_wait3A_416 = tpu.memref_slice %arg4[%arg0, %mul3A_410, %dma_wait3A] : memref<2x10240x128xf32, #tpu.memory_space<hbm>> -> memref<1x640x128xf32, #tpu.memory_space<hbm>>
      %dma_wait3A_417 = tpu.memref_squeeze %dma_wait3A_416 : memref<1x640x128xf32, #tpu.memory_space<hbm>> -> memref<640x128xf32, #tpu.memory_space<hbm>>
      %dma_wait3A_418 = arith.constant 0 : i32
      %dma_wait3A_419 = tpu.memref_slice %arg5[%mul3A_410, %dma_wait3A_418] : memref<10240x128xf32, #tpu.memory_space<vmem_shared>> -> memref<640x128xf32, #tpu.memory_space<vmem_shared>>
      tpu.wait_dma2 semaphore(%run_scoped3A : memref<!tpu.dma_semaphore, #tpu.memory_space<semaphore_mem>>) src(%dma_wait3A_419 : memref<640x128xf32, #tpu.memory_space<vmem_shared>>) dst(%dma_wait3A_417 : memref<640x128xf32, #tpu.memory_space<hbm>>)
      tpu.yield
    }) : () -> ()
    return
  }
}

module attributes {stable_mosaic.version = 14 : i64} {
  func.func @_prep_body(%arg0: i32, %arg1: i32, %arg2: memref<1x1x128x128xf32, #tpu.memory_space<vmem>>, %arg3: memref<1x1x128x128xf32, #tpu.memory_space<vmem>>, %arg4: memref<1x1x256x128xf32, #tpu.memory_space<vmem>>, %arg5: memref<1x1x1x128xf32, #tpu.memory_space<vmem>>, %arg6: memref<1x1x1x128xf32, #tpu.memory_space<vmem>>, %arg7: memref<1x1x1x128xf32, #tpu.memory_space<vmem>>, %arg8: memref<1x1x128x128xf32, #tpu.memory_space<vmem>>, %arg9: memref<1x1x128x128xf32, #tpu.memory_space<vmem>>, %arg10: memref<1x1x1x128xf32, #tpu.memory_space<vmem>>) attributes {dimension_semantics = [#tpu.dimension_semantics<arbitrary>, #tpu.dimension_semantics<arbitrary>], iteration_bounds = array<i64: 2, 2>, scalar_prefetch = 0 : i64, scratch_operands = 0 : i64, tpu.core_type = #tpu.core_type<tc>, window_params = [{transform_indices = @transform_0, window_bounds = array<i64: 1, 1, 128, 128>}, {transform_indices = @transform_1, window_bounds = array<i64: 1, 1, 128, 128>}, {transform_indices = @transform_2, window_bounds = array<i64: 1, 1, 256, 128>}, {transform_indices = @transform_3, window_bounds = array<i64: 1, 1, 1, 128>}, {transform_indices = @transform_4, window_bounds = array<i64: 1, 1, 1, 128>}, {transform_indices = @transform_5, window_bounds = array<i64: 1, 1, 1, 128>}, {transform_indices = @transform_6, window_bounds = array<i64: 1, 1, 128, 128>}, {transform_indices = @transform_7, window_bounds = array<i64: 1, 1, 128, 128>}, {transform_indices = @transform_8, window_bounds = array<i64: 1, 1, 1, 128>}]} {
    %get3A = arith.constant 0 : index
    %get3A_0 = arith.constant 0 : index
    %get3A_1 = arith.constant 0 : index
    %get3A_2 = arith.constant 0 : index
    %get3A_3 = vector.load %arg4[%get3A, %get3A_0, %get3A_1, %get3A_2] : memref<1x1x256x128xf32, #tpu.memory_space<vmem>>, vector<1x1x128x128xf32>
    %get3A_4 = vector.shape_cast %get3A_3 : vector<1x1x128x128xf32> to vector<128x128xf32>
    %get3A_5 = arith.constant 0 : index
    %get3A_6 = arith.constant 0 : index
    %get3A_7 = arith.constant 128 : index
    %get3A_8 = arith.constant 0 : index
    %get3A_9 = vector.load %arg4[%get3A_5, %get3A_6, %get3A_7, %get3A_8] : memref<1x1x256x128xf32, #tpu.memory_space<vmem>>, vector<1x1x128x128xf32>
    %get3A_10 = vector.shape_cast %get3A_9 : vector<1x1x128x128xf32> to vector<128x128xf32>
    %get3A_11 = arith.constant 0 : index
    %get3A_12 = arith.constant 0 : index
    %get3A_13 = arith.constant 0 : index
    %get3A_14 = arith.constant 0 : index
    %get3A_15 = vector.load %arg3[%get3A_11, %get3A_12, %get3A_13, %get3A_14] : memref<1x1x128x128xf32, #tpu.memory_space<vmem>>, vector<1x1x128x128xf32>
    %get3A_16 = vector.shape_cast %get3A_15 : vector<1x1x128x128xf32> to vector<128x128xf32>
    %dot_general3A = arith.constant dense<0.000000e+00> : vector<128x128xf32>
    %dot_general3A_17 = tpu.matmul %get3A_16, %get3A_4, %dot_general3A {dimension_numbers = #tpu.dot_dimension_numbers<[1], [0], [0], [1], [0, 0, 1, 1], [], []>, precision = #tpu.contract_precision<fp32>, transpose_lhs_hint = false} : vector<128x128xf32>, vector<128x128xf32>, vector<128x128xf32> -> vector<128x128xf32>
    %swap3A = arith.constant 0 : index
    %swap3A_18 = arith.constant 0 : index
    %swap3A_19 = arith.constant 0 : index
    %swap3A_20 = arith.constant 0 : index
    %swap3A_21 = vector.load %arg8[%swap3A, %swap3A_18, %swap3A_19, %swap3A_20] : memref<1x1x128x128xf32, #tpu.memory_space<vmem>>, vector<1x1x128x128xf32>
    %swap3A_22 = vector.shape_cast %swap3A_21 : vector<1x1x128x128xf32> to vector<128x128xf32>
    %swap3A_23 = vector.shape_cast %dot_general3A_17 : vector<128x128xf32> to vector<1x1x128x128xf32>
    tpu.vector_store %arg8[%swap3A, %swap3A_18, %swap3A_19, %swap3A_20], %swap3A_23 {strides = array<i32>} : memref<1x1x128x128xf32, #tpu.memory_space<vmem>>, vector<1x1x128x128xf32>,
    %get3A_24 = arith.constant 0 : index
    %get3A_25 = arith.constant 0 : index
    %get3A_26 = arith.constant 0 : index
    %get3A_27 = arith.constant 0 : index
    %get3A_28 = vector.load %arg2[%get3A_24, %get3A_25, %get3A_26, %get3A_27] : memref<1x1x128x128xf32, #tpu.memory_space<vmem>>, vector<1x1x128x128xf32>
    %get3A_29 = vector.shape_cast %get3A_28 : vector<1x1x128x128xf32> to vector<128x128xf32>
    %dot_general3A_30 = arith.constant dense<0.000000e+00> : vector<128x128xf32>
    %dot_general3A_31 = tpu.matmul %get3A_29, %get3A_10, %dot_general3A_30 {dimension_numbers = #tpu.dot_dimension_numbers<[1], [0], [0], [1], [0, 0, 1, 1], [], []>, precision = #tpu.contract_precision<fp32>, transpose_lhs_hint = false} : vector<128x128xf32>, vector<128x128xf32>, vector<128x128xf32> -> vector<128x128xf32>
    %swap3A_32 = arith.constant 0 : index
    %swap3A_33 = arith.constant 0 : index
    %swap3A_34 = arith.constant 0 : index
    %swap3A_35 = arith.constant 0 : index
    %swap3A_36 = vector.load %arg9[%swap3A_32, %swap3A_33, %swap3A_34, %swap3A_35] : memref<1x1x128x128xf32, #tpu.memory_space<vmem>>, vector<1x1x128x128xf32>
    %swap3A_37 = vector.shape_cast %swap3A_36 : vector<1x1x128x128xf32> to vector<128x128xf32>
    %swap3A_38 = vector.shape_cast %dot_general3A_31 : vector<128x128xf32> to vector<1x1x128x128xf32>
    tpu.vector_store %arg9[%swap3A_32, %swap3A_33, %swap3A_34, %swap3A_35], %swap3A_38 {strides = array<i32>} : memref<1x1x128x128xf32, #tpu.memory_space<vmem>>, vector<1x1x128x128xf32>,
    %get3A_39 = arith.constant 0 : index
    %get3A_40 = arith.constant 0 : index
    %get3A_41 = arith.constant 0 : index
    %get3A_42 = arith.constant 0 : index
    %get3A_43 = vector.load %arg6[%get3A_39, %get3A_40, %get3A_41, %get3A_42] : memref<1x1x1x128xf32, #tpu.memory_space<vmem>>, vector<1x1x1x128xf32>
    %get3A_44 = vector.shape_cast %get3A_43 : vector<1x1x1x128xf32> to vector<1x128xf32>
    %dot_general3A_45 = arith.constant dense<0.000000e+00> : vector<1x128xf32>
    %dot_general3A_46 = tpu.matmul %get3A_44, %get3A_4, %dot_general3A_45 {dimension_numbers = #tpu.dot_dimension_numbers<[1], [0], [0], [1], [0, 0, 1, 1], [], []>, precision = #tpu.contract_precision<fp32>, transpose_lhs_hint = false} : vector<1x128xf32>, vector<128x128xf32>, vector<1x128xf32> -> vector<1x128xf32>
    %get3A_47 = arith.constant 0 : index
    %get3A_48 = arith.constant 0 : index
    %get3A_49 = arith.constant 0 : index
    %get3A_50 = arith.constant 0 : index
    %get3A_51 = vector.load %arg5[%get3A_47, %get3A_48, %get3A_49, %get3A_50] : memref<1x1x1x128xf32, #tpu.memory_space<vmem>>, vector<1x1x1x128xf32>
    %get3A_52 = vector.shape_cast %get3A_51 : vector<1x1x1x128xf32> to vector<1x128xf32>
    %dot_general3A_53 = arith.constant dense<0.000000e+00> : vector<1x128xf32>
    %dot_general3A_54 = tpu.matmul %get3A_52, %get3A_10, %dot_general3A_53 {dimension_numbers = #tpu.dot_dimension_numbers<[1], [0], [0], [1], [0, 0, 1, 1], [], []>, precision = #tpu.contract_precision<fp32>, transpose_lhs_hint = false} : vector<1x128xf32>, vector<128x128xf32>, vector<1x128xf32> -> vector<1x128xf32>
    %add3A = arith.addf %dot_general3A_46, %dot_general3A_54 : vector<1x128xf32>
    %get3A_55 = arith.constant 0 : index
    %get3A_56 = arith.constant 0 : index
    %get3A_57 = arith.constant 0 : index
    %get3A_58 = arith.constant 0 : index
    %get3A_59 = vector.load %arg7[%get3A_55, %get3A_56, %get3A_57, %get3A_58] : memref<1x1x1x128xf32, #tpu.memory_space<vmem>>, vector<1x1x1x128xf32>
    %get3A_60 = vector.shape_cast %get3A_59 : vector<1x1x1x128xf32> to vector<1x128xf32>
    %add3A_61 = arith.addf %add3A, %get3A_60 : vector<1x128xf32>
    %swap3A_62 = arith.constant 0 : index
    %swap3A_63 = arith.constant 0 : index
    %swap3A_64 = arith.constant 0 : index
    %swap3A_65 = arith.constant 0 : index
    %swap3A_66 = vector.load %arg10[%swap3A_62, %swap3A_63, %swap3A_64, %swap3A_65] : memref<1x1x1x128xf32, #tpu.memory_space<vmem>>, vector<1x1x1x128xf32>
    %swap3A_67 = vector.shape_cast %swap3A_66 : vector<1x1x1x128xf32> to vector<1x128xf32>
    %swap3A_68 = vector.shape_cast %add3A_61 : vector<1x128xf32> to vector<1x1x1x128xf32>
    tpu.vector_store %arg10[%swap3A_62, %swap3A_63, %swap3A_64, %swap3A_65], %swap3A_68 {strides = array<i32>} : memref<1x1x1x128xf32, #tpu.memory_space<vmem>>, vector<1x1x1x128xf32>,
    return
  }
  func.func @transform_0(%arg0: i32, %arg1: i32) -> (i32, i32, i32, i32) {
    %c0_i32 = arith.constant 0 : i32
    %c0_i32_0 = arith.constant 0 : i32
    %c0_i32_1 = arith.constant 0 : i32
    return %arg0, %arg1, %c0_i32, %c0_i32_0 : i32, i32, i32, i32
  }
  func.func @transform_1(%arg0: i32, %arg1: i32) -> (i32, i32, i32, i32) {
    %c0_i32 = arith.constant 0 : i32
    %c0_i32_0 = arith.constant 0 : i32
    %c0_i32_1 = arith.constant 0 : i32
    return %arg0, %arg1, %c0_i32, %c0_i32_0 : i32, i32, i32, i32
  }
  func.func @transform_2(%arg0: i32, %arg1: i32) -> (i32, i32, i32, i32) {
    %c0_i32 = arith.constant 0 : i32
    %c0_i32_0 = arith.constant 0 : i32
    %c0_i32_1 = arith.constant 0 : i32
    return %arg0, %arg1, %c0_i32, %c0_i32_0 : i32, i32, i32, i32
  }
  func.func @transform_3(%arg0: i32, %arg1: i32) -> (i32, i32, i32, i32) {
    %c0_i32 = arith.constant 0 : i32
    %c0_i32_0 = arith.constant 0 : i32
    %c0_i32_1 = arith.constant 0 : i32
    return %arg0, %arg1, %c0_i32, %c0_i32_0 : i32, i32, i32, i32
  }
  func.func @transform_4(%arg0: i32, %arg1: i32) -> (i32, i32, i32, i32) {
    %c0_i32 = arith.constant 0 : i32
    %c0_i32_0 = arith.constant 0 : i32
    %c0_i32_1 = arith.constant 0 : i32
    return %arg0, %arg1, %c0_i32, %c0_i32_0 : i32, i32, i32, i32
  }
  func.func @transform_5(%arg0: i32, %arg1: i32) -> (i32, i32, i32, i32) {
    %c0_i32 = arith.constant 0 : i32
    %c0_i32_0 = arith.constant 0 : i32
    %c0_i32_1 = arith.constant 0 : i32
    return %arg0, %arg1, %c0_i32, %c0_i32_0 : i32, i32, i32, i32
  }
  func.func @transform_6(%arg0: i32, %arg1: i32) -> (i32, i32, i32, i32) {
    %c0_i32 = arith.constant 0 : i32
    %c0_i32_0 = arith.constant 0 : i32
    %c0_i32_1 = arith.constant 0 : i32
    return %arg0, %arg1, %c0_i32, %c0_i32_0 : i32, i32, i32, i32
  }
  func.func @transform_7(%arg0: i32, %arg1: i32) -> (i32, i32, i32, i32) {
    %c0_i32 = arith.constant 0 : i32
    %c0_i32_0 = arith.constant 0 : i32
    %c0_i32_1 = arith.constant 0 : i32
    return %arg0, %arg1, %c0_i32, %c0_i32_0 : i32, i32, i32, i32
  }
  func.func @transform_8(%arg0: i32, %arg1: i32) -> (i32, i32, i32, i32) {
    %c0_i32 = arith.constant 0 : i32
    %c0_i32_0 = arith.constant 0 : i32
    %c0_i32_1 = arith.constant 0 : i32
    return %arg0, %arg1, %c0_i32, %c0_i32_0 : i32, i32, i32, i32
  }
}

module attributes {stable_mosaic.version = 14 : i64} {
  func.func @_layer_body(%arg0: i32, %arg1: i32, %arg2: i32, %arg3: memref<1000x128xf32, #tpu.memory_space<vmem>>, %arg4: memref<1x1000x128xf32, #tpu.memory_space<vmem>>, %arg5: memref<1x1000x16xf32, #tpu.memory_space<vmem>>, %arg6: memref<1x128x128xf32, #tpu.memory_space<vmem>>, %arg7: memref<1x128x128xf32, #tpu.memory_space<vmem>>, %arg8: memref<1x1x128xf32, #tpu.memory_space<vmem>>, %arg9: memref<1x1x128xf32, #tpu.memory_space<vmem>>, %arg10: memref<1x1x128xf32, #tpu.memory_space<vmem>>, %arg11: memref<1000x128xf32, #tpu.memory_space<vmem>>, %arg12: memref<10000x128xf32, #tpu.memory_space<vmem>>, %arg13: memref<8x128xf32, #tpu.memory_space<vmem>>) attributes {dimension_semantics = [#tpu.dimension_semantics<arbitrary>, #tpu.dimension_semantics<arbitrary>, #tpu.dimension_semantics<arbitrary>], iteration_bounds = array<i64: 2, 2, 10>, scalar_prefetch = 0 : i64, scratch_operands = 2 : i64, tpu.core_type = #tpu.core_type<tc>, window_params = [{transform_indices = @transform_0, window_bounds = array<i64: 1000, 128>}, {transform_indices = @transform_1, window_bounds = array<i64: 1, 1000, 128>}, {transform_indices = @transform_2, window_bounds = array<i64: 1, 1000, 16>}, {transform_indices = @transform_3, window_bounds = array<i64: 1, 128, 128>}, {transform_indices = @transform_4, window_bounds = array<i64: 1, 128, 128>}, {transform_indices = @transform_5, window_bounds = array<i64: 1, 1, 128>}, {transform_indices = @transform_6, window_bounds = array<i64: 1, 1, 128>}, {transform_indices = @transform_7, window_bounds = array<i64: 1, 1, 128>}, {transform_indices = @transform_8, window_bounds = array<i64: 1000, 128>}]} {
    %eq3A = arith.constant 0 : i32
    %eq3A_0 = arith.cmpi eq, %arg1, %eq3A : i32
    %convert_element_type3A = arith.extui %eq3A_0 : i1 to i32
    %cond3A = arith.constant 0 : i32
    %cond3A_1 = arith.cmpi ne, %convert_element_type3A, %cond3A : i32
    scf.if %cond3A_1 {
      %get3A = arith.constant 0 : index
      %get3A_7 = arith.constant 0 : index
      %get3A_8 = arith.constant 0 : index
      %get3A_9 = vector.load %arg5[%get3A, %get3A_7, %get3A_8] : memref<1x1000x16xf32, #tpu.memory_space<vmem>>, vector<1x1000x1xf32>
      %get3A_10 = vector.shape_cast %get3A_9 : vector<1x1000x1xf32> to vector<1000x1xf32>
      %max3A = arith.constant 1.000000e+00 : f32
      %max3A_11 = vector.broadcast %max3A : f32 to vector<1000x1xf32>
      %max3A_12 = arith.maximumf %get3A_10, %max3A_11 : vector<1000x1xf32>
      %div3A = arith.constant 1.000000e+00 : f32
      %div3A_13 = vector.broadcast %div3A : f32 to vector<1000x1xf32>
      %div3A_14 = arith.divf %div3A_13, %max3A_12 : vector<1000x1xf32>
      %get3A_15 = arith.constant 0 : index
      %get3A_16 = arith.constant 0 : index
      %get3A_17 = arith.constant 0 : index
      %get3A_18 = vector.load %arg4[%get3A_15, %get3A_16, %get3A_17] : memref<1x1000x128xf32, #tpu.memory_space<vmem>>, vector<1x1000x128xf32>
      %get3A_19 = vector.shape_cast %get3A_18 : vector<1x1000x128xf32> to vector<1000x128xf32>
      %mul3A = vector.broadcast %div3A_14 : vector<1000x1xf32> to vector<1000x128xf32>
      %mul3A_20 = arith.mulf %get3A_19, %mul3A : vector<1000x128xf32>
      %get3A_21 = arith.constant 0 : index
      %get3A_22 = arith.constant 0 : index
      %get3A_23 = vector.load %arg3[%get3A_21, %get3A_22] : memref<1000x128xf32, #tpu.memory_space<vmem>>, vector<1000x128xf32>
      %get3A_24 = arith.constant 0 : index
      %get3A_25 = arith.constant 0 : index
      %get3A_26 = arith.constant 0 : index
      %get3A_27 = vector.load %arg6[%get3A_24, %get3A_25, %get3A_26] : memref<1x128x128xf32, #tpu.memory_space<vmem>>, vector<1x128x128xf32>
      %get3A_28 = vector.shape_cast %get3A_27 : vector<1x128x128xf32> to vector<128x128xf32>
      %dot_general3A = arith.constant dense<0.000000e+00> : vector<1000x128xf32>
      %dot_general3A_29 = tpu.matmul %get3A_23, %get3A_28, %dot_general3A {dimension_numbers = #tpu.dot_dimension_numbers<[1], [0], [0], [1], [0, 0, 1, 1], [], []>, transpose_lhs_hint = false} : vector<1000x128xf32>, vector<128x128xf32>, vector<1000x128xf32> -> vector<1000x128xf32>
      %get3A_30 = arith.constant 0 : index
      %get3A_31 = arith.constant 0 : index
      %get3A_32 = arith.constant 0 : index
      %get3A_33 = vector.load %arg7[%get3A_30, %get3A_31, %get3A_32] : memref<1x128x128xf32, #tpu.memory_space<vmem>>, vector<1x128x128xf32>
      %get3A_34 = vector.shape_cast %get3A_33 : vector<1x128x128xf32> to vector<128x128xf32>
      %dot_general3A_35 = arith.constant dense<0.000000e+00> : vector<1000x128xf32>
      %dot_general3A_36 = tpu.matmul %mul3A_20, %get3A_34, %dot_general3A_35 {dimension_numbers = #tpu.dot_dimension_numbers<[1], [0], [0], [1], [0, 0, 1, 1], [], []>, transpose_lhs_hint = false} : vector<1000x128xf32>, vector<128x128xf32>, vector<1000x128xf32> -> vector<1000x128xf32>
      %add3A = arith.addf %dot_general3A_29, %dot_general3A_36 : vector<1000x128xf32>
      %get3A_37 = arith.constant 0 : index
      %get3A_38 = arith.constant 0 : index
      %get3A_39 = arith.constant 0 : index
      %get3A_40 = vector.load %arg8[%get3A_37, %get3A_38, %get3A_39] : memref<1x1x128xf32, #tpu.memory_space<vmem>>, vector<1x1x128xf32>
      %get3A_41 = vector.shape_cast %get3A_40 : vector<1x1x128xf32> to vector<1x128xf32>
      %add3A_42 = vector.broadcast %get3A_41 : vector<1x128xf32> to vector<1000x128xf32>
      %add3A_43 = arith.addf %add3A, %add3A_42 : vector<1000x128xf32>
      %mul3A_44 = arith.constant 1000 : i32
      %mul3A_45 = arith.muli %arg2, %mul3A_44 : i32
      %swap3A = arith.index_cast %mul3A_45 : i32 to index
      %swap3A_46 = arith.constant 0 : index
      %swap3A_47 = vector.load %arg12[%swap3A, %swap3A_46] : memref<10000x128xf32, #tpu.memory_space<vmem>>, vector<1000x128xf32>
      tpu.vector_store %arg12[%swap3A, %swap3A_46], %add3A_43 {strides = array<i32>} : memref<10000x128xf32, #tpu.memory_space<vmem>>, vector<1000x128xf32>,
      %eq3A_48 = arith.constant 0 : i32
      %eq3A_49 = arith.cmpi eq, %arg2, %eq3A_48 : i32
      %convert_element_type3A_50 = arith.extui %eq3A_49 : i1 to i32
      %cond3A_51 = arith.constant 0 : i32
      %cond3A_52 = arith.cmpi ne, %convert_element_type3A_50, %cond3A_51 : i32
      scf.if %cond3A_52 {
        %broadcast_in_dim3A_67 = arith.constant 0.000000e+00 : f32
        %broadcast_in_dim3A_68 = vector.broadcast %broadcast_in_dim3A_67 : f32 to vector<8x128xf32>
        %swap3A_69 = arith.constant 0 : index
        %swap3A_70 = arith.constant 0 : index
        %swap3A_71 = vector.load %arg13[%swap3A_69, %swap3A_70] : memref<8x128xf32, #tpu.memory_space<vmem>>, vector<8x128xf32>
        tpu.vector_store %arg13[%swap3A_69, %swap3A_70], %broadcast_in_dim3A_68 {strides = array<i32>} : memref<8x128xf32, #tpu.memory_space<vmem>>, vector<8x128xf32>,
      } else {
      }
      %reduce_sum3A = arith.constant dense<0.000000e+00> : vector<128xf32>
      %reduce_sum3A_53 = vector.multi_reduction <add>, %add3A_43, %reduce_sum3A [0] : vector<1000x128xf32> to vector<128xf32>
      %broadcast_in_dim3A = vector.shape_cast %reduce_sum3A_53 : vector<128xf32> to vector<1x128xf32>
      %mul3A_54 = arith.mulf %add3A_43, %add3A_43 : vector<1000x128xf32>
      %reduce_sum3A_55 = arith.constant dense<0.000000e+00> : vector<128xf32>
      %reduce_sum3A_56 = vector.multi_reduction <add>, %mul3A_54, %reduce_sum3A_55 [0] : vector<1000x128xf32> to vector<128xf32>
      %broadcast_in_dim3A_57 = vector.shape_cast %reduce_sum3A_56 : vector<128xf32> to vector<1x128xf32>
      %get3A_58 = arith.constant 0 : index
      %get3A_59 = arith.constant 0 : index
      %get3A_60 = vector.load %arg13[%get3A_58, %get3A_59] : memref<8x128xf32, #tpu.memory_space<vmem>>, vector<8x128xf32>
      %broadcast_in_dim3A_61 = arith.constant 0.000000e+00 : f32
      %broadcast_in_dim3A_62 = vector.broadcast %broadcast_in_dim3A_61 : f32 to vector<6x128xf32>
      %concatenate3A = tpu.concatenate %broadcast_in_dim3A, %broadcast_in_dim3A_57, %broadcast_in_dim3A_62 in 0 : vector<1x128xf32>, vector<1x128xf32>, vector<6x128xf32> -> vector<8x128xf32>
      %add3A_63 = arith.addf %get3A_60, %concatenate3A : vector<8x128xf32>
      %swap3A_64 = arith.constant 0 : index
      %swap3A_65 = arith.constant 0 : index
      %swap3A_66 = vector.load %arg13[%swap3A_64, %swap3A_65] : memref<8x128xf32, #tpu.memory_space<vmem>>, vector<8x128xf32>
      tpu.vector_store %arg13[%swap3A_64, %swap3A_65], %add3A_63 {strides = array<i32>} : memref<8x128xf32, #tpu.memory_space<vmem>>, vector<8x128xf32>,
    } else {
    }
    %eq3A_2 = arith.constant 1 : i32
    %eq3A_3 = arith.cmpi eq, %arg1, %eq3A_2 : i32
    %convert_element_type3A_4 = arith.extui %eq3A_3 : i1 to i32
    %cond3A_5 = arith.constant 0 : i32
    %cond3A_6 = arith.cmpi ne, %convert_element_type3A_4, %cond3A_5 : i32
    scf.if %cond3A_6 {
      %get3A = arith.constant 0 : index
      %get3A_7 = arith.constant 0 : index
      %get3A_8 = vector.load %arg13[%get3A, %get3A_7] : memref<8x128xf32, #tpu.memory_space<vmem>>, vector<1x128xf32>
      %div3A = arith.constant 1.000000e+04 : f32
      %div3A_9 = vector.broadcast %div3A : f32 to vector<1x128xf32>
      %div3A_10 = arith.divf %get3A_8, %div3A_9 : vector<1x128xf32>
      %get3A_11 = arith.constant 1 : index
      %get3A_12 = arith.constant 0 : index
      %get3A_13 = vector.load %arg13[%get3A_11, %get3A_12] : memref<8x128xf32, #tpu.memory_space<vmem>>, vector<1x128xf32>
      %div3A_14 = arith.constant 1.000000e+04 : f32
      %div3A_15 = vector.broadcast %div3A_14 : f32 to vector<1x128xf32>
      %div3A_16 = arith.divf %get3A_13, %div3A_15 : vector<1x128xf32>
      %mul3A = arith.mulf %div3A_10, %div3A_10 : vector<1x128xf32>
      %sub3A = arith.subf %div3A_16, %mul3A : vector<1x128xf32>
      %get3A_17 = arith.constant 0 : index
      %get3A_18 = arith.constant 0 : index
      %get3A_19 = arith.constant 0 : index
      %get3A_20 = vector.load %arg9[%get3A_17, %get3A_18, %get3A_19] : memref<1x1x128xf32, #tpu.memory_space<vmem>>, vector<1x1x128xf32>
      %get3A_21 = vector.shape_cast %get3A_20 : vector<1x1x128xf32> to vector<1x128xf32>
      %add3A = arith.constant 1.000000e+00 : f32
      %add3A_22 = vector.broadcast %add3A : f32 to vector<1x128xf32>
      %add3A_23 = arith.addf %sub3A, %add3A_22 : vector<1x128xf32>
      %sqrt3A = math.sqrt %add3A_23 : vector<1x128xf32>
      %div3A_24 = arith.divf %get3A_21, %sqrt3A : vector<1x128xf32>
      %mul3A_25 = arith.constant 1000 : i32
      %mul3A_26 = arith.muli %arg2, %mul3A_25 : i32
      %get3A_27 = arith.index_cast %mul3A_26 : i32 to index
      %get3A_28 = arith.constant 0 : index
      %get3A_29 = vector.load %arg12[%get3A_27, %get3A_28] : memref<10000x128xf32, #tpu.memory_space<vmem>>, vector<1000x128xf32>
      %sub3A_30 = vector.broadcast %div3A_10 : vector<1x128xf32> to vector<1000x128xf32>
      %sub3A_31 = arith.subf %get3A_29, %sub3A_30 : vector<1000x128xf32>
      %mul3A_32 = vector.broadcast %div3A_24 : vector<1x128xf32> to vector<1000x128xf32>
      %mul3A_33 = arith.mulf %sub3A_31, %mul3A_32 : vector<1000x128xf32>
      %get3A_34 = arith.constant 0 : index
      %get3A_35 = arith.constant 0 : index
      %get3A_36 = arith.constant 0 : index
      %get3A_37 = vector.load %arg10[%get3A_34, %get3A_35, %get3A_36] : memref<1x1x128xf32, #tpu.memory_space<vmem>>, vector<1x1x128xf32>
      %get3A_38 = vector.shape_cast %get3A_37 : vector<1x1x128xf32> to vector<1x128xf32>
      %add3A_39 = vector.broadcast %get3A_38 : vector<1x128xf32> to vector<1000x128xf32>
      %add3A_40 = arith.addf %mul3A_33, %add3A_39 : vector<1000x128xf32>
      %ge3A = arith.constant 0.000000e+00 : f32
      %ge3A_41 = vector.broadcast %ge3A : f32 to vector<1000x128xf32>
      %ge3A_42 = arith.cmpf oge, %add3A_40, %ge3A_41 : vector<1000x128xf32>
      %mul3A_43 = arith.constant 0.00999999977 : f32
      %mul3A_44 = vector.broadcast %mul3A_43 : f32 to vector<1000x128xf32>
      %mul3A_45 = arith.mulf %mul3A_44, %add3A_40 : vector<1000x128xf32>
      %select_n3A = arith.select %ge3A_42, %add3A_40, %mul3A_45 : vector<1000x128xi1>, vector<1000x128xf32>
      %swap3A = arith.constant 0 : index
      %swap3A_46 = arith.constant 0 : index
      %swap3A_47 = vector.load %arg11[%swap3A, %swap3A_46] : memref<1000x128xf32, #tpu.memory_space<vmem>>, vector<1000x128xf32>
      tpu.vector_store %arg11[%swap3A, %swap3A_46], %select_n3A {strides = array<i32>} : memref<1000x128xf32, #tpu.memory_space<vmem>>, vector<1000x128xf32>,
    } else {
    }
    return
  }
  func.func @transform_0(%arg0: i32, %arg1: i32, %arg2: i32) -> (i32, i32) {
    %mul3A = arith.constant 10 : i32
    %mul3A_0 = arith.muli %arg0, %mul3A : i32
    %sub3A = arith.constant 1 : i32
    %sub3A_1 = arith.subi %sub3A, %arg1 : i32
    %mul3A_2 = arith.muli %arg2, %sub3A_1 : i32
    %add3A = arith.addi %mul3A_0, %mul3A_2 : i32
    %c0_i32 = arith.constant 0 : i32
    %c0_i32_3 = arith.constant 0 : i32
    return %add3A, %c0_i32 : i32, i32
  }
  func.func @transform_1(%arg0: i32, %arg1: i32, %arg2: i32) -> (i32, i32, i32) {
    %sub3A = arith.constant 1 : i32
    %sub3A_0 = arith.subi %sub3A, %arg1 : i32
    %mul3A = arith.muli %arg2, %sub3A_0 : i32
    %c0_i32 = arith.constant 0 : i32
    %c0_i32_1 = arith.constant 0 : i32
    return %arg0, %mul3A, %c0_i32 : i32, i32, i32
  }
  func.func @transform_2(%arg0: i32, %arg1: i32, %arg2: i32) -> (i32, i32, i32) {
    %sub3A = arith.constant 1 : i32
    %sub3A_0 = arith.subi %sub3A, %arg1 : i32
    %mul3A = arith.muli %arg2, %sub3A_0 : i32
    %c0_i32 = arith.constant 0 : i32
    %c0_i32_1 = arith.constant 0 : i32
    return %arg0, %mul3A, %c0_i32 : i32, i32, i32
  }
  func.func @transform_3(%arg0: i32, %arg1: i32, %arg2: i32) -> (i32, i32, i32) {
    %c0_i32 = arith.constant 0 : i32
    %c0_i32_0 = arith.constant 0 : i32
    %c0_i32_1 = arith.constant 0 : i32
    return %arg0, %c0_i32, %c0_i32_0 : i32, i32, i32
  }
  func.func @transform_4(%arg0: i32, %arg1: i32, %arg2: i32) -> (i32, i32, i32) {
    %c0_i32 = arith.constant 0 : i32
    %c0_i32_0 = arith.constant 0 : i32
    %c0_i32_1 = arith.constant 0 : i32
    return %arg0, %c0_i32, %c0_i32_0 : i32, i32, i32
  }
  func.func @transform_5(%arg0: i32, %arg1: i32, %arg2: i32) -> (i32, i32, i32) {
    %c0_i32 = arith.constant 0 : i32
    %c0_i32_0 = arith.constant 0 : i32
    %c0_i32_1 = arith.constant 0 : i32
    return %arg0, %c0_i32, %c0_i32_0 : i32, i32, i32
  }
  func.func @transform_6(%arg0: i32, %arg1: i32, %arg2: i32) -> (i32, i32, i32) {
    %c0_i32 = arith.constant 0 : i32
    %c0_i32_0 = arith.constant 0 : i32
    %c0_i32_1 = arith.constant 0 : i32
    return %arg0, %c0_i32, %c0_i32_0 : i32, i32, i32
  }
  func.func @transform_7(%arg0: i32, %arg1: i32, %arg2: i32) -> (i32, i32, i32) {
    %c0_i32 = arith.constant 0 : i32
    %c0_i32_0 = arith.constant 0 : i32
    %c0_i32_1 = arith.constant 0 : i32
    return %arg0, %c0_i32, %c0_i32_0 : i32, i32, i32
  }
  func.func @transform_8(%arg0: i32, %arg1: i32, %arg2: i32) -> (i32, i32) {
    %mul3A = arith.constant 10 : i32
    %mul3A_0 = arith.muli %arg0, %mul3A : i32
    %add3A = arith.addi %mul3A_0, %arg2 : i32
    %mul3A_1 = arith.muli %arg1, %add3A : i32
    %sub3A = arith.constant 1 : i32
    %sub3A_2 = arith.subi %sub3A, %arg1 : i32
    %mul3A_3 = arith.constant 2 : i32
    %mul3A_4 = arith.muli %sub3A_2, %mul3A_3 : i32
    %mul3A_5 = arith.constant 10 : i32
    %mul3A_6 = arith.muli %mul3A_4, %mul3A_5 : i32
    %add3A_7 = arith.addi %mul3A_1, %mul3A_6 : i32
    %c0_i32 = arith.constant 0 : i32
    %c0_i32_8 = arith.constant 0 : i32
    return %add3A_7, %c0_i32 : i32, i32
  }
}

module attributes {stable_mosaic.version = 14 : i64} {
  func.func @_layer_fc_body(%arg0: i32, %arg1: i32, %arg2: i32, %arg3: memref<1000x128xf32, #tpu.memory_space<vmem>>, %arg4: memref<1x1000x128xf32, #tpu.memory_space<vmem>>, %arg5: memref<1x1000x16xf32, #tpu.memory_space<vmem>>, %arg6: memref<1x128x128xf32, #tpu.memory_space<vmem>>, %arg7: memref<1x128x128xf32, #tpu.memory_space<vmem>>, %arg8: memref<1x1x128xf32, #tpu.memory_space<vmem>>, %arg9: memref<1x1x128xf32, #tpu.memory_space<vmem>>, %arg10: memref<1x1x128xf32, #tpu.memory_space<vmem>>, %arg11: memref<1x128x1xf32, #tpu.memory_space<vmem>>, %arg12: memref<1x1x1xf32, #tpu.memory_space<vmem>>, %arg13: memref<1000x1xf32, #tpu.memory_space<vmem>>, %arg14: memref<10000x128xf32, #tpu.memory_space<vmem>>, %arg15: memref<8x128xf32, #tpu.memory_space<vmem>>) attributes {dimension_semantics = [#tpu.dimension_semantics<arbitrary>, #tpu.dimension_semantics<arbitrary>, #tpu.dimension_semantics<arbitrary>], iteration_bounds = array<i64: 2, 2, 10>, scalar_prefetch = 0 : i64, scratch_operands = 2 : i64, tpu.core_type = #tpu.core_type<tc>, window_params = [{transform_indices = @transform_0, window_bounds = array<i64: 1000, 128>}, {transform_indices = @transform_1, window_bounds = array<i64: 1, 1000, 128>}, {transform_indices = @transform_2, window_bounds = array<i64: 1, 1000, 16>}, {transform_indices = @transform_3, window_bounds = array<i64: 1, 128, 128>}, {transform_indices = @transform_4, window_bounds = array<i64: 1, 128, 128>}, {transform_indices = @transform_5, window_bounds = array<i64: 1, 1, 128>}, {transform_indices = @transform_6, window_bounds = array<i64: 1, 1, 128>}, {transform_indices = @transform_7, window_bounds = array<i64: 1, 1, 128>}, {transform_indices = @transform_8, window_bounds = array<i64: 1, 128, 1>}, {transform_indices = @transform_9, window_bounds = array<i64: 1, 1, 1>}, {transform_indices = @transform_10, window_bounds = array<i64: 1000, 1>}]} {
    %eq3A = arith.constant 0 : i32
    %eq3A_0 = arith.cmpi eq, %arg1, %eq3A : i32
    %convert_element_type3A = arith.extui %eq3A_0 : i1 to i32
    %cond3A = arith.constant 0 : i32
    %cond3A_1 = arith.cmpi ne, %convert_element_type3A, %cond3A : i32
    scf.if %cond3A_1 {
      %get3A = arith.constant 0 : index
      %get3A_7 = arith.constant 0 : index
      %get3A_8 = arith.constant 0 : index
      %get3A_9 = vector.load %arg5[%get3A, %get3A_7, %get3A_8] : memref<1x1000x16xf32, #tpu.memory_space<vmem>>, vector<1x1000x1xf32>
      %get3A_10 = vector.shape_cast %get3A_9 : vector<1x1000x1xf32> to vector<1000x1xf32>
      %max3A = arith.constant 1.000000e+00 : f32
      %max3A_11 = vector.broadcast %max3A : f32 to vector<1000x1xf32>
      %max3A_12 = arith.maximumf %get3A_10, %max3A_11 : vector<1000x1xf32>
      %div3A = arith.constant 1.000000e+00 : f32
      %div3A_13 = vector.broadcast %div3A : f32 to vector<1000x1xf32>
      %div3A_14 = arith.divf %div3A_13, %max3A_12 : vector<1000x1xf32>
      %get3A_15 = arith.constant 0 : index
      %get3A_16 = arith.constant 0 : index
      %get3A_17 = arith.constant 0 : index
      %get3A_18 = vector.load %arg4[%get3A_15, %get3A_16, %get3A_17] : memref<1x1000x128xf32, #tpu.memory_space<vmem>>, vector<1x1000x128xf32>
      %get3A_19 = vector.shape_cast %get3A_18 : vector<1x1000x128xf32> to vector<1000x128xf32>
      %mul3A = vector.broadcast %div3A_14 : vector<1000x1xf32> to vector<1000x128xf32>
      %mul3A_20 = arith.mulf %get3A_19, %mul3A : vector<1000x128xf32>
      %get3A_21 = arith.constant 0 : index
      %get3A_22 = arith.constant 0 : index
      %get3A_23 = vector.load %arg3[%get3A_21, %get3A_22] : memref<1000x128xf32, #tpu.memory_space<vmem>>, vector<1000x128xf32>
      %get3A_24 = arith.constant 0 : index
      %get3A_25 = arith.constant 0 : index
      %get3A_26 = arith.constant 0 : index
      %get3A_27 = vector.load %arg6[%get3A_24, %get3A_25, %get3A_26] : memref<1x128x128xf32, #tpu.memory_space<vmem>>, vector<1x128x128xf32>
      %get3A_28 = vector.shape_cast %get3A_27 : vector<1x128x128xf32> to vector<128x128xf32>
      %dot_general3A = arith.constant dense<0.000000e+00> : vector<1000x128xf32>
      %dot_general3A_29 = tpu.matmul %get3A_23, %get3A_28, %dot_general3A {dimension_numbers = #tpu.dot_dimension_numbers<[1], [0], [0], [1], [0, 0, 1, 1], [], []>, transpose_lhs_hint = false} : vector<1000x128xf32>, vector<128x128xf32>, vector<1000x128xf32> -> vector<1000x128xf32>
      %get3A_30 = arith.constant 0 : index
      %get3A_31 = arith.constant 0 : index
      %get3A_32 = arith.constant 0 : index
      %get3A_33 = vector.load %arg7[%get3A_30, %get3A_31, %get3A_32] : memref<1x128x128xf32, #tpu.memory_space<vmem>>, vector<1x128x128xf32>
      %get3A_34 = vector.shape_cast %get3A_33 : vector<1x128x128xf32> to vector<128x128xf32>
      %dot_general3A_35 = arith.constant dense<0.000000e+00> : vector<1000x128xf32>
      %dot_general3A_36 = tpu.matmul %mul3A_20, %get3A_34, %dot_general3A_35 {dimension_numbers = #tpu.dot_dimension_numbers<[1], [0], [0], [1], [0, 0, 1, 1], [], []>, transpose_lhs_hint = false} : vector<1000x128xf32>, vector<128x128xf32>, vector<1000x128xf32> -> vector<1000x128xf32>
      %add3A = arith.addf %dot_general3A_29, %dot_general3A_36 : vector<1000x128xf32>
      %get3A_37 = arith.constant 0 : index
      %get3A_38 = arith.constant 0 : index
      %get3A_39 = arith.constant 0 : index
      %get3A_40 = vector.load %arg8[%get3A_37, %get3A_38, %get3A_39] : memref<1x1x128xf32, #tpu.memory_space<vmem>>, vector<1x1x128xf32>
      %get3A_41 = vector.shape_cast %get3A_40 : vector<1x1x128xf32> to vector<1x128xf32>
      %add3A_42 = vector.broadcast %get3A_41 : vector<1x128xf32> to vector<1000x128xf32>
      %add3A_43 = arith.addf %add3A, %add3A_42 : vector<1000x128xf32>
      %mul3A_44 = arith.constant 1000 : i32
      %mul3A_45 = arith.muli %arg2, %mul3A_44 : i32
      %swap3A = arith.index_cast %mul3A_45 : i32 to index
      %swap3A_46 = arith.constant 0 : index
      %swap3A_47 = vector.load %arg14[%swap3A, %swap3A_46] : memref<10000x128xf32, #tpu.memory_space<vmem>>, vector<1000x128xf32>
      tpu.vector_store %arg14[%swap3A, %swap3A_46], %add3A_43 {strides = array<i32>} : memref<10000x128xf32, #tpu.memory_space<vmem>>, vector<1000x128xf32>,
      %eq3A_48 = arith.constant 0 : i32
      %eq3A_49 = arith.cmpi eq, %arg2, %eq3A_48 : i32
      %convert_element_type3A_50 = arith.extui %eq3A_49 : i1 to i32
      %cond3A_51 = arith.constant 0 : i32
      %cond3A_52 = arith.cmpi ne, %convert_element_type3A_50, %cond3A_51 : i32
      scf.if %cond3A_52 {
        %broadcast_in_dim3A_67 = arith.constant 0.000000e+00 : f32
        %broadcast_in_dim3A_68 = vector.broadcast %broadcast_in_dim3A_67 : f32 to vector<8x128xf32>
        %swap3A_69 = arith.constant 0 : index
        %swap3A_70 = arith.constant 0 : index
        %swap3A_71 = vector.load %arg15[%swap3A_69, %swap3A_70] : memref<8x128xf32, #tpu.memory_space<vmem>>, vector<8x128xf32>
        tpu.vector_store %arg15[%swap3A_69, %swap3A_70], %broadcast_in_dim3A_68 {strides = array<i32>} : memref<8x128xf32, #tpu.memory_space<vmem>>, vector<8x128xf32>,
      } else {
      }
      %reduce_sum3A = arith.constant dense<0.000000e+00> : vector<128xf32>
      %reduce_sum3A_53 = vector.multi_reduction <add>, %add3A_43, %reduce_sum3A [0] : vector<1000x128xf32> to vector<128xf32>
      %broadcast_in_dim3A = vector.shape_cast %reduce_sum3A_53 : vector<128xf32> to vector<1x128xf32>
      %mul3A_54 = arith.mulf %add3A_43, %add3A_43 : vector<1000x128xf32>
      %reduce_sum3A_55 = arith.constant dense<0.000000e+00> : vector<128xf32>
      %reduce_sum3A_56 = vector.multi_reduction <add>, %mul3A_54, %reduce_sum3A_55 [0] : vector<1000x128xf32> to vector<128xf32>
      %broadcast_in_dim3A_57 = vector.shape_cast %reduce_sum3A_56 : vector<128xf32> to vector<1x128xf32>
      %get3A_58 = arith.constant 0 : index
      %get3A_59 = arith.constant 0 : index
      %get3A_60 = vector.load %arg15[%get3A_58, %get3A_59] : memref<8x128xf32, #tpu.memory_space<vmem>>, vector<8x128xf32>
      %broadcast_in_dim3A_61 = arith.constant 0.000000e+00 : f32
      %broadcast_in_dim3A_62 = vector.broadcast %broadcast_in_dim3A_61 : f32 to vector<6x128xf32>
      %concatenate3A = tpu.concatenate %broadcast_in_dim3A, %broadcast_in_dim3A_57, %broadcast_in_dim3A_62 in 0 : vector<1x128xf32>, vector<1x128xf32>, vector<6x128xf32> -> vector<8x128xf32>
      %add3A_63 = arith.addf %get3A_60, %concatenate3A : vector<8x128xf32>
      %swap3A_64 = arith.constant 0 : index
      %swap3A_65 = arith.constant 0 : index
      %swap3A_66 = vector.load %arg15[%swap3A_64, %swap3A_65] : memref<8x128xf32, #tpu.memory_space<vmem>>, vector<8x128xf32>
      tpu.vector_store %arg15[%swap3A_64, %swap3A_65], %add3A_63 {strides = array<i32>} : memref<8x128xf32, #tpu.memory_space<vmem>>, vector<8x128xf32>,
    } else {
    }
    %eq3A_2 = arith.constant 1 : i32
    %eq3A_3 = arith.cmpi eq, %arg1, %eq3A_2 : i32
    %convert_element_type3A_4 = arith.extui %eq3A_3 : i1 to i32
    %cond3A_5 = arith.constant 0 : i32
    %cond3A_6 = arith.cmpi ne, %convert_element_type3A_4, %cond3A_5 : i32
    scf.if %cond3A_6 {
      %get3A = arith.constant 0 : index
      %get3A_7 = arith.constant 0 : index
      %get3A_8 = vector.load %arg15[%get3A, %get3A_7] : memref<8x128xf32, #tpu.memory_space<vmem>>, vector<1x128xf32>
      %div3A = arith.constant 1.000000e+04 : f32
      %div3A_9 = vector.broadcast %div3A : f32 to vector<1x128xf32>
      %div3A_10 = arith.divf %get3A_8, %div3A_9 : vector<1x128xf32>
      %get3A_11 = arith.constant 1 : index
      %get3A_12 = arith.constant 0 : index
      %get3A_13 = vector.load %arg15[%get3A_11, %get3A_12] : memref<8x128xf32, #tpu.memory_space<vmem>>, vector<1x128xf32>
      %div3A_14 = arith.constant 1.000000e+04 : f32
      %div3A_15 = vector.broadcast %div3A_14 : f32 to vector<1x128xf32>
      %div3A_16 = arith.divf %get3A_13, %div3A_15 : vector<1x128xf32>
      %mul3A = arith.mulf %div3A_10, %div3A_10 : vector<1x128xf32>
      %sub3A = arith.subf %div3A_16, %mul3A : vector<1x128xf32>
      %get3A_17 = arith.constant 0 : index
      %get3A_18 = arith.constant 0 : index
      %get3A_19 = arith.constant 0 : index
      %get3A_20 = vector.load %arg9[%get3A_17, %get3A_18, %get3A_19] : memref<1x1x128xf32, #tpu.memory_space<vmem>>, vector<1x1x128xf32>
      %get3A_21 = vector.shape_cast %get3A_20 : vector<1x1x128xf32> to vector<1x128xf32>
      %add3A = arith.constant 1.000000e+00 : f32
      %add3A_22 = vector.broadcast %add3A : f32 to vector<1x128xf32>
      %add3A_23 = arith.addf %sub3A, %add3A_22 : vector<1x128xf32>
      %sqrt3A = math.sqrt %add3A_23 : vector<1x128xf32>
      %div3A_24 = arith.divf %get3A_21, %sqrt3A : vector<1x128xf32>
      %mul3A_25 = arith.constant 1000 : i32
      %mul3A_26 = arith.muli %arg2, %mul3A_25 : i32
      %get3A_27 = arith.index_cast %mul3A_26 : i32 to index
      %get3A_28 = arith.constant 0 : index
      %get3A_29 = vector.load %arg14[%get3A_27, %get3A_28] : memref<10000x128xf32, #tpu.memory_space<vmem>>, vector<1000x128xf32>
      %sub3A_30 = vector.broadcast %div3A_10 : vector<1x128xf32> to vector<1000x128xf32>
      %sub3A_31 = arith.subf %get3A_29, %sub3A_30 : vector<1000x128xf32>
      %mul3A_32 = vector.broadcast %div3A_24 : vector<1x128xf32> to vector<1000x128xf32>
      %mul3A_33 = arith.mulf %sub3A_31, %mul3A_32 : vector<1000x128xf32>
      %get3A_34 = arith.constant 0 : index
      %get3A_35 = arith.constant 0 : index
      %get3A_36 = arith.constant 0 : index
      %get3A_37 = vector.load %arg10[%get3A_34, %get3A_35, %get3A_36] : memref<1x1x128xf32, #tpu.memory_space<vmem>>, vector<1x1x128xf32>
      %get3A_38 = vector.shape_cast %get3A_37 : vector<1x1x128xf32> to vector<1x128xf32>
      %add3A_39 = vector.broadcast %get3A_38 : vector<1x128xf32> to vector<1000x128xf32>
      %add3A_40 = arith.addf %mul3A_33, %add3A_39 : vector<1000x128xf32>
      %ge3A = arith.constant 0.000000e+00 : f32
      %ge3A_41 = vector.broadcast %ge3A : f32 to vector<1000x128xf32>
      %ge3A_42 = arith.cmpf oge, %add3A_40, %ge3A_41 : vector<1000x128xf32>
      %mul3A_43 = arith.constant 0.00999999977 : f32
      %mul3A_44 = vector.broadcast %mul3A_43 : f32 to vector<1000x128xf32>
      %mul3A_45 = arith.mulf %mul3A_44, %add3A_40 : vector<1000x128xf32>
      %select_n3A = arith.select %ge3A_42, %add3A_40, %mul3A_45 : vector<1000x128xi1>, vector<1000x128xf32>
      %get3A_46 = arith.constant 0 : index
      %get3A_47 = arith.constant 0 : index
      %get3A_48 = arith.constant 0 : index
      %get3A_49 = vector.load %arg11[%get3A_46, %get3A_47, %get3A_48] : memref<1x128x1xf32, #tpu.memory_space<vmem>>, vector<1x128x1xf32>
      %get3A_50 = vector.shape_cast %get3A_49 : vector<1x128x1xf32> to vector<128x1xf32>
      %dot_general3A = arith.constant dense<0.000000e+00> : vector<1000x1xf32>
      %dot_general3A_51 = tpu.matmul %select_n3A, %get3A_50, %dot_general3A {dimension_numbers = #tpu.dot_dimension_numbers<[1], [0], [0], [1], [0, 0, 1, 1], [], []>, transpose_lhs_hint = false} : vector<1000x128xf32>, vector<128x1xf32>, vector<1000x1xf32> -> vector<1000x1xf32>
      %get3A_52 = arith.constant 0 : index
      %get3A_53 = arith.constant 0 : index
      %get3A_54 = arith.constant 0 : index
      %get3A_55 = vector.load %arg12[%get3A_52, %get3A_53, %get3A_54] : memref<1x1x1xf32, #tpu.memory_space<vmem>>, vector<1x1x1xf32>
      %get3A_56 = vector.shape_cast %get3A_55 : vector<1x1x1xf32> to vector<1x1xf32>
      %add3A_57 = vector.broadcast %get3A_56 : vector<1x1xf32> to vector<1000x1xf32>
      %add3A_58 = arith.addf %dot_general3A_51, %add3A_57 : vector<1000x1xf32>
      %swap3A = arith.constant 0 : index
      %swap3A_59 = arith.constant 0 : index
      %swap3A_60 = vector.load %arg13[%swap3A, %swap3A_59] : memref<1000x1xf32, #tpu.memory_space<vmem>>, vector<1000x1xf32>
      tpu.vector_store %arg13[%swap3A, %swap3A_59], %add3A_58 {strides = array<i32>} : memref<1000x1xf32, #tpu.memory_space<vmem>>, vector<1000x1xf32>,
    } else {
    }
    return
  }
  func.func @transform_0(%arg0: i32, %arg1: i32, %arg2: i32) -> (i32, i32) {
    %mul3A = arith.constant 10 : i32
    %mul3A_0 = arith.muli %arg0, %mul3A : i32
    %sub3A = arith.constant 1 : i32
    %sub3A_1 = arith.subi %sub3A, %arg1 : i32
    %mul3A_2 = arith.muli %arg2, %sub3A_1 : i32
    %add3A = arith.addi %mul3A_0, %mul3A_2 : i32
    %c0_i32 = arith.constant 0 : i32
    %c0_i32_3 = arith.constant 0 : i32
    return %add3A, %c0_i32 : i32, i32
  }
  func.func @transform_1(%arg0: i32, %arg1: i32, %arg2: i32) -> (i32, i32, i32) {
    %sub3A = arith.constant 1 : i32
    %sub3A_0 = arith.subi %sub3A, %arg1 : i32
    %mul3A = arith.muli %arg2, %sub3A_0 : i32
    %c0_i32 = arith.constant 0 : i32
    %c0_i32_1 = arith.constant 0 : i32
    return %arg0, %mul3A, %c0_i32 : i32, i32, i32
  }
  func.func @transform_2(%arg0: i32, %arg1: i32, %arg2: i32) -> (i32, i32, i32) {
    %sub3A = arith.constant 1 : i32
    %sub3A_0 = arith.subi %sub3A, %arg1 : i32
    %mul3A = arith.muli %arg2, %sub3A_0 : i32
    %c0_i32 = arith.constant 0 : i32
    %c0_i32_1 = arith.constant 0 : i32
    return %arg0, %mul3A, %c0_i32 : i32, i32, i32
  }
  func.func @transform_3(%arg0: i32, %arg1: i32, %arg2: i32) -> (i32, i32, i32) {
    %c0_i32 = arith.constant 0 : i32
    %c0_i32_0 = arith.constant 0 : i32
    %c0_i32_1 = arith.constant 0 : i32
    return %arg0, %c0_i32, %c0_i32_0 : i32, i32, i32
  }
  func.func @transform_4(%arg0: i32, %arg1: i32, %arg2: i32) -> (i32, i32, i32) {
    %c0_i32 = arith.constant 0 : i32
    %c0_i32_0 = arith.constant 0 : i32
    %c0_i32_1 = arith.constant 0 : i32
    return %arg0, %c0_i32, %c0_i32_0 : i32, i32, i32
  }
  func.func @transform_5(%arg0: i32, %arg1: i32, %arg2: i32) -> (i32, i32, i32) {
    %c0_i32 = arith.constant 0 : i32
    %c0_i32_0 = arith.constant 0 : i32
    %c0_i32_1 = arith.constant 0 : i32
    return %arg0, %c0_i32, %c0_i32_0 : i32, i32, i32
  }
  func.func @transform_6(%arg0: i32, %arg1: i32, %arg2: i32) -> (i32, i32, i32) {
    %c0_i32 = arith.constant 0 : i32
    %c0_i32_0 = arith.constant 0 : i32
    %c0_i32_1 = arith.constant 0 : i32
    return %arg0, %c0_i32, %c0_i32_0 : i32, i32, i32
  }
  func.func @transform_7(%arg0: i32, %arg1: i32, %arg2: i32) -> (i32, i32, i32) {
    %c0_i32 = arith.constant 0 : i32
    %c0_i32_0 = arith.constant 0 : i32
    %c0_i32_1 = arith.constant 0 : i32
    return %arg0, %c0_i32, %c0_i32_0 : i32, i32, i32
  }
  func.func @transform_8(%arg0: i32, %arg1: i32, %arg2: i32) -> (i32, i32, i32) {
    %c0_i32 = arith.constant 0 : i32
    %c0_i32_0 = arith.constant 0 : i32
    %c0_i32_1 = arith.constant 0 : i32
    return %arg0, %c0_i32, %c0_i32_0 : i32, i32, i32
  }
  func.func @transform_9(%arg0: i32, %arg1: i32, %arg2: i32) -> (i32, i32, i32) {
    %c0_i32 = arith.constant 0 : i32
    %c0_i32_0 = arith.constant 0 : i32
    %c0_i32_1 = arith.constant 0 : i32
    return %arg0, %c0_i32, %c0_i32_0 : i32, i32, i32
  }
  func.func @transform_10(%arg0: i32, %arg1: i32, %arg2: i32) -> (i32, i32) {
    %mul3A = arith.constant 10 : i32
    %mul3A_0 = arith.muli %arg0, %mul3A : i32
    %add3A = arith.addi %mul3A_0, %arg2 : i32
    %mul3A_1 = arith.muli %arg1, %add3A : i32
    %sub3A = arith.constant 1 : i32
    %sub3A_2 = arith.subi %sub3A, %arg1 : i32
    %mul3A_3 = arith.constant 2 : i32
    %mul3A_4 = arith.muli %sub3A_2, %mul3A_3 : i32
    %mul3A_5 = arith.constant 10 : i32
    %mul3A_6 = arith.muli %mul3A_4, %mul3A_5 : i32
    %add3A_7 = arith.addi %mul3A_1, %mul3A_6 : i32
    %c0_i32 = arith.constant 0 : i32
    %c0_i32_8 = arith.constant 0 : i32
    return %add3A_7, %c0_i32 : i32, i32
  }
}

</mosaic_0001>

<sc_bundles>
// kernel: kernel.11.cloned.1.call-start
scs
__scs_entry_jumppad:
0x0: {  	(pc) =	sbr.rel $0x88, $3  }
0x1: {  	(tag) =	ssettag $0x0;
	lr =	simm.s32 $0x1  }
0x2: {  	[smem:$0x3F93] =	sst lr;
	_ =	strace $0xD0000000  }
0x3: {  	_ = 	snop  }
0x4: {  	_ = 	snop  }
0x5: {  	_ = 	snop  }
0x6: {  	_ = 	snop  }
0x7: {  	_ = 	snop  }
__scs_overlays_trampoline_lowered:
0x8: {  	[smem:$0x3FA2] =	sst s0  }
0x9: {  	[smem:$0x3FA3] =	sst s1  }
0xa: {  	[smem:$0x3FA4] =	sst s2  }
0xb: {  	[smem:$0x3FA5] =	sst s3  }
0xc: {  	[smem:$0x3FA6] =	sst s4  }
0xd: {  	[smem:$0x3FA7] =	sst s5  }
0xe: {  	[smem:$0x3FA8] =	sst s6  }
0xf: {  	[smem:$0x3FA9] =	sst s7  }
0x10: {  	[smem:$0x3FAA] =	sst s8  }
0x11: {  	[smem:$0x3FAB] =	sst s9;
	s0 =	simm.s32 @!p0 $0x0  }
0x12: {  	s1 =	sld [smem:$0x3F91];
	s0 =	simm.s32 @p0 $0x1  }
0x13: {  	[smem:$0x3FAC] =	sst s0;
	s0 =	simm.s32 @!p1 $0x0  }
0x14: {  	s2 =	sld [smem:$0x3F90];
	s0 =	simm.s32 @p1 $0x1  }
0x15: {  	[smem:$0x3FAD] =	sst s0;
	s0 =	simm.s32 @!p2 $0x0  }
0x16: {  	s3 =	sld [smem:$0x3FDB];
	s0 =	simm.s32 @p2 $0x1  }
0x17: {  	s4 =	simm.s32 $0x1BF5;
	[smem:$0x3FAF] =	sst s0  }
0x18: {  	s0 =	sld [smem:$0x3F92];
	_ =	swait.ge [sflag:s4], $0x0  }
0x19: {  	s7 =	sld [smem:$0x3F93]  }
0x1a: {  	s8 =	sadd.s32 $0xFFFFE003, lr  }
0x1b: {  	s9 =	sadd.s32 $0xFFFFFEF7, lr;
	s5 =	simm.s32 $0xFFFFFFFF;
	p2 =	slt.u32 s8, $0xFFFFF086  }
0x1c: {  	p1 =	slt.u32 s9, $0xF7A;
	s5 =	simm.s32 @!p2 $0x0  }
0x1d: {  	s5 =	simm.s32 @p1 $0x1;
	p0 =	seq.s32 s7, s2  }
0x1e: {  	s7 =	smul.u32 @!p0 $0xF7A, s2;
	p2 =	seq.s32 @!p0 s5, $0x0  }
0x1f: {  	s9 =	smul.u32 $0xF7A, s1;
	s8 =	simm.s32 @!p0 $0x1BF5;
	p2 =	por !p2, p0  }
0x20: {  	[sflag:s8] =	ssyncset.s32 @!p0 $0xFFFFF086;
	s6 =	sadd.s32 @!p0 s3, s7;
	s7 =	simm.s32 @!p0 $0x108  }
0x21: {  	s3 =	sadd.s32 s3, s9;
	s6 =	sadd.s32 @!p0 $0x88, s6;
	s7 =	simm.s32 @p2 $0x1082  }
0x22: {  	[simem:s7], [sflag:s8] =	dma.local @!p0 [hbm:s6], $0xF7A  }
0x23: {  	s9 =	sor.u32 $0xD0000000, s2;
	s6 =	simm.s32 $0x108;
	_ =	swait.ge @!p0 [sflag:s8], $0x0  }
0x24: {  	s3 =	sadd.s32 $0x88, s3;
	s6 =	simm.s32 @!p1 $0x1082;
	[sflag:s4] =	ssyncset.s32 $0xFFFFF086  }
0x25: {  	[simem:s6], [sflag:s4] =	dma.local [hbm:s3], $0xF7A  }
0x26: {  	[smem:$0x3F93] =	sst s1;
	(tag) =	ssettag s2;
	_ =	strace s9  }
0x27: {  	s1 =	sld [smem:$0x3FA3]  }
0x28: {  	s2 =	sld [smem:$0x3FA4]  }
0x29: {  	s4 =	sld [smem:$0x3FA6]  }
0x2a: {  	p0 =	seq.s32 s5, $0x0;
	s5 =	sld [smem:$0x3FA7]  }
0x2b: {  	s6 =	sld [smem:$0x3FA8]  }
0x2c: {  	s7 =	sld [smem:$0x3FA9]  }
0x2d: {  	s3 =	simm.s32 $0x108;
	s8 =	sld [smem:$0x3FAA]  }
0x2e: {  	s3 =	simm.s32 @!p0 $0x1082;
	s9 =	sld [smem:$0x3FAB]  }
0x2f: {  	lr =	sadd.s32 s0, s3;
	s0 =	sld [smem:$0x3FA2]  }
0x30: {  	s3 =	sld [smem:$0x3FA5]  }
0x31: {  	[smem:$0x3FAE] =	sst s10  }
0x32: {  	s10 =	sld [smem:$0x3FAC];
	_ =	sdelay $0x3  }
0x33: {  	p0 =	seq.s32 s10, $0x1;
	s10 =	sld [smem:$0x3FAE];
	_ =	sdelay $0x3  }
0x34: {  	[smem:$0x3FAE] =	sst s10  }
0x35: {  	s10 =	sld [smem:$0x3FAD];
	_ =	sdelay $0x3  }
0x36: {  	p1 =	seq.s32 s10, $0x1;
	s10 =	sld [smem:$0x3FAE];
	_ =	sdelay $0x3  }
0x37: {  	[smem:$0x3FAE] =	sst s10  }
0x38: {  	s10 =	sld [smem:$0x3FAF]  }
0x39: {  	_ = 	snop;
	(pc) =	sbr.ind lr, $3  }
0x3a: {  	_ = 	snop  }
0x3b: {  	_ = 	snop  }
0x3c: {  	p2 =	seq.s32 s10, $0x1;
	s10 =	sld [smem:$0x3FAE]  }
0x3d: {  	_ =	shalt  }
0x3e: {  	_ =	shalt  }
0x3f: {  	_ =	shalt  }
0x40: {  	_ =	shalt  }
0x41: {  	_ =	shalt  }
0x42: {  	_ =	shalt  }
0x43: {  	_ =	shalt  }
0x44: {  	_ =	shalt  }
0x45: {  	_ =	shalt  }
0x46: {  	_ =	shalt  }
0x47: {  	_ =	shalt  }
0x48: {  	_ =	shalt  }
0x49: {  	_ =	shalt  }
0x4a: {  	_ =	shalt  }
0x4b: {  	_ =	shalt  }
0x4c: {  	_ =	shalt  }
0x4d: {  	_ =	shalt  }
0x4e: {  	_ =	shalt  }
0x4f: {  	_ =	shalt  }
0x50: {  	_ =	shalt  }
0x51: {  	_ =	shalt  }
0x52: {  	_ =	shalt  }
0x53: {  	_ =	shalt  }
0x54: {  	_ =	shalt  }
0x55: {  	_ =	shalt  }
0x56: {  	_ =	shalt  }
0x57: {  	_ =	shalt  }
0x58: {  	_ =	shalt  }
0x59: {  	_ =	shalt  }
0x5a: {  	_ =	shalt  }
0x5b: {  	_ =	shalt  }
0x5c: {  	_ =	shalt  }
0x5d: {  	_ =	shalt  }
0x5e: {  	_ =	shalt  }
0x5f: {  	_ =	shalt  }
0x60: {  	_ =	shalt  }
0x61: {  	_ =	shalt  }
0x62: {  	_ =	shalt  }
0x63: {  	_ =	shalt  }
0x64: {  	_ =	shalt  }
0x65: {  	_ =	shalt  }
0x66: {  	_ =	shalt  }
0x67: {  	_ =	shalt  }
0x68: {  	_ =	shalt  }
0x69: {  	_ =	shalt  }
0x6a: {  	_ =	shalt  }
0x6b: {  	_ =	shalt  }
0x6c: {  	_ =	shalt  }
0x6d: {  	_ =	shalt  }
0x6e: {  	_ =	shalt  }
0x6f: {  	_ =	shalt  }
0x70: {  	_ =	shalt  }
0x71: {  	_ =	shalt  }
0x72: {  	_ =	shalt  }
0x73: {  	_ =	shalt  }
0x74: {  	_ =	shalt  }
0x75: {  	_ =	shalt  }
0x76: {  	_ =	shalt  }
0x77: {  	_ =	shalt  }
0x78: {  	_ =	shalt  }
0x79: {  	_ =	shalt  }
0x7a: {  	_ =	shalt  }
0x7b: {  	_ =	shalt  }
0x7c: {  	_ =	shalt  }
0x7d: {  	_ =	shalt  }
0x7e: {  	_ =	shalt  }
0x7f: {  	_ =	shalt  }
0x80: {  	_ =	shalt  }
0x81: {  	_ =	shalt  }
0x82: {  	_ =	shalt  }
0x83: {  	_ =	shalt  }
0x84: {  	_ =	shalt  }
0x85: {  	_ =	shalt  }
0x86: {  	_ =	shalt  }
0x87: {  	_ =	shalt  }
.Lfunc_end0:
.L_simem_size_0:
called_computation.1_lowered:
.L_overlay_start_0:
0x88: {  	s2 =	sld [smem:$0x3FD9]  }
0x89: {  	s3 =	sld [smem:$0x3FFE];
	_ =	sdelay $0x1  }
0x8a: {  	s1 =	srdreg.scid  }
0x8b: {  	s0 =	sand.u32 $0x1, s1  }
0x8c: {  	s16 =	sshll.u32 s0, $0xA;
	s2 =	sadd.s32 s3, s2  }
0x8d: {  	s2 =	sadd.s32 s2, s16  }
0x8e: {  	[smem:$0x3FBA] =	sst s2  }
0x8f: {  	_ = 	snop  }
0x90: {  	(tm) =	ssettm $0x1  }
0x91: {  	s17 =	sld [smem:$0x3FFB];
	_ =	sdelay $0x3  }
0x92: {  	_ =	strace s17  }
0x93: {  	s2 =	sld [smem:$0x3FFC];
	_ =	sdelay $0x3  }
0x94: {  	_ =	strace s2  }
0x95: {  	s2 =	sld [smem:$0x3FFD];
	_ =	sdelay $0x3  }
0x96: {  	_ =	strace s2  }
0x97: {  	_ =	strace $0x8FFFFFFF  }
0x98: {  	s18 =	sld [smem:$0x3FDB];
	_ =	sdelay $0x1  }
0x99: {  	s19 =	simm.s32 $_scs_section_size  }
0x9a: {  	s4 =	simm.s32 $_size__tile_overlayer_lowered;
	s5 =	simm.s32 $_tile_overlayer_lowered  }
0x9b: {  	s22 =	simm.s32 $0x1BFF;
	s21 =	sshll.u32 s5, $0x1;
	s2 =	sadd.s32 s19, s18  }
0x9c: {  	s6 =	simm.s32 $0x0;
	s20 =	sshll.u32 s4, $0x1;
	s4 =	sadd.s32 s21, s2  }
0x9d: {  	[timem:s6], [sflag:s22] =	dma.local [hbm:s4], s20  }
0x9e: {  	_ =	swait.ge [sflag:s22], s20  }
0x9f: {  	s3 =	ssub.s32 $0x0, s20;
	[sflag:s22] =	ssyncset.done $0x0  }
0xa0: {  	[sflag:s22] =	ssyncadd.s32 s3;
	_ =	sdelay $0x1  }
0xa1: {  	s23 =	simm.s32 $0x1B8B  }
0xa2: {  	_ =	swait.ge [sflag:s23], $0x1  }
0xa3: {  	[sflag:s23] =	ssyncset.done $0x0  }
0xa4: {  	s25 =	simm.s32 $0x1B8E;
	s24 =	sld [smem:$0x3FFE];
	[sflag:s23] =	ssyncadd.s32 $0xFFFFFFFF  }
0xa5: {  	s26 =	simm.s32 $execute0_lowered;
	[smem:$0x3FD2] =	sst s25  }
0xa6: {  	s4 =	sshll.u32 s26, $0x1;
	_ =	strace $0x80000049;
	[dreg:$0x1] =	wrdreg $0xFFFFFFFF  }
0xa7: {  	s28 =	simm.s32 $_size_execute0_lowered;
	s2 =	sadd.s32 s2, s4;
	[dreg:$0x0] =	wrdreg $0x0  }
0xa8: {  	s4 =	sshll.u32 s28, $0x1;
	[dreg:$0x2] =	wrdreg s2  }
0xa9: {  	[dreg:$0x3] =	wrdreg s4  }
0xaa: {  	[dreg:$0x4] =	wrdreg $0xC0  }
0xab: {  	_ =	task [dreg:s6], $0x5FFFF  }
0xac: {  	[dreg:$0x1] =	wrdreg $0xFFFFFFFF  }
0xad: {  	[dreg:$0x0] =	wrdreg $0x60  }
0xae: {  	[dreg:$0x2] =	wrdreg s24  }
0xaf: {  	[dreg:$0x3] =	wrdreg $0x0  }
0xb0: {  	[dreg:$0x4] =	wrdreg $0x9  }
0xb1: {  	_ =	task.clear_ibuf [dreg:s6], $0x5FFFF;
	_ =	strace $0x90000049  }
0xb2: {  	s29 =	simm.s32 $0x9;
	_ =	strace $0x8000004B  }
0xb3: {  	_ =	swait.ge [sflag:s29], $0x1  }
0xb4: {  	[sflag:s29] =	ssyncadd.s32 $0xFFFFFFFF  }
0xb5: {  	_ =	strace $0x9000004B  }
0xb6: {  	_ =	sfence  }
0xb7: {  	s30 =	sld [smem:$0x0];
	_ =	sdelay $0x2  }
0xb8: {  	s31 =	sshll.u32 s1, $0xD;
	s1 =	sshrl.u32 s1, $0x2  }
0xb9: {  	s3 =	sand.u32 $0x4000, s31;
	s1 =	sadd.s32 s1, s30  }
0xba: {  	s0 =	sor.u32 s3, s0;
	s1 =	sshll.u32 s1, $0x11  }
0xbb: {  	s0 =	sor.u32 s1, s0  }
0xbc: {  	s0 =	sadd.s32 $0x8F2B, s0  }
0xbd: {  	[sflag:s0] =	ssyncadd.remote.s32 $0x1  }
0xbe: {  	_ =	sfence.sel $0xFFFF  }
0xbf: {  	[dreg:$0x0] =	wrdreg $0xFFFFFFFF;
	(pc) =	sbr.abs _section_cstart, $3  }
0xc0: {  	[dreg:$0x1] =	wrdreg $0xFFFFFFFF  }
0xc1: {  	_ =	task.clear_ibuf [dreg:s6], $0x2FFFF;
	_ =	strace $0x9FFFFFFF  }
0xc2: {  	(tm) =	ssettm $0x7FFFFFFF  }
0xc3: {  	_ =	shalt  }
tec
execute0_lowered:
.L_overlay_start_1:
0x0: {  	(tag) =	ssettag $0x1  }
0x1: {  	s6 =	rddreg [dreg:$0x0]  }
0x2: {  	s0 =	srdreg.scid;
	s2 =	rddreg [dreg:$0x1]  }
0x3: {  	s1 =	rddreg [dreg:$0x2];
	s3 =	simm.s32 $0x0;
	s14 =	simm.s32 $0x3  }
0x4: {  	s15 =	simm.s32 $0x14000;
	s16 =	simm.s32 $0x80;
	s5 =	sand.u32 $0x1, s0  }
0x5: {  	s17 =	simm.s32 $0x16800;
	s0 =	stileid.u32;
	s4 =	smul.u32 $0x28000, s5  }
0x6: {  	s18 =	simm.s32 $0x16880;
	s19 =	simm.s32 $0x1AA00;
	s7 =	smul.u32 $0x2800, s0  }
0x7: {  	s20 =	simm.s32 $0x1;
	s21 =	simm.s32 $0x16900;
	s8 =	smul.u32 $0x140000, s5  }
0x8: {  	s22 =	simm.s32 $0x2;
	s23 =	simm.s32 $0x16980;
	s28 =	smul.u32 $0x14000, s0  }
0x9: {  	[smem:$0x7FF] =	sst s3;
	s10 =	smul.u32 $0x50000, s0;
	s29 =	ssub.s32 $0x2, s5  }
0xa: {  	s24 =	simm.s32 $0x0;
	_ =	strace $0x8000004A;
	s31 =	sshrl.u32 s29, $0x1  }
0xb: {  	s4 =	sadd.s32 s7, s4;
	s7 =	sadd.s32 s28, s8;
	s30 =	sshrl.u32 s10, $0x2  }
0xc: {  	s13 =	ssub.s32 s29, s31;
	s9 =	sshrl.u32 s4, $0x3;
	s4 =	sadd.s32 $0x5E400, s6  }
0xd: {  	s7 =	sshrl.u32 s7, $0x3;
	s5 =	sadd.s32 s30, s2;
	s11 =	sadd.s32 s9, s6  }
0xe: {  	s12 =	sadd.s32 s7, s6;
	s6 =	sadd.s32 $0x4000, s5;
	s7 =	sadd.s32 $0x8000, s5  }
0xf: {  	s8 =	sadd.s32 $0xC000, s5;
	s9 =	sadd.s32 $0x10000, s5;
	s10 =	sadd.s32 $0x4400, s11  }
0x10: {  	v0 =	vimm.f32 $0.0e+00;
	s11 =	sadd.s32 $0xAC600, s12;
	s12 =	smax.u32 s13, $0x1;
	s13 =	simm.s32 $0x16A00  }
.LBB2_1:
0x11: {  	s25 =	simm.s32 $0x0;
	s26 =	simm.s32 $0x200  }
.LBB2_2:
0x12: {  	p0 =	sne.s32 s26, $0xFE00;
	[tilespmem:s25+$0x16A70] =	vst v0  }
0x13: {  	[tilespmem:s25+$0x16A00] =	vst v0  }
0x14: {  	[tilespmem:s25+$0x16A10] =	vst v0  }
.Ltmp0:
0x15: {  	[tilespmem:s25+$0x16A20] =	vst v0;
	(pc) =	sbr.rel @p0 .LBB2_2-.Ltmp0, $4  }
0x16: {  	[tilespmem:s25+$0x16A30] =	vst v0  }
0x17: {  	[tilespmem:s25+$0x16A40] =	vst v0  }
0x18: {  	[tilespmem:s25+$0x16A50] =	vst v0  }
0x19: {  	[tilespmem:s25+$0x16A60] =	vst v0;
	s25 =	sshra.s32 s26, $0x2;
	s26 =	sadd.s32 $0x200, s26  }
0x1a: {  	[tilespmem:s25+$0x16A70] =	vst v0  }
0x1b: {  	[tilespmem:s25+$0x16A00] =	vst v0  }
0x1c: {  	[tilespmem:s25+$0x16A10] =	vst v0  }
0x1d: {  	[tilespmem:s25+$0x16A20] =	vst v0  }
0x1e: {  	[tilespmem:s25+$0x16A30] =	vst v0  }
0x1f: {  	[tilespmem:s25+$0x16A40] =	vst v0  }
0x20: {  	[tilespmem:s25+$0x16A50] =	vst v0  }
0x21: {  	[tilespmem:s25+$0x16A60] =	vst v0  }
0x22: {  	[spmem:s5] =	stream.linear.scatter [tilespmem:s13], [sflag:$0x3], $0x4000, $0x38;
	[tilespmem:$0x1EA00] =	vst v63  }
0x23: {  	_ =	swait.ge [sflag:s14], $0x4000  }
0x24: {  	[sflag:s14] =	ssyncset.done $0x0  }
0x25: {  	[sflag:s14] =	ssyncadd.s32 $0xFFFFC000  }
0x26: {  	[spmem:s6] =	stream.linear.scatter [tilespmem:s13], [sflag:$0x3], $0x4000, $0x38;
	[tilespmem:$0x1EA00] =	vst v63  }
0x27: {  	_ =	swait.ge [sflag:s14], $0x4000  }
0x28: {  	[sflag:s14] =	ssyncset.done $0x0  }
0x29: {  	[sflag:s14] =	ssyncadd.s32 $0xFFFFC000  }
0x2a: {  	[spmem:s7] =	stream.linear.scatter [tilespmem:s13], [sflag:$0x3], $0x4000, $0x38;
	[tilespmem:$0x1EA00] =	vst v63  }
0x2b: {  	_ =	swait.ge [sflag:s14], $0x4000  }
0x2c: {  	[sflag:s14] =	ssyncset.done $0x0  }
0x2d: {  	[sflag:s14] =	ssyncadd.s32 $0xFFFFC000  }
0x2e: {  	[spmem:s8] =	stream.linear.scatter [tilespmem:s13], [sflag:$0x3], $0x4000, $0x38;
	[tilespmem:$0x1EA00] =	vst v63  }
0x2f: {  	_ =	swait.ge [sflag:s14], $0x4000  }
0x30: {  	[sflag:s14] =	ssyncset.done $0x0  }
0x31: {  	[sflag:s14] =	ssyncadd.s32 $0xFFFFC000  }
0x32: {  	[spmem:s9] =	stream.linear.scatter [tilespmem:s13], [sflag:$0x3], $0x4000, $0x38;
	[tilespmem:$0x1EA00] =	vst v63  }
0x33: {  	_ =	swait.ge [sflag:s14], $0x4000  }
0x34: {  	[sflag:s14] =	ssyncset.done $0x0  }
0x35: {  	[sflag:s14] =	ssyncadd.s32 $0xFFFFC000  }
0x36: {  	[bflag:$0x0] =	sbarrier.arrive $0xFFFF  }
0x37: {  	[tilespmem:s15], [sflag:$0x3] =	stream.linear.gather [hbm4b:s10+s3], $0x2800, $0x38;
	[tilespmem:$0x1EA00] =	vst v63  }
0x38: {  	_ =	swait.ge [sflag:s14], $0x2800  }
0x39: {  	[sflag:s14] =	ssyncset.done $0x0  }
0x3a: {  	[sflag:s14] =	ssyncadd.s32 $0xFFFFD800  }
0x3b: {  	v1 =	vld [tilespmem:$0x14000];
	_ =	sdelay $0x1  }
0x3c: {  	v2 =	vld [tilespmem:$0x14010];
	_ =	sdelay $0x1  }
0x3d: {  	v3 =	vld [tilespmem:$0x14020]  }
0x3e: {  	v4 =	vshrl.u32 v1, $0xE  }
0x3f: {  	v59 =	vld [tilespmem:$0x14030];
	v1 =	vand.u32 $0x3FFF, v1;
	[tilespmem:$0x16800] =	vst v4  }
0x40: {  	[tilespmem:$0x16900] =	vst v1;
	v1 =	vshrl.u32 v2, $0xE  }
0x41: {  	[tilespmem:$0x16810] =	vst v1;
	v1 =	vand.u32 $0x3FFF, v2;
	v2 =	vld [tilespmem:$0x14040]  }
0x42: {  	[tilespmem:$0x16910] =	vst v1;
	v1 =	vshrl.u32 v3, $0xE  }
0x43: {  	[tilespmem:$0x16820] =	vst v1;
	v1 =	vand.u32 $0x3FFF, v3;
	v3 =	vld [tilespmem:$0x14050]  }
0x44: {  	[tilespmem:$0x16920] =	vst v1;
	v1 =	vshrl.u32 v59, $0xE  }
0x45: {  	v60 =	vld [tilespmem:$0x14060];
	[tilespmem:$0x16830] =	vst v1;
	v1 =	vand.u32 $0x3FFF, v59  }
0x46: {  	[tilespmem:$0x16930] =	vst v1;
	v1 =	vshrl.u32 v2, $0xE  }
0x47: {  	[tilespmem:$0x16840] =	vst v1;
	v1 =	vand.u32 $0x3FFF, v2;
	v2 =	vld [tilespmem:$0x14070]  }
0x48: {  	[tilespmem:$0x16940] =	vst v1;
	v1 =	vshrl.u32 v3, $0xE  }
0x49: {  	[tilespmem:$0x16850] =	vst v1;
	v1 =	vand.u32 $0x3FFF, v3  }
0x4a: {  	[tilespmem:$0x16950] =	vst v1;
	v1 =	vshrl.u32 v60, $0xE  }
0x4b: {  	[tilespmem:$0x16860] =	vst v1;
	v1 =	vand.u32 $0x3FFF, v60  }
0x4c: {  	[tilespmem:$0x16960] =	vst v1;
	v1 =	vshrl.u32 v2, $0xE  }
0x4d: {  	[tilespmem:$0x16870] =	vst v1;
	v1 =	vand.u32 $0x3FFF, v2  }
0x4e: {  	[tilespmem:$0x16970] =	vst v1  }
0x4f: {  	[tilespmem:s13], [sflag:$0x1] =	stream.indirect.gather [hbm4b:s4+s16], $0x80, s17, s16, $0xb8;
	[tilespmem:$0x1EA00] =	vst v63  }
0x50: {  	v1 =	vld [tilespmem:$0x14080];
	_ =	sdelay $0x1  }
0x51: {  	v2 =	vld [tilespmem:$0x14090];
	_ =	sdelay $0x1  }
0x52: {  	v3 =	vld [tilespmem:$0x140A0]  }
0x53: {  	v61 =	vshrl.u32 v1, $0xE  }
0x54: {  	v62 =	vld [tilespmem:$0x140B0];
	v1 =	vand.u32 $0x3FFF, v1;
	[tilespmem:$0x16880] =	vst v61  }
0x55: {  	[tilespmem:$0x16980] =	vst v1;
	v1 =	vshrl.u32 v2, $0xE  }
0x56: {  	[tilespmem:$0x16890] =	vst v1;
	v1 =	vand.u32 $0x3FFF, v2;
	v2 =	vld [tilespmem:$0x140C0]  }
0x57: {  	[tilespmem:$0x16990] =	vst v1;
	v1 =	vshrl.u32 v3, $0xE  }
0x58: {  	[tilespmem:$0x168A0] =	vst v1;
	v1 =	vand.u32 $0x3FFF, v3;
	v3 =	vld [tilespmem:$0x140D0]  }
0x59: {  	[tilespmem:$0x169A0] =	vst v1;
	v1 =	vshrl.u32 v62, $0xE  }
0x5a: {  	v63 =	vld [tilespmem:$0x140E0];
	[tilespmem:$0x168B0] =	vst v1;
	v1 =	vand.u32 $0x3FFF, v62  }
0x5b: {  	[tilespmem:$0x169B0] =	vst v1;
	v1 =	vshrl.u32 v2, $0xE  }
0x5c: {  	[tilespmem:$0x168C0] =	vst v1;
	v1 =	vand.u32 $0x3FFF, v2;
	v2 =	vld [tilespmem:$0x140F0]  }
0x5d: {  	[tilespmem:$0x169C0] =	vst v1;
	v1 =	vshrl.u32 v3, $0xE  }
0x5e: {  	[tilespmem:$0x168D0] =	vst v1;
	v1 =	vand.u32 $0x3FFF, v3  }
0x5f: {  	[tilespmem:$0x169D0] =	vst v1;
	v1 =	vshrl.u32 v63, $0xE  }
0x60: {  	[tilespmem:$0x168E0] =	vst v1;
	v1 =	vand.u32 $0x3FFF, v63  }
0x61: {  	[tilespmem:$0x169E0] =	vst v1;
	v1 =	vshrl.u32 v2, $0xE  }
0x62: {  	[tilespmem:$0x168F0] =	vst v1;
	v1 =	vand.u32 $0x3FFF, v2  }
0x63: {  	[tilespmem:$0x169F0] =	vst v1  }
0x64: {  	[tilespmem:s19], [sflag:$0x2] =	stream.indirect.gather [hbm4b:s4+s16], $0x80, s18, s16, $0xb8;
	[tilespmem:$0x1EA00] =	vst v63  }
0x65: {  	_ =	swait.ge [sflag:s20], $0x4000  }
0x66: {  	[sflag:s20] =	ssyncset.done $0x0  }
0x67: {  	[sflag:s20] =	ssyncadd.s32 $0xFFFFC000  }
0x68: {  	[spmem:s2] =	stream.indirect.scatter.add.f32 [tilespmem:s13], [sflag:$0x3], $0x80, s21, s16, $0xb8;
	[tilespmem:$0x1EA00] =	vst v63  }
0x69: {  	_ =	swait.ge [sflag:s14], $0x4000  }
0x6a: {  	[sflag:s14] =	ssyncset.done $0x0  }
0x6b: {  	s25 =	simm.s32 $0x1F0;
	[sflag:s14] =	ssyncadd.s32 $0xFFFFC000  }
0x6c: {  	v1 =	vld [tilespmem:s25+$0x13F10];
	_ =	sdelay $0x4  }
0x6d: {  	v2 =	vshrl.u32 v1, $0xE  }
0x6e: {  	v1 =	vand.u32 $0x3FFF, v1;
	[tilespmem:$0x16800] =	vst v2  }
0x6f: {  	[tilespmem:$0x16900] =	vst v1  }
0x70: {  	v1 =	vld [tilespmem:s25+$0x13F20];
	_ =	sdelay $0x4  }
0x71: {  	v2 =	vshrl.u32 v1, $0xE  }
0x72: {  	v1 =	vand.u32 $0x3FFF, v1;
	[tilespmem:$0x16810] =	vst v2  }
0x73: {  	[tilespmem:$0x16910] =	vst v1  }
0x74: {  	v1 =	vld [tilespmem:s25+$0x13F30];
	_ =	sdelay $0x4  }
0x75: {  	v2 =	vshrl.u32 v1, $0xE  }
0x76: {  	v1 =	vand.u32 $0x3FFF, v1;
	[tilespmem:$0x16820] =	vst v2  }
0x77: {  	[tilespmem:$0x16920] =	vst v1  }
0x78: {  	v1 =	vld [tilespmem:s25+$0x13F40];
	_ =	sdelay $0x4  }
0x79: {  	v2 =	vshrl.u32 v1, $0xE  }
0x7a: {  	v1 =	vand.u32 $0x3FFF, v1;
	[tilespmem:$0x16830] =	vst v2  }
0x7b: {  	[tilespmem:$0x16930] =	vst v1  }
0x7c: {  	v1 =	vld [tilespmem:s25+$0x13F50];
	_ =	sdelay $0x4  }
0x7d: {  	v2 =	vshrl.u32 v1, $0xE  }
0x7e: {  	v1 =	vand.u32 $0x3FFF, v1;
	[tilespmem:$0x16840] =	vst v2  }
0x7f: {  	[tilespmem:$0x16940] =	vst v1  }
0x80: {  	v1 =	vld [tilespmem:s25+$0x13F60];
	_ =	sdelay $0x4  }
0x81: {  	v2 =	vshrl.u32 v1, $0xE  }
0x82: {  	v1 =	vand.u32 $0x3FFF, v1;
	[tilespmem:$0x16850] =	vst v2  }
0x83: {  	[tilespmem:$0x16950] =	vst v1  }
0x84: {  	v1 =	vld [tilespmem:s25+$0x13F70];
	_ =	sdelay $0x4  }
0x85: {  	v2 =	vshrl.u32 v1, $0xE  }
0x86: {  	v1 =	vand.u32 $0x3FFF, v1;
	[tilespmem:$0x16860] =	vst v2  }
0x87: {  	[tilespmem:$0x16960] =	vst v1  }
0x88: {  	v1 =	vld [tilespmem:s25+$0x13F80];
	_ =	sdelay $0x4  }
0x89: {  	v2 =	vshrl.u32 v1, $0xE  }
0x8a: {  	v1 =	vand.u32 $0x3FFF, v1;
	[tilespmem:$0x16870] =	vst v2  }
0x8b: {  	[tilespmem:$0x16970] =	vst v1  }
0x8c: {  	[tilespmem:s13], [sflag:$0x1] =	stream.indirect.gather [hbm4b:s4+s16], $0x80, s17, s16, $0xb8;
	[tilespmem:$0x1EA00] =	vst v63  }
0x8d: {  	_ =	swait.ge [sflag:s22], $0x4000  }
0x8e: {  	[sflag:s22] =	ssyncset.done $0x0  }
0x8f: {  	[sflag:s22] =	ssyncadd.s32 $0xFFFFC000  }
0x90: {  	[spmem:s2] =	stream.indirect.scatter.add.f32 [tilespmem:s19], [sflag:$0x3], $0x80, s23, s16, $0xb8;
	[tilespmem:$0x1EA00] =	vst v63  }
0x91: {  	_ =	swait.ge [sflag:s14], $0x4000  }
0x92: {  	[sflag:s14] =	ssyncset.done $0x0  }
0x93: {  	[sflag:s14] =	ssyncadd.s32 $0xFFFFC000  }
0x94: {  	v1 =	vld [tilespmem:s25+$0x13F90];
	_ =	sdelay $0x4  }
0x95: {  	v2 =	vshrl.u32 v1, $0xE  }
0x96: {  	v1 =	vand.u32 $0x3FFF, v1;
	[tilespmem:$0x16880] =	vst v2  }
0x97: {  	[tilespmem:$0x16980] =	vst v1  }
0x98: {  	v1 =	vld [tilespmem:s25+$0x13FA0];
	_ =	sdelay $0x4  }
0x99: {  	v2 =	vshrl.u32 v1, $0xE  }
0x9a: {  	v1 =	vand.u32 $0x3FFF, v1;
	[tilespmem:$0x16890] =	vst v2  }
0x9b: {  	[tilespmem:$0x16990] =	vst v1  }
0x9c: {  	v1 =	vld [tilespmem:s25+$0x13FB0];
	_ =	sdelay $0x4  }
0x9d: {  	v2 =	vshrl.u32 v1, $0xE  }
0x9e: {  	v1 =	vand.u32 $0x3FFF, v1;
	[tilespmem:$0x168A0] =	vst v2  }
0x9f: {  	[tilespmem:$0x169A0] =	vst v1  }
0xa0: {  	v1 =	vld [tilespmem:s25+$0x13FC0];
	_ =	sdelay $0x4  }
0xa1: {  	v2 =	vshrl.u32 v1, $0xE  }
0xa2: {  	v1 =	vand.u32 $0x3FFF, v1;
	[tilespmem:$0x168B0] =	vst v2  }
0xa3: {  	[tilespmem:$0x169B0] =	vst v1  }
0xa4: {  	v1 =	vld [tilespmem:s25+$0x13FD0];
	_ =	sdelay $0x4  }
0xa5: {  	v2 =	vshrl.u32 v1, $0xE  }
0xa6: {  	v1 =	vand.u32 $0x3FFF, v1;
	[tilespmem:$0x168C0] =	vst v2  }
0xa7: {  	[tilespmem:$0x169C0] =	vst v1  }
0xa8: {  	v1 =	vld [tilespmem:s25+$0x13FE0];
	_ =	sdelay $0x4  }
0xa9: {  	v2 =	vshrl.u32 v1, $0xE  }
0xaa: {  	v1 =	vand.u32 $0x3FFF, v1;
	[tilespmem:$0x168D0] =	vst v2  }
0xab: {  	[tilespmem:$0x169D0] =	vst v1  }
0xac: {  	v1 =	vld [tilespmem:s25+$0x13FF0];
	_ =	sdelay $0x4  }
0xad: {  	v2 =	vshrl.u32 v1, $0xE  }
0xae: {  	s26 =	simm.s32 $0xBC0;
	v1 =	vand.u32 $0x3FFF, v1;
	[tilespmem:$0x168E0] =	vst v2  }
.LBB2_4:
0xaf: {  	p0 =	sne.s32 s26, $0x9FC0;
	[tilespmem:$0x169E0] =	vst v1;
	s28 =	smov.u32 s26;
	s26 =	sadd.s32 $0x400, s26  }
0xb0: {  	v1 =	vld [tilespmem:s25+$0x14000];
	_ =	sdelay $0x4  }
0xb1: {  	v2 =	vshrl.u32 v1, $0xE;
	v1 =	vand.u32 $0x3FFF, v1  }
0xb2: {  	[tilespmem:$0x168F0] =	vst v2  }
0xb3: {  	[tilespmem:$0x169F0] =	vst v1  }
0xb4: {  	[tilespmem:s19], [sflag:$0x2] =	stream.indirect.gather [hbm4b:s4+s16], $0x80, s18, s16, $0xb8;
	[tilespmem:$0x1EA00] =	vst v63  }
0xb5: {  	_ =	swait.ge [sflag:s20], $0x4000  }
0xb6: {  	[sflag:s20] =	ssyncset.done $0x0  }
0xb7: {  	[sflag:s20] =	ssyncadd.s32 $0xFFFFC000  }
0xb8: {  	[spmem:s2] =	stream.indirect.scatter.add.f32 [tilespmem:s13], [sflag:$0x3], $0x80, s21, s16, $0xb8;
	[tilespmem:$0x1EA00] =	vst v63  }
0xb9: {  	_ =	swait.ge [sflag:s14], $0x4000  }
0xba: {  	[sflag:s14] =	ssyncset.done $0x0  }
0xbb: {  	s25 =	sshra.s32 s28, $0x2;
	[sflag:s14] =	ssyncadd.s32 $0xFFFFC000  }
0xbc: {  	v1 =	vld [tilespmem:s25+$0x13F10];
	_ =	sdelay $0x4  }
0xbd: {  	v2 =	vshrl.u32 v1, $0xE;
	v1 =	vand.u32 $0x3FFF, v1  }
0xbe: {  	[tilespmem:$0x16800] =	vst v2  }
0xbf: {  	[tilespmem:$0x16900] =	vst v1  }
0xc0: {  	v1 =	vld [tilespmem:s25+$0x13F20];
	_ =	sdelay $0x4  }
0xc1: {  	v2 =	vshrl.u32 v1, $0xE;
	v1 =	vand.u32 $0x3FFF, v1  }
0xc2: {  	[tilespmem:$0x16810] =	vst v2  }
0xc3: {  	[tilespmem:$0x16910] =	vst v1  }
0xc4: {  	v1 =	vld [tilespmem:s25+$0x13F30];
	_ =	sdelay $0x4  }
0xc5: {  	v2 =	vshrl.u32 v1, $0xE;
	v1 =	vand.u32 $0x3FFF, v1  }
0xc6: {  	[tilespmem:$0x16820] =	vst v2  }
0xc7: {  	[tilespmem:$0x16920] =	vst v1  }
0xc8: {  	v1 =	vld [tilespmem:s25+$0x13F40];
	_ =	sdelay $0x4  }
0xc9: {  	v2 =	vshrl.u32 v1, $0xE;
	v1 =	vand.u32 $0x3FFF, v1  }
0xca: {  	[tilespmem:$0x16830] =	vst v2  }
0xcb: {  	[tilespmem:$0x16930] =	vst v1  }
0xcc: {  	v1 =	vld [tilespmem:s25+$0x13F50];
	_ =	sdelay $0x4  }
0xcd: {  	v2 =	vshrl.u32 v1, $0xE;
	v1 =	vand.u32 $0x3FFF, v1  }
0xce: {  	[tilespmem:$0x16840] =	vst v2  }
0xcf: {  	[tilespmem:$0x16940] =	vst v1  }
0xd0: {  	v1 =	vld [tilespmem:s25+$0x13F60];
	_ =	sdelay $0x4  }
0xd1: {  	v2 =	vshrl.u32 v1, $0xE;
	v1 =	vand.u32 $0x3FFF, v1  }
0xd2: {  	[tilespmem:$0x16850] =	vst v2  }
0xd3: {  	[tilespmem:$0x16950] =	vst v1  }
0xd4: {  	v1 =	vld [tilespmem:s25+$0x13F70];
	_ =	sdelay $0x4  }
0xd5: {  	v2 =	vshrl.u32 v1, $0xE;
	v1 =	vand.u32 $0x3FFF, v1  }
0xd6: {  	[tilespmem:$0x16860] =	vst v2  }
0xd7: {  	[tilespmem:$0x16960] =	vst v1  }
0xd8: {  	v1 =	vld [tilespmem:s25+$0x13F80];
	_ =	sdelay $0x4  }
0xd9: {  	v2 =	vshrl.u32 v1, $0xE;
	v1 =	vand.u32 $0x3FFF, v1  }
0xda: {  	[tilespmem:$0x16870] =	vst v2  }
0xdb: {  	[tilespmem:$0x16970] =	vst v1  }
0xdc: {  	[tilespmem:s13], [sflag:$0x1] =	stream.indirect.gather [hbm4b:s4+s16], $0x80, s17, s16, $0xb8;
	[tilespmem:$0x1EA00] =	vst v63  }
0xdd: {  	_ =	swait.ge [sflag:s22], $0x4000  }
0xde: {  	[sflag:s22] =	ssyncset.done $0x0  }
0xdf: {  	[sflag:s22] =	ssyncadd.s32 $0xFFFFC000  }
0xe0: {  	[spmem:s2] =	stream.indirect.scatter.add.f32 [tilespmem:s19], [sflag:$0x3], $0x80, s23, s16, $0xb8;
	[tilespmem:$0x1EA00] =	vst v63  }
0xe1: {  	_ =	swait.ge [sflag:s14], $0x4000  }
0xe2: {  	[sflag:s14] =	ssyncset.done $0x0  }
0xe3: {  	[sflag:s14] =	ssyncadd.s32 $0xFFFFC000  }
0xe4: {  	v1 =	vld [tilespmem:s25+$0x13F90];
	_ =	sdelay $0x4  }
0xe5: {  	v2 =	vshrl.u32 v1, $0xE;
	v1 =	vand.u32 $0x3FFF, v1  }
0xe6: {  	[tilespmem:$0x16880] =	vst v2  }
0xe7: {  	[tilespmem:$0x16980] =	vst v1  }
0xe8: {  	v1 =	vld [tilespmem:s25+$0x13FA0];
	_ =	sdelay $0x4  }
0xe9: {  	v2 =	vshrl.u32 v1, $0xE;
	v1 =	vand.u32 $0x3FFF, v1  }
0xea: {  	[tilespmem:$0x16890] =	vst v2  }
0xeb: {  	[tilespmem:$0x16990] =	vst v1  }
0xec: {  	v1 =	vld [tilespmem:s25+$0x13FB0];
	_ =	sdelay $0x4  }
0xed: {  	v2 =	vshrl.u32 v1, $0xE;
	v1 =	vand.u32 $0x3FFF, v1  }
0xee: {  	[tilespmem:$0x168A0] =	vst v2  }
0xef: {  	[tilespmem:$0x169A0] =	vst v1  }
0xf0: {  	v1 =	vld [tilespmem:s25+$0x13FC0];
	_ =	sdelay $0x4  }
0xf1: {  	v2 =	vshrl.u32 v1, $0xE;
	v1 =	vand.u32 $0x3FFF, v1  }
0xf2: {  	[tilespmem:$0x168B0] =	vst v2  }
0xf3: {  	[tilespmem:$0x169B0] =	vst v1  }
0xf4: {  	v1 =	vld [tilespmem:s25+$0x13FD0];
	_ =	sdelay $0x4  }
0xf5: {  	v2 =	vshrl.u32 v1, $0xE;
	v1 =	vand.u32 $0x3FFF, v1  }
0xf6: {  	[tilespmem:$0x168C0] =	vst v2  }
0xf7: {  	[tilespmem:$0x169C0] =	vst v1  }
0xf8: {  	v1 =	vld [tilespmem:s25+$0x13FE0];
	_ =	sdelay $0x4  }
0xf9: {  	v2 =	vshrl.u32 v1, $0xE;
	v1 =	vand.u32 $0x3FFF, v1  }
0xfa: {  	[tilespmem:$0x168D0] =	vst v2  }
0xfb: {  	[tilespmem:$0x169D0] =	vst v1  }
0xfc: {  	v1 =	vld [tilespmem:s25+$0x13FF0];
	_ =	sdelay $0x1  }
.Ltmp1:
0xfd: {  	(pc) =	sbr.rel @p0 .LBB2_4-.Ltmp1, $3  }
0xfe: {  	_ =	sdelay $0x1  }
0xff: {  	v2 =	vshrl.u32 v1, $0xE;
	v1 =	vand.u32 $0x3FFF, v1  }
0x100: {  	[tilespmem:$0x168E0] =	vst v2  }
0x101: {  	[tilespmem:$0x169E0] =	vst v1  }
0x102: {  	v1 =	vld [tilespmem:s25+$0x14000];
	_ =	sdelay $0x4  }
0x103: {  	v2 =	vshrl.u32 v1, $0xE  }
0x104: {  	v1 =	vand.u32 $0x3FFF, v1;
	[tilespmem:$0x168F0] =	vst v2  }
0x105: {  	[tilespmem:$0x169F0] =	vst v1  }
0x106: {  	[tilespmem:s19], [sflag:$0x2] =	stream.indirect.gather [hbm4b:s4+s16], $0x80, s18, s16, $0xb8;
	[tilespmem:$0x1EA00] =	vst v63  }
0x107: {  	_ =	swait.ge [sflag:s20], $0x4000  }
0x108: {  	[sflag:s20] =	ssyncset.done $0x0  }
0x109: {  	[sflag:s20] =	ssyncadd.s32 $0xFFFFC000  }
0x10a: {  	[spmem:s2] =	stream.indirect.scatter.add.f32 [tilespmem:s13], [sflag:$0x3], $0x80, s21, s16, $0xb8;
	[tilespmem:$0x1EA00] =	vst v63  }
0x10b: {  	_ =	swait.ge [sflag:s14], $0x4000  }
0x10c: {  	[sflag:s14] =	ssyncset.done $0x0  }
0x10d: {  	[sflag:s14] =	ssyncadd.s32 $0xFFFFC000  }
0x10e: {  	_ =	swait.ge [sflag:s22], $0x4000  }
0x10f: {  	[sflag:s22] =	ssyncset.done $0x0  }
0x110: {  	[sflag:s22] =	ssyncadd.s32 $0xFFFFC000  }
0x111: {  	[spmem:s2] =	stream.indirect.scatter.add.f32 [tilespmem:s19], [sflag:$0x3], $0x80, s23, s16, $0xb8;
	[tilespmem:$0x1EA00] =	vst v63  }
0x112: {  	_ =	swait.ge [sflag:s14], $0x4000  }
0x113: {  	s31 =	sshll.u32 s0, $0x6;
	s24 =	sadd.s32 $0x1, s24;
	[sflag:s14] =	ssyncset.done $0x0  }
0x114: {  	s26 =	sshrl.u32 s5, $0x3;
	p0 =	sne.s32 s24, s12;
	[sflag:s14] =	ssyncadd.s32 $0xFFFFC000  }
.Ltmp2:
0x115: {  	s25 =	sor.u32 $0x1C03, s31;
	[bflag:$0x0] =	sbarrier.arrive $0xFFFF;
	(pc) =	sbr.rel @p0 .LBB2_1-.Ltmp2, $4  }
0x116: {  	[hbm:s11], [sflag:s25] =	dma.local [spmem:s26], $0x2800  }
0x117: {  	_ =	swait.ge [sflag:s14], $0x2800  }
0x118: {  	[sflag:s14] =	ssyncset.done $0x0  }
0x119: {  	[sflag:s14] =	ssyncadd.s32 $0xFFFFD800  }
0x11a: {  	_ =	sfence.sel $0x180000  }
0x11b: {  	[bflag:$0x0] =	sbarrier.arrive $0xFFFF  }
0x11c: {  	p0 =	sne.s32 s0, $0x0;
	_ =	strace $0x9000004A  }
0x11d: {  	s0 =	sadd.s32 @!p0 $0x100000, s1;
	[bflag:$0x2] =	sbarrier.arrive $0xFFFF  }
0x11e: {  	[sflag:s0] =	ssyncadd.tile.s32 @!p0 $0x1;
	_ =	shalt  }
.Lfunc_end2:
_tile_overlayer_lowered:
.L_overlay_start_2:
0x11f: {  	(tag) =	ssettag $0x2  }
0x120: {  	s0 =	rddreg [dreg:$0x0];
	s2 =	stileid.u32  }
0x121: {  	s1 =	rddreg [dreg:$0x1];
	p0 =	sne.s32 s2, $0x0  }
0x122: {  	s3 =	rddreg [dreg:$0x2];
	[bflag:$0x3] =	sbarrier.arrive $0xFFFF;
	s2 =	simm.s32 @!p0 $0x1C03  }
0x123: {  	[timem:s3], [sflag:s2] =	dma.local @!p0 [hbm:s0], s1  }
0x124: {  	s0 =	simm.s32 @!p0 $0x3  }
0x125: {  	_ =	swait.ge @!p0 [sflag:s0], s1  }
0x126: {  	s1 =	ssub.s32 @!p0 $0x0, s1;
	[sflag:s0] =	ssyncset.done @!p0 $0x0  }
0x127: {  	[sflag:s0] =	ssyncadd.s32 @!p0 s1  }
0x128: {  	[bflag:$0x3] =	sbarrier.arrive $0xFFFF  }
0x129: {  	_ =	shalt  }

// kernel: kernel.14.cloned.1.call-start
scs
__scs_entry_jumppad:
0x0: {  	(pc) =	sbr.rel $0x88, $3  }
0x1: {  	(tag) =	ssettag $0x0;
	lr =	simm.s32 $0x1  }
0x2: {  	[smem:$0x3F93] =	sst lr;
	_ =	strace $0xD0000000  }
0x3: {  	_ = 	snop  }
0x4: {  	_ = 	snop  }
0x5: {  	_ = 	snop  }
0x6: {  	_ = 	snop  }
0x7: {  	_ = 	snop  }
__scs_overlays_trampoline_lowered:
0x8: {  	[smem:$0x3FA2] =	sst s0  }
0x9: {  	[smem:$0x3FA3] =	sst s1  }
0xa: {  	[smem:$0x3FA4] =	sst s2  }
0xb: {  	[smem:$0x3FA5] =	sst s3  }
0xc: {  	[smem:$0x3FA6] =	sst s4  }
0xd: {  	[smem:$0x3FA7] =	sst s5  }
0xe: {  	[smem:$0x3FA8] =	sst s6  }
0xf: {  	[smem:$0x3FA9] =	sst s7  }
0x10: {  	[smem:$0x3FAA] =	sst s8  }
0x11: {  	[smem:$0x3FAB] =	sst s9;
	s0 =	simm.s32 @!p0 $0x0  }
0x12: {  	s1 =	sld [smem:$0x3F91];
	s0 =	simm.s32 @p0 $0x1  }
0x13: {  	[smem:$0x3FAC] =	sst s0;
	s0 =	simm.s32 @!p1 $0x0  }
0x14: {  	s2 =	sld [smem:$0x3F90];
	s0 =	simm.s32 @p1 $0x1  }
0x15: {  	[smem:$0x3FAD] =	sst s0;
	s0 =	simm.s32 @!p2 $0x0  }
0x16: {  	s3 =	sld [smem:$0x3FDB];
	s0 =	simm.s32 @p2 $0x1  }
0x17: {  	s4 =	simm.s32 $0x1BF5;
	[smem:$0x3FAF] =	sst s0  }
0x18: {  	s0 =	sld [smem:$0x3F92];
	_ =	swait.ge [sflag:s4], $0x0  }
0x19: {  	s7 =	sld [smem:$0x3F93]  }
0x1a: {  	s8 =	sadd.s32 $0xFFFFE003, lr  }
0x1b: {  	s9 =	sadd.s32 $0xFFFFFEF7, lr;
	s5 =	simm.s32 $0xFFFFFFFF;
	p2 =	slt.u32 s8, $0xFFFFF086  }
0x1c: {  	p1 =	slt.u32 s9, $0xF7A;
	s5 =	simm.s32 @!p2 $0x0  }
0x1d: {  	s5 =	simm.s32 @p1 $0x1;
	p0 =	seq.s32 s7, s2  }
0x1e: {  	s7 =	smul.u32 @!p0 $0xF7A, s2;
	p2 =	seq.s32 @!p0 s5, $0x0  }
0x1f: {  	s9 =	smul.u32 $0xF7A, s1;
	s8 =	simm.s32 @!p0 $0x1BF5;
	p2 =	por !p2, p0  }
0x20: {  	[sflag:s8] =	ssyncset.s32 @!p0 $0xFFFFF086;
	s6 =	sadd.s32 @!p0 s3, s7;
	s7 =	simm.s32 @!p0 $0x108  }
0x21: {  	s3 =	sadd.s32 s3, s9;
	s6 =	sadd.s32 @!p0 $0x88, s6;
	s7 =	simm.s32 @p2 $0x1082  }
0x22: {  	[simem:s7], [sflag:s8] =	dma.local @!p0 [hbm:s6], $0xF7A  }
0x23: {  	s9 =	sor.u32 $0xD0000000, s2;
	s6 =	simm.s32 $0x108;
	_ =	swait.ge @!p0 [sflag:s8], $0x0  }
0x24: {  	s3 =	sadd.s32 $0x88, s3;
	s6 =	simm.s32 @!p1 $0x1082;
	[sflag:s4] =	ssyncset.s32 $0xFFFFF086  }
0x25: {  	[simem:s6], [sflag:s4] =	dma.local [hbm:s3], $0xF7A  }
0x26: {  	[smem:$0x3F93] =	sst s1;
	(tag) =	ssettag s2;
	_ =	strace s9  }
0x27: {  	s1 =	sld [smem:$0x3FA3]  }
0x28: {  	s2 =	sld [smem:$0x3FA4]  }
0x29: {  	s4 =	sld [smem:$0x3FA6]  }
0x2a: {  	p0 =	seq.s32 s5, $0x0;
	s5 =	sld [smem:$0x3FA7]  }
0x2b: {  	s6 =	sld [smem:$0x3FA8]  }
0x2c: {  	s7 =	sld [smem:$0x3FA9]  }
0x2d: {  	s3 =	simm.s32 $0x108;
	s8 =	sld [smem:$0x3FAA]  }
0x2e: {  	s3 =	simm.s32 @!p0 $0x1082;
	s9 =	sld [smem:$0x3FAB]  }
0x2f: {  	lr =	sadd.s32 s0, s3;
	s0 =	sld [smem:$0x3FA2]  }
0x30: {  	s3 =	sld [smem:$0x3FA5]  }
0x31: {  	[smem:$0x3FAE] =	sst s10  }
0x32: {  	s10 =	sld [smem:$0x3FAC];
	_ =	sdelay $0x3  }
0x33: {  	p0 =	seq.s32 s10, $0x1;
	s10 =	sld [smem:$0x3FAE];
	_ =	sdelay $0x3  }
0x34: {  	[smem:$0x3FAE] =	sst s10  }
0x35: {  	s10 =	sld [smem:$0x3FAD];
	_ =	sdelay $0x3  }
0x36: {  	p1 =	seq.s32 s10, $0x1;
	s10 =	sld [smem:$0x3FAE];
	_ =	sdelay $0x3  }
0x37: {  	[smem:$0x3FAE] =	sst s10  }
0x38: {  	s10 =	sld [smem:$0x3FAF]  }
0x39: {  	_ = 	snop;
	(pc) =	sbr.ind lr, $3  }
0x3a: {  	_ = 	snop  }
0x3b: {  	_ = 	snop  }
0x3c: {  	p2 =	seq.s32 s10, $0x1;
	s10 =	sld [smem:$0x3FAE]  }
0x3d: {  	_ =	shalt  }
0x3e: {  	_ =	shalt  }
0x3f: {  	_ =	shalt  }
0x40: {  	_ =	shalt  }
0x41: {  	_ =	shalt  }
0x42: {  	_ =	shalt  }
0x43: {  	_ =	shalt  }
0x44: {  	_ =	shalt  }
0x45: {  	_ =	shalt  }
0x46: {  	_ =	shalt  }
0x47: {  	_ =	shalt  }
0x48: {  	_ =	shalt  }
0x49: {  	_ =	shalt  }
0x4a: {  	_ =	shalt  }
0x4b: {  	_ =	shalt  }
0x4c: {  	_ =	shalt  }
0x4d: {  	_ =	shalt  }
0x4e: {  	_ =	shalt  }
0x4f: {  	_ =	shalt  }
0x50: {  	_ =	shalt  }
0x51: {  	_ =	shalt  }
0x52: {  	_ =	shalt  }
0x53: {  	_ =	shalt  }
0x54: {  	_ =	shalt  }
0x55: {  	_ =	shalt  }
0x56: {  	_ =	shalt  }
0x57: {  	_ =	shalt  }
0x58: {  	_ =	shalt  }
0x59: {  	_ =	shalt  }
0x5a: {  	_ =	shalt  }
0x5b: {  	_ =	shalt  }
0x5c: {  	_ =	shalt  }
0x5d: {  	_ =	shalt  }
0x5e: {  	_ =	shalt  }
0x5f: {  	_ =	shalt  }
0x60: {  	_ =	shalt  }
0x61: {  	_ =	shalt  }
0x62: {  	_ =	shalt  }
0x63: {  	_ =	shalt  }
0x64: {  	_ =	shalt  }
0x65: {  	_ =	shalt  }
0x66: {  	_ =	shalt  }
0x67: {  	_ =	shalt  }
0x68: {  	_ =	shalt  }
0x69: {  	_ =	shalt  }
0x6a: {  	_ =	shalt  }
0x6b: {  	_ =	shalt  }
0x6c: {  	_ =	shalt  }
0x6d: {  	_ =	shalt  }
0x6e: {  	_ =	shalt  }
0x6f: {  	_ =	shalt  }
0x70: {  	_ =	shalt  }
0x71: {  	_ =	shalt  }
0x72: {  	_ =	shalt  }
0x73: {  	_ =	shalt  }
0x74: {  	_ =	shalt  }
0x75: {  	_ =	shalt  }
0x76: {  	_ =	shalt  }
0x77: {  	_ =	shalt  }
0x78: {  	_ =	shalt  }
0x79: {  	_ =	shalt  }
0x7a: {  	_ =	shalt  }
0x7b: {  	_ =	shalt  }
0x7c: {  	_ =	shalt  }
0x7d: {  	_ =	shalt  }
0x7e: {  	_ =	shalt  }
0x7f: {  	_ =	shalt  }
0x80: {  	_ =	shalt  }
0x81: {  	_ =	shalt  }
0x82: {  	_ =	shalt  }
0x83: {  	_ =	shalt  }
0x84: {  	_ =	shalt  }
0x85: {  	_ =	shalt  }
0x86: {  	_ =	shalt  }
0x87: {  	_ =	shalt  }
.Lfunc_end0:
.L_simem_size_0:
called_computation.2_lowered:
.L_overlay_start_0:
0x88: {  	s2 =	sld [smem:$0x3FD9]  }
0x89: {  	s3 =	sld [smem:$0x3FFE];
	_ =	sdelay $0x1  }
0x8a: {  	s1 =	srdreg.scid  }
0x8b: {  	s0 =	sand.u32 $0x1, s1  }
0x8c: {  	s16 =	sshll.u32 s0, $0xA;
	s2 =	sadd.s32 s3, s2  }
0x8d: {  	s2 =	sadd.s32 s2, s16  }
0x8e: {  	[smem:$0x3FBA] =	sst s2  }
0x8f: {  	_ = 	snop  }
0x90: {  	(tm) =	ssettm $0x1  }
0x91: {  	s17 =	sld [smem:$0x3FFB];
	_ =	sdelay $0x3  }
0x92: {  	_ =	strace s17  }
0x93: {  	s2 =	sld [smem:$0x3FFC];
	_ =	sdelay $0x3  }
0x94: {  	_ =	strace s2  }
0x95: {  	s2 =	sld [smem:$0x3FFD];
	_ =	sdelay $0x3  }
0x96: {  	_ =	strace s2  }
0x97: {  	_ =	strace $0x8FFFFFFF  }
0x98: {  	s18 =	sld [smem:$0x3FDB];
	_ =	sdelay $0x1  }
0x99: {  	s19 =	simm.s32 $_scs_section_size  }
0x9a: {  	s4 =	simm.s32 $_size__tile_overlayer_lowered;
	s5 =	simm.s32 $_tile_overlayer_lowered  }
0x9b: {  	s22 =	simm.s32 $0x1BFF;
	s21 =	sshll.u32 s5, $0x1;
	s2 =	sadd.s32 s19, s18  }
0x9c: {  	s6 =	simm.s32 $0x0;
	s20 =	sshll.u32 s4, $0x1;
	s4 =	sadd.s32 s21, s2  }
0x9d: {  	[timem:s6], [sflag:s22] =	dma.local [hbm:s4], s20  }
0x9e: {  	_ =	swait.ge [sflag:s22], s20  }
0x9f: {  	s3 =	ssub.s32 $0x0, s20;
	[sflag:s22] =	ssyncset.done $0x0  }
0xa0: {  	[sflag:s22] =	ssyncadd.s32 s3;
	_ =	sdelay $0x1  }
0xa1: {  	s23 =	simm.s32 $0x1B8B  }
0xa2: {  	_ =	swait.ge [sflag:s23], $0x1  }
0xa3: {  	[sflag:s23] =	ssyncset.done $0x0  }
0xa4: {  	s25 =	simm.s32 $0x1B8E;
	s24 =	sld [smem:$0x3FFE];
	[sflag:s23] =	ssyncadd.s32 $0xFFFFFFFF  }
0xa5: {  	s26 =	simm.s32 $execute0_lowered;
	[smem:$0x3FD2] =	sst s25  }
0xa6: {  	s4 =	sshll.u32 s26, $0x1;
	_ =	strace $0x8000004C;
	[dreg:$0x1] =	wrdreg $0xFFFFFFFF  }
0xa7: {  	s28 =	simm.s32 $_size_execute0_lowered;
	s2 =	sadd.s32 s2, s4;
	[dreg:$0x0] =	wrdreg $0x0  }
0xa8: {  	s4 =	sshll.u32 s28, $0x1;
	[dreg:$0x2] =	wrdreg s2  }
0xa9: {  	[dreg:$0x3] =	wrdreg s4  }
0xaa: {  	[dreg:$0x4] =	wrdreg $0xC0  }
0xab: {  	_ =	task [dreg:s6], $0x5FFFF  }
0xac: {  	[dreg:$0x1] =	wrdreg $0xFFFFFFFF  }
0xad: {  	[dreg:$0x0] =	wrdreg $0x60  }
0xae: {  	[dreg:$0x2] =	wrdreg s24  }
0xaf: {  	[dreg:$0x3] =	wrdreg $0x0  }
0xb0: {  	[dreg:$0x4] =	wrdreg $0x9  }
0xb1: {  	_ =	task.clear_ibuf [dreg:s6], $0x5FFFF;
	_ =	strace $0x9000004C  }
0xb2: {  	s29 =	simm.s32 $0x9;
	_ =	strace $0x8000004E  }
0xb3: {  	_ =	swait.ge [sflag:s29], $0x1  }
0xb4: {  	[sflag:s29] =	ssyncadd.s32 $0xFFFFFFFF  }
0xb5: {  	_ =	strace $0x9000004E  }
0xb6: {  	_ =	sfence  }
0xb7: {  	s30 =	sld [smem:$0x0];
	_ =	sdelay $0x2  }
0xb8: {  	s31 =	sshll.u32 s1, $0xD;
	s1 =	sshrl.u32 s1, $0x2  }
0xb9: {  	s3 =	sand.u32 $0x4000, s31;
	s1 =	sadd.s32 s1, s30  }
0xba: {  	s0 =	sor.u32 s3, s0;
	s1 =	sshll.u32 s1, $0x11  }
0xbb: {  	s0 =	sor.u32 s1, s0  }
0xbc: {  	s0 =	sadd.s32 $0x8F2B, s0  }
0xbd: {  	[sflag:s0] =	ssyncadd.remote.s32 $0x1  }
0xbe: {  	_ =	sfence.sel $0xFFFF  }
0xbf: {  	[dreg:$0x0] =	wrdreg $0xFFFFFFFF;
	(pc) =	sbr.abs _section_cstart, $3  }
0xc0: {  	[dreg:$0x1] =	wrdreg $0xFFFFFFFF  }
0xc1: {  	_ =	task.clear_ibuf [dreg:s6], $0x2FFFF;
	_ =	strace $0x9FFFFFFF  }
0xc2: {  	(tm) =	ssettm $0x7FFFFFFF  }
0xc3: {  	_ =	shalt  }
tec
execute0_lowered:
.L_overlay_start_1:
0x0: {  	(tag) =	ssettag $0x1  }
0x1: {  	s6 =	rddreg [dreg:$0x0]  }
0x2: {  	s0 =	srdreg.scid;
	s2 =	rddreg [dreg:$0x1]  }
0x3: {  	s1 =	rddreg [dreg:$0x2];
	s3 =	simm.s32 $0x0;
	s14 =	simm.s32 $0x3  }
0x4: {  	s15 =	simm.s32 $0x14000;
	s16 =	simm.s32 $0x80;
	s5 =	sand.u32 $0x1, s0  }
0x5: {  	s17 =	simm.s32 $0x16800;
	s0 =	stileid.u32;
	s4 =	smul.u32 $0x28000, s5  }
0x6: {  	s18 =	simm.s32 $0x16880;
	s19 =	simm.s32 $0x1AA00;
	s7 =	smul.u32 $0x2800, s0  }
0x7: {  	s20 =	simm.s32 $0x1;
	s21 =	simm.s32 $0x16900;
	s8 =	smul.u32 $0x140000, s5  }
0x8: {  	s22 =	simm.s32 $0x2;
	s23 =	simm.s32 $0x16980;
	s28 =	smul.u32 $0x14000, s0  }
0x9: {  	[smem:$0x7FF] =	sst s3;
	s10 =	smul.u32 $0x50000, s0;
	s29 =	ssub.s32 $0x2, s5  }
0xa: {  	s24 =	simm.s32 $0x0;
	_ =	strace $0x8000004D;
	s31 =	sshrl.u32 s29, $0x1  }
0xb: {  	s4 =	sadd.s32 s7, s4;
	s7 =	sadd.s32 s28, s8;
	s30 =	sshrl.u32 s10, $0x2  }
0xc: {  	s13 =	ssub.s32 s29, s31;
	s9 =	sshrl.u32 s4, $0x3;
	s4 =	sadd.s32 $0x5E400, s6  }
0xd: {  	s7 =	sshrl.u32 s7, $0x3;
	s5 =	sadd.s32 s30, s2;
	s11 =	sadd.s32 s9, s6  }
0xe: {  	s12 =	sadd.s32 s7, s6;
	s6 =	sadd.s32 $0x4000, s5;
	s7 =	sadd.s32 $0x8000, s5  }
0xf: {  	s8 =	sadd.s32 $0xC000, s5;
	s9 =	sadd.s32 $0x10000, s5;
	s10 =	sadd.s32 $0x4400, s11  }
0x10: {  	v0 =	vimm.f32 $0.0e+00;
	s11 =	sadd.s32 $0xB0600, s12;
	s12 =	smax.u32 s13, $0x1;
	s13 =	simm.s32 $0x16A00  }
.LBB2_1:
0x11: {  	s25 =	simm.s32 $0x0;
	s26 =	simm.s32 $0x200  }
.LBB2_2:
0x12: {  	p0 =	sne.s32 s26, $0xFE00;
	[tilespmem:s25+$0x16A70] =	vst v0  }
0x13: {  	[tilespmem:s25+$0x16A00] =	vst v0  }
0x14: {  	[tilespmem:s25+$0x16A10] =	vst v0  }
.Ltmp0:
0x15: {  	[tilespmem:s25+$0x16A20] =	vst v0;
	(pc) =	sbr.rel @p0 .LBB2_2-.Ltmp0, $4  }
0x16: {  	[tilespmem:s25+$0x16A30] =	vst v0  }
0x17: {  	[tilespmem:s25+$0x16A40] =	vst v0  }
0x18: {  	[tilespmem:s25+$0x16A50] =	vst v0  }
0x19: {  	[tilespmem:s25+$0x16A60] =	vst v0;
	s25 =	sshra.s32 s26, $0x2;
	s26 =	sadd.s32 $0x200, s26  }
0x1a: {  	[tilespmem:s25+$0x16A70] =	vst v0  }
0x1b: {  	[tilespmem:s25+$0x16A00] =	vst v0  }
0x1c: {  	[tilespmem:s25+$0x16A10] =	vst v0  }
0x1d: {  	[tilespmem:s25+$0x16A20] =	vst v0  }
0x1e: {  	[tilespmem:s25+$0x16A30] =	vst v0  }
0x1f: {  	[tilespmem:s25+$0x16A40] =	vst v0  }
0x20: {  	[tilespmem:s25+$0x16A50] =	vst v0  }
0x21: {  	[tilespmem:s25+$0x16A60] =	vst v0  }
0x22: {  	[spmem:s5] =	stream.linear.scatter [tilespmem:s13], [sflag:$0x3], $0x4000, $0x38;
	[tilespmem:$0x1EA00] =	vst v63  }
0x23: {  	_ =	swait.ge [sflag:s14], $0x4000  }
0x24: {  	[sflag:s14] =	ssyncset.done $0x0  }
0x25: {  	[sflag:s14] =	ssyncadd.s32 $0xFFFFC000  }
0x26: {  	[spmem:s6] =	stream.linear.scatter [tilespmem:s13], [sflag:$0x3], $0x4000, $0x38;
	[tilespmem:$0x1EA00] =	vst v63  }
0x27: {  	_ =	swait.ge [sflag:s14], $0x4000  }
0x28: {  	[sflag:s14] =	ssyncset.done $0x0  }
0x29: {  	[sflag:s14] =	ssyncadd.s32 $0xFFFFC000  }
0x2a: {  	[spmem:s7] =	stream.linear.scatter [tilespmem:s13], [sflag:$0x3], $0x4000, $0x38;
	[tilespmem:$0x1EA00] =	vst v63  }
0x2b: {  	_ =	swait.ge [sflag:s14], $0x4000  }
0x2c: {  	[sflag:s14] =	ssyncset.done $0x0  }
0x2d: {  	[sflag:s14] =	ssyncadd.s32 $0xFFFFC000  }
0x2e: {  	[spmem:s8] =	stream.linear.scatter [tilespmem:s13], [sflag:$0x3], $0x4000, $0x38;
	[tilespmem:$0x1EA00] =	vst v63  }
0x2f: {  	_ =	swait.ge [sflag:s14], $0x4000  }
0x30: {  	[sflag:s14] =	ssyncset.done $0x0  }
0x31: {  	[sflag:s14] =	ssyncadd.s32 $0xFFFFC000  }
0x32: {  	[spmem:s9] =	stream.linear.scatter [tilespmem:s13], [sflag:$0x3], $0x4000, $0x38;
	[tilespmem:$0x1EA00] =	vst v63  }
0x33: {  	_ =	swait.ge [sflag:s14], $0x4000  }
0x34: {  	[sflag:s14] =	ssyncset.done $0x0  }
0x35: {  	[sflag:s14] =	ssyncadd.s32 $0xFFFFC000  }
0x36: {  	[bflag:$0x0] =	sbarrier.arrive $0xFFFF  }
0x37: {  	[tilespmem:s15], [sflag:$0x3] =	stream.linear.gather [hbm4b:s10+s3], $0x2800, $0x38;
	[tilespmem:$0x1EA00] =	vst v63  }
0x38: {  	_ =	swait.ge [sflag:s14], $0x2800  }
0x39: {  	[sflag:s14] =	ssyncset.done $0x0  }
0x3a: {  	[sflag:s14] =	ssyncadd.s32 $0xFFFFD800  }
0x3b: {  	v1 =	vld [tilespmem:$0x14000];
	_ =	sdelay $0x1  }
0x3c: {  	v2 =	vld [tilespmem:$0x14010];
	_ =	sdelay $0x1  }
0x3d: {  	v3 =	vld [tilespmem:$0x14020]  }
0x3e: {  	v4 =	vshrl.u32 v1, $0xE  }
0x3f: {  	v59 =	vld [tilespmem:$0x14030];
	v1 =	vand.u32 $0x3FFF, v1;
	[tilespmem:$0x16800] =	vst v4  }
0x40: {  	[tilespmem:$0x16900] =	vst v1;
	v1 =	vshrl.u32 v2, $0xE  }
0x41: {  	[tilespmem:$0x16810] =	vst v1;
	v1 =	vand.u32 $0x3FFF, v2;
	v2 =	vld [tilespmem:$0x14040]  }
0x42: {  	[tilespmem:$0x16910] =	vst v1;
	v1 =	vshrl.u32 v3, $0xE  }
0x43: {  	[tilespmem:$0x16820] =	vst v1;
	v1 =	vand.u32 $0x3FFF, v3;
	v3 =	vld [tilespmem:$0x14050]  }
0x44: {  	[tilespmem:$0x16920] =	vst v1;
	v1 =	vshrl.u32 v59, $0xE  }
0x45: {  	v60 =	vld [tilespmem:$0x14060];
	[tilespmem:$0x16830] =	vst v1;
	v1 =	vand.u32 $0x3FFF, v59  }
0x46: {  	[tilespmem:$0x16930] =	vst v1;
	v1 =	vshrl.u32 v2, $0xE  }
0x47: {  	[tilespmem:$0x16840] =	vst v1;
	v1 =	vand.u32 $0x3FFF, v2;
	v2 =	vld [tilespmem:$0x14070]  }
0x48: {  	[tilespmem:$0x16940] =	vst v1;
	v1 =	vshrl.u32 v3, $0xE  }
0x49: {  	[tilespmem:$0x16850] =	vst v1;
	v1 =	vand.u32 $0x3FFF, v3  }
0x4a: {  	[tilespmem:$0x16950] =	vst v1;
	v1 =	vshrl.u32 v60, $0xE  }
0x4b: {  	[tilespmem:$0x16860] =	vst v1;
	v1 =	vand.u32 $0x3FFF, v60  }
0x4c: {  	[tilespmem:$0x16960] =	vst v1;
	v1 =	vshrl.u32 v2, $0xE  }
0x4d: {  	[tilespmem:$0x16870] =	vst v1;
	v1 =	vand.u32 $0x3FFF, v2  }
0x4e: {  	[tilespmem:$0x16970] =	vst v1  }
0x4f: {  	[tilespmem:s13], [sflag:$0x1] =	stream.indirect.gather [hbm4b:s4+s16], $0x80, s17, s16, $0xb8;
	[tilespmem:$0x1EA00] =	vst v63  }
0x50: {  	v1 =	vld [tilespmem:$0x14080];
	_ =	sdelay $0x1  }
0x51: {  	v2 =	vld [tilespmem:$0x14090];
	_ =	sdelay $0x1  }
0x52: {  	v3 =	vld [tilespmem:$0x140A0]  }
0x53: {  	v61 =	vshrl.u32 v1, $0xE  }
0x54: {  	v62 =	vld [tilespmem:$0x140B0];
	v1 =	vand.u32 $0x3FFF, v1;
	[tilespmem:$0x16880] =	vst v61  }
0x55: {  	[tilespmem:$0x16980] =	vst v1;
	v1 =	vshrl.u32 v2, $0xE  }
0x56: {  	[tilespmem:$0x16890] =	vst v1;
	v1 =	vand.u32 $0x3FFF, v2;
	v2 =	vld [tilespmem:$0x140C0]  }
0x57: {  	[tilespmem:$0x16990] =	vst v1;
	v1 =	vshrl.u32 v3, $0xE  }
0x58: {  	[tilespmem:$0x168A0] =	vst v1;
	v1 =	vand.u32 $0x3FFF, v3;
	v3 =	vld [tilespmem:$0x140D0]  }
0x59: {  	[tilespmem:$0x169A0] =	vst v1;
	v1 =	vshrl.u32 v62, $0xE  }
0x5a: {  	v63 =	vld [tilespmem:$0x140E0];
	[tilespmem:$0x168B0] =	vst v1;
	v1 =	vand.u32 $0x3FFF, v62  }
0x5b: {  	[tilespmem:$0x169B0] =	vst v1;
	v1 =	vshrl.u32 v2, $0xE  }
0x5c: {  	[tilespmem:$0x168C0] =	vst v1;
	v1 =	vand.u32 $0x3FFF, v2;
	v2 =	vld [tilespmem:$0x140F0]  }
0x5d: {  	[tilespmem:$0x169C0] =	vst v1;
	v1 =	vshrl.u32 v3, $0xE  }
0x5e: {  	[tilespmem:$0x168D0] =	vst v1;
	v1 =	vand.u32 $0x3FFF, v3  }
0x5f: {  	[tilespmem:$0x169D0] =	vst v1;
	v1 =	vshrl.u32 v63, $0xE  }
0x60: {  	[tilespmem:$0x168E0] =	vst v1;
	v1 =	vand.u32 $0x3FFF, v63  }
0x61: {  	[tilespmem:$0x169E0] =	vst v1;
	v1 =	vshrl.u32 v2, $0xE  }
0x62: {  	[tilespmem:$0x168F0] =	vst v1;
	v1 =	vand.u32 $0x3FFF, v2  }
0x63: {  	[tilespmem:$0x169F0] =	vst v1  }
0x64: {  	[tilespmem:s19], [sflag:$0x2] =	stream.indirect.gather [hbm4b:s4+s16], $0x80, s18, s16, $0xb8;
	[tilespmem:$0x1EA00] =	vst v63  }
0x65: {  	_ =	swait.ge [sflag:s20], $0x4000  }
0x66: {  	[sflag:s20] =	ssyncset.done $0x0  }
0x67: {  	[sflag:s20] =	ssyncadd.s32 $0xFFFFC000  }
0x68: {  	[spmem:s2] =	stream.indirect.scatter.add.f32 [tilespmem:s13], [sflag:$0x3], $0x80, s21, s16, $0xb8;
	[tilespmem:$0x1EA00] =	vst v63  }
0x69: {  	_ =	swait.ge [sflag:s14], $0x4000  }
0x6a: {  	[sflag:s14] =	ssyncset.done $0x0  }
0x6b: {  	s25 =	simm.s32 $0x1F0;
	[sflag:s14] =	ssyncadd.s32 $0xFFFFC000  }
0x6c: {  	v1 =	vld [tilespmem:s25+$0x13F10];
	_ =	sdelay $0x4  }
0x6d: {  	v2 =	vshrl.u32 v1, $0xE  }
0x6e: {  	v1 =	vand.u32 $0x3FFF, v1;
	[tilespmem:$0x16800] =	vst v2  }
0x6f: {  	[tilespmem:$0x16900] =	vst v1  }
0x70: {  	v1 =	vld [tilespmem:s25+$0x13F20];
	_ =	sdelay $0x4  }
0x71: {  	v2 =	vshrl.u32 v1, $0xE  }
0x72: {  	v1 =	vand.u32 $0x3FFF, v1;
	[tilespmem:$0x16810] =	vst v2  }
0x73: {  	[tilespmem:$0x16910] =	vst v1  }
0x74: {  	v1 =	vld [tilespmem:s25+$0x13F30];
	_ =	sdelay $0x4  }
0x75: {  	v2 =	vshrl.u32 v1, $0xE  }
0x76: {  	v1 =	vand.u32 $0x3FFF, v1;
	[tilespmem:$0x16820] =	vst v2  }
0x77: {  	[tilespmem:$0x16920] =	vst v1  }
0x78: {  	v1 =	vld [tilespmem:s25+$0x13F40];
	_ =	sdelay $0x4  }
0x79: {  	v2 =	vshrl.u32 v1, $0xE  }
0x7a: {  	v1 =	vand.u32 $0x3FFF, v1;
	[tilespmem:$0x16830] =	vst v2  }
0x7b: {  	[tilespmem:$0x16930] =	vst v1  }
0x7c: {  	v1 =	vld [tilespmem:s25+$0x13F50];
	_ =	sdelay $0x4  }
0x7d: {  	v2 =	vshrl.u32 v1, $0xE  }
0x7e: {  	v1 =	vand.u32 $0x3FFF, v1;
	[tilespmem:$0x16840] =	vst v2  }
0x7f: {  	[tilespmem:$0x16940] =	vst v1  }
0x80: {  	v1 =	vld [tilespmem:s25+$0x13F60];
	_ =	sdelay $0x4  }
0x81: {  	v2 =	vshrl.u32 v1, $0xE  }
0x82: {  	v1 =	vand.u32 $0x3FFF, v1;
	[tilespmem:$0x16850] =	vst v2  }
0x83: {  	[tilespmem:$0x16950] =	vst v1  }
0x84: {  	v1 =	vld [tilespmem:s25+$0x13F70];
	_ =	sdelay $0x4  }
0x85: {  	v2 =	vshrl.u32 v1, $0xE  }
0x86: {  	v1 =	vand.u32 $0x3FFF, v1;
	[tilespmem:$0x16860] =	vst v2  }
0x87: {  	[tilespmem:$0x16960] =	vst v1  }
0x88: {  	v1 =	vld [tilespmem:s25+$0x13F80];
	_ =	sdelay $0x4  }
0x89: {  	v2 =	vshrl.u32 v1, $0xE  }
0x8a: {  	v1 =	vand.u32 $0x3FFF, v1;
	[tilespmem:$0x16870] =	vst v2  }
0x8b: {  	[tilespmem:$0x16970] =	vst v1  }
0x8c: {  	[tilespmem:s13], [sflag:$0x1] =	stream.indirect.gather [hbm4b:s4+s16], $0x80, s17, s16, $0xb8;
	[tilespmem:$0x1EA00] =	vst v63  }
0x8d: {  	_ =	swait.ge [sflag:s22], $0x4000  }
0x8e: {  	[sflag:s22] =	ssyncset.done $0x0  }
0x8f: {  	[sflag:s22] =	ssyncadd.s32 $0xFFFFC000  }
0x90: {  	[spmem:s2] =	stream.indirect.scatter.add.f32 [tilespmem:s19], [sflag:$0x3], $0x80, s23, s16, $0xb8;
	[tilespmem:$0x1EA00] =	vst v63  }
0x91: {  	_ =	swait.ge [sflag:s14], $0x4000  }
0x92: {  	[sflag:s14] =	ssyncset.done $0x0  }
0x93: {  	[sflag:s14] =	ssyncadd.s32 $0xFFFFC000  }
0x94: {  	v1 =	vld [tilespmem:s25+$0x13F90];
	_ =	sdelay $0x4  }
0x95: {  	v2 =	vshrl.u32 v1, $0xE  }
0x96: {  	v1 =	vand.u32 $0x3FFF, v1;
	[tilespmem:$0x16880] =	vst v2  }
0x97: {  	[tilespmem:$0x16980] =	vst v1  }
0x98: {  	v1 =	vld [tilespmem:s25+$0x13FA0];
	_ =	sdelay $0x4  }
0x99: {  	v2 =	vshrl.u32 v1, $0xE  }
0x9a: {  	v1 =	vand.u32 $0x3FFF, v1;
	[tilespmem:$0x16890] =	vst v2  }
0x9b: {  	[tilespmem:$0x16990] =	vst v1  }
0x9c: {  	v1 =	vld [tilespmem:s25+$0x13FB0];
	_ =	sdelay $0x4  }
0x9d: {  	v2 =	vshrl.u32 v1, $0xE  }
0x9e: {  	v1 =	vand.u32 $0x3FFF, v1;
	[tilespmem:$0x168A0] =	vst v2  }
0x9f: {  	[tilespmem:$0x169A0] =	vst v1  }
0xa0: {  	v1 =	vld [tilespmem:s25+$0x13FC0];
	_ =	sdelay $0x4  }
0xa1: {  	v2 =	vshrl.u32 v1, $0xE  }
0xa2: {  	v1 =	vand.u32 $0x3FFF, v1;
	[tilespmem:$0x168B0] =	vst v2  }
0xa3: {  	[tilespmem:$0x169B0] =	vst v1  }
0xa4: {  	v1 =	vld [tilespmem:s25+$0x13FD0];
	_ =	sdelay $0x4  }
0xa5: {  	v2 =	vshrl.u32 v1, $0xE  }
0xa6: {  	v1 =	vand.u32 $0x3FFF, v1;
	[tilespmem:$0x168C0] =	vst v2  }
0xa7: {  	[tilespmem:$0x169C0] =	vst v1  }
0xa8: {  	v1 =	vld [tilespmem:s25+$0x13FE0];
	_ =	sdelay $0x4  }
0xa9: {  	v2 =	vshrl.u32 v1, $0xE  }
0xaa: {  	v1 =	vand.u32 $0x3FFF, v1;
	[tilespmem:$0x168D0] =	vst v2  }
0xab: {  	[tilespmem:$0x169D0] =	vst v1  }
0xac: {  	v1 =	vld [tilespmem:s25+$0x13FF0];
	_ =	sdelay $0x4  }
0xad: {  	v2 =	vshrl.u32 v1, $0xE  }
0xae: {  	s26 =	simm.s32 $0xBC0;
	v1 =	vand.u32 $0x3FFF, v1;
	[tilespmem:$0x168E0] =	vst v2  }
.LBB2_4:
0xaf: {  	p0 =	sne.s32 s26, $0x9FC0;
	[tilespmem:$0x169E0] =	vst v1;
	s28 =	smov.u32 s26;
	s26 =	sadd.s32 $0x400, s26  }
0xb0: {  	v1 =	vld [tilespmem:s25+$0x14000];
	_ =	sdelay $0x4  }
0xb1: {  	v2 =	vshrl.u32 v1, $0xE;
	v1 =	vand.u32 $0x3FFF, v1  }
0xb2: {  	[tilespmem:$0x168F0] =	vst v2  }
0xb3: {  	[tilespmem:$0x169F0] =	vst v1  }
0xb4: {  	[tilespmem:s19], [sflag:$0x2] =	stream.indirect.gather [hbm4b:s4+s16], $0x80, s18, s16, $0xb8;
	[tilespmem:$0x1EA00] =	vst v63  }
0xb5: {  	_ =	swait.ge [sflag:s20], $0x4000  }
0xb6: {  	[sflag:s20] =	ssyncset.done $0x0  }
0xb7: {  	[sflag:s20] =	ssyncadd.s32 $0xFFFFC000  }
0xb8: {  	[spmem:s2] =	stream.indirect.scatter.add.f32 [tilespmem:s13], [sflag:$0x3], $0x80, s21, s16, $0xb8;
	[tilespmem:$0x1EA00] =	vst v63  }
0xb9: {  	_ =	swait.ge [sflag:s14], $0x4000  }
0xba: {  	[sflag:s14] =	ssyncset.done $0x0  }
0xbb: {  	s25 =	sshra.s32 s28, $0x2;
	[sflag:s14] =	ssyncadd.s32 $0xFFFFC000  }
0xbc: {  	v1 =	vld [tilespmem:s25+$0x13F10];
	_ =	sdelay $0x4  }
0xbd: {  	v2 =	vshrl.u32 v1, $0xE;
	v1 =	vand.u32 $0x3FFF, v1  }
0xbe: {  	[tilespmem:$0x16800] =	vst v2  }
0xbf: {  	[tilespmem:$0x16900] =	vst v1  }
0xc0: {  	v1 =	vld [tilespmem:s25+$0x13F20];
	_ =	sdelay $0x4  }
0xc1: {  	v2 =	vshrl.u32 v1, $0xE;
	v1 =	vand.u32 $0x3FFF, v1  }
0xc2: {  	[tilespmem:$0x16810] =	vst v2  }
0xc3: {  	[tilespmem:$0x16910] =	vst v1  }
0xc4: {  	v1 =	vld [tilespmem:s25+$0x13F30];
	_ =	sdelay $0x4  }
0xc5: {  	v2 =	vshrl.u32 v1, $0xE;
	v1 =	vand.u32 $0x3FFF, v1  }
0xc6: {  	[tilespmem:$0x16820] =	vst v2  }
0xc7: {  	[tilespmem:$0x16920] =	vst v1  }
0xc8: {  	v1 =	vld [tilespmem:s25+$0x13F40];
	_ =	sdelay $0x4  }
0xc9: {  	v2 =	vshrl.u32 v1, $0xE;
	v1 =	vand.u32 $0x3FFF, v1  }
0xca: {  	[tilespmem:$0x16830] =	vst v2  }
0xcb: {  	[tilespmem:$0x16930] =	vst v1  }
0xcc: {  	v1 =	vld [tilespmem:s25+$0x13F50];
	_ =	sdelay $0x4  }
0xcd: {  	v2 =	vshrl.u32 v1, $0xE;
	v1 =	vand.u32 $0x3FFF, v1  }
0xce: {  	[tilespmem:$0x16840] =	vst v2  }
0xcf: {  	[tilespmem:$0x16940] =	vst v1  }
0xd0: {  	v1 =	vld [tilespmem:s25+$0x13F60];
	_ =	sdelay $0x4  }
0xd1: {  	v2 =	vshrl.u32 v1, $0xE;
	v1 =	vand.u32 $0x3FFF, v1  }
0xd2: {  	[tilespmem:$0x16850] =	vst v2  }
0xd3: {  	[tilespmem:$0x16950] =	vst v1  }
0xd4: {  	v1 =	vld [tilespmem:s25+$0x13F70];
	_ =	sdelay $0x4  }
0xd5: {  	v2 =	vshrl.u32 v1, $0xE;
	v1 =	vand.u32 $0x3FFF, v1  }
0xd6: {  	[tilespmem:$0x16860] =	vst v2  }
0xd7: {  	[tilespmem:$0x16960] =	vst v1  }
0xd8: {  	v1 =	vld [tilespmem:s25+$0x13F80];
	_ =	sdelay $0x4  }
0xd9: {  	v2 =	vshrl.u32 v1, $0xE;
	v1 =	vand.u32 $0x3FFF, v1  }
0xda: {  	[tilespmem:$0x16870] =	vst v2  }
0xdb: {  	[tilespmem:$0x16970] =	vst v1  }
0xdc: {  	[tilespmem:s13], [sflag:$0x1] =	stream.indirect.gather [hbm4b:s4+s16], $0x80, s17, s16, $0xb8;
	[tilespmem:$0x1EA00] =	vst v63  }
0xdd: {  	_ =	swait.ge [sflag:s22], $0x4000  }
0xde: {  	[sflag:s22] =	ssyncset.done $0x0  }
0xdf: {  	[sflag:s22] =	ssyncadd.s32 $0xFFFFC000  }
0xe0: {  	[spmem:s2] =	stream.indirect.scatter.add.f32 [tilespmem:s19], [sflag:$0x3], $0x80, s23, s16, $0xb8;
	[tilespmem:$0x1EA00] =	vst v63  }
0xe1: {  	_ =	swait.ge [sflag:s14], $0x4000  }
0xe2: {  	[sflag:s14] =	ssyncset.done $0x0  }
0xe3: {  	[sflag:s14] =	ssyncadd.s32 $0xFFFFC000  }
0xe4: {  	v1 =	vld [tilespmem:s25+$0x13F90];
	_ =	sdelay $0x4  }
0xe5: {  	v2 =	vshrl.u32 v1, $0xE;
	v1 =	vand.u32 $0x3FFF, v1  }
0xe6: {  	[tilespmem:$0x16880] =	vst v2  }
0xe7: {  	[tilespmem:$0x16980] =	vst v1  }
0xe8: {  	v1 =	vld [tilespmem:s25+$0x13FA0];
	_ =	sdelay $0x4  }
0xe9: {  	v2 =	vshrl.u32 v1, $0xE;
	v1 =	vand.u32 $0x3FFF, v1  }
0xea: {  	[tilespmem:$0x16890] =	vst v2  }
0xeb: {  	[tilespmem:$0x16990] =	vst v1  }
0xec: {  	v1 =	vld [tilespmem:s25+$0x13FB0];
	_ =	sdelay $0x4  }
0xed: {  	v2 =	vshrl.u32 v1, $0xE;
	v1 =	vand.u32 $0x3FFF, v1  }
0xee: {  	[tilespmem:$0x168A0] =	vst v2  }
0xef: {  	[tilespmem:$0x169A0] =	vst v1  }
0xf0: {  	v1 =	vld [tilespmem:s25+$0x13FC0];
	_ =	sdelay $0x4  }
0xf1: {  	v2 =	vshrl.u32 v1, $0xE;
	v1 =	vand.u32 $0x3FFF, v1  }
0xf2: {  	[tilespmem:$0x168B0] =	vst v2  }
0xf3: {  	[tilespmem:$0x169B0] =	vst v1  }
0xf4: {  	v1 =	vld [tilespmem:s25+$0x13FD0];
	_ =	sdelay $0x4  }
0xf5: {  	v2 =	vshrl.u32 v1, $0xE;
	v1 =	vand.u32 $0x3FFF, v1  }
0xf6: {  	[tilespmem:$0x168C0] =	vst v2  }
0xf7: {  	[tilespmem:$0x169C0] =	vst v1  }
0xf8: {  	v1 =	vld [tilespmem:s25+$0x13FE0];
	_ =	sdelay $0x4  }
0xf9: {  	v2 =	vshrl.u32 v1, $0xE;
	v1 =	vand.u32 $0x3FFF, v1  }
0xfa: {  	[tilespmem:$0x168D0] =	vst v2  }
0xfb: {  	[tilespmem:$0x169D0] =	vst v1  }
0xfc: {  	v1 =	vld [tilespmem:s25+$0x13FF0];
	_ =	sdelay $0x1  }
.Ltmp1:
0xfd: {  	(pc) =	sbr.rel @p0 .LBB2_4-.Ltmp1, $3  }
0xfe: {  	_ =	sdelay $0x1  }
0xff: {  	v2 =	vshrl.u32 v1, $0xE;
	v1 =	vand.u32 $0x3FFF, v1  }
0x100: {  	[tilespmem:$0x168E0] =	vst v2  }
0x101: {  	[tilespmem:$0x169E0] =	vst v1  }
0x102: {  	v1 =	vld [tilespmem:s25+$0x14000];
	_ =	sdelay $0x4  }
0x103: {  	v2 =	vshrl.u32 v1, $0xE  }
0x104: {  	v1 =	vand.u32 $0x3FFF, v1;
	[tilespmem:$0x168F0] =	vst v2  }
0x105: {  	[tilespmem:$0x169F0] =	vst v1  }
0x106: {  	[tilespmem:s19], [sflag:$0x2] =	stream.indirect.gather [hbm4b:s4+s16], $0x80, s18, s16, $0xb8;
	[tilespmem:$0x1EA00] =	vst v63  }
0x107: {  	_ =	swait.ge [sflag:s20], $0x4000  }
0x108: {  	[sflag:s20] =	ssyncset.done $0x0  }
0x109: {  	[sflag:s20] =	ssyncadd.s32 $0xFFFFC000  }
0x10a: {  	[spmem:s2] =	stream.indirect.scatter.add.f32 [tilespmem:s13], [sflag:$0x3], $0x80, s21, s16, $0xb8;
	[tilespmem:$0x1EA00] =	vst v63  }
0x10b: {  	_ =	swait.ge [sflag:s14], $0x4000  }
0x10c: {  	[sflag:s14] =	ssyncset.done $0x0  }
0x10d: {  	[sflag:s14] =	ssyncadd.s32 $0xFFFFC000  }
0x10e: {  	_ =	swait.ge [sflag:s22], $0x4000  }
0x10f: {  	[sflag:s22] =	ssyncset.done $0x0  }
0x110: {  	[sflag:s22] =	ssyncadd.s32 $0xFFFFC000  }
0x111: {  	[spmem:s2] =	stream.indirect.scatter.add.f32 [tilespmem:s19], [sflag:$0x3], $0x80, s23, s16, $0xb8;
	[tilespmem:$0x1EA00] =	vst v63  }
0x112: {  	_ =	swait.ge [sflag:s14], $0x4000  }
0x113: {  	s31 =	sshll.u32 s0, $0x6;
	s24 =	sadd.s32 $0x1, s24;
	[sflag:s14] =	ssyncset.done $0x0  }
0x114: {  	s26 =	sshrl.u32 s5, $0x3;
	p0 =	sne.s32 s24, s12;
	[sflag:s14] =	ssyncadd.s32 $0xFFFFC000  }
.Ltmp2:
0x115: {  	s25 =	sor.u32 $0x1C03, s31;
	[bflag:$0x0] =	sbarrier.arrive $0xFFFF;
	(pc) =	sbr.rel @p0 .LBB2_1-.Ltmp2, $4  }
0x116: {  	[hbm:s11], [sflag:s25] =	dma.local [spmem:s26], $0x2800  }
0x117: {  	_ =	swait.ge [sflag:s14], $0x2800  }
0x118: {  	[sflag:s14] =	ssyncset.done $0x0  }
0x119: {  	[sflag:s14] =	ssyncadd.s32 $0xFFFFD800  }
0x11a: {  	_ =	sfence.sel $0x180000  }
0x11b: {  	[bflag:$0x0] =	sbarrier.arrive $0xFFFF  }
0x11c: {  	p0 =	sne.s32 s0, $0x0;
	_ =	strace $0x9000004D  }
0x11d: {  	s0 =	sadd.s32 @!p0 $0x100000, s1;
	[bflag:$0x2] =	sbarrier.arrive $0xFFFF  }
0x11e: {  	[sflag:s0] =	ssyncadd.tile.s32 @!p0 $0x1;
	_ =	shalt  }
.Lfunc_end2:
_tile_overlayer_lowered:
.L_overlay_start_2:
0x11f: {  	(tag) =	ssettag $0x2  }
0x120: {  	s0 =	rddreg [dreg:$0x0];
	s2 =	stileid.u32  }
0x121: {  	s1 =	rddreg [dreg:$0x1];
	p0 =	sne.s32 s2, $0x0  }
0x122: {  	s3 =	rddreg [dreg:$0x2];
	[bflag:$0x3] =	sbarrier.arrive $0xFFFF;
	s2 =	simm.s32 @!p0 $0x1C03  }
0x123: {  	[timem:s3], [sflag:s2] =	dma.local @!p0 [hbm:s0], s1  }
0x124: {  	s0 =	simm.s32 @!p0 $0x3  }
0x125: {  	_ =	swait.ge @!p0 [sflag:s0], s1  }
0x126: {  	s1 =	ssub.s32 @!p0 $0x0, s1;
	[sflag:s0] =	ssyncset.done @!p0 $0x0  }
0x127: {  	[sflag:s0] =	ssyncadd.s32 @!p0 s1  }
0x128: {  	[bflag:$0x3] =	sbarrier.arrive $0xFFFF  }
0x129: {  	_ =	shalt  }

// kernel: kernel.8.cloned.1.call-start
scs
__scs_entry_jumppad:
0x0: {  	(pc) =	sbr.rel $0x88, $3  }
0x1: {  	(tag) =	ssettag $0x0;
	lr =	simm.s32 $0x1  }
0x2: {  	[smem:$0x3F93] =	sst lr;
	_ =	strace $0xD0000000  }
0x3: {  	_ = 	snop  }
0x4: {  	_ = 	snop  }
0x5: {  	_ = 	snop  }
0x6: {  	_ = 	snop  }
0x7: {  	_ = 	snop  }
__scs_overlays_trampoline_lowered:
0x8: {  	[smem:$0x3FA2] =	sst s0  }
0x9: {  	[smem:$0x3FA3] =	sst s1  }
0xa: {  	[smem:$0x3FA4] =	sst s2  }
0xb: {  	[smem:$0x3FA5] =	sst s3  }
0xc: {  	[smem:$0x3FA6] =	sst s4  }
0xd: {  	[smem:$0x3FA7] =	sst s5  }
0xe: {  	[smem:$0x3FA8] =	sst s6  }
0xf: {  	[smem:$0x3FA9] =	sst s7  }
0x10: {  	[smem:$0x3FAA] =	sst s8  }
0x11: {  	[smem:$0x3FAB] =	sst s9;
	s0 =	simm.s32 @!p0 $0x0  }
0x12: {  	s1 =	sld [smem:$0x3F91];
	s0 =	simm.s32 @p0 $0x1  }
0x13: {  	[smem:$0x3FAC] =	sst s0;
	s0 =	simm.s32 @!p1 $0x0  }
0x14: {  	s2 =	sld [smem:$0x3F90];
	s0 =	simm.s32 @p1 $0x1  }
0x15: {  	[smem:$0x3FAD] =	sst s0;
	s0 =	simm.s32 @!p2 $0x0  }
0x16: {  	s3 =	sld [smem:$0x3FDB];
	s0 =	simm.s32 @p2 $0x1  }
0x17: {  	s4 =	simm.s32 $0x1BF5;
	[smem:$0x3FAF] =	sst s0  }
0x18: {  	s0 =	sld [smem:$0x3F92];
	_ =	swait.ge [sflag:s4], $0x0  }
0x19: {  	s7 =	sld [smem:$0x3F93]  }
0x1a: {  	s8 =	sadd.s32 $0xFFFFE003, lr  }
0x1b: {  	s9 =	sadd.s32 $0xFFFFFEF7, lr;
	s5 =	simm.s32 $0xFFFFFFFF;
	p2 =	slt.u32 s8, $0xFFFFF086  }
0x1c: {  	p1 =	slt.u32 s9, $0xF7A;
	s5 =	simm.s32 @!p2 $0x0  }
0x1d: {  	s5 =	simm.s32 @p1 $0x1;
	p0 =	seq.s32 s7, s2  }
0x1e: {  	s7 =	smul.u32 @!p0 $0xF7A, s2;
	p2 =	seq.s32 @!p0 s5, $0x0  }
0x1f: {  	s9 =	smul.u32 $0xF7A, s1;
	s8 =	simm.s32 @!p0 $0x1BF5;
	p2 =	por !p2, p0  }
0x20: {  	[sflag:s8] =	ssyncset.s32 @!p0 $0xFFFFF086;
	s6 =	sadd.s32 @!p0 s3, s7;
	s7 =	simm.s32 @!p0 $0x108  }
0x21: {  	s3 =	sadd.s32 s3, s9;
	s6 =	sadd.s32 @!p0 $0x88, s6;
	s7 =	simm.s32 @p2 $0x1082  }
0x22: {  	[simem:s7], [sflag:s8] =	dma.local @!p0 [hbm:s6], $0xF7A  }
0x23: {  	s9 =	sor.u32 $0xD0000000, s2;
	s6 =	simm.s32 $0x108;
	_ =	swait.ge @!p0 [sflag:s8], $0x0  }
0x24: {  	s3 =	sadd.s32 $0x88, s3;
	s6 =	simm.s32 @!p1 $0x1082;
	[sflag:s4] =	ssyncset.s32 $0xFFFFF086  }
0x25: {  	[simem:s6], [sflag:s4] =	dma.local [hbm:s3], $0xF7A  }
0x26: {  	[smem:$0x3F93] =	sst s1;
	(tag) =	ssettag s2;
	_ =	strace s9  }
0x27: {  	s1 =	sld [smem:$0x3FA3]  }
0x28: {  	s2 =	sld [smem:$0x3FA4]  }
0x29: {  	s4 =	sld [smem:$0x3FA6]  }
0x2a: {  	p0 =	seq.s32 s5, $0x0;
	s5 =	sld [smem:$0x3FA7]  }
0x2b: {  	s6 =	sld [smem:$0x3FA8]  }
0x2c: {  	s7 =	sld [smem:$0x3FA9]  }
0x2d: {  	s3 =	simm.s32 $0x108;
	s8 =	sld [smem:$0x3FAA]  }
0x2e: {  	s3 =	simm.s32 @!p0 $0x1082;
	s9 =	sld [smem:$0x3FAB]  }
0x2f: {  	lr =	sadd.s32 s0, s3;
	s0 =	sld [smem:$0x3FA2]  }
0x30: {  	s3 =	sld [smem:$0x3FA5]  }
0x31: {  	[smem:$0x3FAE] =	sst s10  }
0x32: {  	s10 =	sld [smem:$0x3FAC];
	_ =	sdelay $0x3  }
0x33: {  	p0 =	seq.s32 s10, $0x1;
	s10 =	sld [smem:$0x3FAE];
	_ =	sdelay $0x3  }
0x34: {  	[smem:$0x3FAE] =	sst s10  }
0x35: {  	s10 =	sld [smem:$0x3FAD];
	_ =	sdelay $0x3  }
0x36: {  	p1 =	seq.s32 s10, $0x1;
	s10 =	sld [smem:$0x3FAE];
	_ =	sdelay $0x3  }
0x37: {  	[smem:$0x3FAE] =	sst s10  }
0x38: {  	s10 =	sld [smem:$0x3FAF]  }
0x39: {  	_ = 	snop;
	(pc) =	sbr.ind lr, $3  }
0x3a: {  	_ = 	snop  }
0x3b: {  	_ = 	snop  }
0x3c: {  	p2 =	seq.s32 s10, $0x1;
	s10 =	sld [smem:$0x3FAE]  }
0x3d: {  	_ =	shalt  }
0x3e: {  	_ =	shalt  }
0x3f: {  	_ =	shalt  }
0x40: {  	_ =	shalt  }
0x41: {  	_ =	shalt  }
0x42: {  	_ =	shalt  }
0x43: {  	_ =	shalt  }
0x44: {  	_ =	shalt  }
0x45: {  	_ =	shalt  }
0x46: {  	_ =	shalt  }
0x47: {  	_ =	shalt  }
0x48: {  	_ =	shalt  }
0x49: {  	_ =	shalt  }
0x4a: {  	_ =	shalt  }
0x4b: {  	_ =	shalt  }
0x4c: {  	_ =	shalt  }
0x4d: {  	_ =	shalt  }
0x4e: {  	_ =	shalt  }
0x4f: {  	_ =	shalt  }
0x50: {  	_ =	shalt  }
0x51: {  	_ =	shalt  }
0x52: {  	_ =	shalt  }
0x53: {  	_ =	shalt  }
0x54: {  	_ =	shalt  }
0x55: {  	_ =	shalt  }
0x56: {  	_ =	shalt  }
0x57: {  	_ =	shalt  }
0x58: {  	_ =	shalt  }
0x59: {  	_ =	shalt  }
0x5a: {  	_ =	shalt  }
0x5b: {  	_ =	shalt  }
0x5c: {  	_ =	shalt  }
0x5d: {  	_ =	shalt  }
0x5e: {  	_ =	shalt  }
0x5f: {  	_ =	shalt  }
0x60: {  	_ =	shalt  }
0x61: {  	_ =	shalt  }
0x62: {  	_ =	shalt  }
0x63: {  	_ =	shalt  }
0x64: {  	_ =	shalt  }
0x65: {  	_ =	shalt  }
0x66: {  	_ =	shalt  }
0x67: {  	_ =	shalt  }
0x68: {  	_ =	shalt  }
0x69: {  	_ =	shalt  }
0x6a: {  	_ =	shalt  }
0x6b: {  	_ =	shalt  }
0x6c: {  	_ =	shalt  }
0x6d: {  	_ =	shalt  }
0x6e: {  	_ =	shalt  }
0x6f: {  	_ =	shalt  }
0x70: {  	_ =	shalt  }
0x71: {  	_ =	shalt  }
0x72: {  	_ =	shalt  }
0x73: {  	_ =	shalt  }
0x74: {  	_ =	shalt  }
0x75: {  	_ =	shalt  }
0x76: {  	_ =	shalt  }
0x77: {  	_ =	shalt  }
0x78: {  	_ =	shalt  }
0x79: {  	_ =	shalt  }
0x7a: {  	_ =	shalt  }
0x7b: {  	_ =	shalt  }
0x7c: {  	_ =	shalt  }
0x7d: {  	_ =	shalt  }
0x7e: {  	_ =	shalt  }
0x7f: {  	_ =	shalt  }
0x80: {  	_ =	shalt  }
0x81: {  	_ =	shalt  }
0x82: {  	_ =	shalt  }
0x83: {  	_ =	shalt  }
0x84: {  	_ =	shalt  }
0x85: {  	_ =	shalt  }
0x86: {  	_ =	shalt  }
0x87: {  	_ =	shalt  }
.Lfunc_end0:
.L_simem_size_0:
called_computation_lowered:
.L_overlay_start_0:
0x88: {  	s2 =	sld [smem:$0x3FD9]  }
0x89: {  	s3 =	sld [smem:$0x3FFE];
	_ =	sdelay $0x1  }
0x8a: {  	s1 =	srdreg.scid  }
0x8b: {  	s0 =	sand.u32 $0x1, s1  }
0x8c: {  	s16 =	sshll.u32 s0, $0xA;
	s2 =	sadd.s32 s3, s2  }
0x8d: {  	s2 =	sadd.s32 s2, s16  }
0x8e: {  	[smem:$0x3FBA] =	sst s2  }
0x8f: {  	_ = 	snop  }
0x90: {  	(tm) =	ssettm $0x1  }
0x91: {  	s17 =	sld [smem:$0x3FFB];
	_ =	sdelay $0x3  }
0x92: {  	_ =	strace s17  }
0x93: {  	s2 =	sld [smem:$0x3FFC];
	_ =	sdelay $0x3  }
0x94: {  	_ =	strace s2  }
0x95: {  	s2 =	sld [smem:$0x3FFD];
	_ =	sdelay $0x3  }
0x96: {  	_ =	strace s2  }
0x97: {  	_ =	strace $0x8FFFFFFF  }
0x98: {  	s18 =	sld [smem:$0x3FDB];
	_ =	sdelay $0x1  }
0x99: {  	s19 =	simm.s32 $_scs_section_size  }
0x9a: {  	s4 =	simm.s32 $_size__tile_overlayer_lowered;
	s5 =	simm.s32 $_tile_overlayer_lowered  }
0x9b: {  	s22 =	simm.s32 $0x1BFF;
	s21 =	sshll.u32 s5, $0x1;
	s2 =	sadd.s32 s19, s18  }
0x9c: {  	s6 =	simm.s32 $0x0;
	s20 =	sshll.u32 s4, $0x1;
	s4 =	sadd.s32 s21, s2  }
0x9d: {  	[timem:s6], [sflag:s22] =	dma.local [hbm:s4], s20  }
0x9e: {  	_ =	swait.ge [sflag:s22], s20  }
0x9f: {  	s3 =	ssub.s32 $0x0, s20;
	[sflag:s22] =	ssyncset.done $0x0  }
0xa0: {  	[sflag:s22] =	ssyncadd.s32 s3;
	_ =	sdelay $0x1  }
0xa1: {  	s23 =	simm.s32 $0x1B8B  }
0xa2: {  	_ =	swait.ge [sflag:s23], $0x1  }
0xa3: {  	[sflag:s23] =	ssyncset.done $0x0  }
0xa4: {  	s25 =	simm.s32 $0x1B8E;
	s24 =	sld [smem:$0x3FFE];
	[sflag:s23] =	ssyncadd.s32 $0xFFFFFFFF  }
0xa5: {  	s26 =	simm.s32 $execute0_lowered;
	[smem:$0x3FD2] =	sst s25  }
0xa6: {  	s4 =	sshll.u32 s26, $0x1;
	_ =	strace $0x80000046;
	[dreg:$0x1] =	wrdreg $0xFFFFFFFF  }
0xa7: {  	s28 =	simm.s32 $_size_execute0_lowered;
	s2 =	sadd.s32 s2, s4;
	[dreg:$0x0] =	wrdreg $0x0  }
0xa8: {  	s4 =	sshll.u32 s28, $0x1;
	[dreg:$0x2] =	wrdreg s2  }
0xa9: {  	[dreg:$0x3] =	wrdreg s4  }
0xaa: {  	[dreg:$0x4] =	wrdreg $0xC0  }
0xab: {  	_ =	task [dreg:s6], $0x5FFFF  }
0xac: {  	[dreg:$0x1] =	wrdreg $0xFFFFFFFF  }
0xad: {  	[dreg:$0x0] =	wrdreg $0x60  }
0xae: {  	[dreg:$0x2] =	wrdreg s24  }
0xaf: {  	[dreg:$0x3] =	wrdreg $0x0  }
0xb0: {  	[dreg:$0x4] =	wrdreg $0x9  }
0xb1: {  	_ =	task.clear_ibuf [dreg:s6], $0x5FFFF;
	_ =	strace $0x90000046  }
0xb2: {  	s29 =	simm.s32 $0x9;
	_ =	strace $0x80000048  }
0xb3: {  	_ =	swait.ge [sflag:s29], $0x1  }
0xb4: {  	[sflag:s29] =	ssyncadd.s32 $0xFFFFFFFF  }
0xb5: {  	_ =	strace $0x90000048  }
0xb6: {  	_ =	sfence  }
0xb7: {  	s30 =	sld [smem:$0x0];
	_ =	sdelay $0x2  }
0xb8: {  	s31 =	sshll.u32 s1, $0xD;
	s1 =	sshrl.u32 s1, $0x2  }
0xb9: {  	s3 =	sand.u32 $0x4000, s31;
	s1 =	sadd.s32 s1, s30  }
0xba: {  	s0 =	sor.u32 s3, s0;
	s1 =	sshll.u32 s1, $0x11  }
0xbb: {  	s0 =	sor.u32 s1, s0  }
0xbc: {  	s0 =	sadd.s32 $0x8F2B, s0  }
0xbd: {  	[sflag:s0] =	ssyncadd.remote.s32 $0x1  }
0xbe: {  	_ =	sfence.sel $0xFFFF  }
0xbf: {  	[dreg:$0x0] =	wrdreg $0xFFFFFFFF;
	(pc) =	sbr.abs _section_cstart, $3  }
0xc0: {  	[dreg:$0x1] =	wrdreg $0xFFFFFFFF  }
0xc1: {  	_ =	task.clear_ibuf [dreg:s6], $0x2FFFF;
	_ =	strace $0x9FFFFFFF  }
0xc2: {  	(tm) =	ssettm $0x7FFFFFFF  }
0xc3: {  	_ =	shalt  }
tec
execute0_lowered:
.L_overlay_start_1:
0x0: {  	(tag) =	ssettag $0x1  }
0x1: {  	s0 =	srdreg.scid;
	s4 =	rddreg [dreg:$0x0]  }
0x2: {  	s2 =	rddreg [dreg:$0x1];
	s5 =	sand.u32 $0x1, s0  }
0x3: {  	s0 =	stileid.u32;
	s6 =	smul.u32 $0x28000, s5  }
0x4: {  	s1 =	rddreg [dreg:$0x2];
	s3 =	simm.s32 $0x0;
	s7 =	smul.u32 $0x2800, s0  }
0x5: {  	s13 =	simm.s32 $0x1;
	s14 =	simm.s32 $0x14000;
	s8 =	smul.u32 $0x140000, s5  }
0x6: {  	s15 =	simm.s32 $0x80;
	[smem:$0x7FF] =	sst s3;
	s28 =	smul.u32 $0x14000, s0  }
0x7: {  	s9 =	smul.u32 $0x50000, s0;
	_ =	strace $0x80000047;
	s5 =	ssub.s32 $0x2, s5  }
0x8: {  	s16 =	sshll.u32 s0, $0x6;
	s31 =	sshrl.u32 s5, $0x1;
	s6 =	sadd.s32 s7, s6  }
0x9: {  	s16 =	sor.u32 $0x1C01, s16;
	s29 =	sadd.s32 s28, s8;
	s6 =	sshrl.u32 s6, $0x3  }
0xa: {  	s30 =	sshrl.u32 s9, $0x2;
	s10 =	sadd.s32 s6, s4;
	s6 =	sshrl.u32 s29, $0x3  }
0xb: {  	s12 =	ssub.s32 s5, s31;
	s11 =	sadd.s32 s6, s4;
	s4 =	sadd.s32 s30, s2  }
0xc: {  	s9 =	sadd.s32 $0x4400, s10;
	s5 =	sadd.s32 $0x4000, s4;
	s6 =	sadd.s32 $0x8000, s4  }
0xd: {  	s7 =	sadd.s32 $0xC000, s4;
	s8 =	sadd.s32 $0x10000, s4;
	s10 =	sadd.s32 $0xE400, s11  }
0xe: {  	v0 =	vimm.f32 $0.0e+00;
	v1 =	vimm.f32 $1.000000000e+00;
	s11 =	smax.u32 s12, $0x1;
	s12 =	simm.s32 $0x16800;
	s17 =	sshrl.u32 s4, $0x3  }
.LBB2_1:
0xf: {  	s18 =	simm.s32 $0x0;
	s19 =	simm.s32 $0x200  }
.LBB2_2:
0x10: {  	p0 =	sne.s32 s19, $0xFE00;
	[tilespmem:s18+$0x16870] =	vst v0  }
0x11: {  	[tilespmem:s18+$0x16800] =	vst v0  }
0x12: {  	[tilespmem:s18+$0x16810] =	vst v0  }
.Ltmp0:
0x13: {  	[tilespmem:s18+$0x16820] =	vst v0;
	(pc) =	sbr.rel @p0 .LBB2_2-.Ltmp0, $4  }
0x14: {  	[tilespmem:s18+$0x16830] =	vst v0  }
0x15: {  	[tilespmem:s18+$0x16840] =	vst v0  }
0x16: {  	[tilespmem:s18+$0x16850] =	vst v0  }
0x17: {  	[tilespmem:s18+$0x16860] =	vst v0;
	s18 =	sshra.s32 s19, $0x2;
	s19 =	sadd.s32 $0x200, s19  }
0x18: {  	[tilespmem:s18+$0x16870] =	vst v0  }
0x19: {  	[tilespmem:s18+$0x16800] =	vst v0  }
0x1a: {  	[tilespmem:s18+$0x16810] =	vst v0  }
0x1b: {  	[tilespmem:s18+$0x16820] =	vst v0  }
0x1c: {  	[tilespmem:s18+$0x16830] =	vst v0  }
0x1d: {  	[tilespmem:s18+$0x16840] =	vst v0  }
0x1e: {  	[tilespmem:s18+$0x16850] =	vst v0  }
0x1f: {  	[tilespmem:s18+$0x16860] =	vst v0  }
0x20: {  	[spmem:s4] =	stream.linear.scatter [tilespmem:s12], [sflag:$0x1], $0x4000, $0x38;
	[tilespmem:$0x1A800] =	vst v63  }
0x21: {  	_ =	swait.ge [sflag:s13], $0x4000  }
0x22: {  	[sflag:s13] =	ssyncset.done $0x0  }
0x23: {  	[sflag:s13] =	ssyncadd.s32 $0xFFFFC000  }
0x24: {  	[spmem:s5] =	stream.linear.scatter [tilespmem:s12], [sflag:$0x1], $0x4000, $0x38;
	[tilespmem:$0x1A800] =	vst v63  }
0x25: {  	_ =	swait.ge [sflag:s13], $0x4000  }
0x26: {  	[sflag:s13] =	ssyncset.done $0x0  }
0x27: {  	[sflag:s13] =	ssyncadd.s32 $0xFFFFC000  }
0x28: {  	[spmem:s6] =	stream.linear.scatter [tilespmem:s12], [sflag:$0x1], $0x4000, $0x38;
	[tilespmem:$0x1A800] =	vst v63  }
0x29: {  	_ =	swait.ge [sflag:s13], $0x4000  }
0x2a: {  	[sflag:s13] =	ssyncset.done $0x0  }
0x2b: {  	[sflag:s13] =	ssyncadd.s32 $0xFFFFC000  }
0x2c: {  	[spmem:s7] =	stream.linear.scatter [tilespmem:s12], [sflag:$0x1], $0x4000, $0x38;
	[tilespmem:$0x1A800] =	vst v63  }
0x2d: {  	_ =	swait.ge [sflag:s13], $0x4000  }
0x2e: {  	[sflag:s13] =	ssyncset.done $0x0  }
0x2f: {  	[sflag:s13] =	ssyncadd.s32 $0xFFFFC000  }
0x30: {  	[spmem:s8] =	stream.linear.scatter [tilespmem:s12], [sflag:$0x1], $0x4000, $0x38;
	[tilespmem:$0x1A800] =	vst v63  }
0x31: {  	_ =	swait.ge [sflag:s13], $0x4000  }
0x32: {  	[sflag:s13] =	ssyncset.done $0x0  }
0x33: {  	s18 =	simm.s32 $0x0;
	s19 =	simm.s32 $0x200;
	[sflag:s13] =	ssyncadd.s32 $0xFFFFC000  }
.LBB2_4:
0x34: {  	p0 =	sne.s32 s19, $0xFE00;
	[tilespmem:s18+$0x16870] =	vst v1  }
0x35: {  	[tilespmem:s18+$0x16800] =	vst v1  }
0x36: {  	[tilespmem:s18+$0x16810] =	vst v1  }
.Ltmp1:
0x37: {  	[tilespmem:s18+$0x16820] =	vst v1;
	(pc) =	sbr.rel @p0 .LBB2_4-.Ltmp1, $4  }
0x38: {  	[tilespmem:s18+$0x16830] =	vst v1  }
0x39: {  	[tilespmem:s18+$0x16840] =	vst v1  }
0x3a: {  	[tilespmem:s18+$0x16850] =	vst v1  }
0x3b: {  	[tilespmem:s18+$0x16860] =	vst v1;
	s18 =	sshra.s32 s19, $0x2;
	s19 =	sadd.s32 $0x200, s19  }
0x3c: {  	[tilespmem:s18+$0x16870] =	vst v1  }
0x3d: {  	[tilespmem:s18+$0x16800] =	vst v1  }
0x3e: {  	[tilespmem:s18+$0x16810] =	vst v1  }
0x3f: {  	[tilespmem:s18+$0x16820] =	vst v1  }
0x40: {  	[tilespmem:s18+$0x16830] =	vst v1  }
0x41: {  	[tilespmem:s18+$0x16840] =	vst v1  }
0x42: {  	[tilespmem:s18+$0x16850] =	vst v1  }
0x43: {  	[tilespmem:s18+$0x16860] =	vst v1  }
0x44: {  	s30 =	simm.s32 $0x0;
	[bflag:$0x0] =	sbarrier.arrive $0xFFFF  }
0x45: {  	[tilespmem:s14], [sflag:$0x1] =	stream.linear.gather [hbm4b:s9+s30], $0x2800, $0x38;
	[tilespmem:$0x1A800] =	vst v63  }
0x46: {  	_ =	swait.ge [sflag:s13], $0x2800  }
0x47: {  	[sflag:s13] =	ssyncset.done $0x0  }
0x48: {  	s31 =	simm.s32 $0x14000;
	[sflag:s13] =	ssyncadd.s32 $0xFFFFD800  }
0x49: {  	[spmem:s2] =	stream.indirect.scatter.add.f32 [tilespmem:s12], [sflag:$0x1], $0x80, s31, s15, $0xb8;
	[tilespmem:$0x1A800] =	vst v63  }
0x4a: {  	s18 =	simm.s32 $0x200;
	_ =	swait.ge [sflag:s13], $0x4000  }
.LBB2_6:
0x4b: {  	s19 =	sshra.s32 s18, $0x2;
	[sflag:s13] =	ssyncset.done $0x0;
	p0 =	sne.s32 s18, $0x9E00  }
.Ltmp2:
0x4c: {  	s19 =	sadd.s32 $0x14000, s19;
	[sflag:s13] =	ssyncadd.s32 $0xFFFFC000;
	(pc) =	sbr.rel @p0 .LBB2_6-.Ltmp2, $3  }
0x4d: {  	[spmem:s2] =	stream.indirect.scatter.add.f32 [tilespmem:s12], [sflag:$0x1], $0x80, s19, s15, $0xb8;
	[tilespmem:$0x1A800] =	vst v63  }
0x4e: {  	s18 =	sadd.s32 $0x200, s18;
	_ =	sdelay $0x1  }
0x4f: {  	_ =	swait.ge [sflag:s13], $0x4000  }
0x50: {  	[sflag:s13] =	ssyncset.done $0x0;
	s3 =	sadd.s32 $0x1, s3  }
0x51: {  	[sflag:s13] =	ssyncadd.s32 $0xFFFFC000;
	p0 =	sne.s32 s3, s11  }
.Ltmp3:
0x52: {  	[bflag:$0x0] =	sbarrier.arrive $0xFFFF;
	(pc) =	sbr.rel @p0 .LBB2_1-.Ltmp3, $4  }
0x53: {  	[hbm:s10], [sflag:s16] =	dma.local [spmem:s17], $0x2800  }
0x54: {  	_ =	swait.ge [sflag:s13], $0x2800  }
0x55: {  	[sflag:s13] =	ssyncset.done $0x0  }
0x56: {  	[sflag:s13] =	ssyncadd.s32 $0xFFFFD800  }
0x57: {  	_ =	sfence.sel $0x180000  }
0x58: {  	[bflag:$0x0] =	sbarrier.arrive $0xFFFF  }
0x59: {  	p0 =	sne.s32 s0, $0x0;
	_ =	strace $0x90000047  }
0x5a: {  	s0 =	sadd.s32 @!p0 $0x100000, s1;
	[bflag:$0x2] =	sbarrier.arrive $0xFFFF  }
0x5b: {  	[sflag:s0] =	ssyncadd.tile.s32 @!p0 $0x1;
	_ =	shalt  }
.Lfunc_end2:
_tile_overlayer_lowered:
.L_overlay_start_2:
0x5c: {  	(tag) =	ssettag $0x2  }
0x5d: {  	s0 =	rddreg [dreg:$0x0];
	s2 =	stileid.u32  }
0x5e: {  	s1 =	rddreg [dreg:$0x1];
	p0 =	sne.s32 s2, $0x0  }
0x5f: {  	s3 =	rddreg [dreg:$0x2];
	[bflag:$0x3] =	sbarrier.arrive $0xFFFF;
	s2 =	simm.s32 @!p0 $0x1C01  }
0x60: {  	[timem:s3], [sflag:s2] =	dma.local @!p0 [hbm:s0], s1  }
0x61: {  	s0 =	simm.s32 @!p0 $0x1  }
0x62: {  	_ =	swait.ge @!p0 [sflag:s0], s1  }
0x63: {  	s1 =	ssub.s32 @!p0 $0x0, s1;
	[sflag:s0] =	ssyncset.done @!p0 $0x0  }
0x64: {  	[sflag:s0] =	ssyncadd.s32 @!p0 s1  }
0x65: {  	[bflag:$0x3] =	sbarrier.arrive $0xFFFF  }
0x66: {  	_ =	shalt  }

</sc_bundles>
